<compile_context>
chip_gen: v7x
topology: tpu7x:2x2x1
jax: 0.10.2.dev20260603
libtpu: 0.0.44.dev20260713+nightly
codegen_flags: <defaults>
</compile_context>

<pallas_src>
import functools

import jax
import jax.numpy as jnp
from jax import lax
from jax.experimental import pallas as pl
from jax.experimental.pallas import tpu as pltpu
from jax.experimental.pallas import tpu_sc as plsc

NC = 2
NS = 16
LANES = 16
ZR = 80


def _sc_aggregate(x2, src5, dst5, n_nodes, n_edges, wc, edge_split):
    K = src5.shape[4]
    NBUF = src5.shape[3]
    n_rounds = src5.shape[2]
    rpt = n_nodes // NS
    assert n_nodes % NS == 0 and rpt % K == 0

    mesh = plsc.VectorSubcoreMesh(core_axis_name="c", subcore_axis_name="s")

    scratch = (
        pltpu.VMEM_SHARED((n_nodes, wc), jnp.float32),
        pltpu.VMEM((2, NBUF, K), jnp.int32),
        pltpu.VMEM((2, NBUF, K), jnp.int32),
        [pltpu.VMEM((K, wc), jnp.float32) for _ in range(NBUF)],
        [pltpu.SemaphoreType.DMA for _ in range(NBUF)],
        [pltpu.SemaphoreType.DMA for _ in range(NBUF)],
        pltpu.SemaphoreType.DMA,
        pltpu.SemaphoreType.DMA,
    )

    @functools.partial(
        pl.kernel,
        out_type=jax.ShapeDtypeStruct((NC * n_nodes, wc), jnp.float32),
        mesh=mesh, scratch_types=scratch,
        compiler_params=pltpu.CompilerParams(use_tc_tiling_on_sc=False))
    def agg_kernel(src_h, dst_h, x_h, out_h,
                   acc, sidx_v, didx_v, rows, gsems, ssems, sisem, disem):
        c = lax.axis_index("c")
        s = lax.axis_index("s")

        def idx_start(r, par):
            pltpu.async_copy(src_h.at[c, s, r], sidx_v.at[par], sisem)
            pltpu.async_copy(dst_h.at[c, s, r], didx_v.at[par], disem)

        def idx_wait():
            pltpu.make_async_copy(src_h.at[c, s, 0], sidx_v.at[0],
                                  sisem).wait()
            pltpu.make_async_copy(dst_h.at[c, s, 0], didx_v.at[0],
                                  disem).wait()

        def gather_start(b, par):
            pltpu.async_copy(x_h.at[sidx_v.at[par, b]], rows[b], gsems[b])

        def gather_wait(b):
            pltpu.make_async_copy(x_h.at[sidx_v.at[0, 0]], rows[b],
                                  gsems[b]).wait()

        def scatter_start(b, par):
            pltpu.async_copy(rows[b], acc.at[didx_v.at[par, b]], ssems[b],
                             add=True)

        def scatter_wait(b):
            pltpu.make_async_copy(rows[b], acc.at[didx_v.at[0, 0]],
                                  ssems[b]).wait()

        idx_start(0, 0)
        zvec = jnp.zeros((LANES,), jnp.float32)

        def fill_zero(r, _):
            for k in range(wc // LANES):
                rows[0][r, pl.ds(k * LANES, LANES)] = zvec
            return 0
        lax.fori_loop(0, K, fill_zero, 0)

        idx_wait()
        for b in range(1, NBUF):
            gather_start(b, 0)
        nz = rpt // K
        for j in range(nz):
            pltpu.async_copy(rows[0], acc.at[pl.ds(s * rpt + j * K, K)],
                             ssems[j % NBUF])
        for j in range(nz):
            pltpu.make_async_copy(rows[0], acc.at[pl.ds(s * rpt + j * K, K)],
                                  ssems[j % NBUF]).wait()
        gather_start(0, 0)
        idx_start(jnp.minimum(1, n_rounds - 1), 1)
        plsc.subcore_barrier()

        def round_body(r, _):
            par = lax.rem(r, 2)
            nxt = 1 - par
            for b in range(NBUF):
                gather_wait(b)
                scatter_start(b, par)
            idx_wait()
            for b in range(NBUF):
                scatter_wait(b)
                gather_start(b, nxt)
            idx_start(jnp.minimum(r + 2, n_rounds - 1), par)
            return 0
        lax.fori_loop(0, n_rounds - 1, round_body, 0)

        lpar = (n_rounds - 1) % 2
        for b in range(NBUF):
            gather_wait(b)
            scatter_start(b, lpar)
        idx_wait()
        for b in range(NBUF):
            scatter_wait(b)

        plsc.subcore_barrier()

        r0 = c * n_nodes + s * rpt
        pltpu.sync_copy(acc.at[pl.ds(s * rpt, rpt)], out_h.at[pl.ds(r0, rpt)])

    return agg_kernel(src5, dst5, x2)


def _tc_pre(x, W, b):
    n, d = x.shape
    h = W.shape[1]
    R = 1000

    def body(x_r, W_r, b_r, out_r):
        out_r[...] = jnp.dot(x_r[...], W_r[...],
                             preferred_element_type=jnp.float32) + b_r[...]

    return pl.pallas_call(
        body,
        grid=(n // R,),
        in_specs=[
            pl.BlockSpec((R, d), lambda i: (i, 0)),
            pl.BlockSpec((d, h), lambda i: (0, 0)),
            pl.BlockSpec((1, h), lambda i: (0, 0)),
        ],
        out_specs=pl.BlockSpec((R, h), lambda i: (i, 0)),
        out_shape=jax.ShapeDtypeStruct((n, h), jnp.float32),
    )(x, W, b.reshape(1, h))


def _tc_post1(pre1, agg1_3, Wn):
    n, h = pre1.shape
    d = Wn.shape[0]
    n_pad = agg1_3.shape[1]
    R = 1000

    def body(pre_r, agg_r, Wn_r, out_r, spl_r):
        a = agg_r[0]
        bb = agg_r[1]
        deg = a[:, d:d + 1] + bb[:, d:d + 1]
        inv = 1.0 / jnp.maximum(deg, 1.0)
        hn = (a[:, :d] + bb[:, :d]) * inv
        out = jnp.maximum(
            pre_r[...] + jnp.dot(hn, Wn_r[...],
                                 preferred_element_type=jnp.float32), 0.0)
        out_r[...] = out
        spl_r[0] = out[:, :h // 2]
        spl_r[1] = out[:, h // 2:]

    return pl.pallas_call(
        body,
        grid=(n // R,),
        in_specs=[
            pl.BlockSpec((R, h), lambda i: (i, 0)),
            pl.BlockSpec((2, R, d + LANES), lambda i: (0, i, 0)),
            pl.BlockSpec((d, h), lambda i: (0, 0)),
        ],
        out_specs=[
            pl.BlockSpec((R, h), lambda i: (i, 0)),
            pl.BlockSpec((2, R, h // 2), lambda i: (0, i, 0)),
        ],
        out_shape=[
            jax.ShapeDtypeStruct((n, h), jnp.float32),
            jax.ShapeDtypeStruct((2, n_pad, h // 2), jnp.float32),
        ],
    )(pre1, agg1_3, Wn)


def _tc_post2(pre2, agg2_3, deg2, Wn2, Wn3, n_pad):
    n, h = pre2.shape
    cdim = Wn3.shape[1]
    R = 1000

    def body(pre_r, agg_r, deg_r, Wn2_r, Wn3_r, h2_r, p_r):
        deg = deg_r[:, 0:1] + deg_r[:, 1:2]
        inv = 1.0 / jnp.maximum(deg, 1.0)
        hn = jnp.concatenate([agg_r[0], agg_r[1]], axis=1) * inv
        h2 = jnp.maximum(
            pre_r[...] + jnp.dot(hn, Wn2_r[...],
                                 preferred_element_type=jnp.float32), 0.0)
        h2_r[...] = h2
        p_r[...] = jnp.dot(h2, Wn3_r[...], preferred_element_type=jnp.float32)

    return pl.pallas_call(
        body,
        grid=(n // R,),
        in_specs=[
            pl.BlockSpec((R, h), lambda i: (i, 0)),
            pl.BlockSpec((2, R, h // 2), lambda i: (0, i, 0)),
            pl.BlockSpec((R, 2), lambda i: (i, 0)),
            pl.BlockSpec((h, h), lambda i: (0, 0)),
            pl.BlockSpec((h, cdim), lambda i: (0, 0)),
        ],
        out_specs=[
            pl.BlockSpec((R, h), lambda i: (i, 0)),
            pl.BlockSpec((R, cdim), lambda i: (i, 0)),
        ],
        out_shape=[
            jax.ShapeDtypeStruct((n, h), jnp.float32),
            jax.ShapeDtypeStruct((n_pad, cdim), jnp.float32),
        ],
    )(pre2, agg2_3, deg2, Wn2, Wn3)


def _tc_final(q, agg3_3, deg2):
    n, cdim = q.shape
    R = 1000

    def body(q_r, agg_r, deg_r, out_r):
        deg = deg_r[:, 0:1] + deg_r[:, 1:2]
        inv = 1.0 / jnp.maximum(deg, 1.0)
        out_r[...] = q_r[...] + (agg_r[0] + agg_r[1]) * inv

    return pl.pallas_call(
        body,
        grid=(n // R,),
        in_specs=[
            pl.BlockSpec((R, cdim), lambda i: (i, 0)),
            pl.BlockSpec((2, R, cdim), lambda i: (0, i, 0)),
            pl.BlockSpec((R, 2), lambda i: (i, 0)),
        ],
        out_specs=pl.BlockSpec((R, cdim), lambda i: (i, 0)),
        out_shape=jax.ShapeDtypeStruct((n, cdim), jnp.float32),
    )(q, agg3_3, deg2)


def kernel(features, edge_index, Ws1, Wn1, b1, Ws2, Wn2, b2, Ws3, Wn3, b3):
    n, d = features.shape
    h = Ws1.shape[1]
    cdim = Ws3.shape[1]
    e = edge_index.shape[1]
    src = edge_index[0]
    dst = edge_index[1]
    align = NS * ZR
    n_pad = ((n + align - 1) // align) * align
    K1, K3, KC, NBUF = 40, 80, 40, 5
    def esplit(a, k):
        return a.reshape(NC, NS, e // (NC * NS * NBUF * k), NBUF, k)
    src_e1, dst_e1 = esplit(src, K1), esplit(dst, K1)
    src_e3, dst_e3 = esplit(src, K3), esplit(dst, K3)
    off = (jnp.arange(NC, dtype=jnp.int32) * n_pad)[:, None]
    src_c = (src[None, :] + off).reshape(
        NC, NS, e // (NS * NBUF * KC), NBUF, KC)
    dst_c = jnp.broadcast_to(dst, (NC, e)).reshape(
        NC, NS, e // (NS * NBUF * KC), NBUF, KC)

    x_aug = jnp.concatenate(
        [jnp.pad(features, ((0, n_pad - n), (0, 0))),
         jnp.ones((n_pad, LANES), jnp.float32)], axis=1)
    agg1 = _sc_aggregate(x_aug, src_e1, dst_e1, n_pad, e, d + LANES,
                         edge_split=True)
    pre1 = _tc_pre(features, Ws1, b1)
    agg1_3 = agg1.reshape(NC, n_pad, d + LANES)
    deg2 = jnp.concatenate(
        [agg1[:n, d:d + 1], agg1[n_pad:n_pad + n, d:d + 1]], axis=1)
    h1, h1s = _tc_post1(pre1, agg1_3, Wn1)

    agg2_2 = _sc_aggregate(h1s.reshape(NC * n_pad, h // NC), src_c, dst_c,
                           n_pad, e, h // NC, edge_split=False)
    pre2 = _tc_pre(h1, Ws2, b2)
    h2, p3_pad = _tc_post2(pre2, agg2_2.reshape(NC, n_pad, h // NC), deg2,
                           Wn2, Wn3, n_pad)

    agg3 = _sc_aggregate(p3_pad, src_e3, dst_e3, n_pad, e, cdim,
                         edge_split=True)
    q3 = _tc_pre(h2, Ws3, b3)
    return _tc_final(q3, agg3.reshape(NC, n_pad, cdim), deg2)

# --- scband reference (transcript-rebuilt; emitter-appended) ---
"""Pipeline reference for scband-graph-sage-1872605741718 (READ-ONLY COPY).

The authoritative reference and input builder live on the scoring server;
editing this copy changes nothing except your own understanding.
"""

import jax, jax.numpy as jnp
import numpy as np

N = 10000
E = 320000
D_IN = 128
H = 256
C = 64


def _glorot(key, shape):
    lim = 1.0 / np.sqrt(shape[0])
    return jax.random.uniform(key, shape, jnp.float32, -lim, lim)


def setup_inputs(seed: int = 0) -> dict:
    key = jax.random.key(seed)
    ks = jax.random.split(key, 12)
    features = jax.random.normal(ks[0], (N, D_IN), jnp.float32)
    edge_index = jax.random.randint(ks[1], (2, E), 0, N, dtype=jnp.int32)
    return {
        "features": features,
        "edge_index": edge_index,
        "Ws1": _glorot(ks[2], (D_IN, H)), "Wn1": _glorot(ks[3], (D_IN, H)), "b1": jnp.zeros((H,), jnp.float32),
        "Ws2": _glorot(ks[4], (H, H)), "Wn2": _glorot(ks[5], (H, H)), "b2": jnp.zeros((H,), jnp.float32),
        "Ws3": _glorot(ks[6], (H, C)), "Wn3": _glorot(ks[7], (H, C)), "b3": jnp.zeros((C,), jnp.float32),
    }


def _sage_layer(h, src, dst, Ws, Wn, b, act):
    # mean aggregation over in-neighbors (messages flow src -> dst)
    msg = jnp.take(h, src, axis=0)
    agg = jax.ops.segment_sum(msg, dst, num_segments=N)
    deg = jax.ops.segment_sum(jnp.ones((src.shape[0],), h.dtype), dst, num_segments=N)
    h_neigh = agg / jnp.clip(deg, 1.0, None)[:, None]
    out = h @ Ws + h_neigh @ Wn + b
    if act:
        out = jax.nn.relu(out)
    return out


def reference(features, edge_index, Ws1, Wn1, b1, Ws2, Wn2, b2, Ws3, Wn3, b3):
    src = edge_index[0]
    dst = edge_index[1]
    # dropout is identity in eval mode
    h = _sage_layer(features, src, dst, Ws1, Wn1, b1, True)
    h = _sage_layer(h, src, dst, Ws2, Wn2, b2, True)
    h = _sage_layer(h, src, dst, Ws3, Wn3, b3, False)
    return h

if __name__ == "__main__":
    import jax
    _d = setup_inputs()
    print(jax.jit(kernel)(*tuple(_d.values())))

</pallas_src>

<mosaic_0001>
#map = affine_map<(d0, d1) -> (0, 0, 0, 0, 0)>
#map1 = affine_map<(d0, d1) -> (0, 0)>
module attributes {stable_mosaic.version = 14 : i64} {
  func.func @agg_kernel(%arg0: i32, %arg1: i32, %arg2: memref<2x16x50x5x40xi32, #tpu.memory_space<hbm>>, %arg3: memref<2x16x50x5x40xi32, #tpu.memory_space<hbm>>, %arg4: memref<10240x144xf32, #tpu.memory_space<hbm>>, %arg5: memref<20480x144xf32, #tpu.memory_space<hbm>>, %arg6: memref<10240x144xf32, #tpu.memory_space<vmem_shared>>, %arg7: memref<2x5x40xi32, #tpu.memory_space<vmem>>, %arg8: memref<2x5x40xi32, #tpu.memory_space<vmem>>, %arg9: memref<40x144xf32, #tpu.memory_space<vmem>>, %arg10: memref<40x144xf32, #tpu.memory_space<vmem>>, %arg11: memref<40x144xf32, #tpu.memory_space<vmem>>, %arg12: memref<40x144xf32, #tpu.memory_space<vmem>>, %arg13: memref<40x144xf32, #tpu.memory_space<vmem>>, %arg14: memref<!tpu.dma_semaphore, #tpu.memory_space<semaphore_mem>>, %arg15: memref<!tpu.dma_semaphore, #tpu.memory_space<semaphore_mem>>, %arg16: memref<!tpu.dma_semaphore, #tpu.memory_space<semaphore_mem>>, %arg17: memref<!tpu.dma_semaphore, #tpu.memory_space<semaphore_mem>>, %arg18: memref<!tpu.dma_semaphore, #tpu.memory_space<semaphore_mem>>, %arg19: memref<!tpu.dma_semaphore, #tpu.memory_space<semaphore_mem>>, %arg20: memref<!tpu.dma_semaphore, #tpu.memory_space<semaphore_mem>>, %arg21: memref<!tpu.dma_semaphore, #tpu.memory_space<semaphore_mem>>, %arg22: memref<!tpu.dma_semaphore, #tpu.memory_space<semaphore_mem>>, %arg23: memref<!tpu.dma_semaphore, #tpu.memory_space<semaphore_mem>>, %arg24: memref<!tpu.dma_semaphore, #tpu.memory_space<semaphore_mem>>, %arg25: memref<!tpu.dma_semaphore, #tpu.memory_space<semaphore_mem>>) attributes {dimension_semantics = [#tpu.dimension_semantics<core_parallel>, #tpu.dimension_semantics<subcore_parallel>], iteration_bounds = array<i64: 2, 16>, scalar_prefetch = 0 : i64, scratch_operands = 20 : i64, tpu.core_type = #tpu.core_type<sc_vector_subcore>, window_params = [{transform_indices = #map}, {transform_indices = #map}, {transform_indices = #map1}, {transform_indices = #map1}]} {
    %dma_start3A = arith.constant 0 : i32
    %dma_start3A_0 = arith.constant 0 : i32
    %dma_start3A_1 = arith.constant 0 : i32
    %dma_start3A_2 = arith.constant 0 : i32
    %dma_start3A_3 = tpu.memref_slice %arg7[%dma_start3A_0, %dma_start3A_1, %dma_start3A_2] : memref<2x5x40xi32, #tpu.memory_space<vmem>> -> memref<1x5x40xi32, #tpu.memory_space<vmem>>
    %dma_start3A_4 = tpu.memref_squeeze %dma_start3A_3 : memref<1x5x40xi32, #tpu.memory_space<vmem>> -> memref<5x40xi32, #tpu.memory_space<vmem>>
    %dma_start3A_5 = arith.constant 0 : i32
    %dma_start3A_6 = arith.constant 0 : i32
    %dma_start3A_7 = tpu.memref_slice %arg2[%arg0, %arg1, %dma_start3A, %dma_start3A_5, %dma_start3A_6] : memref<2x16x50x5x40xi32, #tpu.memory_space<hbm>> -> memref<1x1x1x5x40xi32, #tpu.memory_space<hbm>>
    %dma_start3A_8 = tpu.memref_squeeze %dma_start3A_7 : memref<1x1x1x5x40xi32, #tpu.memory_space<hbm>> -> memref<5x40xi32, #tpu.memory_space<hbm>>
    %dma_start3A_9 = arith.constant 0 : i32
    %dma_start3A_10 = arith.constant 0 : i32
    %dma_start3A_11 = tpu.memref_slice %arg7[%dma_start3A_0, %dma_start3A_9, %dma_start3A_10] : memref<2x5x40xi32, #tpu.memory_space<vmem>> -> memref<1x5x40xi32, #tpu.memory_space<vmem>>
    %dma_start3A_12 = tpu.memref_squeeze %dma_start3A_11 : memref<1x5x40xi32, #tpu.memory_space<vmem>> -> memref<5x40xi32, #tpu.memory_space<vmem>>
    %dma_start3A_13 = arith.constant 0 : i32
    %dma_start3A_14 = arith.constant 0 : i32
    %dma_start3A_15 = tpu.memref_slice %arg2[%arg0, %arg1, %dma_start3A, %dma_start3A_13, %dma_start3A_14] : memref<2x16x50x5x40xi32, #tpu.memory_space<hbm>> -> memref<1x1x1x5x40xi32, #tpu.memory_space<hbm>>
    %dma_start3A_16 = tpu.memref_squeeze %dma_start3A_15 : memref<1x1x1x5x40xi32, #tpu.memory_space<hbm>> -> memref<5x40xi32, #tpu.memory_space<hbm>>
    tpu.enqueue_dma source(%dma_start3A_16 : memref<5x40xi32, #tpu.memory_space<hbm>>) target(%dma_start3A_12 : memref<5x40xi32, #tpu.memory_space<vmem>>) target_semaphore(%arg24 : memref<!tpu.dma_semaphore, #tpu.memory_space<semaphore_mem>>)
    %dma_start3A_17 = arith.constant 0 : i32
    %dma_start3A_18 = arith.constant 0 : i32
    %dma_start3A_19 = arith.constant 0 : i32
    %dma_start3A_20 = arith.constant 0 : i32
    %dma_start3A_21 = tpu.memref_slice %arg8[%dma_start3A_18, %dma_start3A_19, %dma_start3A_20] : memref<2x5x40xi32, #tpu.memory_space<vmem>> -> memref<1x5x40xi32, #tpu.memory_space<vmem>>
    %dma_start3A_22 = tpu.memref_squeeze %dma_start3A_21 : memref<1x5x40xi32, #tpu.memory_space<vmem>> -> memref<5x40xi32, #tpu.memory_space<vmem>>
    %dma_start3A_23 = arith.constant 0 : i32
    %dma_start3A_24 = arith.constant 0 : i32
    %dma_start3A_25 = tpu.memref_slice %arg3[%arg0, %arg1, %dma_start3A_17, %dma_start3A_23, %dma_start3A_24] : memref<2x16x50x5x40xi32, #tpu.memory_space<hbm>> -> memref<1x1x1x5x40xi32, #tpu.memory_space<hbm>>
    %dma_start3A_26 = tpu.memref_squeeze %dma_start3A_25 : memref<1x1x1x5x40xi32, #tpu.memory_space<hbm>> -> memref<5x40xi32, #tpu.memory_space<hbm>>
    %dma_start3A_27 = arith.constant 0 : i32
    %dma_start3A_28 = arith.constant 0 : i32
    %dma_start3A_29 = tpu.memref_slice %arg8[%dma_start3A_18, %dma_start3A_27, %dma_start3A_28] : memref<2x5x40xi32, #tpu.memory_space<vmem>> -> memref<1x5x40xi32, #tpu.memory_space<vmem>>
    %dma_start3A_30 = tpu.memref_squeeze %dma_start3A_29 : memref<1x5x40xi32, #tpu.memory_space<vmem>> -> memref<5x40xi32, #tpu.memory_space<vmem>>
    %dma_start3A_31 = arith.constant 0 : i32
    %dma_start3A_32 = arith.constant 0 : i32
    %dma_start3A_33 = tpu.memref_slice %arg3[%arg0, %arg1, %dma_start3A_17, %dma_start3A_31, %dma_start3A_32] : memref<2x16x50x5x40xi32, #tpu.memory_space<hbm>> -> memref<1x1x1x5x40xi32, #tpu.memory_space<hbm>>
    %dma_start3A_34 = tpu.memref_squeeze %dma_start3A_33 : memref<1x1x1x5x40xi32, #tpu.memory_space<hbm>> -> memref<5x40xi32, #tpu.memory_space<hbm>>
    tpu.enqueue_dma source(%dma_start3A_34 : memref<5x40xi32, #tpu.memory_space<hbm>>) target(%dma_start3A_30 : memref<5x40xi32, #tpu.memory_space<vmem>>) target_semaphore(%arg25 : memref<!tpu.dma_semaphore, #tpu.memory_space<semaphore_mem>>)
    %broadcast_in_dim3A = arith.constant 0.000000e+00 : f32
    %broadcast_in_dim3A_35 = vector.broadcast %broadcast_in_dim3A : f32 to vector<16xf32>
    %scan3A = arith.constant 0 : i32
    %scan3A_36 = arith.constant 0 : i32
    %scan3A_37 = arith.constant 40 : i32
    %scan3A_38 = arith.addi %scan3A_36, %scan3A_37 : i32
    %scan3A_39 = arith.constant 1 : i32
    %scan3A_40 = scf.for %scan3A_578 = %scan3A_36 to %scan3A_38 step %scan3A_39 iter_args(%scan3A_579 = %scan3A) -> (i32)  : i32 {
      %swap3A = arith.index_cast %scan3A_578 : i32 to index
      %swap3A_580 = arith.constant 0 : index
      %swap3A_581 = tpu.vector_load %arg9[%swap3A, %swap3A_580] {strides = array<i32>} : memref<40x144xf32, #tpu.memory_space<vmem>>, vector<1x16xf32>,
      %swap3A_582 = vector.shape_cast %swap3A_581 : vector<1x16xf32> to vector<16xf32>
      %swap3A_583 = vector.shape_cast %broadcast_in_dim3A_35 : vector<16xf32> to vector<1x16xf32>
      tpu.vector_store %arg9[%swap3A, %swap3A_580], %swap3A_583 {strides = array<i32>} : memref<40x144xf32, #tpu.memory_space<vmem>>, vector<1x16xf32>,
      %swap3A_584 = arith.index_cast %scan3A_578 : i32 to index
      %swap3A_585 = arith.constant 16 : index
      %swap3A_586 = tpu.vector_load %arg9[%swap3A_584, %swap3A_585] {strides = array<i32>} : memref<40x144xf32, #tpu.memory_space<vmem>>, vector<1x16xf32>,
      %swap3A_587 = vector.shape_cast %swap3A_586 : vector<1x16xf32> to vector<16xf32>
      %swap3A_588 = vector.shape_cast %broadcast_in_dim3A_35 : vector<16xf32> to vector<1x16xf32>
      tpu.vector_store %arg9[%swap3A_584, %swap3A_585], %swap3A_588 {strides = array<i32>} : memref<40x144xf32, #tpu.memory_space<vmem>>, vector<1x16xf32>,
      %swap3A_589 = arith.index_cast %scan3A_578 : i32 to index
      %swap3A_590 = arith.constant 32 : index
      %swap3A_591 = tpu.vector_load %arg9[%swap3A_589, %swap3A_590] {strides = array<i32>} : memref<40x144xf32, #tpu.memory_space<vmem>>, vector<1x16xf32>,
      %swap3A_592 = vector.shape_cast %swap3A_591 : vector<1x16xf32> to vector<16xf32>
      %swap3A_593 = vector.shape_cast %broadcast_in_dim3A_35 : vector<16xf32> to vector<1x16xf32>
      tpu.vector_store %arg9[%swap3A_589, %swap3A_590], %swap3A_593 {strides = array<i32>} : memref<40x144xf32, #tpu.memory_space<vmem>>, vector<1x16xf32>,
      %swap3A_594 = arith.index_cast %scan3A_578 : i32 to index
      %swap3A_595 = arith.constant 48 : index
      %swap3A_596 = tpu.vector_load %arg9[%swap3A_594, %swap3A_595] {strides = array<i32>} : memref<40x144xf32, #tpu.memory_space<vmem>>, vector<1x16xf32>,
      %swap3A_597 = vector.shape_cast %swap3A_596 : vector<1x16xf32> to vector<16xf32>
      %swap3A_598 = vector.shape_cast %broadcast_in_dim3A_35 : vector<16xf32> to vector<1x16xf32>
      tpu.vector_store %arg9[%swap3A_594, %swap3A_595], %swap3A_598 {strides = array<i32>} : memref<40x144xf32, #tpu.memory_space<vmem>>, vector<1x16xf32>,
      %swap3A_599 = arith.index_cast %scan3A_578 : i32 to index
      %swap3A_600 = arith.constant 64 : index
      %swap3A_601 = tpu.vector_load %arg9[%swap3A_599, %swap3A_600] {strides = array<i32>} : memref<40x144xf32, #tpu.memory_space<vmem>>, vector<1x16xf32>,
      %swap3A_602 = vector.shape_cast %swap3A_601 : vector<1x16xf32> to vector<16xf32>
      %swap3A_603 = vector.shape_cast %broadcast_in_dim3A_35 : vector<16xf32> to vector<1x16xf32>
      tpu.vector_store %arg9[%swap3A_599, %swap3A_600], %swap3A_603 {strides = array<i32>} : memref<40x144xf32, #tpu.memory_space<vmem>>, vector<1x16xf32>,
      %swap3A_604 = arith.index_cast %scan3A_578 : i32 to index
      %swap3A_605 = arith.constant 80 : index
      %swap3A_606 = tpu.vector_load %arg9[%swap3A_604, %swap3A_605] {strides = array<i32>} : memref<40x144xf32, #tpu.memory_space<vmem>>, vector<1x16xf32>,
      %swap3A_607 = vector.shape_cast %swap3A_606 : vector<1x16xf32> to vector<16xf32>
      %swap3A_608 = vector.shape_cast %broadcast_in_dim3A_35 : vector<16xf32> to vector<1x16xf32>
      tpu.vector_store %arg9[%swap3A_604, %swap3A_605], %swap3A_608 {strides = array<i32>} : memref<40x144xf32, #tpu.memory_space<vmem>>, vector<1x16xf32>,
      %swap3A_609 = arith.index_cast %scan3A_578 : i32 to index
      %swap3A_610 = arith.constant 96 : index
      %swap3A_611 = tpu.vector_load %arg9[%swap3A_609, %swap3A_610] {strides = array<i32>} : memref<40x144xf32, #tpu.memory_space<vmem>>, vector<1x16xf32>,
      %swap3A_612 = vector.shape_cast %swap3A_611 : vector<1x16xf32> to vector<16xf32>
      %swap3A_613 = vector.shape_cast %broadcast_in_dim3A_35 : vector<16xf32> to vector<1x16xf32>
      tpu.vector_store %arg9[%swap3A_609, %swap3A_610], %swap3A_613 {strides = array<i32>} : memref<40x144xf32, #tpu.memory_space<vmem>>, vector<1x16xf32>,
      %swap3A_614 = arith.index_cast %scan3A_578 : i32 to index
      %swap3A_615 = arith.constant 112 : index
      %swap3A_616 = tpu.vector_load %arg9[%swap3A_614, %swap3A_615] {strides = array<i32>} : memref<40x144xf32, #tpu.memory_space<vmem>>, vector<1x16xf32>,
      %swap3A_617 = vector.shape_cast %swap3A_616 : vector<1x16xf32> to vector<16xf32>
      %swap3A_618 = vector.shape_cast %broadcast_in_dim3A_35 : vector<16xf32> to vector<1x16xf32>
      tpu.vector_store %arg9[%swap3A_614, %swap3A_615], %swap3A_618 {strides = array<i32>} : memref<40x144xf32, #tpu.memory_space<vmem>>, vector<1x16xf32>,
      %swap3A_619 = arith.index_cast %scan3A_578 : i32 to index
      %swap3A_620 = arith.constant 128 : index
      %swap3A_621 = tpu.vector_load %arg9[%swap3A_619, %swap3A_620] {strides = array<i32>} : memref<40x144xf32, #tpu.memory_space<vmem>>, vector<1x16xf32>,
      %swap3A_622 = vector.shape_cast %swap3A_621 : vector<1x16xf32> to vector<16xf32>
      %swap3A_623 = vector.shape_cast %broadcast_in_dim3A_35 : vector<16xf32> to vector<1x16xf32>
      tpu.vector_store %arg9[%swap3A_619, %swap3A_620], %swap3A_623 {strides = array<i32>} : memref<40x144xf32, #tpu.memory_space<vmem>>, vector<1x16xf32>,
      %scan3A_624 = arith.constant 0 : i32
      scf.yield %scan3A_624 : i32
    }
    %scan3A_41 = arith.constant 40 : i32
    %dma_wait3A = arith.constant 0 : i32
    %dma_wait3A_42 = arith.constant 0 : i32
    %dma_wait3A_43 = arith.constant 0 : i32
    %dma_wait3A_44 = arith.constant 0 : i32
    %dma_wait3A_45 = tpu.memref_slice %arg7[%dma_wait3A_42, %dma_wait3A_43, %dma_wait3A_44] : memref<2x5x40xi32, #tpu.memory_space<vmem>> -> memref<1x5x40xi32, #tpu.memory_space<vmem>>
    %dma_wait3A_46 = tpu.memref_squeeze %dma_wait3A_45 : memref<1x5x40xi32, #tpu.memory_space<vmem>> -> memref<5x40xi32, #tpu.memory_space<vmem>>
    %dma_wait3A_47 = arith.constant 0 : i32
    %dma_wait3A_48 = arith.constant 0 : i32
    %dma_wait3A_49 = tpu.memref_slice %arg2[%arg0, %arg1, %dma_wait3A, %dma_wait3A_47, %dma_wait3A_48] : memref<2x16x50x5x40xi32, #tpu.memory_space<hbm>> -> memref<1x1x1x5x40xi32, #tpu.memory_space<hbm>>
    %dma_wait3A_50 = tpu.memref_squeeze %dma_wait3A_49 : memref<1x1x1x5x40xi32, #tpu.memory_space<hbm>> -> memref<5x40xi32, #tpu.memory_space<hbm>>
    %dma_wait3A_51 = arith.constant 0 : i32
    %dma_wait3A_52 = arith.constant 0 : i32
    %dma_wait3A_53 = tpu.memref_slice %arg7[%dma_wait3A_42, %dma_wait3A_51, %dma_wait3A_52] : memref<2x5x40xi32, #tpu.memory_space<vmem>> -> memref<1x5x40xi32, #tpu.memory_space<vmem>>
    %dma_wait3A_54 = tpu.memref_squeeze %dma_wait3A_53 : memref<1x5x40xi32, #tpu.memory_space<vmem>> -> memref<5x40xi32, #tpu.memory_space<vmem>>
    %dma_wait3A_55 = arith.constant 0 : i32
    %dma_wait3A_56 = arith.constant 0 : i32
    %dma_wait3A_57 = tpu.memref_slice %arg2[%arg0, %arg1, %dma_wait3A, %dma_wait3A_55, %dma_wait3A_56] : memref<2x16x50x5x40xi32, #tpu.memory_space<hbm>> -> memref<1x1x1x5x40xi32, #tpu.memory_space<hbm>>
    %dma_wait3A_58 = tpu.memref_squeeze %dma_wait3A_57 : memref<1x1x1x5x40xi32, #tpu.memory_space<hbm>> -> memref<5x40xi32, #tpu.memory_space<hbm>>
    tpu.wait_dma2 semaphore(%arg24 : memref<!tpu.dma_semaphore, #tpu.memory_space<semaphore_mem>>) src(%dma_wait3A_58 : memref<5x40xi32, #tpu.memory_space<hbm>>) dst(%dma_wait3A_54 : memref<5x40xi32, #tpu.memory_space<vmem>>)
    %dma_wait3A_59 = arith.constant 0 : i32
    %dma_wait3A_60 = arith.constant 0 : i32
    %dma_wait3A_61 = arith.constant 0 : i32
    %dma_wait3A_62 = arith.constant 0 : i32
    %dma_wait3A_63 = tpu.memref_slice %arg8[%dma_wait3A_60, %dma_wait3A_61, %dma_wait3A_62] : memref<2x5x40xi32, #tpu.memory_space<vmem>> -> memref<1x5x40xi32, #tpu.memory_space<vmem>>
    %dma_wait3A_64 = tpu.memref_squeeze %dma_wait3A_63 : memref<1x5x40xi32, #tpu.memory_space<vmem>> -> memref<5x40xi32, #tpu.memory_space<vmem>>
    %dma_wait3A_65 = arith.constant 0 : i32
    %dma_wait3A_66 = arith.constant 0 : i32
    %dma_wait3A_67 = tpu.memref_slice %arg3[%arg0, %arg1, %dma_wait3A_59, %dma_wait3A_65, %dma_wait3A_66] : memref<2x16x50x5x40xi32, #tpu.memory_space<hbm>> -> memref<1x1x1x5x40xi32, #tpu.memory_space<hbm>>
    %dma_wait3A_68 = tpu.memref_squeeze %dma_wait3A_67 : memref<1x1x1x5x40xi32, #tpu.memory_space<hbm>> -> memref<5x40xi32, #tpu.memory_space<hbm>>
    %dma_wait3A_69 = arith.constant 0 : i32
    %dma_wait3A_70 = arith.constant 0 : i32
    %dma_wait3A_71 = tpu.memref_slice %arg8[%dma_wait3A_60, %dma_wait3A_69, %dma_wait3A_70] : memref<2x5x40xi32, #tpu.memory_space<vmem>> -> memref<1x5x40xi32, #tpu.memory_space<vmem>>
    %dma_wait3A_72 = tpu.memref_squeeze %dma_wait3A_71 : memref<1x5x40xi32, #tpu.memory_space<vmem>> -> memref<5x40xi32, #tpu.memory_space<vmem>>
    %dma_wait3A_73 = arith.constant 0 : i32
    %dma_wait3A_74 = arith.constant 0 : i32
    %dma_wait3A_75 = tpu.memref_slice %arg3[%arg0, %arg1, %dma_wait3A_59, %dma_wait3A_73, %dma_wait3A_74] : memref<2x16x50x5x40xi32, #tpu.memory_space<hbm>> -> memref<1x1x1x5x40xi32, #tpu.memory_space<hbm>>
    %dma_wait3A_76 = tpu.memref_squeeze %dma_wait3A_75 : memref<1x1x1x5x40xi32, #tpu.memory_space<hbm>> -> memref<5x40xi32, #tpu.memory_space<hbm>>
    tpu.wait_dma2 semaphore(%arg25 : memref<!tpu.dma_semaphore, #tpu.memory_space<semaphore_mem>>) src(%dma_wait3A_76 : memref<5x40xi32, #tpu.memory_space<hbm>>) dst(%dma_wait3A_72 : memref<5x40xi32, #tpu.memory_space<vmem>>)
    %dma_start3A_77 = arith.constant 0 : i32
    %dma_start3A_78 = arith.constant 1 : i32
    %dma_start3A_79 = arith.constant 0 : i32
    %dma_start3A_80 = tpu.memref_slice %arg7[%dma_start3A_77, %dma_start3A_78, %dma_start3A_79] : memref<2x5x40xi32, #tpu.memory_space<vmem>> -> memref<1x1x40xi32, #tpu.memory_space<vmem>>
    %dma_start3A_81 = tpu.memref_squeeze %dma_start3A_80 : memref<1x1x40xi32, #tpu.memory_space<vmem>> -> memref<40xi32, #tpu.memory_space<vmem>>
    %dma_start3A_82 = arith.constant 0 : i32
    %dma_start3A_83 = arith.constant 0 : i32
    %dma_start3A_84 = tpu.memref_slice %arg4[%dma_start3A_82, %dma_start3A_83] : memref<10240x144xf32, #tpu.memory_space<hbm>> -> memref<10240x144xf32, #tpu.memory_space<hbm>>
    tpu.enqueue_indirect_dma source(%dma_start3A_84 : memref<10240x144xf32, #tpu.memory_space<hbm>>) target(%arg10 : memref<40x144xf32, #tpu.memory_space<vmem>>) offsets(%dma_start3A_81 : memref<40xi32, #tpu.memory_space<vmem>>) semaphore(%arg15 : memref<!tpu.dma_semaphore, #tpu.memory_space<semaphore_mem>>)
    %dma_start3A_85 = arith.constant 0 : i32
    %dma_start3A_86 = arith.constant 2 : i32
    %dma_start3A_87 = arith.constant 0 : i32
    %dma_start3A_88 = tpu.memref_slice %arg7[%dma_start3A_85, %dma_start3A_86, %dma_start3A_87] : memref<2x5x40xi32, #tpu.memory_space<vmem>> -> memref<1x1x40xi32, #tpu.memory_space<vmem>>
    %dma_start3A_89 = tpu.memref_squeeze %dma_start3A_88 : memref<1x1x40xi32, #tpu.memory_space<vmem>> -> memref<40xi32, #tpu.memory_space<vmem>>
    %dma_start3A_90 = arith.constant 0 : i32
    %dma_start3A_91 = arith.constant 0 : i32
    %dma_start3A_92 = tpu.memref_slice %arg4[%dma_start3A_90, %dma_start3A_91] : memref<10240x144xf32, #tpu.memory_space<hbm>> -> memref<10240x144xf32, #tpu.memory_space<hbm>>
    tpu.enqueue_indirect_dma source(%dma_start3A_92 : memref<10240x144xf32, #tpu.memory_space<hbm>>) target(%arg11 : memref<40x144xf32, #tpu.memory_space<vmem>>) offsets(%dma_start3A_89 : memref<40xi32, #tpu.memory_space<vmem>>) semaphore(%arg16 : memref<!tpu.dma_semaphore, #tpu.memory_space<semaphore_mem>>)
    %dma_start3A_93 = arith.constant 0 : i32
    %dma_start3A_94 = arith.constant 3 : i32
    %dma_start3A_95 = arith.constant 0 : i32
    %dma_start3A_96 = tpu.memref_slice %arg7[%dma_start3A_93, %dma_start3A_94, %dma_start3A_95] : memref<2x5x40xi32, #tpu.memory_space<vmem>> -> memref<1x1x40xi32, #tpu.memory_space<vmem>>
    %dma_start3A_97 = tpu.memref_squeeze %dma_start3A_96 : memref<1x1x40xi32, #tpu.memory_space<vmem>> -> memref<40xi32, #tpu.memory_space<vmem>>
    %dma_start3A_98 = arith.constant 0 : i32
    %dma_start3A_99 = arith.constant 0 : i32
    %dma_start3A_100 = tpu.memref_slice %arg4[%dma_start3A_98, %dma_start3A_99] : memref<10240x144xf32, #tpu.memory_space<hbm>> -> memref<10240x144xf32, #tpu.memory_space<hbm>>
    tpu.enqueue_indirect_dma source(%dma_start3A_100 : memref<10240x144xf32, #tpu.memory_space<hbm>>) target(%arg12 : memref<40x144xf32, #tpu.memory_space<vmem>>) offsets(%dma_start3A_97 : memref<40xi32, #tpu.memory_space<vmem>>) semaphore(%arg17 : memref<!tpu.dma_semaphore, #tpu.memory_space<semaphore_mem>>)
    %dma_start3A_101 = arith.constant 0 : i32
    %dma_start3A_102 = arith.constant 4 : i32
    %dma_start3A_103 = arith.constant 0 : i32
    %dma_start3A_104 = tpu.memref_slice %arg7[%dma_start3A_101, %dma_start3A_102, %dma_start3A_103] : memref<2x5x40xi32, #tpu.memory_space<vmem>> -> memref<1x1x40xi32, #tpu.memory_space<vmem>>
    %dma_start3A_105 = tpu.memref_squeeze %dma_start3A_104 : memref<1x1x40xi32, #tpu.memory_space<vmem>> -> memref<40xi32, #tpu.memory_space<vmem>>
    %dma_start3A_106 = arith.constant 0 : i32
    %dma_start3A_107 = arith.constant 0 : i32
    %dma_start3A_108 = tpu.memref_slice %arg4[%dma_start3A_106, %dma_start3A_107] : memref<10240x144xf32, #tpu.memory_space<hbm>> -> memref<10240x144xf32, #tpu.memory_space<hbm>>
    tpu.enqueue_indirect_dma source(%dma_start3A_108 : memref<10240x144xf32, #tpu.memory_space<hbm>>) target(%arg13 : memref<40x144xf32, #tpu.memory_space<vmem>>) offsets(%dma_start3A_105 : memref<40xi32, #tpu.memory_space<vmem>>) semaphore(%arg18 : memref<!tpu.dma_semaphore, #tpu.memory_space<semaphore_mem>>)
    %mul3A = arith.constant 640 : i32
    %mul3A_109 = arith.muli %arg1, %mul3A : i32
    %add3A = arith.constant 0 : i32
    %add3A_110 = arith.addi %mul3A_109, %add3A : i32
    %dma_start3A_111 = arith.constant 0 : i32
    %dma_start3A_112 = tpu.memref_slice %arg6[%add3A_110, %dma_start3A_111] : memref<10240x144xf32, #tpu.memory_space<vmem_shared>> -> memref<40x144xf32, #tpu.memory_space<vmem_shared>>
    %dma_start3A_113 = arith.constant 0 : i32
    %dma_start3A_114 = tpu.memref_slice %arg6[%add3A_110, %dma_start3A_113] : memref<10240x144xf32, #tpu.memory_space<vmem_shared>> -> memref<40x144xf32, #tpu.memory_space<vmem_shared>>
    tpu.enqueue_dma source(%arg9 : memref<40x144xf32, #tpu.memory_space<vmem>>) target(%dma_start3A_114 : memref<40x144xf32, #tpu.memory_space<vmem_shared>>) target_semaphore(%arg19 : memref<!tpu.dma_semaphore, #tpu.memory_space<semaphore_mem>>)
    %mul3A_115 = arith.constant 640 : i32
    %mul3A_116 = arith.muli %arg1, %mul3A_115 : i32
    %add3A_117 = arith.constant 40 : i32
    %add3A_118 = arith.addi %mul3A_116, %add3A_117 : i32
    %dma_start3A_119 = arith.constant 0 : i32
    %dma_start3A_120 = tpu.memref_slice %arg6[%add3A_118, %dma_start3A_119] : memref<10240x144xf32, #tpu.memory_space<vmem_shared>> -> memref<40x144xf32, #tpu.memory_space<vmem_shared>>
    %dma_start3A_121 = arith.constant 0 : i32
    %dma_start3A_122 = tpu.memref_slice %arg6[%add3A_118, %dma_start3A_121] : memref<10240x144xf32, #tpu.memory_space<vmem_shared>> -> memref<40x144xf32, #tpu.memory_space<vmem_shared>>
    tpu.enqueue_dma source(%arg9 : memref<40x144xf32, #tpu.memory_space<vmem>>) target(%dma_start3A_122 : memref<40x144xf32, #tpu.memory_space<vmem_shared>>) target_semaphore(%arg20 : memref<!tpu.dma_semaphore, #tpu.memory_space<semaphore_mem>>)
    %mul3A_123 = arith.constant 640 : i32
    %mul3A_124 = arith.muli %arg1, %mul3A_123 : i32
    %add3A_125 = arith.constant 80 : i32
    %add3A_126 = arith.addi %mul3A_124, %add3A_125 : i32
    %dma_start3A_127 = arith.constant 0 : i32
    %dma_start3A_128 = tpu.memref_slice %arg6[%add3A_126, %dma_start3A_127] : memref<10240x144xf32, #tpu.memory_space<vmem_shared>> -> memref<40x144xf32, #tpu.memory_space<vmem_shared>>
    %dma_start3A_129 = arith.constant 0 : i32
    %dma_start3A_130 = tpu.memref_slice %arg6[%add3A_126, %dma_start3A_129] : memref<10240x144xf32, #tpu.memory_space<vmem_shared>> -> memref<40x144xf32, #tpu.memory_space<vmem_shared>>
    tpu.enqueue_dma source(%arg9 : memref<40x144xf32, #tpu.memory_space<vmem>>) target(%dma_start3A_130 : memref<40x144xf32, #tpu.memory_space<vmem_shared>>) target_semaphore(%arg21 : memref<!tpu.dma_semaphore, #tpu.memory_space<semaphore_mem>>)
    %mul3A_131 = arith.constant 640 : i32
    %mul3A_132 = arith.muli %arg1, %mul3A_131 : i32
    %add3A_133 = arith.constant 120 : i32
    %add3A_134 = arith.addi %mul3A_132, %add3A_133 : i32
    %dma_start3A_135 = arith.constant 0 : i32
    %dma_start3A_136 = tpu.memref_slice %arg6[%add3A_134, %dma_start3A_135] : memref<10240x144xf32, #tpu.memory_space<vmem_shared>> -> memref<40x144xf32, #tpu.memory_space<vmem_shared>>
    %dma_start3A_137 = arith.constant 0 : i32
    %dma_start3A_138 = tpu.memref_slice %arg6[%add3A_134, %dma_start3A_137] : memref<10240x144xf32, #tpu.memory_space<vmem_shared>> -> memref<40x144xf32, #tpu.memory_space<vmem_shared>>
    tpu.enqueue_dma source(%arg9 : memref<40x144xf32, #tpu.memory_space<vmem>>) target(%dma_start3A_138 : memref<40x144xf32, #tpu.memory_space<vmem_shared>>) target_semaphore(%arg22 : memref<!tpu.dma_semaphore, #tpu.memory_space<semaphore_mem>>)
    %mul3A_139 = arith.constant 640 : i32
    %mul3A_140 = arith.muli %arg1, %mul3A_139 : i32
    %add3A_141 = arith.constant 160 : i32
    %add3A_142 = arith.addi %mul3A_140, %add3A_141 : i32
    %dma_start3A_143 = arith.constant 0 : i32
    %dma_start3A_144 = tpu.memref_slice %arg6[%add3A_142, %dma_start3A_143] : memref<10240x144xf32, #tpu.memory_space<vmem_shared>> -> memref<40x144xf32, #tpu.memory_space<vmem_shared>>
    %dma_start3A_145 = arith.constant 0 : i32
    %dma_start3A_146 = tpu.memref_slice %arg6[%add3A_142, %dma_start3A_145] : memref<10240x144xf32, #tpu.memory_space<vmem_shared>> -> memref<40x144xf32, #tpu.memory_space<vmem_shared>>
    tpu.enqueue_dma source(%arg9 : memref<40x144xf32, #tpu.memory_space<vmem>>) target(%dma_start3A_146 : memref<40x144xf32, #tpu.memory_space<vmem_shared>>) target_semaphore(%arg23 : memref<!tpu.dma_semaphore, #tpu.memory_space<semaphore_mem>>)
    %mul3A_147 = arith.constant 640 : i32
    %mul3A_148 = arith.muli %arg1, %mul3A_147 : i32
    %add3A_149 = arith.constant 200 : i32
    %add3A_150 = arith.addi %mul3A_148, %add3A_149 : i32
    %dma_start3A_151 = arith.constant 0 : i32
    %dma_start3A_152 = tpu.memref_slice %arg6[%add3A_150, %dma_start3A_151] : memref<10240x144xf32, #tpu.memory_space<vmem_shared>> -> memref<40x144xf32, #tpu.memory_space<vmem_shared>>
    %dma_start3A_153 = arith.constant 0 : i32
    %dma_start3A_154 = tpu.memref_slice %arg6[%add3A_150, %dma_start3A_153] : memref<10240x144xf32, #tpu.memory_space<vmem_shared>> -> memref<40x144xf32, #tpu.memory_space<vmem_shared>>
    tpu.enqueue_dma source(%arg9 : memref<40x144xf32, #tpu.memory_space<vmem>>) target(%dma_start3A_154 : memref<40x144xf32, #tpu.memory_space<vmem_shared>>) target_semaphore(%arg19 : memref<!tpu.dma_semaphore, #tpu.memory_space<semaphore_mem>>)
    %mul3A_155 = arith.constant 640 : i32
    %mul3A_156 = arith.muli %arg1, %mul3A_155 : i32
    %add3A_157 = arith.constant 240 : i32
    %add3A_158 = arith.addi %mul3A_156, %add3A_157 : i32
    %dma_start3A_159 = arith.constant 0 : i32
    %dma_start3A_160 = tpu.memref_slice %arg6[%add3A_158, %dma_start3A_159] : memref<10240x144xf32, #tpu.memory_space<vmem_shared>> -> memref<40x144xf32, #tpu.memory_space<vmem_shared>>
    %dma_start3A_161 = arith.constant 0 : i32
    %dma_start3A_162 = tpu.memref_slice %arg6[%add3A_158, %dma_start3A_161] : memref<10240x144xf32, #tpu.memory_space<vmem_shared>> -> memref<40x144xf32, #tpu.memory_space<vmem_shared>>
    tpu.enqueue_dma source(%arg9 : memref<40x144xf32, #tpu.memory_space<vmem>>) target(%dma_start3A_162 : memref<40x144xf32, #tpu.memory_space<vmem_shared>>) target_semaphore(%arg20 : memref<!tpu.dma_semaphore, #tpu.memory_space<semaphore_mem>>)
    %mul3A_163 = arith.constant 640 : i32
    %mul3A_164 = arith.muli %arg1, %mul3A_163 : i32
    %add3A_165 = arith.constant 280 : i32
    %add3A_166 = arith.addi %mul3A_164, %add3A_165 : i32
    %dma_start3A_167 = arith.constant 0 : i32
    %dma_start3A_168 = tpu.memref_slice %arg6[%add3A_166, %dma_start3A_167] : memref<10240x144xf32, #tpu.memory_space<vmem_shared>> -> memref<40x144xf32, #tpu.memory_space<vmem_shared>>
    %dma_start3A_169 = arith.constant 0 : i32
    %dma_start3A_170 = tpu.memref_slice %arg6[%add3A_166, %dma_start3A_169] : memref<10240x144xf32, #tpu.memory_space<vmem_shared>> -> memref<40x144xf32, #tpu.memory_space<vmem_shared>>
    tpu.enqueue_dma source(%arg9 : memref<40x144xf32, #tpu.memory_space<vmem>>) target(%dma_start3A_170 : memref<40x144xf32, #tpu.memory_space<vmem_shared>>) target_semaphore(%arg21 : memref<!tpu.dma_semaphore, #tpu.memory_space<semaphore_mem>>)
    %mul3A_171 = arith.constant 640 : i32
    %mul3A_172 = arith.muli %arg1, %mul3A_171 : i32
    %add3A_173 = arith.constant 320 : i32
    %add3A_174 = arith.addi %mul3A_172, %add3A_173 : i32
    %dma_start3A_175 = arith.constant 0 : i32
    %dma_start3A_176 = tpu.memref_slice %arg6[%add3A_174, %dma_start3A_175] : memref<10240x144xf32, #tpu.memory_space<vmem_shared>> -> memref<40x144xf32, #tpu.memory_space<vmem_shared>>
    %dma_start3A_177 = arith.constant 0 : i32
    %dma_start3A_178 = tpu.memref_slice %arg6[%add3A_174, %dma_start3A_177] : memref<10240x144xf32, #tpu.memory_space<vmem_shared>> -> memref<40x144xf32, #tpu.memory_space<vmem_shared>>
    tpu.enqueue_dma source(%arg9 : memref<40x144xf32, #tpu.memory_space<vmem>>) target(%dma_start3A_178 : memref<40x144xf32, #tpu.memory_space<vmem_shared>>) target_semaphore(%arg22 : memref<!tpu.dma_semaphore, #tpu.memory_space<semaphore_mem>>)
    %mul3A_179 = arith.constant 640 : i32
    %mul3A_180 = arith.muli %arg1, %mul3A_179 : i32
    %add3A_181 = arith.constant 360 : i32
    %add3A_182 = arith.addi %mul3A_180, %add3A_181 : i32
    %dma_start3A_183 = arith.constant 0 : i32
    %dma_start3A_184 = tpu.memref_slice %arg6[%add3A_182, %dma_start3A_183] : memref<10240x144xf32, #tpu.memory_space<vmem_shared>> -> memref<40x144xf32, #tpu.memory_space<vmem_shared>>
    %dma_start3A_185 = arith.constant 0 : i32
    %dma_start3A_186 = tpu.memref_slice %arg6[%add3A_182, %dma_start3A_185] : memref<10240x144xf32, #tpu.memory_space<vmem_shared>> -> memref<40x144xf32, #tpu.memory_space<vmem_shared>>
    tpu.enqueue_dma source(%arg9 : memref<40x144xf32, #tpu.memory_space<vmem>>) target(%dma_start3A_186 : memref<40x144xf32, #tpu.memory_space<vmem_shared>>) target_semaphore(%arg23 : memref<!tpu.dma_semaphore, #tpu.memory_space<semaphore_mem>>)
    %mul3A_187 = arith.constant 640 : i32
    %mul3A_188 = arith.muli %arg1, %mul3A_187 : i32
    %add3A_189 = arith.constant 400 : i32
    %add3A_190 = arith.addi %mul3A_188, %add3A_189 : i32
    %dma_start3A_191 = arith.constant 0 : i32
    %dma_start3A_192 = tpu.memref_slice %arg6[%add3A_190, %dma_start3A_191] : memref<10240x144xf32, #tpu.memory_space<vmem_shared>> -> memref<40x144xf32, #tpu.memory_space<vmem_shared>>
    %dma_start3A_193 = arith.constant 0 : i32
    %dma_start3A_194 = tpu.memref_slice %arg6[%add3A_190, %dma_start3A_193] : memref<10240x144xf32, #tpu.memory_space<vmem_shared>> -> memref<40x144xf32, #tpu.memory_space<vmem_shared>>
    tpu.enqueue_dma source(%arg9 : memref<40x144xf32, #tpu.memory_space<vmem>>) target(%dma_start3A_194 : memref<40x144xf32, #tpu.memory_space<vmem_shared>>) target_semaphore(%arg19 : memref<!tpu.dma_semaphore, #tpu.memory_space<semaphore_mem>>)
    %mul3A_195 = arith.constant 640 : i32
    %mul3A_196 = arith.muli %arg1, %mul3A_195 : i32
    %add3A_197 = arith.constant 440 : i32
    %add3A_198 = arith.addi %mul3A_196, %add3A_197 : i32
    %dma_start3A_199 = arith.constant 0 : i32
    %dma_start3A_200 = tpu.memref_slice %arg6[%add3A_198, %dma_start3A_199] : memref<10240x144xf32, #tpu.memory_space<vmem_shared>> -> memref<40x144xf32, #tpu.memory_space<vmem_shared>>
    %dma_start3A_201 = arith.constant 0 : i32
    %dma_start3A_202 = tpu.memref_slice %arg6[%add3A_198, %dma_start3A_201] : memref<10240x144xf32, #tpu.memory_space<vmem_shared>> -> memref<40x144xf32, #tpu.memory_space<vmem_shared>>
    tpu.enqueue_dma source(%arg9 : memref<40x144xf32, #tpu.memory_space<vmem>>) target(%dma_start3A_202 : memref<40x144xf32, #tpu.memory_space<vmem_shared>>) target_semaphore(%arg20 : memref<!tpu.dma_semaphore, #tpu.memory_space<semaphore_mem>>)
    %mul3A_203 = arith.constant 640 : i32
    %mul3A_204 = arith.muli %arg1, %mul3A_203 : i32
    %add3A_205 = arith.constant 480 : i32
    %add3A_206 = arith.addi %mul3A_204, %add3A_205 : i32
    %dma_start3A_207 = arith.constant 0 : i32
    %dma_start3A_208 = tpu.memref_slice %arg6[%add3A_206, %dma_start3A_207] : memref<10240x144xf32, #tpu.memory_space<vmem_shared>> -> memref<40x144xf32, #tpu.memory_space<vmem_shared>>
    %dma_start3A_209 = arith.constant 0 : i32
    %dma_start3A_210 = tpu.memref_slice %arg6[%add3A_206, %dma_start3A_209] : memref<10240x144xf32, #tpu.memory_space<vmem_shared>> -> memref<40x144xf32, #tpu.memory_space<vmem_shared>>
    tpu.enqueue_dma source(%arg9 : memref<40x144xf32, #tpu.memory_space<vmem>>) target(%dma_start3A_210 : memref<40x144xf32, #tpu.memory_space<vmem_shared>>) target_semaphore(%arg21 : memref<!tpu.dma_semaphore, #tpu.memory_space<semaphore_mem>>)
    %mul3A_211 = arith.constant 640 : i32
    %mul3A_212 = arith.muli %arg1, %mul3A_211 : i32
    %add3A_213 = arith.constant 520 : i32
    %add3A_214 = arith.addi %mul3A_212, %add3A_213 : i32
    %dma_start3A_215 = arith.constant 0 : i32
    %dma_start3A_216 = tpu.memref_slice %arg6[%add3A_214, %dma_start3A_215] : memref<10240x144xf32, #tpu.memory_space<vmem_shared>> -> memref<40x144xf32, #tpu.memory_space<vmem_shared>>
    %dma_start3A_217 = arith.constant 0 : i32
    %dma_start3A_218 = tpu.memref_slice %arg6[%add3A_214, %dma_start3A_217] : memref<10240x144xf32, #tpu.memory_space<vmem_shared>> -> memref<40x144xf32, #tpu.memory_space<vmem_shared>>
    tpu.enqueue_dma source(%arg9 : memref<40x144xf32, #tpu.memory_space<vmem>>) target(%dma_start3A_218 : memref<40x144xf32, #tpu.memory_space<vmem_shared>>) target_semaphore(%arg22 : memref<!tpu.dma_semaphore, #tpu.memory_space<semaphore_mem>>)
    %mul3A_219 = arith.constant 640 : i32
    %mul3A_220 = arith.muli %arg1, %mul3A_219 : i32
    %add3A_221 = arith.constant 560 : i32
    %add3A_222 = arith.addi %mul3A_220, %add3A_221 : i32
    %dma_start3A_223 = arith.constant 0 : i32
    %dma_start3A_224 = tpu.memref_slice %arg6[%add3A_222, %dma_start3A_223] : memref<10240x144xf32, #tpu.memory_space<vmem_shared>> -> memref<40x144xf32, #tpu.memory_space<vmem_shared>>
    %dma_start3A_225 = arith.constant 0 : i32
    %dma_start3A_226 = tpu.memref_slice %arg6[%add3A_222, %dma_start3A_225] : memref<10240x144xf32, #tpu.memory_space<vmem_shared>> -> memref<40x144xf32, #tpu.memory_space<vmem_shared>>
    tpu.enqueue_dma source(%arg9 : memref<40x144xf32, #tpu.memory_space<vmem>>) target(%dma_start3A_226 : memref<40x144xf32, #tpu.memory_space<vmem_shared>>) target_semaphore(%arg23 : memref<!tpu.dma_semaphore, #tpu.memory_space<semaphore_mem>>)
    %mul3A_227 = arith.constant 640 : i32
    %mul3A_228 = arith.muli %arg1, %mul3A_227 : i32
    %add3A_229 = arith.constant 600 : i32
    %add3A_230 = arith.addi %mul3A_228, %add3A_229 : i32
    %dma_start3A_231 = arith.constant 0 : i32
    %dma_start3A_232 = tpu.memref_slice %arg6[%add3A_230, %dma_start3A_231] : memref<10240x144xf32, #tpu.memory_space<vmem_shared>> -> memref<40x144xf32, #tpu.memory_space<vmem_shared>>
    %dma_start3A_233 = arith.constant 0 : i32
    %dma_start3A_234 = tpu.memref_slice %arg6[%add3A_230, %dma_start3A_233] : memref<10240x144xf32, #tpu.memory_space<vmem_shared>> -> memref<40x144xf32, #tpu.memory_space<vmem_shared>>
    tpu.enqueue_dma source(%arg9 : memref<40x144xf32, #tpu.memory_space<vmem>>) target(%dma_start3A_234 : memref<40x144xf32, #tpu.memory_space<vmem_shared>>) target_semaphore(%arg19 : memref<!tpu.dma_semaphore, #tpu.memory_space<semaphore_mem>>)
    %mul3A_235 = arith.constant 640 : i32
    %mul3A_236 = arith.muli %arg1, %mul3A_235 : i32
    %add3A_237 = arith.constant 0 : i32
    %add3A_238 = arith.addi %mul3A_236, %add3A_237 : i32
    %dma_wait3A_239 = arith.constant 0 : i32
    %dma_wait3A_240 = tpu.memref_slice %arg6[%add3A_238, %dma_wait3A_239] : memref<10240x144xf32, #tpu.memory_space<vmem_shared>> -> memref<40x144xf32, #tpu.memory_space<vmem_shared>>
    %dma_wait3A_241 = arith.constant 0 : i32
    %dma_wait3A_242 = tpu.memref_slice %arg6[%add3A_238, %dma_wait3A_241] : memref<10240x144xf32, #tpu.memory_space<vmem_shared>> -> memref<40x144xf32, #tpu.memory_space<vmem_shared>>
    tpu.wait_dma2 semaphore(%arg19 : memref<!tpu.dma_semaphore, #tpu.memory_space<semaphore_mem>>) src(%arg9 : memref<40x144xf32, #tpu.memory_space<vmem>>) dst(%dma_wait3A_242 : memref<40x144xf32, #tpu.memory_space<vmem_shared>>)
    %mul3A_243 = arith.constant 640 : i32
    %mul3A_244 = arith.muli %arg1, %mul3A_243 : i32
    %add3A_245 = arith.constant 40 : i32
    %add3A_246 = arith.addi %mul3A_244, %add3A_245 : i32
    %dma_wait3A_247 = arith.constant 0 : i32
    %dma_wait3A_248 = tpu.memref_slice %arg6[%add3A_246, %dma_wait3A_247] : memref<10240x144xf32, #tpu.memory_space<vmem_shared>> -> memref<40x144xf32, #tpu.memory_space<vmem_shared>>
    %dma_wait3A_249 = arith.constant 0 : i32
    %dma_wait3A_250 = tpu.memref_slice %arg6[%add3A_246, %dma_wait3A_249] : memref<10240x144xf32, #tpu.memory_space<vmem_shared>> -> memref<40x144xf32, #tpu.memory_space<vmem_shared>>
    tpu.wait_dma2 semaphore(%arg20 : memref<!tpu.dma_semaphore, #tpu.memory_space<semaphore_mem>>) src(%arg9 : memref<40x144xf32, #tpu.memory_space<vmem>>) dst(%dma_wait3A_250 : memref<40x144xf32, #tpu.memory_space<vmem_shared>>)
    %mul3A_251 = arith.constant 640 : i32
    %mul3A_252 = arith.muli %arg1, %mul3A_251 : i32
    %add3A_253 = arith.constant 80 : i32
    %add3A_254 = arith.addi %mul3A_252, %add3A_253 : i32
    %dma_wait3A_255 = arith.constant 0 : i32
    %dma_wait3A_256 = tpu.memref_slice %arg6[%add3A_254, %dma_wait3A_255] : memref<10240x144xf32, #tpu.memory_space<vmem_shared>> -> memref<40x144xf32, #tpu.memory_space<vmem_shared>>
    %dma_wait3A_257 = arith.constant 0 : i32
    %dma_wait3A_258 = tpu.memref_slice %arg6[%add3A_254, %dma_wait3A_257] : memref<10240x144xf32, #tpu.memory_space<vmem_shared>> -> memref<40x144xf32, #tpu.memory_space<vmem_shared>>
    tpu.wait_dma2 semaphore(%arg21 : memref<!tpu.dma_semaphore, #tpu.memory_space<semaphore_mem>>) src(%arg9 : memref<40x144xf32, #tpu.memory_space<vmem>>) dst(%dma_wait3A_258 : memref<40x144xf32, #tpu.memory_space<vmem_shared>>)
    %mul3A_259 = arith.constant 640 : i32
    %mul3A_260 = arith.muli %arg1, %mul3A_259 : i32
    %add3A_261 = arith.constant 120 : i32
    %add3A_262 = arith.addi %mul3A_260, %add3A_261 : i32
    %dma_wait3A_263 = arith.constant 0 : i32
    %dma_wait3A_264 = tpu.memref_slice %arg6[%add3A_262, %dma_wait3A_263] : memref<10240x144xf32, #tpu.memory_space<vmem_shared>> -> memref<40x144xf32, #tpu.memory_space<vmem_shared>>
    %dma_wait3A_265 = arith.constant 0 : i32
    %dma_wait3A_266 = tpu.memref_slice %arg6[%add3A_262, %dma_wait3A_265] : memref<10240x144xf32, #tpu.memory_space<vmem_shared>> -> memref<40x144xf32, #tpu.memory_space<vmem_shared>>
    tpu.wait_dma2 semaphore(%arg22 : memref<!tpu.dma_semaphore, #tpu.memory_space<semaphore_mem>>) src(%arg9 : memref<40x144xf32, #tpu.memory_space<vmem>>) dst(%dma_wait3A_266 : memref<40x144xf32, #tpu.memory_space<vmem_shared>>)
    %mul3A_267 = arith.constant 640 : i32
    %mul3A_268 = arith.muli %arg1, %mul3A_267 : i32
    %add3A_269 = arith.constant 160 : i32
    %add3A_270 = arith.addi %mul3A_268, %add3A_269 : i32
    %dma_wait3A_271 = arith.constant 0 : i32
    %dma_wait3A_272 = tpu.memref_slice %arg6[%add3A_270, %dma_wait3A_271] : memref<10240x144xf32, #tpu.memory_space<vmem_shared>> -> memref<40x144xf32, #tpu.memory_space<vmem_shared>>
    %dma_wait3A_273 = arith.constant 0 : i32
    %dma_wait3A_274 = tpu.memref_slice %arg6[%add3A_270, %dma_wait3A_273] : memref<10240x144xf32, #tpu.memory_space<vmem_shared>> -> memref<40x144xf32, #tpu.memory_space<vmem_shared>>
    tpu.wait_dma2 semaphore(%arg23 : memref<!tpu.dma_semaphore, #tpu.memory_space<semaphore_mem>>) src(%arg9 : memref<40x144xf32, #tpu.memory_space<vmem>>) dst(%dma_wait3A_274 : memref<40x144xf32, #tpu.memory_space<vmem_shared>>)
    %mul3A_275 = arith.constant 640 : i32
    %mul3A_276 = arith.muli %arg1, %mul3A_275 : i32
    %add3A_277 = arith.constant 200 : i32
    %add3A_278 = arith.addi %mul3A_276, %add3A_277 : i32
    %dma_wait3A_279 = arith.constant 0 : i32
    %dma_wait3A_280 = tpu.memref_slice %arg6[%add3A_278, %dma_wait3A_279] : memref<10240x144xf32, #tpu.memory_space<vmem_shared>> -> memref<40x144xf32, #tpu.memory_space<vmem_shared>>
    %dma_wait3A_281 = arith.constant 0 : i32
    %dma_wait3A_282 = tpu.memref_slice %arg6[%add3A_278, %dma_wait3A_281] : memref<10240x144xf32, #tpu.memory_space<vmem_shared>> -> memref<40x144xf32, #tpu.memory_space<vmem_shared>>
    tpu.wait_dma2 semaphore(%arg19 : memref<!tpu.dma_semaphore, #tpu.memory_space<semaphore_mem>>) src(%arg9 : memref<40x144xf32, #tpu.memory_space<vmem>>) dst(%dma_wait3A_282 : memref<40x144xf32, #tpu.memory_space<vmem_shared>>)
    %mul3A_283 = arith.constant 640 : i32
    %mul3A_284 = arith.muli %arg1, %mul3A_283 : i32
    %add3A_285 = arith.constant 240 : i32
    %add3A_286 = arith.addi %mul3A_284, %add3A_285 : i32
    %dma_wait3A_287 = arith.constant 0 : i32
    %dma_wait3A_288 = tpu.memref_slice %arg6[%add3A_286, %dma_wait3A_287] : memref<10240x144xf32, #tpu.memory_space<vmem_shared>> -> memref<40x144xf32, #tpu.memory_space<vmem_shared>>
    %dma_wait3A_289 = arith.constant 0 : i32
    %dma_wait3A_290 = tpu.memref_slice %arg6[%add3A_286, %dma_wait3A_289] : memref<10240x144xf32, #tpu.memory_space<vmem_shared>> -> memref<40x144xf32, #tpu.memory_space<vmem_shared>>
    tpu.wait_dma2 semaphore(%arg20 : memref<!tpu.dma_semaphore, #tpu.memory_space<semaphore_mem>>) src(%arg9 : memref<40x144xf32, #tpu.memory_space<vmem>>) dst(%dma_wait3A_290 : memref<40x144xf32, #tpu.memory_space<vmem_shared>>)
    %mul3A_291 = arith.constant 640 : i32
    %mul3A_292 = arith.muli %arg1, %mul3A_291 : i32
    %add3A_293 = arith.constant 280 : i32
    %add3A_294 = arith.addi %mul3A_292, %add3A_293 : i32
    %dma_wait3A_295 = arith.constant 0 : i32
    %dma_wait3A_296 = tpu.memref_slice %arg6[%add3A_294, %dma_wait3A_295] : memref<10240x144xf32, #tpu.memory_space<vmem_shared>> -> memref<40x144xf32, #tpu.memory_space<vmem_shared>>
    %dma_wait3A_297 = arith.constant 0 : i32
    %dma_wait3A_298 = tpu.memref_slice %arg6[%add3A_294, %dma_wait3A_297] : memref<10240x144xf32, #tpu.memory_space<vmem_shared>> -> memref<40x144xf32, #tpu.memory_space<vmem_shared>>
    tpu.wait_dma2 semaphore(%arg21 : memref<!tpu.dma_semaphore, #tpu.memory_space<semaphore_mem>>) src(%arg9 : memref<40x144xf32, #tpu.memory_space<vmem>>) dst(%dma_wait3A_298 : memref<40x144xf32, #tpu.memory_space<vmem_shared>>)
    %mul3A_299 = arith.constant 640 : i32
    %mul3A_300 = arith.muli %arg1, %mul3A_299 : i32
    %add3A_301 = arith.constant 320 : i32
    %add3A_302 = arith.addi %mul3A_300, %add3A_301 : i32
    %dma_wait3A_303 = arith.constant 0 : i32
    %dma_wait3A_304 = tpu.memref_slice %arg6[%add3A_302, %dma_wait3A_303] : memref<10240x144xf32, #tpu.memory_space<vmem_shared>> -> memref<40x144xf32, #tpu.memory_space<vmem_shared>>
    %dma_wait3A_305 = arith.constant 0 : i32
    %dma_wait3A_306 = tpu.memref_slice %arg6[%add3A_302, %dma_wait3A_305] : memref<10240x144xf32, #tpu.memory_space<vmem_shared>> -> memref<40x144xf32, #tpu.memory_space<vmem_shared>>
    tpu.wait_dma2 semaphore(%arg22 : memref<!tpu.dma_semaphore, #tpu.memory_space<semaphore_mem>>) src(%arg9 : memref<40x144xf32, #tpu.memory_space<vmem>>) dst(%dma_wait3A_306 : memref<40x144xf32, #tpu.memory_space<vmem_shared>>)
    %mul3A_307 = arith.constant 640 : i32
    %mul3A_308 = arith.muli %arg1, %mul3A_307 : i32
    %add3A_309 = arith.constant 360 : i32
    %add3A_310 = arith.addi %mul3A_308, %add3A_309 : i32
    %dma_wait3A_311 = arith.constant 0 : i32
    %dma_wait3A_312 = tpu.memref_slice %arg6[%add3A_310, %dma_wait3A_311] : memref<10240x144xf32, #tpu.memory_space<vmem_shared>> -> memref<40x144xf32, #tpu.memory_space<vmem_shared>>
    %dma_wait3A_313 = arith.constant 0 : i32
    %dma_wait3A_314 = tpu.memref_slice %arg6[%add3A_310, %dma_wait3A_313] : memref<10240x144xf32, #tpu.memory_space<vmem_shared>> -> memref<40x144xf32, #tpu.memory_space<vmem_shared>>
    tpu.wait_dma2 semaphore(%arg23 : memref<!tpu.dma_semaphore, #tpu.memory_space<semaphore_mem>>) src(%arg9 : memref<40x144xf32, #tpu.memory_space<vmem>>) dst(%dma_wait3A_314 : memref<40x144xf32, #tpu.memory_space<vmem_shared>>)
    %mul3A_315 = arith.constant 640 : i32
    %mul3A_316 = arith.muli %arg1, %mul3A_315 : i32
    %add3A_317 = arith.constant 400 : i32
    %add3A_318 = arith.addi %mul3A_316, %add3A_317 : i32
    %dma_wait3A_319 = arith.constant 0 : i32
    %dma_wait3A_320 = tpu.memref_slice %arg6[%add3A_318, %dma_wait3A_319] : memref<10240x144xf32, #tpu.memory_space<vmem_shared>> -> memref<40x144xf32, #tpu.memory_space<vmem_shared>>
    %dma_wait3A_321 = arith.constant 0 : i32
    %dma_wait3A_322 = tpu.memref_slice %arg6[%add3A_318, %dma_wait3A_321] : memref<10240x144xf32, #tpu.memory_space<vmem_shared>> -> memref<40x144xf32, #tpu.memory_space<vmem_shared>>
    tpu.wait_dma2 semaphore(%arg19 : memref<!tpu.dma_semaphore, #tpu.memory_space<semaphore_mem>>) src(%arg9 : memref<40x144xf32, #tpu.memory_space<vmem>>) dst(%dma_wait3A_322 : memref<40x144xf32, #tpu.memory_space<vmem_shared>>)
    %mul3A_323 = arith.constant 640 : i32
    %mul3A_324 = arith.muli %arg1, %mul3A_323 : i32
    %add3A_325 = arith.constant 440 : i32
    %add3A_326 = arith.addi %mul3A_324, %add3A_325 : i32
    %dma_wait3A_327 = arith.constant 0 : i32
    %dma_wait3A_328 = tpu.memref_slice %arg6[%add3A_326, %dma_wait3A_327] : memref<10240x144xf32, #tpu.memory_space<vmem_shared>> -> memref<40x144xf32, #tpu.memory_space<vmem_shared>>
    %dma_wait3A_329 = arith.constant 0 : i32
    %dma_wait3A_330 = tpu.memref_slice %arg6[%add3A_326, %dma_wait3A_329] : memref<10240x144xf32, #tpu.memory_space<vmem_shared>> -> memref<40x144xf32, #tpu.memory_space<vmem_shared>>
    tpu.wait_dma2 semaphore(%arg20 : memref<!tpu.dma_semaphore, #tpu.memory_space<semaphore_mem>>) src(%arg9 : memref<40x144xf32, #tpu.memory_space<vmem>>) dst(%dma_wait3A_330 : memref<40x144xf32, #tpu.memory_space<vmem_shared>>)
    %mul3A_331 = arith.constant 640 : i32
    %mul3A_332 = arith.muli %arg1, %mul3A_331 : i32
    %add3A_333 = arith.constant 480 : i32
    %add3A_334 = arith.addi %mul3A_332, %add3A_333 : i32
    %dma_wait3A_335 = arith.constant 0 : i32
    %dma_wait3A_336 = tpu.memref_slice %arg6[%add3A_334, %dma_wait3A_335] : memref<10240x144xf32, #tpu.memory_space<vmem_shared>> -> memref<40x144xf32, #tpu.memory_space<vmem_shared>>
    %dma_wait3A_337 = arith.constant 0 : i32
    %dma_wait3A_338 = tpu.memref_slice %arg6[%add3A_334, %dma_wait3A_337] : memref<10240x144xf32, #tpu.memory_space<vmem_shared>> -> memref<40x144xf32, #tpu.memory_space<vmem_shared>>
    tpu.wait_dma2 semaphore(%arg21 : memref<!tpu.dma_semaphore, #tpu.memory_space<semaphore_mem>>) src(%arg9 : memref<40x144xf32, #tpu.memory_space<vmem>>) dst(%dma_wait3A_338 : memref<40x144xf32, #tpu.memory_space<vmem_shared>>)
    %mul3A_339 = arith.constant 640 : i32
    %mul3A_340 = arith.muli %arg1, %mul3A_339 : i32
    %add3A_341 = arith.constant 520 : i32
    %add3A_342 = arith.addi %mul3A_340, %add3A_341 : i32
    %dma_wait3A_343 = arith.constant 0 : i32
    %dma_wait3A_344 = tpu.memref_slice %arg6[%add3A_342, %dma_wait3A_343] : memref<10240x144xf32, #tpu.memory_space<vmem_shared>> -> memref<40x144xf32, #tpu.memory_space<vmem_shared>>
    %dma_wait3A_345 = arith.constant 0 : i32
    %dma_wait3A_346 = tpu.memref_slice %arg6[%add3A_342, %dma_wait3A_345] : memref<10240x144xf32, #tpu.memory_space<vmem_shared>> -> memref<40x144xf32, #tpu.memory_space<vmem_shared>>
    tpu.wait_dma2 semaphore(%arg22 : memref<!tpu.dma_semaphore, #tpu.memory_space<semaphore_mem>>) src(%arg9 : memref<40x144xf32, #tpu.memory_space<vmem>>) dst(%dma_wait3A_346 : memref<40x144xf32, #tpu.memory_space<vmem_shared>>)
    %mul3A_347 = arith.constant 640 : i32
    %mul3A_348 = arith.muli %arg1, %mul3A_347 : i32
    %add3A_349 = arith.constant 560 : i32
    %add3A_350 = arith.addi %mul3A_348, %add3A_349 : i32
    %dma_wait3A_351 = arith.constant 0 : i32
    %dma_wait3A_352 = tpu.memref_slice %arg6[%add3A_350, %dma_wait3A_351] : memref<10240x144xf32, #tpu.memory_space<vmem_shared>> -> memref<40x144xf32, #tpu.memory_space<vmem_shared>>
    %dma_wait3A_353 = arith.constant 0 : i32
    %dma_wait3A_354 = tpu.memref_slice %arg6[%add3A_350, %dma_wait3A_353] : memref<10240x144xf32, #tpu.memory_space<vmem_shared>> -> memref<40x144xf32, #tpu.memory_space<vmem_shared>>
    tpu.wait_dma2 semaphore(%arg23 : memref<!tpu.dma_semaphore, #tpu.memory_space<semaphore_mem>>) src(%arg9 : memref<40x144xf32, #tpu.memory_space<vmem>>) dst(%dma_wait3A_354 : memref<40x144xf32, #tpu.memory_space<vmem_shared>>)
    %mul3A_355 = arith.constant 640 : i32
    %mul3A_356 = arith.muli %arg1, %mul3A_355 : i32
    %add3A_357 = arith.constant 600 : i32
    %add3A_358 = arith.addi %mul3A_356, %add3A_357 : i32
    %dma_wait3A_359 = arith.constant 0 : i32
    %dma_wait3A_360 = tpu.memref_slice %arg6[%add3A_358, %dma_wait3A_359] : memref<10240x144xf32, #tpu.memory_space<vmem_shared>> -> memref<40x144xf32, #tpu.memory_space<vmem_shared>>
    %dma_wait3A_361 = arith.constant 0 : i32
    %dma_wait3A_362 = tpu.memref_slice %arg6[%add3A_358, %dma_wait3A_361] : memref<10240x144xf32, #tpu.memory_space<vmem_shared>> -> memref<40x144xf32, #tpu.memory_space<vmem_shared>>
    tpu.wait_dma2 semaphore(%arg19 : memref<!tpu.dma_semaphore, #tpu.memory_space<semaphore_mem>>) src(%arg9 : memref<40x144xf32, #tpu.memory_space<vmem>>) dst(%dma_wait3A_362 : memref<40x144xf32, #tpu.memory_space<vmem_shared>>)
    %dma_start3A_363 = arith.constant 0 : i32
    %dma_start3A_364 = arith.constant 0 : i32
    %dma_start3A_365 = arith.constant 0 : i32
    %dma_start3A_366 = tpu.memref_slice %arg7[%dma_start3A_363, %dma_start3A_364, %dma_start3A_365] : memref<2x5x40xi32, #tpu.memory_space<vmem>> -> memref<1x1x40xi32, #tpu.memory_space<vmem>>
    %dma_start3A_367 = tpu.memref_squeeze %dma_start3A_366 : memref<1x1x40xi32, #tpu.memory_space<vmem>> -> memref<40xi32, #tpu.memory_space<vmem>>
    %dma_start3A_368 = arith.constant 0 : i32
    %dma_start3A_369 = arith.constant 0 : i32
    %dma_start3A_370 = tpu.memref_slice %arg4[%dma_start3A_368, %dma_start3A_369] : memref<10240x144xf32, #tpu.memory_space<hbm>> -> memref<10240x144xf32, #tpu.memory_space<hbm>>
    tpu.enqueue_indirect_dma source(%dma_start3A_370 : memref<10240x144xf32, #tpu.memory_space<hbm>>) target(%arg9 : memref<40x144xf32, #tpu.memory_space<vmem>>) offsets(%dma_start3A_367 : memref<40xi32, #tpu.memory_space<vmem>>) semaphore(%arg14 : memref<!tpu.dma_semaphore, #tpu.memory_space<semaphore_mem>>)
    %min3A = arith.constant 1 : i32
    %min3A_371 = arith.constant 49 : i32
    %min3A_372 = arith.minsi %min3A, %min3A_371 : i32
    %dma_start3A_373 = arith.constant 1 : i32
    %dma_start3A_374 = arith.constant 0 : i32
    %dma_start3A_375 = arith.constant 0 : i32
    %dma_start3A_376 = tpu.memref_slice %arg7[%dma_start3A_373, %dma_start3A_374, %dma_start3A_375] : memref<2x5x40xi32, #tpu.memory_space<vmem>> -> memref<1x5x40xi32, #tpu.memory_space<vmem>>
    %dma_start3A_377 = tpu.memref_squeeze %dma_start3A_376 : memref<1x5x40xi32, #tpu.memory_space<vmem>> -> memref<5x40xi32, #tpu.memory_space<vmem>>
    %dma_start3A_378 = arith.constant 0 : i32
    %dma_start3A_379 = arith.constant 0 : i32
    %dma_start3A_380 = tpu.memref_slice %arg2[%arg0, %arg1, %min3A_372, %dma_start3A_378, %dma_start3A_379] : memref<2x16x50x5x40xi32, #tpu.memory_space<hbm>> -> memref<1x1x1x5x40xi32, #tpu.memory_space<hbm>>
    %dma_start3A_381 = tpu.memref_squeeze %dma_start3A_380 : memref<1x1x1x5x40xi32, #tpu.memory_space<hbm>> -> memref<5x40xi32, #tpu.memory_space<hbm>>
    %dma_start3A_382 = arith.constant 0 : i32
    %dma_start3A_383 = arith.constant 0 : i32
    %dma_start3A_384 = tpu.memref_slice %arg7[%dma_start3A_373, %dma_start3A_382, %dma_start3A_383] : memref<2x5x40xi32, #tpu.memory_space<vmem>> -> memref<1x5x40xi32, #tpu.memory_space<vmem>>
    %dma_start3A_385 = tpu.memref_squeeze %dma_start3A_384 : memref<1x5x40xi32, #tpu.memory_space<vmem>> -> memref<5x40xi32, #tpu.memory_space<vmem>>
    %dma_start3A_386 = arith.constant 0 : i32
    %dma_start3A_387 = arith.constant 0 : i32
    %dma_start3A_388 = tpu.memref_slice %arg2[%arg0, %arg1, %min3A_372, %dma_start3A_386, %dma_start3A_387] : memref<2x16x50x5x40xi32, #tpu.memory_space<hbm>> -> memref<1x1x1x5x40xi32, #tpu.memory_space<hbm>>
    %dma_start3A_389 = tpu.memref_squeeze %dma_start3A_388 : memref<1x1x1x5x40xi32, #tpu.memory_space<hbm>> -> memref<5x40xi32, #tpu.memory_space<hbm>>
    tpu.enqueue_dma source(%dma_start3A_389 : memref<5x40xi32, #tpu.memory_space<hbm>>) target(%dma_start3A_385 : memref<5x40xi32, #tpu.memory_space<vmem>>) target_semaphore(%arg24 : memref<!tpu.dma_semaphore, #tpu.memory_space<semaphore_mem>>)
    %dma_start3A_390 = arith.constant 1 : i32
    %dma_start3A_391 = arith.constant 0 : i32
    %dma_start3A_392 = arith.constant 0 : i32
    %dma_start3A_393 = tpu.memref_slice %arg8[%dma_start3A_390, %dma_start3A_391, %dma_start3A_392] : memref<2x5x40xi32, #tpu.memory_space<vmem>> -> memref<1x5x40xi32, #tpu.memory_space<vmem>>
    %dma_start3A_394 = tpu.memref_squeeze %dma_start3A_393 : memref<1x5x40xi32, #tpu.memory_space<vmem>> -> memref<5x40xi32, #tpu.memory_space<vmem>>
    %dma_start3A_395 = arith.constant 0 : i32
    %dma_start3A_396 = arith.constant 0 : i32
    %dma_start3A_397 = tpu.memref_slice %arg3[%arg0, %arg1, %min3A_372, %dma_start3A_395, %dma_start3A_396] : memref<2x16x50x5x40xi32, #tpu.memory_space<hbm>> -> memref<1x1x1x5x40xi32, #tpu.memory_space<hbm>>
    %dma_start3A_398 = tpu.memref_squeeze %dma_start3A_397 : memref<1x1x1x5x40xi32, #tpu.memory_space<hbm>> -> memref<5x40xi32, #tpu.memory_space<hbm>>
    %dma_start3A_399 = arith.constant 0 : i32
    %dma_start3A_400 = arith.constant 0 : i32
    %dma_start3A_401 = tpu.memref_slice %arg8[%dma_start3A_390, %dma_start3A_399, %dma_start3A_400] : memref<2x5x40xi32, #tpu.memory_space<vmem>> -> memref<1x5x40xi32, #tpu.memory_space<vmem>>
    %dma_start3A_402 = tpu.memref_squeeze %dma_start3A_401 : memref<1x5x40xi32, #tpu.memory_space<vmem>> -> memref<5x40xi32, #tpu.memory_space<vmem>>
    %dma_start3A_403 = arith.constant 0 : i32
    %dma_start3A_404 = arith.constant 0 : i32
    %dma_start3A_405 = tpu.memref_slice %arg3[%arg0, %arg1, %min3A_372, %dma_start3A_403, %dma_start3A_404] : memref<2x16x50x5x40xi32, #tpu.memory_space<hbm>> -> memref<1x1x1x5x40xi32, #tpu.memory_space<hbm>>
    %dma_start3A_406 = tpu.memref_squeeze %dma_start3A_405 : memref<1x1x1x5x40xi32, #tpu.memory_space<hbm>> -> memref<5x40xi32, #tpu.memory_space<hbm>>
    tpu.enqueue_dma source(%dma_start3A_406 : memref<5x40xi32, #tpu.memory_space<hbm>>) target(%dma_start3A_402 : memref<5x40xi32, #tpu.memory_space<vmem>>) target_semaphore(%arg25 : memref<!tpu.dma_semaphore, #tpu.memory_space<semaphore_mem>>)
    %barrier3A = arith.constant 0 : index
    tpu.barrier barrier_id(%barrier3A)
    %scan3A_407 = arith.constant 0 : i32
    %scan3A_408 = arith.constant 0 : i32
    %scan3A_409 = arith.constant 49 : i32
    %scan3A_410 = arith.addi %scan3A_408, %scan3A_409 : i32
    %scan3A_411 = arith.constant 1 : i32
    %scan3A_412 = scf.for %scan3A_578 = %scan3A_408 to %scan3A_410 step %scan3A_411 iter_args(%scan3A_579 = %scan3A_407) -> (i32)  : i32 {
      %rem3A = arith.constant 2 : i32
      %rem3A_580 = arith.remsi %scan3A_578, %rem3A : i32
      %sub3A = arith.constant 1 : i32
      %sub3A_581 = arith.subi %sub3A, %rem3A_580 : i32
      %dma_wait3A_582 = arith.constant 0 : i32
      %dma_wait3A_583 = arith.constant 0 : i32
      %dma_wait3A_584 = arith.constant 0 : i32
      %dma_wait3A_585 = tpu.memref_slice %arg7[%dma_wait3A_582, %dma_wait3A_583, %dma_wait3A_584] : memref<2x5x40xi32, #tpu.memory_space<vmem>> -> memref<1x1x40xi32, #tpu.memory_space<vmem>>
      %dma_wait3A_586 = tpu.memref_squeeze %dma_wait3A_585 : memref<1x1x40xi32, #tpu.memory_space<vmem>> -> memref<40xi32, #tpu.memory_space<vmem>>
      %dma_wait3A_587 = arith.constant 0 : i32
      %dma_wait3A_588 = arith.constant 0 : i32
      %dma_wait3A_589 = tpu.memref_slice %arg4[%dma_wait3A_587, %dma_wait3A_588] : memref<10240x144xf32, #tpu.memory_space<hbm>> -> memref<10240x144xf32, #tpu.memory_space<hbm>>
      tpu.wait_indirect_dma semaphore(%arg14 : memref<!tpu.dma_semaphore, #tpu.memory_space<semaphore_mem>>) src(%dma_wait3A_589 : memref<10240x144xf32, #tpu.memory_space<hbm>>) dst(%arg9 : memref<40x144xf32, #tpu.memory_space<vmem>>)
      %dma_start3A_590 = arith.constant 0 : i32
      %dma_start3A_591 = arith.constant 0 : i32
      %dma_start3A_592 = tpu.memref_slice %arg8[%rem3A_580, %dma_start3A_590, %dma_start3A_591] : memref<2x5x40xi32, #tpu.memory_space<vmem>> -> memref<1x1x40xi32, #tpu.memory_space<vmem>>
      %dma_start3A_593 = tpu.memref_squeeze %dma_start3A_592 : memref<1x1x40xi32, #tpu.memory_space<vmem>> -> memref<40xi32, #tpu.memory_space<vmem>>
      %dma_start3A_594 = arith.constant 0 : i32
      %dma_start3A_595 = arith.constant 0 : i32
      %dma_start3A_596 = tpu.memref_slice %arg6[%dma_start3A_594, %dma_start3A_595] : memref<10240x144xf32, #tpu.memory_space<vmem_shared>> -> memref<10240x144xf32, #tpu.memory_space<vmem_shared>>
      tpu.enqueue_indirect_dma source(%arg9 : memref<40x144xf32, #tpu.memory_space<vmem>>) target(%dma_start3A_596 : memref<10240x144xf32, #tpu.memory_space<vmem_shared>>) offsets(%dma_start3A_593 : memref<40xi32, #tpu.memory_space<vmem>>) semaphore(%arg19 : memref<!tpu.dma_semaphore, #tpu.memory_space<semaphore_mem>>) {add = true}
      %dma_wait3A_597 = arith.constant 0 : i32
      %dma_wait3A_598 = arith.constant 0 : i32
      %dma_wait3A_599 = arith.constant 0 : i32
      %dma_wait3A_600 = tpu.memref_slice %arg7[%dma_wait3A_597, %dma_wait3A_598, %dma_wait3A_599] : memref<2x5x40xi32, #tpu.memory_space<vmem>> -> memref<1x1x40xi32, #tpu.memory_space<vmem>>
      %dma_wait3A_601 = tpu.memref_squeeze %dma_wait3A_600 : memref<1x1x40xi32, #tpu.memory_space<vmem>> -> memref<40xi32, #tpu.memory_space<vmem>>
      %dma_wait3A_602 = arith.constant 0 : i32
      %dma_wait3A_603 = arith.constant 0 : i32
      %dma_wait3A_604 = tpu.memref_slice %arg4[%dma_wait3A_602, %dma_wait3A_603] : memref<10240x144xf32, #tpu.memory_space<hbm>> -> memref<10240x144xf32, #tpu.memory_space<hbm>>
      tpu.wait_indirect_dma semaphore(%arg15 : memref<!tpu.dma_semaphore, #tpu.memory_space<semaphore_mem>>) src(%dma_wait3A_604 : memref<10240x144xf32, #tpu.memory_space<hbm>>) dst(%arg10 : memref<40x144xf32, #tpu.memory_space<vmem>>)
      %dma_start3A_605 = arith.constant 1 : i32
      %dma_start3A_606 = arith.constant 0 : i32
      %dma_start3A_607 = tpu.memref_slice %arg8[%rem3A_580, %dma_start3A_605, %dma_start3A_606] : memref<2x5x40xi32, #tpu.memory_space<vmem>> -> memref<1x1x40xi32, #tpu.memory_space<vmem>>
      %dma_start3A_608 = tpu.memref_squeeze %dma_start3A_607 : memref<1x1x40xi32, #tpu.memory_space<vmem>> -> memref<40xi32, #tpu.memory_space<vmem>>
      %dma_start3A_609 = arith.constant 0 : i32
      %dma_start3A_610 = arith.constant 0 : i32
      %dma_start3A_611 = tpu.memref_slice %arg6[%dma_start3A_609, %dma_start3A_610] : memref<10240x144xf32, #tpu.memory_space<vmem_shared>> -> memref<10240x144xf32, #tpu.memory_space<vmem_shared>>
      tpu.enqueue_indirect_dma source(%arg10 : memref<40x144xf32, #tpu.memory_space<vmem>>) target(%dma_start3A_611 : memref<10240x144xf32, #tpu.memory_space<vmem_shared>>) offsets(%dma_start3A_608 : memref<40xi32, #tpu.memory_space<vmem>>) semaphore(%arg20 : memref<!tpu.dma_semaphore, #tpu.memory_space<semaphore_mem>>) {add = true}
      %dma_wait3A_612 = arith.constant 0 : i32
      %dma_wait3A_613 = arith.constant 0 : i32
      %dma_wait3A_614 = arith.constant 0 : i32
      %dma_wait3A_615 = tpu.memref_slice %arg7[%dma_wait3A_612, %dma_wait3A_613, %dma_wait3A_614] : memref<2x5x40xi32, #tpu.memory_space<vmem>> -> memref<1x1x40xi32, #tpu.memory_space<vmem>>
      %dma_wait3A_616 = tpu.memref_squeeze %dma_wait3A_615 : memref<1x1x40xi32, #tpu.memory_space<vmem>> -> memref<40xi32, #tpu.memory_space<vmem>>
      %dma_wait3A_617 = arith.constant 0 : i32
      %dma_wait3A_618 = arith.constant 0 : i32
      %dma_wait3A_619 = tpu.memref_slice %arg4[%dma_wait3A_617, %dma_wait3A_618] : memref<10240x144xf32, #tpu.memory_space<hbm>> -> memref<10240x144xf32, #tpu.memory_space<hbm>>
      tpu.wait_indirect_dma semaphore(%arg16 : memref<!tpu.dma_semaphore, #tpu.memory_space<semaphore_mem>>) src(%dma_wait3A_619 : memref<10240x144xf32, #tpu.memory_space<hbm>>) dst(%arg11 : memref<40x144xf32, #tpu.memory_space<vmem>>)
      %dma_start3A_620 = arith.constant 2 : i32
      %dma_start3A_621 = arith.constant 0 : i32
      %dma_start3A_622 = tpu.memref_slice %arg8[%rem3A_580, %dma_start3A_620, %dma_start3A_621] : memref<2x5x40xi32, #tpu.memory_space<vmem>> -> memref<1x1x40xi32, #tpu.memory_space<vmem>>
      %dma_start3A_623 = tpu.memref_squeeze %dma_start3A_622 : memref<1x1x40xi32, #tpu.memory_space<vmem>> -> memref<40xi32, #tpu.memory_space<vmem>>
      %dma_start3A_624 = arith.constant 0 : i32
      %dma_start3A_625 = arith.constant 0 : i32
      %dma_start3A_626 = tpu.memref_slice %arg6[%dma_start3A_624, %dma_start3A_625] : memref<10240x144xf32, #tpu.memory_space<vmem_shared>> -> memref<10240x144xf32, #tpu.memory_space<vmem_shared>>
      tpu.enqueue_indirect_dma source(%arg11 : memref<40x144xf32, #tpu.memory_space<vmem>>) target(%dma_start3A_626 : memref<10240x144xf32, #tpu.memory_space<vmem_shared>>) offsets(%dma_start3A_623 : memref<40xi32, #tpu.memory_space<vmem>>) semaphore(%arg21 : memref<!tpu.dma_semaphore, #tpu.memory_space<semaphore_mem>>) {add = true}
      %dma_wait3A_627 = arith.constant 0 : i32
      %dma_wait3A_628 = arith.constant 0 : i32
      %dma_wait3A_629 = arith.constant 0 : i32
      %dma_wait3A_630 = tpu.memref_slice %arg7[%dma_wait3A_627, %dma_wait3A_628, %dma_wait3A_629] : memref<2x5x40xi32, #tpu.memory_space<vmem>> -> memref<1x1x40xi32, #tpu.memory_space<vmem>>
      %dma_wait3A_631 = tpu.memref_squeeze %dma_wait3A_630 : memref<1x1x40xi32, #tpu.memory_space<vmem>> -> memref<40xi32, #tpu.memory_space<vmem>>
      %dma_wait3A_632 = arith.constant 0 : i32
      %dma_wait3A_633 = arith.constant 0 : i32
      %dma_wait3A_634 = tpu.memref_slice %arg4[%dma_wait3A_632, %dma_wait3A_633] : memref<10240x144xf32, #tpu.memory_space<hbm>> -> memref<10240x144xf32, #tpu.memory_space<hbm>>
      tpu.wait_indirect_dma semaphore(%arg17 : memref<!tpu.dma_semaphore, #tpu.memory_space<semaphore_mem>>) src(%dma_wait3A_634 : memref<10240x144xf32, #tpu.memory_space<hbm>>) dst(%arg12 : memref<40x144xf32, #tpu.memory_space<vmem>>)
      %dma_start3A_635 = arith.constant 3 : i32
      %dma_start3A_636 = arith.constant 0 : i32
      %dma_start3A_637 = tpu.memref_slice %arg8[%rem3A_580, %dma_start3A_635, %dma_start3A_636] : memref<2x5x40xi32, #tpu.memory_space<vmem>> -> memref<1x1x40xi32, #tpu.memory_space<vmem>>
      %dma_start3A_638 = tpu.memref_squeeze %dma_start3A_637 : memref<1x1x40xi32, #tpu.memory_space<vmem>> -> memref<40xi32, #tpu.memory_space<vmem>>
      %dma_start3A_639 = arith.constant 0 : i32
      %dma_start3A_640 = arith.constant 0 : i32
      %dma_start3A_641 = tpu.memref_slice %arg6[%dma_start3A_639, %dma_start3A_640] : memref<10240x144xf32, #tpu.memory_space<vmem_shared>> -> memref<10240x144xf32, #tpu.memory_space<vmem_shared>>
      tpu.enqueue_indirect_dma source(%arg12 : memref<40x144xf32, #tpu.memory_space<vmem>>) target(%dma_start3A_641 : memref<10240x144xf32, #tpu.memory_space<vmem_shared>>) offsets(%dma_start3A_638 : memref<40xi32, #tpu.memory_space<vmem>>) semaphore(%arg22 : memref<!tpu.dma_semaphore, #tpu.memory_space<semaphore_mem>>) {add = true}
      %dma_wait3A_642 = arith.constant 0 : i32
      %dma_wait3A_643 = arith.constant 0 : i32
      %dma_wait3A_644 = arith.constant 0 : i32
      %dma_wait3A_645 = tpu.memref_slice %arg7[%dma_wait3A_642, %dma_wait3A_643, %dma_wait3A_644] : memref<2x5x40xi32, #tpu.memory_space<vmem>> -> memref<1x1x40xi32, #tpu.memory_space<vmem>>
      %dma_wait3A_646 = tpu.memref_squeeze %dma_wait3A_645 : memref<1x1x40xi32, #tpu.memory_space<vmem>> -> memref<40xi32, #tpu.memory_space<vmem>>
      %dma_wait3A_647 = arith.constant 0 : i32
      %dma_wait3A_648 = arith.constant 0 : i32
      %dma_wait3A_649 = tpu.memref_slice %arg4[%dma_wait3A_647, %dma_wait3A_648] : memref<10240x144xf32, #tpu.memory_space<hbm>> -> memref<10240x144xf32, #tpu.memory_space<hbm>>
      tpu.wait_indirect_dma semaphore(%arg18 : memref<!tpu.dma_semaphore, #tpu.memory_space<semaphore_mem>>) src(%dma_wait3A_649 : memref<10240x144xf32, #tpu.memory_space<hbm>>) dst(%arg13 : memref<40x144xf32, #tpu.memory_space<vmem>>)
      %dma_start3A_650 = arith.constant 4 : i32
      %dma_start3A_651 = arith.constant 0 : i32
      %dma_start3A_652 = tpu.memref_slice %arg8[%rem3A_580, %dma_start3A_650, %dma_start3A_651] : memref<2x5x40xi32, #tpu.memory_space<vmem>> -> memref<1x1x40xi32, #tpu.memory_space<vmem>>
      %dma_start3A_653 = tpu.memref_squeeze %dma_start3A_652 : memref<1x1x40xi32, #tpu.memory_space<vmem>> -> memref<40xi32, #tpu.memory_space<vmem>>
      %dma_start3A_654 = arith.constant 0 : i32
      %dma_start3A_655 = arith.constant 0 : i32
      %dma_start3A_656 = tpu.memref_slice %arg6[%dma_start3A_654, %dma_start3A_655] : memref<10240x144xf32, #tpu.memory_space<vmem_shared>> -> memref<10240x144xf32, #tpu.memory_space<vmem_shared>>
      tpu.enqueue_indirect_dma source(%arg13 : memref<40x144xf32, #tpu.memory_space<vmem>>) target(%dma_start3A_656 : memref<10240x144xf32, #tpu.memory_space<vmem_shared>>) offsets(%dma_start3A_653 : memref<40xi32, #tpu.memory_space<vmem>>) semaphore(%arg23 : memref<!tpu.dma_semaphore, #tpu.memory_space<semaphore_mem>>) {add = true}
      %dma_wait3A_657 = arith.constant 0 : i32
      %dma_wait3A_658 = arith.constant 0 : i32
      %dma_wait3A_659 = arith.constant 0 : i32
      %dma_wait3A_660 = arith.constant 0 : i32
      %dma_wait3A_661 = tpu.memref_slice %arg7[%dma_wait3A_658, %dma_wait3A_659, %dma_wait3A_660] : memref<2x5x40xi32, #tpu.memory_space<vmem>> -> memref<1x5x40xi32, #tpu.memory_space<vmem>>
      %dma_wait3A_662 = tpu.memref_squeeze %dma_wait3A_661 : memref<1x5x40xi32, #tpu.memory_space<vmem>> -> memref<5x40xi32, #tpu.memory_space<vmem>>
      %dma_wait3A_663 = arith.constant 0 : i32
      %dma_wait3A_664 = arith.constant 0 : i32
      %dma_wait3A_665 = tpu.memref_slice %arg2[%arg0, %arg1, %dma_wait3A_657, %dma_wait3A_663, %dma_wait3A_664] : memref<2x16x50x5x40xi32, #tpu.memory_space<hbm>> -> memref<1x1x1x5x40xi32, #tpu.memory_space<hbm>>
      %dma_wait3A_666 = tpu.memref_squeeze %dma_wait3A_665 : memref<1x1x1x5x40xi32, #tpu.memory_space<hbm>> -> memref<5x40xi32, #tpu.memory_space<hbm>>
      %dma_wait3A_667 = arith.constant 0 : i32
      %dma_wait3A_668 = arith.constant 0 : i32
      %dma_wait3A_669 = tpu.memref_slice %arg7[%dma_wait3A_658, %dma_wait3A_667, %dma_wait3A_668] : memref<2x5x40xi32, #tpu.memory_space<vmem>> -> memref<1x5x40xi32, #tpu.memory_space<vmem>>
      %dma_wait3A_670 = tpu.memref_squeeze %dma_wait3A_669 : memref<1x5x40xi32, #tpu.memory_space<vmem>> -> memref<5x40xi32, #tpu.memory_space<vmem>>
      %dma_wait3A_671 = arith.constant 0 : i32
      %dma_wait3A_672 = arith.constant 0 : i32
      %dma_wait3A_673 = tpu.memref_slice %arg2[%arg0, %arg1, %dma_wait3A_657, %dma_wait3A_671, %dma_wait3A_672] : memref<2x16x50x5x40xi32, #tpu.memory_space<hbm>> -> memref<1x1x1x5x40xi32, #tpu.memory_space<hbm>>
      %dma_wait3A_674 = tpu.memref_squeeze %dma_wait3A_673 : memref<1x1x1x5x40xi32, #tpu.memory_space<hbm>> -> memref<5x40xi32, #tpu.memory_space<hbm>>
      tpu.wait_dma2 semaphore(%arg24 : memref<!tpu.dma_semaphore, #tpu.memory_space<semaphore_mem>>) src(%dma_wait3A_674 : memref<5x40xi32, #tpu.memory_space<hbm>>) dst(%dma_wait3A_670 : memref<5x40xi32, #tpu.memory_space<vmem>>)
      %dma_wait3A_675 = arith.constant 0 : i32
      %dma_wait3A_676 = arith.constant 0 : i32
      %dma_wait3A_677 = arith.constant 0 : i32
      %dma_wait3A_678 = arith.constant 0 : i32
      %dma_wait3A_679 = tpu.memref_slice %arg8[%dma_wait3A_676, %dma_wait3A_677, %dma_wait3A_678] : memref<2x5x40xi32, #tpu.memory_space<vmem>> -> memref<1x5x40xi32, #tpu.memory_space<vmem>>
      %dma_wait3A_680 = tpu.memref_squeeze %dma_wait3A_679 : memref<1x5x40xi32, #tpu.memory_space<vmem>> -> memref<5x40xi32, #tpu.memory_space<vmem>>
      %dma_wait3A_681 = arith.constant 0 : i32
      %dma_wait3A_682 = arith.constant 0 : i32
      %dma_wait3A_683 = tpu.memref_slice %arg3[%arg0, %arg1, %dma_wait3A_675, %dma_wait3A_681, %dma_wait3A_682] : memref<2x16x50x5x40xi32, #tpu.memory_space<hbm>> -> memref<1x1x1x5x40xi32, #tpu.memory_space<hbm>>
      %dma_wait3A_684 = tpu.memref_squeeze %dma_wait3A_683 : memref<1x1x1x5x40xi32, #tpu.memory_space<hbm>> -> memref<5x40xi32, #tpu.memory_space<hbm>>
      %dma_wait3A_685 = arith.constant 0 : i32
      %dma_wait3A_686 = arith.constant 0 : i32
      %dma_wait3A_687 = tpu.memref_slice %arg8[%dma_wait3A_676, %dma_wait3A_685, %dma_wait3A_686] : memref<2x5x40xi32, #tpu.memory_space<vmem>> -> memref<1x5x40xi32, #tpu.memory_space<vmem>>
      %dma_wait3A_688 = tpu.memref_squeeze %dma_wait3A_687 : memref<1x5x40xi32, #tpu.memory_space<vmem>> -> memref<5x40xi32, #tpu.memory_space<vmem>>
      %dma_wait3A_689 = arith.constant 0 : i32
      %dma_wait3A_690 = arith.constant 0 : i32
      %dma_wait3A_691 = tpu.memref_slice %arg3[%arg0, %arg1, %dma_wait3A_675, %dma_wait3A_689, %dma_wait3A_690] : memref<2x16x50x5x40xi32, #tpu.memory_space<hbm>> -> memref<1x1x1x5x40xi32, #tpu.memory_space<hbm>>
      %dma_wait3A_692 = tpu.memref_squeeze %dma_wait3A_691 : memref<1x1x1x5x40xi32, #tpu.memory_space<hbm>> -> memref<5x40xi32, #tpu.memory_space<hbm>>
      tpu.wait_dma2 semaphore(%arg25 : memref<!tpu.dma_semaphore, #tpu.memory_space<semaphore_mem>>) src(%dma_wait3A_692 : memref<5x40xi32, #tpu.memory_space<hbm>>) dst(%dma_wait3A_688 : memref<5x40xi32, #tpu.memory_space<vmem>>)
      %dma_wait3A_693 = arith.constant 0 : i32
      %dma_wait3A_694 = arith.constant 0 : i32
      %dma_wait3A_695 = arith.constant 0 : i32
      %dma_wait3A_696 = tpu.memref_slice %arg8[%dma_wait3A_693, %dma_wait3A_694, %dma_wait3A_695] : memref<2x5x40xi32, #tpu.memory_space<vmem>> -> memref<1x1x40xi32, #tpu.memory_space<vmem>>
      %dma_wait3A_697 = tpu.memref_squeeze %dma_wait3A_696 : memref<1x1x40xi32, #tpu.memory_space<vmem>> -> memref<40xi32, #tpu.memory_space<vmem>>
      %dma_wait3A_698 = arith.constant 0 : i32
      %dma_wait3A_699 = arith.constant 0 : i32
      %dma_wait3A_700 = tpu.memref_slice %arg6[%dma_wait3A_698, %dma_wait3A_699] : memref<10240x144xf32, #tpu.memory_space<vmem_shared>> -> memref<10240x144xf32, #tpu.memory_space<vmem_shared>>
      tpu.wait_indirect_dma semaphore(%arg19 : memref<!tpu.dma_semaphore, #tpu.memory_space<semaphore_mem>>) src(%arg9 : memref<40x144xf32, #tpu.memory_space<vmem>>) dst(%dma_wait3A_700 : memref<10240x144xf32, #tpu.memory_space<vmem_shared>>)
      %dma_start3A_701 = arith.constant 0 : i32
      %dma_start3A_702 = arith.constant 0 : i32
      %dma_start3A_703 = tpu.memref_slice %arg7[%sub3A_581, %dma_start3A_701, %dma_start3A_702] : memref<2x5x40xi32, #tpu.memory_space<vmem>> -> memref<1x1x40xi32, #tpu.memory_space<vmem>>
      %dma_start3A_704 = tpu.memref_squeeze %dma_start3A_703 : memref<1x1x40xi32, #tpu.memory_space<vmem>> -> memref<40xi32, #tpu.memory_space<vmem>>
      %dma_start3A_705 = arith.constant 0 : i32
      %dma_start3A_706 = arith.constant 0 : i32
      %dma_start3A_707 = tpu.memref_slice %arg4[%dma_start3A_705, %dma_start3A_706] : memref<10240x144xf32, #tpu.memory_space<hbm>> -> memref<10240x144xf32, #tpu.memory_space<hbm>>
      tpu.enqueue_indirect_dma source(%dma_start3A_707 : memref<10240x144xf32, #tpu.memory_space<hbm>>) target(%arg9 : memref<40x144xf32, #tpu.memory_space<vmem>>) offsets(%dma_start3A_704 : memref<40xi32, #tpu.memory_space<vmem>>) semaphore(%arg14 : memref<!tpu.dma_semaphore, #tpu.memory_space<semaphore_mem>>)
      %dma_wait3A_708 = arith.constant 0 : i32
      %dma_wait3A_709 = arith.constant 0 : i32
      %dma_wait3A_710 = arith.constant 0 : i32
      %dma_wait3A_711 = tpu.memref_slice %arg8[%dma_wait3A_708, %dma_wait3A_709, %dma_wait3A_710] : memref<2x5x40xi32, #tpu.memory_space<vmem>> -> memref<1x1x40xi32, #tpu.memory_space<vmem>>
      %dma_wait3A_712 = tpu.memref_squeeze %dma_wait3A_711 : memref<1x1x40xi32, #tpu.memory_space<vmem>> -> memref<40xi32, #tpu.memory_space<vmem>>
      %dma_wait3A_713 = arith.constant 0 : i32
      %dma_wait3A_714 = arith.constant 0 : i32
      %dma_wait3A_715 = tpu.memref_slice %arg6[%dma_wait3A_713, %dma_wait3A_714] : memref<10240x144xf32, #tpu.memory_space<vmem_shared>> -> memref<10240x144xf32, #tpu.memory_space<vmem_shared>>
      tpu.wait_indirect_dma semaphore(%arg20 : memref<!tpu.dma_semaphore, #tpu.memory_space<semaphore_mem>>) src(%arg10 : memref<40x144xf32, #tpu.memory_space<vmem>>) dst(%dma_wait3A_715 : memref<10240x144xf32, #tpu.memory_space<vmem_shared>>)
      %dma_start3A_716 = arith.constant 1 : i32
      %dma_start3A_717 = arith.constant 0 : i32
      %dma_start3A_718 = tpu.memref_slice %arg7[%sub3A_581, %dma_start3A_716, %dma_start3A_717] : memref<2x5x40xi32, #tpu.memory_space<vmem>> -> memref<1x1x40xi32, #tpu.memory_space<vmem>>
      %dma_start3A_719 = tpu.memref_squeeze %dma_start3A_718 : memref<1x1x40xi32, #tpu.memory_space<vmem>> -> memref<40xi32, #tpu.memory_space<vmem>>
      %dma_start3A_720 = arith.constant 0 : i32
      %dma_start3A_721 = arith.constant 0 : i32
      %dma_start3A_722 = tpu.memref_slice %arg4[%dma_start3A_720, %dma_start3A_721] : memref<10240x144xf32, #tpu.memory_space<hbm>> -> memref<10240x144xf32, #tpu.memory_space<hbm>>
      tpu.enqueue_indirect_dma source(%dma_start3A_722 : memref<10240x144xf32, #tpu.memory_space<hbm>>) target(%arg10 : memref<40x144xf32, #tpu.memory_space<vmem>>) offsets(%dma_start3A_719 : memref<40xi32, #tpu.memory_space<vmem>>) semaphore(%arg15 : memref<!tpu.dma_semaphore, #tpu.memory_space<semaphore_mem>>)
      %dma_wait3A_723 = arith.constant 0 : i32
      %dma_wait3A_724 = arith.constant 0 : i32
      %dma_wait3A_725 = arith.constant 0 : i32
      %dma_wait3A_726 = tpu.memref_slice %arg8[%dma_wait3A_723, %dma_wait3A_724, %dma_wait3A_725] : memref<2x5x40xi32, #tpu.memory_space<vmem>> -> memref<1x1x40xi32, #tpu.memory_space<vmem>>
      %dma_wait3A_727 = tpu.memref_squeeze %dma_wait3A_726 : memref<1x1x40xi32, #tpu.memory_space<vmem>> -> memref<40xi32, #tpu.memory_space<vmem>>
      %dma_wait3A_728 = arith.constant 0 : i32
      %dma_wait3A_729 = arith.constant 0 : i32
      %dma_wait3A_730 = tpu.memref_slice %arg6[%dma_wait3A_728, %dma_wait3A_729] : memref<10240x144xf32, #tpu.memory_space<vmem_shared>> -> memref<10240x144xf32, #tpu.memory_space<vmem_shared>>
      tpu.wait_indirect_dma semaphore(%arg21 : memref<!tpu.dma_semaphore, #tpu.memory_space<semaphore_mem>>) src(%arg11 : memref<40x144xf32, #tpu.memory_space<vmem>>) dst(%dma_wait3A_730 : memref<10240x144xf32, #tpu.memory_space<vmem_shared>>)
      %dma_start3A_731 = arith.constant 2 : i32
      %dma_start3A_732 = arith.constant 0 : i32
      %dma_start3A_733 = tpu.memref_slice %arg7[%sub3A_581, %dma_start3A_731, %dma_start3A_732] : memref<2x5x40xi32, #tpu.memory_space<vmem>> -> memref<1x1x40xi32, #tpu.memory_space<vmem>>
      %dma_start3A_734 = tpu.memref_squeeze %dma_start3A_733 : memref<1x1x40xi32, #tpu.memory_space<vmem>> -> memref<40xi32, #tpu.memory_space<vmem>>
      %dma_start3A_735 = arith.constant 0 : i32
      %dma_start3A_736 = arith.constant 0 : i32
      %dma_start3A_737 = tpu.memref_slice %arg4[%dma_start3A_735, %dma_start3A_736] : memref<10240x144xf32, #tpu.memory_space<hbm>> -> memref<10240x144xf32, #tpu.memory_space<hbm>>
      tpu.enqueue_indirect_dma source(%dma_start3A_737 : memref<10240x144xf32, #tpu.memory_space<hbm>>) target(%arg11 : memref<40x144xf32, #tpu.memory_space<vmem>>) offsets(%dma_start3A_734 : memref<40xi32, #tpu.memory_space<vmem>>) semaphore(%arg16 : memref<!tpu.dma_semaphore, #tpu.memory_space<semaphore_mem>>)
      %dma_wait3A_738 = arith.constant 0 : i32
      %dma_wait3A_739 = arith.constant 0 : i32
      %dma_wait3A_740 = arith.constant 0 : i32
      %dma_wait3A_741 = tpu.memref_slice %arg8[%dma_wait3A_738, %dma_wait3A_739, %dma_wait3A_740] : memref<2x5x40xi32, #tpu.memory_space<vmem>> -> memref<1x1x40xi32, #tpu.memory_space<vmem>>
      %dma_wait3A_742 = tpu.memref_squeeze %dma_wait3A_741 : memref<1x1x40xi32, #tpu.memory_space<vmem>> -> memref<40xi32, #tpu.memory_space<vmem>>
      %dma_wait3A_743 = arith.constant 0 : i32
      %dma_wait3A_744 = arith.constant 0 : i32
      %dma_wait3A_745 = tpu.memref_slice %arg6[%dma_wait3A_743, %dma_wait3A_744] : memref<10240x144xf32, #tpu.memory_space<vmem_shared>> -> memref<10240x144xf32, #tpu.memory_space<vmem_shared>>
      tpu.wait_indirect_dma semaphore(%arg22 : memref<!tpu.dma_semaphore, #tpu.memory_space<semaphore_mem>>) src(%arg12 : memref<40x144xf32, #tpu.memory_space<vmem>>) dst(%dma_wait3A_745 : memref<10240x144xf32, #tpu.memory_space<vmem_shared>>)
      %dma_start3A_746 = arith.constant 3 : i32
      %dma_start3A_747 = arith.constant 0 : i32
      %dma_start3A_748 = tpu.memref_slice %arg7[%sub3A_581, %dma_start3A_746, %dma_start3A_747] : memref<2x5x40xi32, #tpu.memory_space<vmem>> -> memref<1x1x40xi32, #tpu.memory_space<vmem>>
      %dma_start3A_749 = tpu.memref_squeeze %dma_start3A_748 : memref<1x1x40xi32, #tpu.memory_space<vmem>> -> memref<40xi32, #tpu.memory_space<vmem>>
      %dma_start3A_750 = arith.constant 0 : i32
      %dma_start3A_751 = arith.constant 0 : i32
      %dma_start3A_752 = tpu.memref_slice %arg4[%dma_start3A_750, %dma_start3A_751] : memref<10240x144xf32, #tpu.memory_space<hbm>> -> memref<10240x144xf32, #tpu.memory_space<hbm>>
      tpu.enqueue_indirect_dma source(%dma_start3A_752 : memref<10240x144xf32, #tpu.memory_space<hbm>>) target(%arg12 : memref<40x144xf32, #tpu.memory_space<vmem>>) offsets(%dma_start3A_749 : memref<40xi32, #tpu.memory_space<vmem>>) semaphore(%arg17 : memref<!tpu.dma_semaphore, #tpu.memory_space<semaphore_mem>>)
      %dma_wait3A_753 = arith.constant 0 : i32
      %dma_wait3A_754 = arith.constant 0 : i32
      %dma_wait3A_755 = arith.constant 0 : i32
      %dma_wait3A_756 = tpu.memref_slice %arg8[%dma_wait3A_753, %dma_wait3A_754, %dma_wait3A_755] : memref<2x5x40xi32, #tpu.memory_space<vmem>> -> memref<1x1x40xi32, #tpu.memory_space<vmem>>
      %dma_wait3A_757 = tpu.memref_squeeze %dma_wait3A_756 : memref<1x1x40xi32, #tpu.memory_space<vmem>> -> memref<40xi32, #tpu.memory_space<vmem>>
      %dma_wait3A_758 = arith.constant 0 : i32
      %dma_wait3A_759 = arith.constant 0 : i32
      %dma_wait3A_760 = tpu.memref_slice %arg6[%dma_wait3A_758, %dma_wait3A_759] : memref<10240x144xf32, #tpu.memory_space<vmem_shared>> -> memref<10240x144xf32, #tpu.memory_space<vmem_shared>>
      tpu.wait_indirect_dma semaphore(%arg23 : memref<!tpu.dma_semaphore, #tpu.memory_space<semaphore_mem>>) src(%arg13 : memref<40x144xf32, #tpu.memory_space<vmem>>) dst(%dma_wait3A_760 : memref<10240x144xf32, #tpu.memory_space<vmem_shared>>)
      %dma_start3A_761 = arith.constant 4 : i32
      %dma_start3A_762 = arith.constant 0 : i32
      %dma_start3A_763 = tpu.memref_slice %arg7[%sub3A_581, %dma_start3A_761, %dma_start3A_762] : memref<2x5x40xi32, #tpu.memory_space<vmem>> -> memref<1x1x40xi32, #tpu.memory_space<vmem>>
      %dma_start3A_764 = tpu.memref_squeeze %dma_start3A_763 : memref<1x1x40xi32, #tpu.memory_space<vmem>> -> memref<40xi32, #tpu.memory_space<vmem>>
      %dma_start3A_765 = arith.constant 0 : i32
      %dma_start3A_766 = arith.constant 0 : i32
      %dma_start3A_767 = tpu.memref_slice %arg4[%dma_start3A_765, %dma_start3A_766] : memref<10240x144xf32, #tpu.memory_space<hbm>> -> memref<10240x144xf32, #tpu.memory_space<hbm>>
      tpu.enqueue_indirect_dma source(%dma_start3A_767 : memref<10240x144xf32, #tpu.memory_space<hbm>>) target(%arg13 : memref<40x144xf32, #tpu.memory_space<vmem>>) offsets(%dma_start3A_764 : memref<40xi32, #tpu.memory_space<vmem>>) semaphore(%arg18 : memref<!tpu.dma_semaphore, #tpu.memory_space<semaphore_mem>>)
      %add3A_768 = arith.constant 2 : i32
      %add3A_769 = arith.addi %scan3A_578, %add3A_768 : i32
      %min3A_770 = arith.constant 49 : i32
      %min3A_771 = arith.minsi %add3A_769, %min3A_770 : i32
      %dma_start3A_772 = arith.constant 0 : i32
      %dma_start3A_773 = arith.constant 0 : i32
      %dma_start3A_774 = tpu.memref_slice %arg7[%rem3A_580, %dma_start3A_772, %dma_start3A_773] : memref<2x5x40xi32, #tpu.memory_space<vmem>> -> memref<1x5x40xi32, #tpu.memory_space<vmem>>
      %dma_start3A_775 = tpu.memref_squeeze %dma_start3A_774 : memref<1x5x40xi32, #tpu.memory_space<vmem>> -> memref<5x40xi32, #tpu.memory_space<vmem>>
      %dma_start3A_776 = arith.constant 0 : i32
      %dma_start3A_777 = arith.constant 0 : i32
      %dma_start3A_778 = tpu.memref_slice %arg2[%arg0, %arg1, %min3A_771, %dma_start3A_776, %dma_start3A_777] : memref<2x16x50x5x40xi32, #tpu.memory_space<hbm>> -> memref<1x1x1x5x40xi32, #tpu.memory_space<hbm>>
      %dma_start3A_779 = tpu.memref_squeeze %dma_start3A_778 : memref<1x1x1x5x40xi32, #tpu.memory_space<hbm>> -> memref<5x40xi32, #tpu.memory_space<hbm>>
      %dma_start3A_780 = arith.constant 0 : i32
      %dma_start3A_781 = arith.constant 0 : i32
      %dma_start3A_782 = tpu.memref_slice %arg7[%rem3A_580, %dma_start3A_780, %dma_start3A_781] : memref<2x5x40xi32, #tpu.memory_space<vmem>> -> memref<1x5x40xi32, #tpu.memory_space<vmem>>
      %dma_start3A_783 = tpu.memref_squeeze %dma_start3A_782 : memref<1x5x40xi32, #tpu.memory_space<vmem>> -> memref<5x40xi32, #tpu.memory_space<vmem>>
      %dma_start3A_784 = arith.constant 0 : i32
      %dma_start3A_785 = arith.constant 0 : i32
      %dma_start3A_786 = tpu.memref_slice %arg2[%arg0, %arg1, %min3A_771, %dma_start3A_784, %dma_start3A_785] : memref<2x16x50x5x40xi32, #tpu.memory_space<hbm>> -> memref<1x1x1x5x40xi32, #tpu.memory_space<hbm>>
      %dma_start3A_787 = tpu.memref_squeeze %dma_start3A_786 : memref<1x1x1x5x40xi32, #tpu.memory_space<hbm>> -> memref<5x40xi32, #tpu.memory_space<hbm>>
      tpu.enqueue_dma source(%dma_start3A_787 : memref<5x40xi32, #tpu.memory_space<hbm>>) target(%dma_start3A_783 : memref<5x40xi32, #tpu.memory_space<vmem>>) target_semaphore(%arg24 : memref<!tpu.dma_semaphore, #tpu.memory_space<semaphore_mem>>)
      %dma_start3A_788 = arith.constant 0 : i32
      %dma_start3A_789 = arith.constant 0 : i32
      %dma_start3A_790 = tpu.memref_slice %arg8[%rem3A_580, %dma_start3A_788, %dma_start3A_789] : memref<2x5x40xi32, #tpu.memory_space<vmem>> -> memref<1x5x40xi32, #tpu.memory_space<vmem>>
      %dma_start3A_791 = tpu.memref_squeeze %dma_start3A_790 : memref<1x5x40xi32, #tpu.memory_space<vmem>> -> memref<5x40xi32, #tpu.memory_space<vmem>>
      %dma_start3A_792 = arith.constant 0 : i32
      %dma_start3A_793 = arith.constant 0 : i32
      %dma_start3A_794 = tpu.memref_slice %arg3[%arg0, %arg1, %min3A_771, %dma_start3A_792, %dma_start3A_793] : memref<2x16x50x5x40xi32, #tpu.memory_space<hbm>> -> memref<1x1x1x5x40xi32, #tpu.memory_space<hbm>>
      %dma_start3A_795 = tpu.memref_squeeze %dma_start3A_794 : memref<1x1x1x5x40xi32, #tpu.memory_space<hbm>> -> memref<5x40xi32, #tpu.memory_space<hbm>>
      %dma_start3A_796 = arith.constant 0 : i32
      %dma_start3A_797 = arith.constant 0 : i32
      %dma_start3A_798 = tpu.memref_slice %arg8[%rem3A_580, %dma_start3A_796, %dma_start3A_797] : memref<2x5x40xi32, #tpu.memory_space<vmem>> -> memref<1x5x40xi32, #tpu.memory_space<vmem>>
      %dma_start3A_799 = tpu.memref_squeeze %dma_start3A_798 : memref<1x5x40xi32, #tpu.memory_space<vmem>> -> memref<5x40xi32, #tpu.memory_space<vmem>>
      %dma_start3A_800 = arith.constant 0 : i32
      %dma_start3A_801 = arith.constant 0 : i32
      %dma_start3A_802 = tpu.memref_slice %arg3[%arg0, %arg1, %min3A_771, %dma_start3A_800, %dma_start3A_801] : memref<2x16x50x5x40xi32, #tpu.memory_space<hbm>> -> memref<1x1x1x5x40xi32, #tpu.memory_space<hbm>>
      %dma_start3A_803 = tpu.memref_squeeze %dma_start3A_802 : memref<1x1x1x5x40xi32, #tpu.memory_space<hbm>> -> memref<5x40xi32, #tpu.memory_space<hbm>>
      tpu.enqueue_dma source(%dma_start3A_803 : memref<5x40xi32, #tpu.memory_space<hbm>>) target(%dma_start3A_799 : memref<5x40xi32, #tpu.memory_space<vmem>>) target_semaphore(%arg25 : memref<!tpu.dma_semaphore, #tpu.memory_space<semaphore_mem>>)
      %scan3A_804 = arith.constant 0 : i32
      scf.yield %scan3A_804 : i32
    }
    %scan3A_413 = arith.constant 49 : i32
    %dma_wait3A_414 = arith.constant 0 : i32
    %dma_wait3A_415 = arith.constant 0 : i32
    %dma_wait3A_416 = arith.constant 0 : i32
    %dma_wait3A_417 = tpu.memref_slice %arg7[%dma_wait3A_414, %dma_wait3A_415, %dma_wait3A_416] : memref<2x5x40xi32, #tpu.memory_space<vmem>> -> memref<1x1x40xi32, #tpu.memory_space<vmem>>
    %dma_wait3A_418 = tpu.memref_squeeze %dma_wait3A_417 : memref<1x1x40xi32, #tpu.memory_space<vmem>> -> memref<40xi32, #tpu.memory_space<vmem>>
    %dma_wait3A_419 = arith.constant 0 : i32
    %dma_wait3A_420 = arith.constant 0 : i32
    %dma_wait3A_421 = tpu.memref_slice %arg4[%dma_wait3A_419, %dma_wait3A_420] : memref<10240x144xf32, #tpu.memory_space<hbm>> -> memref<10240x144xf32, #tpu.memory_space<hbm>>
    tpu.wait_indirect_dma semaphore(%arg14 : memref<!tpu.dma_semaphore, #tpu.memory_space<semaphore_mem>>) src(%dma_wait3A_421 : memref<10240x144xf32, #tpu.memory_space<hbm>>) dst(%arg9 : memref<40x144xf32, #tpu.memory_space<vmem>>)
    %dma_start3A_422 = arith.constant 1 : i32
    %dma_start3A_423 = arith.constant 0 : i32
    %dma_start3A_424 = arith.constant 0 : i32
    %dma_start3A_425 = tpu.memref_slice %arg8[%dma_start3A_422, %dma_start3A_423, %dma_start3A_424] : memref<2x5x40xi32, #tpu.memory_space<vmem>> -> memref<1x1x40xi32, #tpu.memory_space<vmem>>
    %dma_start3A_426 = tpu.memref_squeeze %dma_start3A_425 : memref<1x1x40xi32, #tpu.memory_space<vmem>> -> memref<40xi32, #tpu.memory_space<vmem>>
    %dma_start3A_427 = arith.constant 0 : i32
    %dma_start3A_428 = arith.constant 0 : i32
    %dma_start3A_429 = tpu.memref_slice %arg6[%dma_start3A_427, %dma_start3A_428] : memref<10240x144xf32, #tpu.memory_space<vmem_shared>> -> memref<10240x144xf32, #tpu.memory_space<vmem_shared>>
    tpu.enqueue_indirect_dma source(%arg9 : memref<40x144xf32, #tpu.memory_space<vmem>>) target(%dma_start3A_429 : memref<10240x144xf32, #tpu.memory_space<vmem_shared>>) offsets(%dma_start3A_426 : memref<40xi32, #tpu.memory_space<vmem>>) semaphore(%arg19 : memref<!tpu.dma_semaphore, #tpu.memory_space<semaphore_mem>>) {add = true}
    %dma_wait3A_430 = arith.constant 0 : i32
    %dma_wait3A_431 = arith.constant 0 : i32
    %dma_wait3A_432 = arith.constant 0 : i32
    %dma_wait3A_433 = tpu.memref_slice %arg7[%dma_wait3A_430, %dma_wait3A_431, %dma_wait3A_432] : memref<2x5x40xi32, #tpu.memory_space<vmem>> -> memref<1x1x40xi32, #tpu.memory_space<vmem>>
    %dma_wait3A_434 = tpu.memref_squeeze %dma_wait3A_433 : memref<1x1x40xi32, #tpu.memory_space<vmem>> -> memref<40xi32, #tpu.memory_space<vmem>>
    %dma_wait3A_435 = arith.constant 0 : i32
    %dma_wait3A_436 = arith.constant 0 : i32
    %dma_wait3A_437 = tpu.memref_slice %arg4[%dma_wait3A_435, %dma_wait3A_436] : memref<10240x144xf32, #tpu.memory_space<hbm>> -> memref<10240x144xf32, #tpu.memory_space<hbm>>
    tpu.wait_indirect_dma semaphore(%arg15 : memref<!tpu.dma_semaphore, #tpu.memory_space<semaphore_mem>>) src(%dma_wait3A_437 : memref<10240x144xf32, #tpu.memory_space<hbm>>) dst(%arg10 : memref<40x144xf32, #tpu.memory_space<vmem>>)
    %dma_start3A_438 = arith.constant 1 : i32
    %dma_start3A_439 = arith.constant 1 : i32
    %dma_start3A_440 = arith.constant 0 : i32
    %dma_start3A_441 = tpu.memref_slice %arg8[%dma_start3A_438, %dma_start3A_439, %dma_start3A_440] : memref<2x5x40xi32, #tpu.memory_space<vmem>> -> memref<1x1x40xi32, #tpu.memory_space<vmem>>
    %dma_start3A_442 = tpu.memref_squeeze %dma_start3A_441 : memref<1x1x40xi32, #tpu.memory_space<vmem>> -> memref<40xi32, #tpu.memory_space<vmem>>
    %dma_start3A_443 = arith.constant 0 : i32
    %dma_start3A_444 = arith.constant 0 : i32
    %dma_start3A_445 = tpu.memref_slice %arg6[%dma_start3A_443, %dma_start3A_444] : memref<10240x144xf32, #tpu.memory_space<vmem_shared>> -> memref<10240x144xf32, #tpu.memory_space<vmem_shared>>
    tpu.enqueue_indirect_dma source(%arg10 : memref<40x144xf32, #tpu.memory_space<vmem>>) target(%dma_start3A_445 : memref<10240x144xf32, #tpu.memory_space<vmem_shared>>) offsets(%dma_start3A_442 : memref<40xi32, #tpu.memory_space<vmem>>) semaphore(%arg20 : memref<!tpu.dma_semaphore, #tpu.memory_space<semaphore_mem>>) {add = true}
    %dma_wait3A_446 = arith.constant 0 : i32
    %dma_wait3A_447 = arith.constant 0 : i32
    %dma_wait3A_448 = arith.constant 0 : i32
    %dma_wait3A_449 = tpu.memref_slice %arg7[%dma_wait3A_446, %dma_wait3A_447, %dma_wait3A_448] : memref<2x5x40xi32, #tpu.memory_space<vmem>> -> memref<1x1x40xi32, #tpu.memory_space<vmem>>
    %dma_wait3A_450 = tpu.memref_squeeze %dma_wait3A_449 : memref<1x1x40xi32, #tpu.memory_space<vmem>> -> memref<40xi32, #tpu.memory_space<vmem>>
    %dma_wait3A_451 = arith.constant 0 : i32
    %dma_wait3A_452 = arith.constant 0 : i32
    %dma_wait3A_453 = tpu.memref_slice %arg4[%dma_wait3A_451, %dma_wait3A_452] : memref<10240x144xf32, #tpu.memory_space<hbm>> -> memref<10240x144xf32, #tpu.memory_space<hbm>>
    tpu.wait_indirect_dma semaphore(%arg16 : memref<!tpu.dma_semaphore, #tpu.memory_space<semaphore_mem>>) src(%dma_wait3A_453 : memref<10240x144xf32, #tpu.memory_space<hbm>>) dst(%arg11 : memref<40x144xf32, #tpu.memory_space<vmem>>)
    %dma_start3A_454 = arith.constant 1 : i32
    %dma_start3A_455 = arith.constant 2 : i32
    %dma_start3A_456 = arith.constant 0 : i32
    %dma_start3A_457 = tpu.memref_slice %arg8[%dma_start3A_454, %dma_start3A_455, %dma_start3A_456] : memref<2x5x40xi32, #tpu.memory_space<vmem>> -> memref<1x1x40xi32, #tpu.memory_space<vmem>>
    %dma_start3A_458 = tpu.memref_squeeze %dma_start3A_457 : memref<1x1x40xi32, #tpu.memory_space<vmem>> -> memref<40xi32, #tpu.memory_space<vmem>>
    %dma_start3A_459 = arith.constant 0 : i32
    %dma_start3A_460 = arith.constant 0 : i32
    %dma_start3A_461 = tpu.memref_slice %arg6[%dma_start3A_459, %dma_start3A_460] : memref<10240x144xf32, #tpu.memory_space<vmem_shared>> -> memref<10240x144xf32, #tpu.memory_space<vmem_shared>>
    tpu.enqueue_indirect_dma source(%arg11 : memref<40x144xf32, #tpu.memory_space<vmem>>) target(%dma_start3A_461 : memref<10240x144xf32, #tpu.memory_space<vmem_shared>>) offsets(%dma_start3A_458 : memref<40xi32, #tpu.memory_space<vmem>>) semaphore(%arg21 : memref<!tpu.dma_semaphore, #tpu.memory_space<semaphore_mem>>) {add = true}
    %dma_wait3A_462 = arith.constant 0 : i32
    %dma_wait3A_463 = arith.constant 0 : i32
    %dma_wait3A_464 = arith.constant 0 : i32
    %dma_wait3A_465 = tpu.memref_slice %arg7[%dma_wait3A_462, %dma_wait3A_463, %dma_wait3A_464] : memref<2x5x40xi32, #tpu.memory_space<vmem>> -> memref<1x1x40xi32, #tpu.memory_space<vmem>>
    %dma_wait3A_466 = tpu.memref_squeeze %dma_wait3A_465 : memref<1x1x40xi32, #tpu.memory_space<vmem>> -> memref<40xi32, #tpu.memory_space<vmem>>
    %dma_wait3A_467 = arith.constant 0 : i32
    %dma_wait3A_468 = arith.constant 0 : i32
    %dma_wait3A_469 = tpu.memref_slice %arg4[%dma_wait3A_467, %dma_wait3A_468] : memref<10240x144xf32, #tpu.memory_space<hbm>> -> memref<10240x144xf32, #tpu.memory_space<hbm>>
    tpu.wait_indirect_dma semaphore(%arg17 : memref<!tpu.dma_semaphore, #tpu.memory_space<semaphore_mem>>) src(%dma_wait3A_469 : memref<10240x144xf32, #tpu.memory_space<hbm>>) dst(%arg12 : memref<40x144xf32, #tpu.memory_space<vmem>>)
    %dma_start3A_470 = arith.constant 1 : i32
    %dma_start3A_471 = arith.constant 3 : i32
    %dma_start3A_472 = arith.constant 0 : i32
    %dma_start3A_473 = tpu.memref_slice %arg8[%dma_start3A_470, %dma_start3A_471, %dma_start3A_472] : memref<2x5x40xi32, #tpu.memory_space<vmem>> -> memref<1x1x40xi32, #tpu.memory_space<vmem>>
    %dma_start3A_474 = tpu.memref_squeeze %dma_start3A_473 : memref<1x1x40xi32, #tpu.memory_space<vmem>> -> memref<40xi32, #tpu.memory_space<vmem>>
    %dma_start3A_475 = arith.constant 0 : i32
    %dma_start3A_476 = arith.constant 0 : i32
    %dma_start3A_477 = tpu.memref_slice %arg6[%dma_start3A_475, %dma_start3A_476] : memref<10240x144xf32, #tpu.memory_space<vmem_shared>> -> memref<10240x144xf32, #tpu.memory_space<vmem_shared>>
    tpu.enqueue_indirect_dma source(%arg12 : memref<40x144xf32, #tpu.memory_space<vmem>>) target(%dma_start3A_477 : memref<10240x144xf32, #tpu.memory_space<vmem_shared>>) offsets(%dma_start3A_474 : memref<40xi32, #tpu.memory_space<vmem>>) semaphore(%arg22 : memref<!tpu.dma_semaphore, #tpu.memory_space<semaphore_mem>>) {add = true}
    %dma_wait3A_478 = arith.constant 0 : i32
    %dma_wait3A_479 = arith.constant 0 : i32
    %dma_wait3A_480 = arith.constant 0 : i32
    %dma_wait3A_481 = tpu.memref_slice %arg7[%dma_wait3A_478, %dma_wait3A_479, %dma_wait3A_480] : memref<2x5x40xi32, #tpu.memory_space<vmem>> -> memref<1x1x40xi32, #tpu.memory_space<vmem>>
    %dma_wait3A_482 = tpu.memref_squeeze %dma_wait3A_481 : memref<1x1x40xi32, #tpu.memory_space<vmem>> -> memref<40xi32, #tpu.memory_space<vmem>>
    %dma_wait3A_483 = arith.constant 0 : i32
    %dma_wait3A_484 = arith.constant 0 : i32
    %dma_wait3A_485 = tpu.memref_slice %arg4[%dma_wait3A_483, %dma_wait3A_484] : memref<10240x144xf32, #tpu.memory_space<hbm>> -> memref<10240x144xf32, #tpu.memory_space<hbm>>
    tpu.wait_indirect_dma semaphore(%arg18 : memref<!tpu.dma_semaphore, #tpu.memory_space<semaphore_mem>>) src(%dma_wait3A_485 : memref<10240x144xf32, #tpu.memory_space<hbm>>) dst(%arg13 : memref<40x144xf32, #tpu.memory_space<vmem>>)
    %dma_start3A_486 = arith.constant 1 : i32
    %dma_start3A_487 = arith.constant 4 : i32
    %dma_start3A_488 = arith.constant 0 : i32
    %dma_start3A_489 = tpu.memref_slice %arg8[%dma_start3A_486, %dma_start3A_487, %dma_start3A_488] : memref<2x5x40xi32, #tpu.memory_space<vmem>> -> memref<1x1x40xi32, #tpu.memory_space<vmem>>
    %dma_start3A_490 = tpu.memref_squeeze %dma_start3A_489 : memref<1x1x40xi32, #tpu.memory_space<vmem>> -> memref<40xi32, #tpu.memory_space<vmem>>
    %dma_start3A_491 = arith.constant 0 : i32
    %dma_start3A_492 = arith.constant 0 : i32
    %dma_start3A_493 = tpu.memref_slice %arg6[%dma_start3A_491, %dma_start3A_492] : memref<10240x144xf32, #tpu.memory_space<vmem_shared>> -> memref<10240x144xf32, #tpu.memory_space<vmem_shared>>
    tpu.enqueue_indirect_dma source(%arg13 : memref<40x144xf32, #tpu.memory_space<vmem>>) target(%dma_start3A_493 : memref<10240x144xf32, #tpu.memory_space<vmem_shared>>) offsets(%dma_start3A_490 : memref<40xi32, #tpu.memory_space<vmem>>) semaphore(%arg23 : memref<!tpu.dma_semaphore, #tpu.memory_space<semaphore_mem>>) {add = true}
    %dma_wait3A_494 = arith.constant 0 : i32
    %dma_wait3A_495 = arith.constant 0 : i32
    %dma_wait3A_496 = arith.constant 0 : i32
    %dma_wait3A_497 = arith.constant 0 : i32
    %dma_wait3A_498 = tpu.memref_slice %arg7[%dma_wait3A_495, %dma_wait3A_496, %dma_wait3A_497] : memref<2x5x40xi32, #tpu.memory_space<vmem>> -> memref<1x5x40xi32, #tpu.memory_space<vmem>>
    %dma_wait3A_499 = tpu.memref_squeeze %dma_wait3A_498 : memref<1x5x40xi32, #tpu.memory_space<vmem>> -> memref<5x40xi32, #tpu.memory_space<vmem>>
    %dma_wait3A_500 = arith.constant 0 : i32
    %dma_wait3A_501 = arith.constant 0 : i32
    %dma_wait3A_502 = tpu.memref_slice %arg2[%arg0, %arg1, %dma_wait3A_494, %dma_wait3A_500, %dma_wait3A_501] : memref<2x16x50x5x40xi32, #tpu.memory_space<hbm>> -> memref<1x1x1x5x40xi32, #tpu.memory_space<hbm>>
    %dma_wait3A_503 = tpu.memref_squeeze %dma_wait3A_502 : memref<1x1x1x5x40xi32, #tpu.memory_space<hbm>> -> memref<5x40xi32, #tpu.memory_space<hbm>>
    %dma_wait3A_504 = arith.constant 0 : i32
    %dma_wait3A_505 = arith.constant 0 : i32
    %dma_wait3A_506 = tpu.memref_slice %arg7[%dma_wait3A_495, %dma_wait3A_504, %dma_wait3A_505] : memref<2x5x40xi32, #tpu.memory_space<vmem>> -> memref<1x5x40xi32, #tpu.memory_space<vmem>>
    %dma_wait3A_507 = tpu.memref_squeeze %dma_wait3A_506 : memref<1x5x40xi32, #tpu.memory_space<vmem>> -> memref<5x40xi32, #tpu.memory_space<vmem>>
    %dma_wait3A_508 = arith.constant 0 : i32
    %dma_wait3A_509 = arith.constant 0 : i32
    %dma_wait3A_510 = tpu.memref_slice %arg2[%arg0, %arg1, %dma_wait3A_494, %dma_wait3A_508, %dma_wait3A_509] : memref<2x16x50x5x40xi32, #tpu.memory_space<hbm>> -> memref<1x1x1x5x40xi32, #tpu.memory_space<hbm>>
    %dma_wait3A_511 = tpu.memref_squeeze %dma_wait3A_510 : memref<1x1x1x5x40xi32, #tpu.memory_space<hbm>> -> memref<5x40xi32, #tpu.memory_space<hbm>>
    tpu.wait_dma2 semaphore(%arg24 : memref<!tpu.dma_semaphore, #tpu.memory_space<semaphore_mem>>) src(%dma_wait3A_511 : memref<5x40xi32, #tpu.memory_space<hbm>>) dst(%dma_wait3A_507 : memref<5x40xi32, #tpu.memory_space<vmem>>)
    %dma_wait3A_512 = arith.constant 0 : i32
    %dma_wait3A_513 = arith.constant 0 : i32
    %dma_wait3A_514 = arith.constant 0 : i32
    %dma_wait3A_515 = arith.constant 0 : i32
    %dma_wait3A_516 = tpu.memref_slice %arg8[%dma_wait3A_513, %dma_wait3A_514, %dma_wait3A_515] : memref<2x5x40xi32, #tpu.memory_space<vmem>> -> memref<1x5x40xi32, #tpu.memory_space<vmem>>
    %dma_wait3A_517 = tpu.memref_squeeze %dma_wait3A_516 : memref<1x5x40xi32, #tpu.memory_space<vmem>> -> memref<5x40xi32, #tpu.memory_space<vmem>>
    %dma_wait3A_518 = arith.constant 0 : i32
    %dma_wait3A_519 = arith.constant 0 : i32
    %dma_wait3A_520 = tpu.memref_slice %arg3[%arg0, %arg1, %dma_wait3A_512, %dma_wait3A_518, %dma_wait3A_519] : memref<2x16x50x5x40xi32, #tpu.memory_space<hbm>> -> memref<1x1x1x5x40xi32, #tpu.memory_space<hbm>>
    %dma_wait3A_521 = tpu.memref_squeeze %dma_wait3A_520 : memref<1x1x1x5x40xi32, #tpu.memory_space<hbm>> -> memref<5x40xi32, #tpu.memory_space<hbm>>
    %dma_wait3A_522 = arith.constant 0 : i32
    %dma_wait3A_523 = arith.constant 0 : i32
    %dma_wait3A_524 = tpu.memref_slice %arg8[%dma_wait3A_513, %dma_wait3A_522, %dma_wait3A_523] : memref<2x5x40xi32, #tpu.memory_space<vmem>> -> memref<1x5x40xi32, #tpu.memory_space<vmem>>
    %dma_wait3A_525 = tpu.memref_squeeze %dma_wait3A_524 : memref<1x5x40xi32, #tpu.memory_space<vmem>> -> memref<5x40xi32, #tpu.memory_space<vmem>>
    %dma_wait3A_526 = arith.constant 0 : i32
    %dma_wait3A_527 = arith.constant 0 : i32
    %dma_wait3A_528 = tpu.memref_slice %arg3[%arg0, %arg1, %dma_wait3A_512, %dma_wait3A_526, %dma_wait3A_527] : memref<2x16x50x5x40xi32, #tpu.memory_space<hbm>> -> memref<1x1x1x5x40xi32, #tpu.memory_space<hbm>>
    %dma_wait3A_529 = tpu.memref_squeeze %dma_wait3A_528 : memref<1x1x1x5x40xi32, #tpu.memory_space<hbm>> -> memref<5x40xi32, #tpu.memory_space<hbm>>
    tpu.wait_dma2 semaphore(%arg25 : memref<!tpu.dma_semaphore, #tpu.memory_space<semaphore_mem>>) src(%dma_wait3A_529 : memref<5x40xi32, #tpu.memory_space<hbm>>) dst(%dma_wait3A_525 : memref<5x40xi32, #tpu.memory_space<vmem>>)
    %dma_wait3A_530 = arith.constant 0 : i32
    %dma_wait3A_531 = arith.constant 0 : i32
    %dma_wait3A_532 = arith.constant 0 : i32
    %dma_wait3A_533 = tpu.memref_slice %arg8[%dma_wait3A_530, %dma_wait3A_531, %dma_wait3A_532] : memref<2x5x40xi32, #tpu.memory_space<vmem>> -> memref<1x1x40xi32, #tpu.memory_space<vmem>>
    %dma_wait3A_534 = tpu.memref_squeeze %dma_wait3A_533 : memref<1x1x40xi32, #tpu.memory_space<vmem>> -> memref<40xi32, #tpu.memory_space<vmem>>
    %dma_wait3A_535 = arith.constant 0 : i32
    %dma_wait3A_536 = arith.constant 0 : i32
    %dma_wait3A_537 = tpu.memref_slice %arg6[%dma_wait3A_535, %dma_wait3A_536] : memref<10240x144xf32, #tpu.memory_space<vmem_shared>> -> memref<10240x144xf32, #tpu.memory_space<vmem_shared>>
    tpu.wait_indirect_dma semaphore(%arg19 : memref<!tpu.dma_semaphore, #tpu.memory_space<semaphore_mem>>) src(%arg9 : memref<40x144xf32, #tpu.memory_space<vmem>>) dst(%dma_wait3A_537 : memref<10240x144xf32, #tpu.memory_space<vmem_shared>>)
    %dma_wait3A_538 = arith.constant 0 : i32
    %dma_wait3A_539 = arith.constant 0 : i32
    %dma_wait3A_540 = arith.constant 0 : i32
    %dma_wait3A_541 = tpu.memref_slice %arg8[%dma_wait3A_538, %dma_wait3A_539, %dma_wait3A_540] : memref<2x5x40xi32, #tpu.memory_space<vmem>> -> memref<1x1x40xi32, #tpu.memory_space<vmem>>
    %dma_wait3A_542 = tpu.memref_squeeze %dma_wait3A_541 : memref<1x1x40xi32, #tpu.memory_space<vmem>> -> memref<40xi32, #tpu.memory_space<vmem>>
    %dma_wait3A_543 = arith.constant 0 : i32
    %dma_wait3A_544 = arith.constant 0 : i32
    %dma_wait3A_545 = tpu.memref_slice %arg6[%dma_wait3A_543, %dma_wait3A_544] : memref<10240x144xf32, #tpu.memory_space<vmem_shared>> -> memref<10240x144xf32, #tpu.memory_space<vmem_shared>>
    tpu.wait_indirect_dma semaphore(%arg20 : memref<!tpu.dma_semaphore, #tpu.memory_space<semaphore_mem>>) src(%arg10 : memref<40x144xf32, #tpu.memory_space<vmem>>) dst(%dma_wait3A_545 : memref<10240x144xf32, #tpu.memory_space<vmem_shared>>)
    %dma_wait3A_546 = arith.constant 0 : i32
    %dma_wait3A_547 = arith.constant 0 : i32
    %dma_wait3A_548 = arith.constant 0 : i32
    %dma_wait3A_549 = tpu.memref_slice %arg8[%dma_wait3A_546, %dma_wait3A_547, %dma_wait3A_548] : memref<2x5x40xi32, #tpu.memory_space<vmem>> -> memref<1x1x40xi32, #tpu.memory_space<vmem>>
    %dma_wait3A_550 = tpu.memref_squeeze %dma_wait3A_549 : memref<1x1x40xi32, #tpu.memory_space<vmem>> -> memref<40xi32, #tpu.memory_space<vmem>>
    %dma_wait3A_551 = arith.constant 0 : i32
    %dma_wait3A_552 = arith.constant 0 : i32
    %dma_wait3A_553 = tpu.memref_slice %arg6[%dma_wait3A_551, %dma_wait3A_552] : memref<10240x144xf32, #tpu.memory_space<vmem_shared>> -> memref<10240x144xf32, #tpu.memory_space<vmem_shared>>
    tpu.wait_indirect_dma semaphore(%arg21 : memref<!tpu.dma_semaphore, #tpu.memory_space<semaphore_mem>>) src(%arg11 : memref<40x144xf32, #tpu.memory_space<vmem>>) dst(%dma_wait3A_553 : memref<10240x144xf32, #tpu.memory_space<vmem_shared>>)
    %dma_wait3A_554 = arith.constant 0 : i32
    %dma_wait3A_555 = arith.constant 0 : i32
    %dma_wait3A_556 = arith.constant 0 : i32
    %dma_wait3A_557 = tpu.memref_slice %arg8[%dma_wait3A_554, %dma_wait3A_555, %dma_wait3A_556] : memref<2x5x40xi32, #tpu.memory_space<vmem>> -> memref<1x1x40xi32, #tpu.memory_space<vmem>>
    %dma_wait3A_558 = tpu.memref_squeeze %dma_wait3A_557 : memref<1x1x40xi32, #tpu.memory_space<vmem>> -> memref<40xi32, #tpu.memory_space<vmem>>
    %dma_wait3A_559 = arith.constant 0 : i32
    %dma_wait3A_560 = arith.constant 0 : i32
    %dma_wait3A_561 = tpu.memref_slice %arg6[%dma_wait3A_559, %dma_wait3A_560] : memref<10240x144xf32, #tpu.memory_space<vmem_shared>> -> memref<10240x144xf32, #tpu.memory_space<vmem_shared>>
    tpu.wait_indirect_dma semaphore(%arg22 : memref<!tpu.dma_semaphore, #tpu.memory_space<semaphore_mem>>) src(%arg12 : memref<40x144xf32, #tpu.memory_space<vmem>>) dst(%dma_wait3A_561 : memref<10240x144xf32, #tpu.memory_space<vmem_shared>>)
    %dma_wait3A_562 = arith.constant 0 : i32
    %dma_wait3A_563 = arith.constant 0 : i32
    %dma_wait3A_564 = arith.constant 0 : i32
    %dma_wait3A_565 = tpu.memref_slice %arg8[%dma_wait3A_562, %dma_wait3A_563, %dma_wait3A_564] : memref<2x5x40xi32, #tpu.memory_space<vmem>> -> memref<1x1x40xi32, #tpu.memory_space<vmem>>
    %dma_wait3A_566 = tpu.memref_squeeze %dma_wait3A_565 : memref<1x1x40xi32, #tpu.memory_space<vmem>> -> memref<40xi32, #tpu.memory_space<vmem>>
    %dma_wait3A_567 = arith.constant 0 : i32
    %dma_wait3A_568 = arith.constant 0 : i32
    %dma_wait3A_569 = tpu.memref_slice %arg6[%dma_wait3A_567, %dma_wait3A_568] : memref<10240x144xf32, #tpu.memory_space<vmem_shared>> -> memref<10240x144xf32, #tpu.memory_space<vmem_shared>>
    tpu.wait_indirect_dma semaphore(%arg23 : memref<!tpu.dma_semaphore, #tpu.memory_space<semaphore_mem>>) src(%arg13 : memref<40x144xf32, #tpu.memory_space<vmem>>) dst(%dma_wait3A_569 : memref<10240x144xf32, #tpu.memory_space<vmem_shared>>)
    %barrier3A_570 = arith.constant 0 : index
    tpu.barrier barrier_id(%barrier3A_570)
    %mul3A_571 = arith.constant 10240 : i32
    %mul3A_572 = arith.muli %arg0, %mul3A_571 : i32
    %mul3A_573 = arith.constant 640 : i32
    %mul3A_574 = arith.muli %arg1, %mul3A_573 : i32
    %add3A_575 = arith.addi %mul3A_572, %mul3A_574 : i32
    %mul3A_576 = arith.constant 640 : i32
    %mul3A_577 = arith.muli %arg1, %mul3A_576 : i32
    "tpu.region"() ({
      %run_scoped3A = tpu.sem_alloc : memref<!tpu.dma_semaphore, #tpu.memory_space<semaphore_mem>>
      %dma_start3A_578 = arith.constant 0 : i32
      %dma_start3A_579 = tpu.memref_slice %arg5[%add3A_575, %dma_start3A_578] : memref<20480x144xf32, #tpu.memory_space<hbm>> -> memref<640x144xf32, #tpu.memory_space<hbm>>
      %dma_start3A_580 = arith.constant 0 : i32
      %dma_start3A_581 = tpu.memref_slice %arg6[%mul3A_577, %dma_start3A_580] : memref<10240x144xf32, #tpu.memory_space<vmem_shared>> -> memref<640x144xf32, #tpu.memory_space<vmem_shared>>
      tpu.enqueue_dma source(%dma_start3A_581 : memref<640x144xf32, #tpu.memory_space<vmem_shared>>) target(%dma_start3A_579 : memref<640x144xf32, #tpu.memory_space<hbm>>) target_semaphore(%run_scoped3A : memref<!tpu.dma_semaphore, #tpu.memory_space<semaphore_mem>>)
      %dma_wait3A_582 = arith.constant 0 : i32
      %dma_wait3A_583 = tpu.memref_slice %arg5[%add3A_575, %dma_wait3A_582] : memref<20480x144xf32, #tpu.memory_space<hbm>> -> memref<640x144xf32, #tpu.memory_space<hbm>>
      %dma_wait3A_584 = arith.constant 0 : i32
      %dma_wait3A_585 = tpu.memref_slice %arg6[%mul3A_577, %dma_wait3A_584] : memref<10240x144xf32, #tpu.memory_space<vmem_shared>> -> memref<640x144xf32, #tpu.memory_space<vmem_shared>>
      tpu.wait_dma2 semaphore(%run_scoped3A : memref<!tpu.dma_semaphore, #tpu.memory_space<semaphore_mem>>) src(%dma_wait3A_585 : memref<640x144xf32, #tpu.memory_space<vmem_shared>>) dst(%dma_wait3A_583 : memref<640x144xf32, #tpu.memory_space<hbm>>)
      tpu.yield
    }) : () -> ()
    return
  }
}

#map = affine_map<(d0, d1) -> (0, 0, 0, 0, 0)>
#map1 = affine_map<(d0, d1) -> (0, 0)>
module attributes {stable_mosaic.version = 14 : i64} {
  func.func @agg_kernel(%arg0: i32, %arg1: i32, %arg2: memref<2x16x25x5x80xi32, #tpu.memory_space<hbm>>, %arg3: memref<2x16x25x5x80xi32, #tpu.memory_space<hbm>>, %arg4: memref<10240x64xf32, #tpu.memory_space<hbm>>, %arg5: memref<20480x64xf32, #tpu.memory_space<hbm>>, %arg6: memref<10240x64xf32, #tpu.memory_space<vmem_shared>>, %arg7: memref<2x5x80xi32, #tpu.memory_space<vmem>>, %arg8: memref<2x5x80xi32, #tpu.memory_space<vmem>>, %arg9: memref<80x64xf32, #tpu.memory_space<vmem>>, %arg10: memref<80x64xf32, #tpu.memory_space<vmem>>, %arg11: memref<80x64xf32, #tpu.memory_space<vmem>>, %arg12: memref<80x64xf32, #tpu.memory_space<vmem>>, %arg13: memref<80x64xf32, #tpu.memory_space<vmem>>, %arg14: memref<!tpu.dma_semaphore, #tpu.memory_space<semaphore_mem>>, %arg15: memref<!tpu.dma_semaphore, #tpu.memory_space<semaphore_mem>>, %arg16: memref<!tpu.dma_semaphore, #tpu.memory_space<semaphore_mem>>, %arg17: memref<!tpu.dma_semaphore, #tpu.memory_space<semaphore_mem>>, %arg18: memref<!tpu.dma_semaphore, #tpu.memory_space<semaphore_mem>>, %arg19: memref<!tpu.dma_semaphore, #tpu.memory_space<semaphore_mem>>, %arg20: memref<!tpu.dma_semaphore, #tpu.memory_space<semaphore_mem>>, %arg21: memref<!tpu.dma_semaphore, #tpu.memory_space<semaphore_mem>>, %arg22: memref<!tpu.dma_semaphore, #tpu.memory_space<semaphore_mem>>, %arg23: memref<!tpu.dma_semaphore, #tpu.memory_space<semaphore_mem>>, %arg24: memref<!tpu.dma_semaphore, #tpu.memory_space<semaphore_mem>>, %arg25: memref<!tpu.dma_semaphore, #tpu.memory_space<semaphore_mem>>) attributes {dimension_semantics = [#tpu.dimension_semantics<core_parallel>, #tpu.dimension_semantics<subcore_parallel>], iteration_bounds = array<i64: 2, 16>, scalar_prefetch = 0 : i64, scratch_operands = 20 : i64, tpu.core_type = #tpu.core_type<sc_vector_subcore>, window_params = [{transform_indices = #map}, {transform_indices = #map}, {transform_indices = #map1}, {transform_indices = #map1}]} {
    %dma_start3A = arith.constant 0 : i32
    %dma_start3A_0 = arith.constant 0 : i32
    %dma_start3A_1 = arith.constant 0 : i32
    %dma_start3A_2 = arith.constant 0 : i32
    %dma_start3A_3 = tpu.memref_slice %arg7[%dma_start3A_0, %dma_start3A_1, %dma_start3A_2] : memref<2x5x80xi32, #tpu.memory_space<vmem>> -> memref<1x5x80xi32, #tpu.memory_space<vmem>>
    %dma_start3A_4 = tpu.memref_squeeze %dma_start3A_3 : memref<1x5x80xi32, #tpu.memory_space<vmem>> -> memref<5x80xi32, #tpu.memory_space<vmem>>
    %dma_start3A_5 = arith.constant 0 : i32
    %dma_start3A_6 = arith.constant 0 : i32
    %dma_start3A_7 = tpu.memref_slice %arg2[%arg0, %arg1, %dma_start3A, %dma_start3A_5, %dma_start3A_6] : memref<2x16x25x5x80xi32, #tpu.memory_space<hbm>> -> memref<1x1x1x5x80xi32, #tpu.memory_space<hbm>>
    %dma_start3A_8 = tpu.memref_squeeze %dma_start3A_7 : memref<1x1x1x5x80xi32, #tpu.memory_space<hbm>> -> memref<5x80xi32, #tpu.memory_space<hbm>>
    %dma_start3A_9 = arith.constant 0 : i32
    %dma_start3A_10 = arith.constant 0 : i32
    %dma_start3A_11 = tpu.memref_slice %arg7[%dma_start3A_0, %dma_start3A_9, %dma_start3A_10] : memref<2x5x80xi32, #tpu.memory_space<vmem>> -> memref<1x5x80xi32, #tpu.memory_space<vmem>>
    %dma_start3A_12 = tpu.memref_squeeze %dma_start3A_11 : memref<1x5x80xi32, #tpu.memory_space<vmem>> -> memref<5x80xi32, #tpu.memory_space<vmem>>
    %dma_start3A_13 = arith.constant 0 : i32
    %dma_start3A_14 = arith.constant 0 : i32
    %dma_start3A_15 = tpu.memref_slice %arg2[%arg0, %arg1, %dma_start3A, %dma_start3A_13, %dma_start3A_14] : memref<2x16x25x5x80xi32, #tpu.memory_space<hbm>> -> memref<1x1x1x5x80xi32, #tpu.memory_space<hbm>>
    %dma_start3A_16 = tpu.memref_squeeze %dma_start3A_15 : memref<1x1x1x5x80xi32, #tpu.memory_space<hbm>> -> memref<5x80xi32, #tpu.memory_space<hbm>>
    tpu.enqueue_dma source(%dma_start3A_16 : memref<5x80xi32, #tpu.memory_space<hbm>>) target(%dma_start3A_12 : memref<5x80xi32, #tpu.memory_space<vmem>>) target_semaphore(%arg24 : memref<!tpu.dma_semaphore, #tpu.memory_space<semaphore_mem>>)
    %dma_start3A_17 = arith.constant 0 : i32
    %dma_start3A_18 = arith.constant 0 : i32
    %dma_start3A_19 = arith.constant 0 : i32
    %dma_start3A_20 = arith.constant 0 : i32
    %dma_start3A_21 = tpu.memref_slice %arg8[%dma_start3A_18, %dma_start3A_19, %dma_start3A_20] : memref<2x5x80xi32, #tpu.memory_space<vmem>> -> memref<1x5x80xi32, #tpu.memory_space<vmem>>
    %dma_start3A_22 = tpu.memref_squeeze %dma_start3A_21 : memref<1x5x80xi32, #tpu.memory_space<vmem>> -> memref<5x80xi32, #tpu.memory_space<vmem>>
    %dma_start3A_23 = arith.constant 0 : i32
    %dma_start3A_24 = arith.constant 0 : i32
    %dma_start3A_25 = tpu.memref_slice %arg3[%arg0, %arg1, %dma_start3A_17, %dma_start3A_23, %dma_start3A_24] : memref<2x16x25x5x80xi32, #tpu.memory_space<hbm>> -> memref<1x1x1x5x80xi32, #tpu.memory_space<hbm>>
    %dma_start3A_26 = tpu.memref_squeeze %dma_start3A_25 : memref<1x1x1x5x80xi32, #tpu.memory_space<hbm>> -> memref<5x80xi32, #tpu.memory_space<hbm>>
    %dma_start3A_27 = arith.constant 0 : i32
    %dma_start3A_28 = arith.constant 0 : i32
    %dma_start3A_29 = tpu.memref_slice %arg8[%dma_start3A_18, %dma_start3A_27, %dma_start3A_28] : memref<2x5x80xi32, #tpu.memory_space<vmem>> -> memref<1x5x80xi32, #tpu.memory_space<vmem>>
    %dma_start3A_30 = tpu.memref_squeeze %dma_start3A_29 : memref<1x5x80xi32, #tpu.memory_space<vmem>> -> memref<5x80xi32, #tpu.memory_space<vmem>>
    %dma_start3A_31 = arith.constant 0 : i32
    %dma_start3A_32 = arith.constant 0 : i32
    %dma_start3A_33 = tpu.memref_slice %arg3[%arg0, %arg1, %dma_start3A_17, %dma_start3A_31, %dma_start3A_32] : memref<2x16x25x5x80xi32, #tpu.memory_space<hbm>> -> memref<1x1x1x5x80xi32, #tpu.memory_space<hbm>>
    %dma_start3A_34 = tpu.memref_squeeze %dma_start3A_33 : memref<1x1x1x5x80xi32, #tpu.memory_space<hbm>> -> memref<5x80xi32, #tpu.memory_space<hbm>>
    tpu.enqueue_dma source(%dma_start3A_34 : memref<5x80xi32, #tpu.memory_space<hbm>>) target(%dma_start3A_30 : memref<5x80xi32, #tpu.memory_space<vmem>>) target_semaphore(%arg25 : memref<!tpu.dma_semaphore, #tpu.memory_space<semaphore_mem>>)
    %broadcast_in_dim3A = arith.constant 0.000000e+00 : f32
    %broadcast_in_dim3A_35 = vector.broadcast %broadcast_in_dim3A : f32 to vector<16xf32>
    %scan3A = arith.constant 0 : i32
    %scan3A_36 = arith.constant 0 : i32
    %scan3A_37 = arith.constant 80 : i32
    %scan3A_38 = arith.addi %scan3A_36, %scan3A_37 : i32
    %scan3A_39 = arith.constant 1 : i32
    %scan3A_40 = scf.for %scan3A_450 = %scan3A_36 to %scan3A_38 step %scan3A_39 iter_args(%scan3A_451 = %scan3A) -> (i32)  : i32 {
      %swap3A = arith.index_cast %scan3A_450 : i32 to index
      %swap3A_452 = arith.constant 0 : index
      %swap3A_453 = tpu.vector_load %arg9[%swap3A, %swap3A_452] {strides = array<i32>} : memref<80x64xf32, #tpu.memory_space<vmem>>, vector<1x16xf32>,
      %swap3A_454 = vector.shape_cast %swap3A_453 : vector<1x16xf32> to vector<16xf32>
      %swap3A_455 = vector.shape_cast %broadcast_in_dim3A_35 : vector<16xf32> to vector<1x16xf32>
      tpu.vector_store %arg9[%swap3A, %swap3A_452], %swap3A_455 {strides = array<i32>} : memref<80x64xf32, #tpu.memory_space<vmem>>, vector<1x16xf32>,
      %swap3A_456 = arith.index_cast %scan3A_450 : i32 to index
      %swap3A_457 = arith.constant 16 : index
      %swap3A_458 = tpu.vector_load %arg9[%swap3A_456, %swap3A_457] {strides = array<i32>} : memref<80x64xf32, #tpu.memory_space<vmem>>, vector<1x16xf32>,
      %swap3A_459 = vector.shape_cast %swap3A_458 : vector<1x16xf32> to vector<16xf32>
      %swap3A_460 = vector.shape_cast %broadcast_in_dim3A_35 : vector<16xf32> to vector<1x16xf32>
      tpu.vector_store %arg9[%swap3A_456, %swap3A_457], %swap3A_460 {strides = array<i32>} : memref<80x64xf32, #tpu.memory_space<vmem>>, vector<1x16xf32>,
      %swap3A_461 = arith.index_cast %scan3A_450 : i32 to index
      %swap3A_462 = arith.constant 32 : index
      %swap3A_463 = tpu.vector_load %arg9[%swap3A_461, %swap3A_462] {strides = array<i32>} : memref<80x64xf32, #tpu.memory_space<vmem>>, vector<1x16xf32>,
      %swap3A_464 = vector.shape_cast %swap3A_463 : vector<1x16xf32> to vector<16xf32>
      %swap3A_465 = vector.shape_cast %broadcast_in_dim3A_35 : vector<16xf32> to vector<1x16xf32>
      tpu.vector_store %arg9[%swap3A_461, %swap3A_462], %swap3A_465 {strides = array<i32>} : memref<80x64xf32, #tpu.memory_space<vmem>>, vector<1x16xf32>,
      %swap3A_466 = arith.index_cast %scan3A_450 : i32 to index
      %swap3A_467 = arith.constant 48 : index
      %swap3A_468 = tpu.vector_load %arg9[%swap3A_466, %swap3A_467] {strides = array<i32>} : memref<80x64xf32, #tpu.memory_space<vmem>>, vector<1x16xf32>,
      %swap3A_469 = vector.shape_cast %swap3A_468 : vector<1x16xf32> to vector<16xf32>
      %swap3A_470 = vector.shape_cast %broadcast_in_dim3A_35 : vector<16xf32> to vector<1x16xf32>
      tpu.vector_store %arg9[%swap3A_466, %swap3A_467], %swap3A_470 {strides = array<i32>} : memref<80x64xf32, #tpu.memory_space<vmem>>, vector<1x16xf32>,
      %scan3A_471 = arith.constant 0 : i32
      scf.yield %scan3A_471 : i32
    }
    %scan3A_41 = arith.constant 80 : i32
    %dma_wait3A = arith.constant 0 : i32
    %dma_wait3A_42 = arith.constant 0 : i32
    %dma_wait3A_43 = arith.constant 0 : i32
    %dma_wait3A_44 = arith.constant 0 : i32
    %dma_wait3A_45 = tpu.memref_slice %arg7[%dma_wait3A_42, %dma_wait3A_43, %dma_wait3A_44] : memref<2x5x80xi32, #tpu.memory_space<vmem>> -> memref<1x5x80xi32, #tpu.memory_space<vmem>>
    %dma_wait3A_46 = tpu.memref_squeeze %dma_wait3A_45 : memref<1x5x80xi32, #tpu.memory_space<vmem>> -> memref<5x80xi32, #tpu.memory_space<vmem>>
    %dma_wait3A_47 = arith.constant 0 : i32
    %dma_wait3A_48 = arith.constant 0 : i32
    %dma_wait3A_49 = tpu.memref_slice %arg2[%arg0, %arg1, %dma_wait3A, %dma_wait3A_47, %dma_wait3A_48] : memref<2x16x25x5x80xi32, #tpu.memory_space<hbm>> -> memref<1x1x1x5x80xi32, #tpu.memory_space<hbm>>
    %dma_wait3A_50 = tpu.memref_squeeze %dma_wait3A_49 : memref<1x1x1x5x80xi32, #tpu.memory_space<hbm>> -> memref<5x80xi32, #tpu.memory_space<hbm>>
    %dma_wait3A_51 = arith.constant 0 : i32
    %dma_wait3A_52 = arith.constant 0 : i32
    %dma_wait3A_53 = tpu.memref_slice %arg7[%dma_wait3A_42, %dma_wait3A_51, %dma_wait3A_52] : memref<2x5x80xi32, #tpu.memory_space<vmem>> -> memref<1x5x80xi32, #tpu.memory_space<vmem>>
    %dma_wait3A_54 = tpu.memref_squeeze %dma_wait3A_53 : memref<1x5x80xi32, #tpu.memory_space<vmem>> -> memref<5x80xi32, #tpu.memory_space<vmem>>
    %dma_wait3A_55 = arith.constant 0 : i32
    %dma_wait3A_56 = arith.constant 0 : i32
    %dma_wait3A_57 = tpu.memref_slice %arg2[%arg0, %arg1, %dma_wait3A, %dma_wait3A_55, %dma_wait3A_56] : memref<2x16x25x5x80xi32, #tpu.memory_space<hbm>> -> memref<1x1x1x5x80xi32, #tpu.memory_space<hbm>>
    %dma_wait3A_58 = tpu.memref_squeeze %dma_wait3A_57 : memref<1x1x1x5x80xi32, #tpu.memory_space<hbm>> -> memref<5x80xi32, #tpu.memory_space<hbm>>
    tpu.wait_dma2 semaphore(%arg24 : memref<!tpu.dma_semaphore, #tpu.memory_space<semaphore_mem>>) src(%dma_wait3A_58 : memref<5x80xi32, #tpu.memory_space<hbm>>) dst(%dma_wait3A_54 : memref<5x80xi32, #tpu.memory_space<vmem>>)
    %dma_wait3A_59 = arith.constant 0 : i32
    %dma_wait3A_60 = arith.constant 0 : i32
    %dma_wait3A_61 = arith.constant 0 : i32
    %dma_wait3A_62 = arith.constant 0 : i32
    %dma_wait3A_63 = tpu.memref_slice %arg8[%dma_wait3A_60, %dma_wait3A_61, %dma_wait3A_62] : memref<2x5x80xi32, #tpu.memory_space<vmem>> -> memref<1x5x80xi32, #tpu.memory_space<vmem>>
    %dma_wait3A_64 = tpu.memref_squeeze %dma_wait3A_63 : memref<1x5x80xi32, #tpu.memory_space<vmem>> -> memref<5x80xi32, #tpu.memory_space<vmem>>
    %dma_wait3A_65 = arith.constant 0 : i32
    %dma_wait3A_66 = arith.constant 0 : i32
    %dma_wait3A_67 = tpu.memref_slice %arg3[%arg0, %arg1, %dma_wait3A_59, %dma_wait3A_65, %dma_wait3A_66] : memref<2x16x25x5x80xi32, #tpu.memory_space<hbm>> -> memref<1x1x1x5x80xi32, #tpu.memory_space<hbm>>
    %dma_wait3A_68 = tpu.memref_squeeze %dma_wait3A_67 : memref<1x1x1x5x80xi32, #tpu.memory_space<hbm>> -> memref<5x80xi32, #tpu.memory_space<hbm>>
    %dma_wait3A_69 = arith.constant 0 : i32
    %dma_wait3A_70 = arith.constant 0 : i32
    %dma_wait3A_71 = tpu.memref_slice %arg8[%dma_wait3A_60, %dma_wait3A_69, %dma_wait3A_70] : memref<2x5x80xi32, #tpu.memory_space<vmem>> -> memref<1x5x80xi32, #tpu.memory_space<vmem>>
    %dma_wait3A_72 = tpu.memref_squeeze %dma_wait3A_71 : memref<1x5x80xi32, #tpu.memory_space<vmem>> -> memref<5x80xi32, #tpu.memory_space<vmem>>
    %dma_wait3A_73 = arith.constant 0 : i32
    %dma_wait3A_74 = arith.constant 0 : i32
    %dma_wait3A_75 = tpu.memref_slice %arg3[%arg0, %arg1, %dma_wait3A_59, %dma_wait3A_73, %dma_wait3A_74] : memref<2x16x25x5x80xi32, #tpu.memory_space<hbm>> -> memref<1x1x1x5x80xi32, #tpu.memory_space<hbm>>
    %dma_wait3A_76 = tpu.memref_squeeze %dma_wait3A_75 : memref<1x1x1x5x80xi32, #tpu.memory_space<hbm>> -> memref<5x80xi32, #tpu.memory_space<hbm>>
    tpu.wait_dma2 semaphore(%arg25 : memref<!tpu.dma_semaphore, #tpu.memory_space<semaphore_mem>>) src(%dma_wait3A_76 : memref<5x80xi32, #tpu.memory_space<hbm>>) dst(%dma_wait3A_72 : memref<5x80xi32, #tpu.memory_space<vmem>>)
    %dma_start3A_77 = arith.constant 0 : i32
    %dma_start3A_78 = arith.constant 1 : i32
    %dma_start3A_79 = arith.constant 0 : i32
    %dma_start3A_80 = tpu.memref_slice %arg7[%dma_start3A_77, %dma_start3A_78, %dma_start3A_79] : memref<2x5x80xi32, #tpu.memory_space<vmem>> -> memref<1x1x80xi32, #tpu.memory_space<vmem>>
    %dma_start3A_81 = tpu.memref_squeeze %dma_start3A_80 : memref<1x1x80xi32, #tpu.memory_space<vmem>> -> memref<80xi32, #tpu.memory_space<vmem>>
    %dma_start3A_82 = arith.constant 0 : i32
    %dma_start3A_83 = arith.constant 0 : i32
    %dma_start3A_84 = tpu.memref_slice %arg4[%dma_start3A_82, %dma_start3A_83] : memref<10240x64xf32, #tpu.memory_space<hbm>> -> memref<10240x64xf32, #tpu.memory_space<hbm>>
    tpu.enqueue_indirect_dma source(%dma_start3A_84 : memref<10240x64xf32, #tpu.memory_space<hbm>>) target(%arg10 : memref<80x64xf32, #tpu.memory_space<vmem>>) offsets(%dma_start3A_81 : memref<80xi32, #tpu.memory_space<vmem>>) semaphore(%arg15 : memref<!tpu.dma_semaphore, #tpu.memory_space<semaphore_mem>>)
    %dma_start3A_85 = arith.constant 0 : i32
    %dma_start3A_86 = arith.constant 2 : i32
    %dma_start3A_87 = arith.constant 0 : i32
    %dma_start3A_88 = tpu.memref_slice %arg7[%dma_start3A_85, %dma_start3A_86, %dma_start3A_87] : memref<2x5x80xi32, #tpu.memory_space<vmem>> -> memref<1x1x80xi32, #tpu.memory_space<vmem>>
    %dma_start3A_89 = tpu.memref_squeeze %dma_start3A_88 : memref<1x1x80xi32, #tpu.memory_space<vmem>> -> memref<80xi32, #tpu.memory_space<vmem>>
    %dma_start3A_90 = arith.constant 0 : i32
    %dma_start3A_91 = arith.constant 0 : i32
    %dma_start3A_92 = tpu.memref_slice %arg4[%dma_start3A_90, %dma_start3A_91] : memref<10240x64xf32, #tpu.memory_space<hbm>> -> memref<10240x64xf32, #tpu.memory_space<hbm>>
    tpu.enqueue_indirect_dma source(%dma_start3A_92 : memref<10240x64xf32, #tpu.memory_space<hbm>>) target(%arg11 : memref<80x64xf32, #tpu.memory_space<vmem>>) offsets(%dma_start3A_89 : memref<80xi32, #tpu.memory_space<vmem>>) semaphore(%arg16 : memref<!tpu.dma_semaphore, #tpu.memory_space<semaphore_mem>>)
    %dma_start3A_93 = arith.constant 0 : i32
    %dma_start3A_94 = arith.constant 3 : i32
    %dma_start3A_95 = arith.constant 0 : i32
    %dma_start3A_96 = tpu.memref_slice %arg7[%dma_start3A_93, %dma_start3A_94, %dma_start3A_95] : memref<2x5x80xi32, #tpu.memory_space<vmem>> -> memref<1x1x80xi32, #tpu.memory_space<vmem>>
    %dma_start3A_97 = tpu.memref_squeeze %dma_start3A_96 : memref<1x1x80xi32, #tpu.memory_space<vmem>> -> memref<80xi32, #tpu.memory_space<vmem>>
    %dma_start3A_98 = arith.constant 0 : i32
    %dma_start3A_99 = arith.constant 0 : i32
    %dma_start3A_100 = tpu.memref_slice %arg4[%dma_start3A_98, %dma_start3A_99] : memref<10240x64xf32, #tpu.memory_space<hbm>> -> memref<10240x64xf32, #tpu.memory_space<hbm>>
    tpu.enqueue_indirect_dma source(%dma_start3A_100 : memref<10240x64xf32, #tpu.memory_space<hbm>>) target(%arg12 : memref<80x64xf32, #tpu.memory_space<vmem>>) offsets(%dma_start3A_97 : memref<80xi32, #tpu.memory_space<vmem>>) semaphore(%arg17 : memref<!tpu.dma_semaphore, #tpu.memory_space<semaphore_mem>>)
    %dma_start3A_101 = arith.constant 0 : i32
    %dma_start3A_102 = arith.constant 4 : i32
    %dma_start3A_103 = arith.constant 0 : i32
    %dma_start3A_104 = tpu.memref_slice %arg7[%dma_start3A_101, %dma_start3A_102, %dma_start3A_103] : memref<2x5x80xi32, #tpu.memory_space<vmem>> -> memref<1x1x80xi32, #tpu.memory_space<vmem>>
    %dma_start3A_105 = tpu.memref_squeeze %dma_start3A_104 : memref<1x1x80xi32, #tpu.memory_space<vmem>> -> memref<80xi32, #tpu.memory_space<vmem>>
    %dma_start3A_106 = arith.constant 0 : i32
    %dma_start3A_107 = arith.constant 0 : i32
    %dma_start3A_108 = tpu.memref_slice %arg4[%dma_start3A_106, %dma_start3A_107] : memref<10240x64xf32, #tpu.memory_space<hbm>> -> memref<10240x64xf32, #tpu.memory_space<hbm>>
    tpu.enqueue_indirect_dma source(%dma_start3A_108 : memref<10240x64xf32, #tpu.memory_space<hbm>>) target(%arg13 : memref<80x64xf32, #tpu.memory_space<vmem>>) offsets(%dma_start3A_105 : memref<80xi32, #tpu.memory_space<vmem>>) semaphore(%arg18 : memref<!tpu.dma_semaphore, #tpu.memory_space<semaphore_mem>>)
    %mul3A = arith.constant 640 : i32
    %mul3A_109 = arith.muli %arg1, %mul3A : i32
    %add3A = arith.constant 0 : i32
    %add3A_110 = arith.addi %mul3A_109, %add3A : i32
    %dma_start3A_111 = arith.constant 0 : i32
    %dma_start3A_112 = tpu.memref_slice %arg6[%add3A_110, %dma_start3A_111] : memref<10240x64xf32, #tpu.memory_space<vmem_shared>> -> memref<80x64xf32, #tpu.memory_space<vmem_shared>>
    %dma_start3A_113 = arith.constant 0 : i32
    %dma_start3A_114 = tpu.memref_slice %arg6[%add3A_110, %dma_start3A_113] : memref<10240x64xf32, #tpu.memory_space<vmem_shared>> -> memref<80x64xf32, #tpu.memory_space<vmem_shared>>
    tpu.enqueue_dma source(%arg9 : memref<80x64xf32, #tpu.memory_space<vmem>>) target(%dma_start3A_114 : memref<80x64xf32, #tpu.memory_space<vmem_shared>>) target_semaphore(%arg19 : memref<!tpu.dma_semaphore, #tpu.memory_space<semaphore_mem>>)
    %mul3A_115 = arith.constant 640 : i32
    %mul3A_116 = arith.muli %arg1, %mul3A_115 : i32
    %add3A_117 = arith.constant 80 : i32
    %add3A_118 = arith.addi %mul3A_116, %add3A_117 : i32
    %dma_start3A_119 = arith.constant 0 : i32
    %dma_start3A_120 = tpu.memref_slice %arg6[%add3A_118, %dma_start3A_119] : memref<10240x64xf32, #tpu.memory_space<vmem_shared>> -> memref<80x64xf32, #tpu.memory_space<vmem_shared>>
    %dma_start3A_121 = arith.constant 0 : i32
    %dma_start3A_122 = tpu.memref_slice %arg6[%add3A_118, %dma_start3A_121] : memref<10240x64xf32, #tpu.memory_space<vmem_shared>> -> memref<80x64xf32, #tpu.memory_space<vmem_shared>>
    tpu.enqueue_dma source(%arg9 : memref<80x64xf32, #tpu.memory_space<vmem>>) target(%dma_start3A_122 : memref<80x64xf32, #tpu.memory_space<vmem_shared>>) target_semaphore(%arg20 : memref<!tpu.dma_semaphore, #tpu.memory_space<semaphore_mem>>)
    %mul3A_123 = arith.constant 640 : i32
    %mul3A_124 = arith.muli %arg1, %mul3A_123 : i32
    %add3A_125 = arith.constant 160 : i32
    %add3A_126 = arith.addi %mul3A_124, %add3A_125 : i32
    %dma_start3A_127 = arith.constant 0 : i32
    %dma_start3A_128 = tpu.memref_slice %arg6[%add3A_126, %dma_start3A_127] : memref<10240x64xf32, #tpu.memory_space<vmem_shared>> -> memref<80x64xf32, #tpu.memory_space<vmem_shared>>
    %dma_start3A_129 = arith.constant 0 : i32
    %dma_start3A_130 = tpu.memref_slice %arg6[%add3A_126, %dma_start3A_129] : memref<10240x64xf32, #tpu.memory_space<vmem_shared>> -> memref<80x64xf32, #tpu.memory_space<vmem_shared>>
    tpu.enqueue_dma source(%arg9 : memref<80x64xf32, #tpu.memory_space<vmem>>) target(%dma_start3A_130 : memref<80x64xf32, #tpu.memory_space<vmem_shared>>) target_semaphore(%arg21 : memref<!tpu.dma_semaphore, #tpu.memory_space<semaphore_mem>>)
    %mul3A_131 = arith.constant 640 : i32
    %mul3A_132 = arith.muli %arg1, %mul3A_131 : i32
    %add3A_133 = arith.constant 240 : i32
    %add3A_134 = arith.addi %mul3A_132, %add3A_133 : i32
    %dma_start3A_135 = arith.constant 0 : i32
    %dma_start3A_136 = tpu.memref_slice %arg6[%add3A_134, %dma_start3A_135] : memref<10240x64xf32, #tpu.memory_space<vmem_shared>> -> memref<80x64xf32, #tpu.memory_space<vmem_shared>>
    %dma_start3A_137 = arith.constant 0 : i32
    %dma_start3A_138 = tpu.memref_slice %arg6[%add3A_134, %dma_start3A_137] : memref<10240x64xf32, #tpu.memory_space<vmem_shared>> -> memref<80x64xf32, #tpu.memory_space<vmem_shared>>
    tpu.enqueue_dma source(%arg9 : memref<80x64xf32, #tpu.memory_space<vmem>>) target(%dma_start3A_138 : memref<80x64xf32, #tpu.memory_space<vmem_shared>>) target_semaphore(%arg22 : memref<!tpu.dma_semaphore, #tpu.memory_space<semaphore_mem>>)
    %mul3A_139 = arith.constant 640 : i32
    %mul3A_140 = arith.muli %arg1, %mul3A_139 : i32
    %add3A_141 = arith.constant 320 : i32
    %add3A_142 = arith.addi %mul3A_140, %add3A_141 : i32
    %dma_start3A_143 = arith.constant 0 : i32
    %dma_start3A_144 = tpu.memref_slice %arg6[%add3A_142, %dma_start3A_143] : memref<10240x64xf32, #tpu.memory_space<vmem_shared>> -> memref<80x64xf32, #tpu.memory_space<vmem_shared>>
    %dma_start3A_145 = arith.constant 0 : i32
    %dma_start3A_146 = tpu.memref_slice %arg6[%add3A_142, %dma_start3A_145] : memref<10240x64xf32, #tpu.memory_space<vmem_shared>> -> memref<80x64xf32, #tpu.memory_space<vmem_shared>>
    tpu.enqueue_dma source(%arg9 : memref<80x64xf32, #tpu.memory_space<vmem>>) target(%dma_start3A_146 : memref<80x64xf32, #tpu.memory_space<vmem_shared>>) target_semaphore(%arg23 : memref<!tpu.dma_semaphore, #tpu.memory_space<semaphore_mem>>)
    %mul3A_147 = arith.constant 640 : i32
    %mul3A_148 = arith.muli %arg1, %mul3A_147 : i32
    %add3A_149 = arith.constant 400 : i32
    %add3A_150 = arith.addi %mul3A_148, %add3A_149 : i32
    %dma_start3A_151 = arith.constant 0 : i32
    %dma_start3A_152 = tpu.memref_slice %arg6[%add3A_150, %dma_start3A_151] : memref<10240x64xf32, #tpu.memory_space<vmem_shared>> -> memref<80x64xf32, #tpu.memory_space<vmem_shared>>
    %dma_start3A_153 = arith.constant 0 : i32
    %dma_start3A_154 = tpu.memref_slice %arg6[%add3A_150, %dma_start3A_153] : memref<10240x64xf32, #tpu.memory_space<vmem_shared>> -> memref<80x64xf32, #tpu.memory_space<vmem_shared>>
    tpu.enqueue_dma source(%arg9 : memref<80x64xf32, #tpu.memory_space<vmem>>) target(%dma_start3A_154 : memref<80x64xf32, #tpu.memory_space<vmem_shared>>) target_semaphore(%arg19 : memref<!tpu.dma_semaphore, #tpu.memory_space<semaphore_mem>>)
    %mul3A_155 = arith.constant 640 : i32
    %mul3A_156 = arith.muli %arg1, %mul3A_155 : i32
    %add3A_157 = arith.constant 480 : i32
    %add3A_158 = arith.addi %mul3A_156, %add3A_157 : i32
    %dma_start3A_159 = arith.constant 0 : i32
    %dma_start3A_160 = tpu.memref_slice %arg6[%add3A_158, %dma_start3A_159] : memref<10240x64xf32, #tpu.memory_space<vmem_shared>> -> memref<80x64xf32, #tpu.memory_space<vmem_shared>>
    %dma_start3A_161 = arith.constant 0 : i32
    %dma_start3A_162 = tpu.memref_slice %arg6[%add3A_158, %dma_start3A_161] : memref<10240x64xf32, #tpu.memory_space<vmem_shared>> -> memref<80x64xf32, #tpu.memory_space<vmem_shared>>
    tpu.enqueue_dma source(%arg9 : memref<80x64xf32, #tpu.memory_space<vmem>>) target(%dma_start3A_162 : memref<80x64xf32, #tpu.memory_space<vmem_shared>>) target_semaphore(%arg20 : memref<!tpu.dma_semaphore, #tpu.memory_space<semaphore_mem>>)
    %mul3A_163 = arith.constant 640 : i32
    %mul3A_164 = arith.muli %arg1, %mul3A_163 : i32
    %add3A_165 = arith.constant 560 : i32
    %add3A_166 = arith.addi %mul3A_164, %add3A_165 : i32
    %dma_start3A_167 = arith.constant 0 : i32
    %dma_start3A_168 = tpu.memref_slice %arg6[%add3A_166, %dma_start3A_167] : memref<10240x64xf32, #tpu.memory_space<vmem_shared>> -> memref<80x64xf32, #tpu.memory_space<vmem_shared>>
    %dma_start3A_169 = arith.constant 0 : i32
    %dma_start3A_170 = tpu.memref_slice %arg6[%add3A_166, %dma_start3A_169] : memref<10240x64xf32, #tpu.memory_space<vmem_shared>> -> memref<80x64xf32, #tpu.memory_space<vmem_shared>>
    tpu.enqueue_dma source(%arg9 : memref<80x64xf32, #tpu.memory_space<vmem>>) target(%dma_start3A_170 : memref<80x64xf32, #tpu.memory_space<vmem_shared>>) target_semaphore(%arg21 : memref<!tpu.dma_semaphore, #tpu.memory_space<semaphore_mem>>)
    %mul3A_171 = arith.constant 640 : i32
    %mul3A_172 = arith.muli %arg1, %mul3A_171 : i32
    %add3A_173 = arith.constant 0 : i32
    %add3A_174 = arith.addi %mul3A_172, %add3A_173 : i32
    %dma_wait3A_175 = arith.constant 0 : i32
    %dma_wait3A_176 = tpu.memref_slice %arg6[%add3A_174, %dma_wait3A_175] : memref<10240x64xf32, #tpu.memory_space<vmem_shared>> -> memref<80x64xf32, #tpu.memory_space<vmem_shared>>
    %dma_wait3A_177 = arith.constant 0 : i32
    %dma_wait3A_178 = tpu.memref_slice %arg6[%add3A_174, %dma_wait3A_177] : memref<10240x64xf32, #tpu.memory_space<vmem_shared>> -> memref<80x64xf32, #tpu.memory_space<vmem_shared>>
    tpu.wait_dma2 semaphore(%arg19 : memref<!tpu.dma_semaphore, #tpu.memory_space<semaphore_mem>>) src(%arg9 : memref<80x64xf32, #tpu.memory_space<vmem>>) dst(%dma_wait3A_178 : memref<80x64xf32, #tpu.memory_space<vmem_shared>>)
    %mul3A_179 = arith.constant 640 : i32
    %mul3A_180 = arith.muli %arg1, %mul3A_179 : i32
    %add3A_181 = arith.constant 80 : i32
    %add3A_182 = arith.addi %mul3A_180, %add3A_181 : i32
    %dma_wait3A_183 = arith.constant 0 : i32
    %dma_wait3A_184 = tpu.memref_slice %arg6[%add3A_182, %dma_wait3A_183] : memref<10240x64xf32, #tpu.memory_space<vmem_shared>> -> memref<80x64xf32, #tpu.memory_space<vmem_shared>>
    %dma_wait3A_185 = arith.constant 0 : i32
    %dma_wait3A_186 = tpu.memref_slice %arg6[%add3A_182, %dma_wait3A_185] : memref<10240x64xf32, #tpu.memory_space<vmem_shared>> -> memref<80x64xf32, #tpu.memory_space<vmem_shared>>
    tpu.wait_dma2 semaphore(%arg20 : memref<!tpu.dma_semaphore, #tpu.memory_space<semaphore_mem>>) src(%arg9 : memref<80x64xf32, #tpu.memory_space<vmem>>) dst(%dma_wait3A_186 : memref<80x64xf32, #tpu.memory_space<vmem_shared>>)
    %mul3A_187 = arith.constant 640 : i32
    %mul3A_188 = arith.muli %arg1, %mul3A_187 : i32
    %add3A_189 = arith.constant 160 : i32
    %add3A_190 = arith.addi %mul3A_188, %add3A_189 : i32
    %dma_wait3A_191 = arith.constant 0 : i32
    %dma_wait3A_192 = tpu.memref_slice %arg6[%add3A_190, %dma_wait3A_191] : memref<10240x64xf32, #tpu.memory_space<vmem_shared>> -> memref<80x64xf32, #tpu.memory_space<vmem_shared>>
    %dma_wait3A_193 = arith.constant 0 : i32
    %dma_wait3A_194 = tpu.memref_slice %arg6[%add3A_190, %dma_wait3A_193] : memref<10240x64xf32, #tpu.memory_space<vmem_shared>> -> memref<80x64xf32, #tpu.memory_space<vmem_shared>>
    tpu.wait_dma2 semaphore(%arg21 : memref<!tpu.dma_semaphore, #tpu.memory_space<semaphore_mem>>) src(%arg9 : memref<80x64xf32, #tpu.memory_space<vmem>>) dst(%dma_wait3A_194 : memref<80x64xf32, #tpu.memory_space<vmem_shared>>)
    %mul3A_195 = arith.constant 640 : i32
    %mul3A_196 = arith.muli %arg1, %mul3A_195 : i32
    %add3A_197 = arith.constant 240 : i32
    %add3A_198 = arith.addi %mul3A_196, %add3A_197 : i32
    %dma_wait3A_199 = arith.constant 0 : i32
    %dma_wait3A_200 = tpu.memref_slice %arg6[%add3A_198, %dma_wait3A_199] : memref<10240x64xf32, #tpu.memory_space<vmem_shared>> -> memref<80x64xf32, #tpu.memory_space<vmem_shared>>
    %dma_wait3A_201 = arith.constant 0 : i32
    %dma_wait3A_202 = tpu.memref_slice %arg6[%add3A_198, %dma_wait3A_201] : memref<10240x64xf32, #tpu.memory_space<vmem_shared>> -> memref<80x64xf32, #tpu.memory_space<vmem_shared>>
    tpu.wait_dma2 semaphore(%arg22 : memref<!tpu.dma_semaphore, #tpu.memory_space<semaphore_mem>>) src(%arg9 : memref<80x64xf32, #tpu.memory_space<vmem>>) dst(%dma_wait3A_202 : memref<80x64xf32, #tpu.memory_space<vmem_shared>>)
    %mul3A_203 = arith.constant 640 : i32
    %mul3A_204 = arith.muli %arg1, %mul3A_203 : i32
    %add3A_205 = arith.constant 320 : i32
    %add3A_206 = arith.addi %mul3A_204, %add3A_205 : i32
    %dma_wait3A_207 = arith.constant 0 : i32
    %dma_wait3A_208 = tpu.memref_slice %arg6[%add3A_206, %dma_wait3A_207] : memref<10240x64xf32, #tpu.memory_space<vmem_shared>> -> memref<80x64xf32, #tpu.memory_space<vmem_shared>>
    %dma_wait3A_209 = arith.constant 0 : i32
    %dma_wait3A_210 = tpu.memref_slice %arg6[%add3A_206, %dma_wait3A_209] : memref<10240x64xf32, #tpu.memory_space<vmem_shared>> -> memref<80x64xf32, #tpu.memory_space<vmem_shared>>
    tpu.wait_dma2 semaphore(%arg23 : memref<!tpu.dma_semaphore, #tpu.memory_space<semaphore_mem>>) src(%arg9 : memref<80x64xf32, #tpu.memory_space<vmem>>) dst(%dma_wait3A_210 : memref<80x64xf32, #tpu.memory_space<vmem_shared>>)
    %mul3A_211 = arith.constant 640 : i32
    %mul3A_212 = arith.muli %arg1, %mul3A_211 : i32
    %add3A_213 = arith.constant 400 : i32
    %add3A_214 = arith.addi %mul3A_212, %add3A_213 : i32
    %dma_wait3A_215 = arith.constant 0 : i32
    %dma_wait3A_216 = tpu.memref_slice %arg6[%add3A_214, %dma_wait3A_215] : memref<10240x64xf32, #tpu.memory_space<vmem_shared>> -> memref<80x64xf32, #tpu.memory_space<vmem_shared>>
    %dma_wait3A_217 = arith.constant 0 : i32
    %dma_wait3A_218 = tpu.memref_slice %arg6[%add3A_214, %dma_wait3A_217] : memref<10240x64xf32, #tpu.memory_space<vmem_shared>> -> memref<80x64xf32, #tpu.memory_space<vmem_shared>>
    tpu.wait_dma2 semaphore(%arg19 : memref<!tpu.dma_semaphore, #tpu.memory_space<semaphore_mem>>) src(%arg9 : memref<80x64xf32, #tpu.memory_space<vmem>>) dst(%dma_wait3A_218 : memref<80x64xf32, #tpu.memory_space<vmem_shared>>)
    %mul3A_219 = arith.constant 640 : i32
    %mul3A_220 = arith.muli %arg1, %mul3A_219 : i32
    %add3A_221 = arith.constant 480 : i32
    %add3A_222 = arith.addi %mul3A_220, %add3A_221 : i32
    %dma_wait3A_223 = arith.constant 0 : i32
    %dma_wait3A_224 = tpu.memref_slice %arg6[%add3A_222, %dma_wait3A_223] : memref<10240x64xf32, #tpu.memory_space<vmem_shared>> -> memref<80x64xf32, #tpu.memory_space<vmem_shared>>
    %dma_wait3A_225 = arith.constant 0 : i32
    %dma_wait3A_226 = tpu.memref_slice %arg6[%add3A_222, %dma_wait3A_225] : memref<10240x64xf32, #tpu.memory_space<vmem_shared>> -> memref<80x64xf32, #tpu.memory_space<vmem_shared>>
    tpu.wait_dma2 semaphore(%arg20 : memref<!tpu.dma_semaphore, #tpu.memory_space<semaphore_mem>>) src(%arg9 : memref<80x64xf32, #tpu.memory_space<vmem>>) dst(%dma_wait3A_226 : memref<80x64xf32, #tpu.memory_space<vmem_shared>>)
    %mul3A_227 = arith.constant 640 : i32
    %mul3A_228 = arith.muli %arg1, %mul3A_227 : i32
    %add3A_229 = arith.constant 560 : i32
    %add3A_230 = arith.addi %mul3A_228, %add3A_229 : i32
    %dma_wait3A_231 = arith.constant 0 : i32
    %dma_wait3A_232 = tpu.memref_slice %arg6[%add3A_230, %dma_wait3A_231] : memref<10240x64xf32, #tpu.memory_space<vmem_shared>> -> memref<80x64xf32, #tpu.memory_space<vmem_shared>>
    %dma_wait3A_233 = arith.constant 0 : i32
    %dma_wait3A_234 = tpu.memref_slice %arg6[%add3A_230, %dma_wait3A_233] : memref<10240x64xf32, #tpu.memory_space<vmem_shared>> -> memref<80x64xf32, #tpu.memory_space<vmem_shared>>
    tpu.wait_dma2 semaphore(%arg21 : memref<!tpu.dma_semaphore, #tpu.memory_space<semaphore_mem>>) src(%arg9 : memref<80x64xf32, #tpu.memory_space<vmem>>) dst(%dma_wait3A_234 : memref<80x64xf32, #tpu.memory_space<vmem_shared>>)
    %dma_start3A_235 = arith.constant 0 : i32
    %dma_start3A_236 = arith.constant 0 : i32
    %dma_start3A_237 = arith.constant 0 : i32
    %dma_start3A_238 = tpu.memref_slice %arg7[%dma_start3A_235, %dma_start3A_236, %dma_start3A_237] : memref<2x5x80xi32, #tpu.memory_space<vmem>> -> memref<1x1x80xi32, #tpu.memory_space<vmem>>
    %dma_start3A_239 = tpu.memref_squeeze %dma_start3A_238 : memref<1x1x80xi32, #tpu.memory_space<vmem>> -> memref<80xi32, #tpu.memory_space<vmem>>
    %dma_start3A_240 = arith.constant 0 : i32
    %dma_start3A_241 = arith.constant 0 : i32
    %dma_start3A_242 = tpu.memref_slice %arg4[%dma_start3A_240, %dma_start3A_241] : memref<10240x64xf32, #tpu.memory_space<hbm>> -> memref<10240x64xf32, #tpu.memory_space<hbm>>
    tpu.enqueue_indirect_dma source(%dma_start3A_242 : memref<10240x64xf32, #tpu.memory_space<hbm>>) target(%arg9 : memref<80x64xf32, #tpu.memory_space<vmem>>) offsets(%dma_start3A_239 : memref<80xi32, #tpu.memory_space<vmem>>) semaphore(%arg14 : memref<!tpu.dma_semaphore, #tpu.memory_space<semaphore_mem>>)
    %min3A = arith.constant 1 : i32
    %min3A_243 = arith.constant 24 : i32
    %min3A_244 = arith.minsi %min3A, %min3A_243 : i32
    %dma_start3A_245 = arith.constant 1 : i32
    %dma_start3A_246 = arith.constant 0 : i32
    %dma_start3A_247 = arith.constant 0 : i32
    %dma_start3A_248 = tpu.memref_slice %arg7[%dma_start3A_245, %dma_start3A_246, %dma_start3A_247] : memref<2x5x80xi32, #tpu.memory_space<vmem>> -> memref<1x5x80xi32, #tpu.memory_space<vmem>>
    %dma_start3A_249 = tpu.memref_squeeze %dma_start3A_248 : memref<1x5x80xi32, #tpu.memory_space<vmem>> -> memref<5x80xi32, #tpu.memory_space<vmem>>
    %dma_start3A_250 = arith.constant 0 : i32
    %dma_start3A_251 = arith.constant 0 : i32
    %dma_start3A_252 = tpu.memref_slice %arg2[%arg0, %arg1, %min3A_244, %dma_start3A_250, %dma_start3A_251] : memref<2x16x25x5x80xi32, #tpu.memory_space<hbm>> -> memref<1x1x1x5x80xi32, #tpu.memory_space<hbm>>
    %dma_start3A_253 = tpu.memref_squeeze %dma_start3A_252 : memref<1x1x1x5x80xi32, #tpu.memory_space<hbm>> -> memref<5x80xi32, #tpu.memory_space<hbm>>
    %dma_start3A_254 = arith.constant 0 : i32
    %dma_start3A_255 = arith.constant 0 : i32
    %dma_start3A_256 = tpu.memref_slice %arg7[%dma_start3A_245, %dma_start3A_254, %dma_start3A_255] : memref<2x5x80xi32, #tpu.memory_space<vmem>> -> memref<1x5x80xi32, #tpu.memory_space<vmem>>
    %dma_start3A_257 = tpu.memref_squeeze %dma_start3A_256 : memref<1x5x80xi32, #tpu.memory_space<vmem>> -> memref<5x80xi32, #tpu.memory_space<vmem>>
    %dma_start3A_258 = arith.constant 0 : i32
    %dma_start3A_259 = arith.constant 0 : i32
    %dma_start3A_260 = tpu.memref_slice %arg2[%arg0, %arg1, %min3A_244, %dma_start3A_258, %dma_start3A_259] : memref<2x16x25x5x80xi32, #tpu.memory_space<hbm>> -> memref<1x1x1x5x80xi32, #tpu.memory_space<hbm>>
    %dma_start3A_261 = tpu.memref_squeeze %dma_start3A_260 : memref<1x1x1x5x80xi32, #tpu.memory_space<hbm>> -> memref<5x80xi32, #tpu.memory_space<hbm>>
    tpu.enqueue_dma source(%dma_start3A_261 : memref<5x80xi32, #tpu.memory_space<hbm>>) target(%dma_start3A_257 : memref<5x80xi32, #tpu.memory_space<vmem>>) target_semaphore(%arg24 : memref<!tpu.dma_semaphore, #tpu.memory_space<semaphore_mem>>)
    %dma_start3A_262 = arith.constant 1 : i32
    %dma_start3A_263 = arith.constant 0 : i32
    %dma_start3A_264 = arith.constant 0 : i32
    %dma_start3A_265 = tpu.memref_slice %arg8[%dma_start3A_262, %dma_start3A_263, %dma_start3A_264] : memref<2x5x80xi32, #tpu.memory_space<vmem>> -> memref<1x5x80xi32, #tpu.memory_space<vmem>>
    %dma_start3A_266 = tpu.memref_squeeze %dma_start3A_265 : memref<1x5x80xi32, #tpu.memory_space<vmem>> -> memref<5x80xi32, #tpu.memory_space<vmem>>
    %dma_start3A_267 = arith.constant 0 : i32
    %dma_start3A_268 = arith.constant 0 : i32
    %dma_start3A_269 = tpu.memref_slice %arg3[%arg0, %arg1, %min3A_244, %dma_start3A_267, %dma_start3A_268] : memref<2x16x25x5x80xi32, #tpu.memory_space<hbm>> -> memref<1x1x1x5x80xi32, #tpu.memory_space<hbm>>
    %dma_start3A_270 = tpu.memref_squeeze %dma_start3A_269 : memref<1x1x1x5x80xi32, #tpu.memory_space<hbm>> -> memref<5x80xi32, #tpu.memory_space<hbm>>
    %dma_start3A_271 = arith.constant 0 : i32
    %dma_start3A_272 = arith.constant 0 : i32
    %dma_start3A_273 = tpu.memref_slice %arg8[%dma_start3A_262, %dma_start3A_271, %dma_start3A_272] : memref<2x5x80xi32, #tpu.memory_space<vmem>> -> memref<1x5x80xi32, #tpu.memory_space<vmem>>
    %dma_start3A_274 = tpu.memref_squeeze %dma_start3A_273 : memref<1x5x80xi32, #tpu.memory_space<vmem>> -> memref<5x80xi32, #tpu.memory_space<vmem>>
    %dma_start3A_275 = arith.constant 0 : i32
    %dma_start3A_276 = arith.constant 0 : i32
    %dma_start3A_277 = tpu.memref_slice %arg3[%arg0, %arg1, %min3A_244, %dma_start3A_275, %dma_start3A_276] : memref<2x16x25x5x80xi32, #tpu.memory_space<hbm>> -> memref<1x1x1x5x80xi32, #tpu.memory_space<hbm>>
    %dma_start3A_278 = tpu.memref_squeeze %dma_start3A_277 : memref<1x1x1x5x80xi32, #tpu.memory_space<hbm>> -> memref<5x80xi32, #tpu.memory_space<hbm>>
    tpu.enqueue_dma source(%dma_start3A_278 : memref<5x80xi32, #tpu.memory_space<hbm>>) target(%dma_start3A_274 : memref<5x80xi32, #tpu.memory_space<vmem>>) target_semaphore(%arg25 : memref<!tpu.dma_semaphore, #tpu.memory_space<semaphore_mem>>)
    %barrier3A = arith.constant 0 : index
    tpu.barrier barrier_id(%barrier3A)
    %scan3A_279 = arith.constant 0 : i32
    %scan3A_280 = arith.constant 0 : i32
    %scan3A_281 = arith.constant 24 : i32
    %scan3A_282 = arith.addi %scan3A_280, %scan3A_281 : i32
    %scan3A_283 = arith.constant 1 : i32
    %scan3A_284 = scf.for %scan3A_450 = %scan3A_280 to %scan3A_282 step %scan3A_283 iter_args(%scan3A_451 = %scan3A_279) -> (i32)  : i32 {
      %rem3A = arith.constant 2 : i32
      %rem3A_452 = arith.remsi %scan3A_450, %rem3A : i32
      %sub3A = arith.constant 1 : i32
      %sub3A_453 = arith.subi %sub3A, %rem3A_452 : i32
      %dma_wait3A_454 = arith.constant 0 : i32
      %dma_wait3A_455 = arith.constant 0 : i32
      %dma_wait3A_456 = arith.constant 0 : i32
      %dma_wait3A_457 = tpu.memref_slice %arg7[%dma_wait3A_454, %dma_wait3A_455, %dma_wait3A_456] : memref<2x5x80xi32, #tpu.memory_space<vmem>> -> memref<1x1x80xi32, #tpu.memory_space<vmem>>
      %dma_wait3A_458 = tpu.memref_squeeze %dma_wait3A_457 : memref<1x1x80xi32, #tpu.memory_space<vmem>> -> memref<80xi32, #tpu.memory_space<vmem>>
      %dma_wait3A_459 = arith.constant 0 : i32
      %dma_wait3A_460 = arith.constant 0 : i32
      %dma_wait3A_461 = tpu.memref_slice %arg4[%dma_wait3A_459, %dma_wait3A_460] : memref<10240x64xf32, #tpu.memory_space<hbm>> -> memref<10240x64xf32, #tpu.memory_space<hbm>>
      tpu.wait_indirect_dma semaphore(%arg14 : memref<!tpu.dma_semaphore, #tpu.memory_space<semaphore_mem>>) src(%dma_wait3A_461 : memref<10240x64xf32, #tpu.memory_space<hbm>>) dst(%arg9 : memref<80x64xf32, #tpu.memory_space<vmem>>)
      %dma_start3A_462 = arith.constant 0 : i32
      %dma_start3A_463 = arith.constant 0 : i32
      %dma_start3A_464 = tpu.memref_slice %arg8[%rem3A_452, %dma_start3A_462, %dma_start3A_463] : memref<2x5x80xi32, #tpu.memory_space<vmem>> -> memref<1x1x80xi32, #tpu.memory_space<vmem>>
      %dma_start3A_465 = tpu.memref_squeeze %dma_start3A_464 : memref<1x1x80xi32, #tpu.memory_space<vmem>> -> memref<80xi32, #tpu.memory_space<vmem>>
      %dma_start3A_466 = arith.constant 0 : i32
      %dma_start3A_467 = arith.constant 0 : i32
      %dma_start3A_468 = tpu.memref_slice %arg6[%dma_start3A_466, %dma_start3A_467] : memref<10240x64xf32, #tpu.memory_space<vmem_shared>> -> memref<10240x64xf32, #tpu.memory_space<vmem_shared>>
      tpu.enqueue_indirect_dma source(%arg9 : memref<80x64xf32, #tpu.memory_space<vmem>>) target(%dma_start3A_468 : memref<10240x64xf32, #tpu.memory_space<vmem_shared>>) offsets(%dma_start3A_465 : memref<80xi32, #tpu.memory_space<vmem>>) semaphore(%arg19 : memref<!tpu.dma_semaphore, #tpu.memory_space<semaphore_mem>>) {add = true}
      %dma_wait3A_469 = arith.constant 0 : i32
      %dma_wait3A_470 = arith.constant 0 : i32
      %dma_wait3A_471 = arith.constant 0 : i32
      %dma_wait3A_472 = tpu.memref_slice %arg7[%dma_wait3A_469, %dma_wait3A_470, %dma_wait3A_471] : memref<2x5x80xi32, #tpu.memory_space<vmem>> -> memref<1x1x80xi32, #tpu.memory_space<vmem>>
      %dma_wait3A_473 = tpu.memref_squeeze %dma_wait3A_472 : memref<1x1x80xi32, #tpu.memory_space<vmem>> -> memref<80xi32, #tpu.memory_space<vmem>>
      %dma_wait3A_474 = arith.constant 0 : i32
      %dma_wait3A_475 = arith.constant 0 : i32
      %dma_wait3A_476 = tpu.memref_slice %arg4[%dma_wait3A_474, %dma_wait3A_475] : memref<10240x64xf32, #tpu.memory_space<hbm>> -> memref<10240x64xf32, #tpu.memory_space<hbm>>
      tpu.wait_indirect_dma semaphore(%arg15 : memref<!tpu.dma_semaphore, #tpu.memory_space<semaphore_mem>>) src(%dma_wait3A_476 : memref<10240x64xf32, #tpu.memory_space<hbm>>) dst(%arg10 : memref<80x64xf32, #tpu.memory_space<vmem>>)
      %dma_start3A_477 = arith.constant 1 : i32
      %dma_start3A_478 = arith.constant 0 : i32
      %dma_start3A_479 = tpu.memref_slice %arg8[%rem3A_452, %dma_start3A_477, %dma_start3A_478] : memref<2x5x80xi32, #tpu.memory_space<vmem>> -> memref<1x1x80xi32, #tpu.memory_space<vmem>>
      %dma_start3A_480 = tpu.memref_squeeze %dma_start3A_479 : memref<1x1x80xi32, #tpu.memory_space<vmem>> -> memref<80xi32, #tpu.memory_space<vmem>>
      %dma_start3A_481 = arith.constant 0 : i32
      %dma_start3A_482 = arith.constant 0 : i32
      %dma_start3A_483 = tpu.memref_slice %arg6[%dma_start3A_481, %dma_start3A_482] : memref<10240x64xf32, #tpu.memory_space<vmem_shared>> -> memref<10240x64xf32, #tpu.memory_space<vmem_shared>>
      tpu.enqueue_indirect_dma source(%arg10 : memref<80x64xf32, #tpu.memory_space<vmem>>) target(%dma_start3A_483 : memref<10240x64xf32, #tpu.memory_space<vmem_shared>>) offsets(%dma_start3A_480 : memref<80xi32, #tpu.memory_space<vmem>>) semaphore(%arg20 : memref<!tpu.dma_semaphore, #tpu.memory_space<semaphore_mem>>) {add = true}
      %dma_wait3A_484 = arith.constant 0 : i32
      %dma_wait3A_485 = arith.constant 0 : i32
      %dma_wait3A_486 = arith.constant 0 : i32
      %dma_wait3A_487 = tpu.memref_slice %arg7[%dma_wait3A_484, %dma_wait3A_485, %dma_wait3A_486] : memref<2x5x80xi32, #tpu.memory_space<vmem>> -> memref<1x1x80xi32, #tpu.memory_space<vmem>>
      %dma_wait3A_488 = tpu.memref_squeeze %dma_wait3A_487 : memref<1x1x80xi32, #tpu.memory_space<vmem>> -> memref<80xi32, #tpu.memory_space<vmem>>
      %dma_wait3A_489 = arith.constant 0 : i32
      %dma_wait3A_490 = arith.constant 0 : i32
      %dma_wait3A_491 = tpu.memref_slice %arg4[%dma_wait3A_489, %dma_wait3A_490] : memref<10240x64xf32, #tpu.memory_space<hbm>> -> memref<10240x64xf32, #tpu.memory_space<hbm>>
      tpu.wait_indirect_dma semaphore(%arg16 : memref<!tpu.dma_semaphore, #tpu.memory_space<semaphore_mem>>) src(%dma_wait3A_491 : memref<10240x64xf32, #tpu.memory_space<hbm>>) dst(%arg11 : memref<80x64xf32, #tpu.memory_space<vmem>>)
      %dma_start3A_492 = arith.constant 2 : i32
      %dma_start3A_493 = arith.constant 0 : i32
      %dma_start3A_494 = tpu.memref_slice %arg8[%rem3A_452, %dma_start3A_492, %dma_start3A_493] : memref<2x5x80xi32, #tpu.memory_space<vmem>> -> memref<1x1x80xi32, #tpu.memory_space<vmem>>
      %dma_start3A_495 = tpu.memref_squeeze %dma_start3A_494 : memref<1x1x80xi32, #tpu.memory_space<vmem>> -> memref<80xi32, #tpu.memory_space<vmem>>
      %dma_start3A_496 = arith.constant 0 : i32
      %dma_start3A_497 = arith.constant 0 : i32
      %dma_start3A_498 = tpu.memref_slice %arg6[%dma_start3A_496, %dma_start3A_497] : memref<10240x64xf32, #tpu.memory_space<vmem_shared>> -> memref<10240x64xf32, #tpu.memory_space<vmem_shared>>
      tpu.enqueue_indirect_dma source(%arg11 : memref<80x64xf32, #tpu.memory_space<vmem>>) target(%dma_start3A_498 : memref<10240x64xf32, #tpu.memory_space<vmem_shared>>) offsets(%dma_start3A_495 : memref<80xi32, #tpu.memory_space<vmem>>) semaphore(%arg21 : memref<!tpu.dma_semaphore, #tpu.memory_space<semaphore_mem>>) {add = true}
      %dma_wait3A_499 = arith.constant 0 : i32
      %dma_wait3A_500 = arith.constant 0 : i32
      %dma_wait3A_501 = arith.constant 0 : i32
      %dma_wait3A_502 = tpu.memref_slice %arg7[%dma_wait3A_499, %dma_wait3A_500, %dma_wait3A_501] : memref<2x5x80xi32, #tpu.memory_space<vmem>> -> memref<1x1x80xi32, #tpu.memory_space<vmem>>
      %dma_wait3A_503 = tpu.memref_squeeze %dma_wait3A_502 : memref<1x1x80xi32, #tpu.memory_space<vmem>> -> memref<80xi32, #tpu.memory_space<vmem>>
      %dma_wait3A_504 = arith.constant 0 : i32
      %dma_wait3A_505 = arith.constant 0 : i32
      %dma_wait3A_506 = tpu.memref_slice %arg4[%dma_wait3A_504, %dma_wait3A_505] : memref<10240x64xf32, #tpu.memory_space<hbm>> -> memref<10240x64xf32, #tpu.memory_space<hbm>>
      tpu.wait_indirect_dma semaphore(%arg17 : memref<!tpu.dma_semaphore, #tpu.memory_space<semaphore_mem>>) src(%dma_wait3A_506 : memref<10240x64xf32, #tpu.memory_space<hbm>>) dst(%arg12 : memref<80x64xf32, #tpu.memory_space<vmem>>)
      %dma_start3A_507 = arith.constant 3 : i32
      %dma_start3A_508 = arith.constant 0 : i32
      %dma_start3A_509 = tpu.memref_slice %arg8[%rem3A_452, %dma_start3A_507, %dma_start3A_508] : memref<2x5x80xi32, #tpu.memory_space<vmem>> -> memref<1x1x80xi32, #tpu.memory_space<vmem>>
      %dma_start3A_510 = tpu.memref_squeeze %dma_start3A_509 : memref<1x1x80xi32, #tpu.memory_space<vmem>> -> memref<80xi32, #tpu.memory_space<vmem>>
      %dma_start3A_511 = arith.constant 0 : i32
      %dma_start3A_512 = arith.constant 0 : i32
      %dma_start3A_513 = tpu.memref_slice %arg6[%dma_start3A_511, %dma_start3A_512] : memref<10240x64xf32, #tpu.memory_space<vmem_shared>> -> memref<10240x64xf32, #tpu.memory_space<vmem_shared>>
      tpu.enqueue_indirect_dma source(%arg12 : memref<80x64xf32, #tpu.memory_space<vmem>>) target(%dma_start3A_513 : memref<10240x64xf32, #tpu.memory_space<vmem_shared>>) offsets(%dma_start3A_510 : memref<80xi32, #tpu.memory_space<vmem>>) semaphore(%arg22 : memref<!tpu.dma_semaphore, #tpu.memory_space<semaphore_mem>>) {add = true}
      %dma_wait3A_514 = arith.constant 0 : i32
      %dma_wait3A_515 = arith.constant 0 : i32
      %dma_wait3A_516 = arith.constant 0 : i32
      %dma_wait3A_517 = tpu.memref_slice %arg7[%dma_wait3A_514, %dma_wait3A_515, %dma_wait3A_516] : memref<2x5x80xi32, #tpu.memory_space<vmem>> -> memref<1x1x80xi32, #tpu.memory_space<vmem>>
      %dma_wait3A_518 = tpu.memref_squeeze %dma_wait3A_517 : memref<1x1x80xi32, #tpu.memory_space<vmem>> -> memref<80xi32, #tpu.memory_space<vmem>>
      %dma_wait3A_519 = arith.constant 0 : i32
      %dma_wait3A_520 = arith.constant 0 : i32
      %dma_wait3A_521 = tpu.memref_slice %arg4[%dma_wait3A_519, %dma_wait3A_520] : memref<10240x64xf32, #tpu.memory_space<hbm>> -> memref<10240x64xf32, #tpu.memory_space<hbm>>
      tpu.wait_indirect_dma semaphore(%arg18 : memref<!tpu.dma_semaphore, #tpu.memory_space<semaphore_mem>>) src(%dma_wait3A_521 : memref<10240x64xf32, #tpu.memory_space<hbm>>) dst(%arg13 : memref<80x64xf32, #tpu.memory_space<vmem>>)
      %dma_start3A_522 = arith.constant 4 : i32
      %dma_start3A_523 = arith.constant 0 : i32
      %dma_start3A_524 = tpu.memref_slice %arg8[%rem3A_452, %dma_start3A_522, %dma_start3A_523] : memref<2x5x80xi32, #tpu.memory_space<vmem>> -> memref<1x1x80xi32, #tpu.memory_space<vmem>>
      %dma_start3A_525 = tpu.memref_squeeze %dma_start3A_524 : memref<1x1x80xi32, #tpu.memory_space<vmem>> -> memref<80xi32, #tpu.memory_space<vmem>>
      %dma_start3A_526 = arith.constant 0 : i32
      %dma_start3A_527 = arith.constant 0 : i32
      %dma_start3A_528 = tpu.memref_slice %arg6[%dma_start3A_526, %dma_start3A_527] : memref<10240x64xf32, #tpu.memory_space<vmem_shared>> -> memref<10240x64xf32, #tpu.memory_space<vmem_shared>>
      tpu.enqueue_indirect_dma source(%arg13 : memref<80x64xf32, #tpu.memory_space<vmem>>) target(%dma_start3A_528 : memref<10240x64xf32, #tpu.memory_space<vmem_shared>>) offsets(%dma_start3A_525 : memref<80xi32, #tpu.memory_space<vmem>>) semaphore(%arg23 : memref<!tpu.dma_semaphore, #tpu.memory_space<semaphore_mem>>) {add = true}
      %dma_wait3A_529 = arith.constant 0 : i32
      %dma_wait3A_530 = arith.constant 0 : i32
      %dma_wait3A_531 = arith.constant 0 : i32
      %dma_wait3A_532 = arith.constant 0 : i32
      %dma_wait3A_533 = tpu.memref_slice %arg7[%dma_wait3A_530, %dma_wait3A_531, %dma_wait3A_532] : memref<2x5x80xi32, #tpu.memory_space<vmem>> -> memref<1x5x80xi32, #tpu.memory_space<vmem>>
      %dma_wait3A_534 = tpu.memref_squeeze %dma_wait3A_533 : memref<1x5x80xi32, #tpu.memory_space<vmem>> -> memref<5x80xi32, #tpu.memory_space<vmem>>
      %dma_wait3A_535 = arith.constant 0 : i32
      %dma_wait3A_536 = arith.constant 0 : i32
      %dma_wait3A_537 = tpu.memref_slice %arg2[%arg0, %arg1, %dma_wait3A_529, %dma_wait3A_535, %dma_wait3A_536] : memref<2x16x25x5x80xi32, #tpu.memory_space<hbm>> -> memref<1x1x1x5x80xi32, #tpu.memory_space<hbm>>
      %dma_wait3A_538 = tpu.memref_squeeze %dma_wait3A_537 : memref<1x1x1x5x80xi32, #tpu.memory_space<hbm>> -> memref<5x80xi32, #tpu.memory_space<hbm>>
      %dma_wait3A_539 = arith.constant 0 : i32
      %dma_wait3A_540 = arith.constant 0 : i32
      %dma_wait3A_541 = tpu.memref_slice %arg7[%dma_wait3A_530, %dma_wait3A_539, %dma_wait3A_540] : memref<2x5x80xi32, #tpu.memory_space<vmem>> -> memref<1x5x80xi32, #tpu.memory_space<vmem>>
      %dma_wait3A_542 = tpu.memref_squeeze %dma_wait3A_541 : memref<1x5x80xi32, #tpu.memory_space<vmem>> -> memref<5x80xi32, #tpu.memory_space<vmem>>
      %dma_wait3A_543 = arith.constant 0 : i32
      %dma_wait3A_544 = arith.constant 0 : i32
      %dma_wait3A_545 = tpu.memref_slice %arg2[%arg0, %arg1, %dma_wait3A_529, %dma_wait3A_543, %dma_wait3A_544] : memref<2x16x25x5x80xi32, #tpu.memory_space<hbm>> -> memref<1x1x1x5x80xi32, #tpu.memory_space<hbm>>
      %dma_wait3A_546 = tpu.memref_squeeze %dma_wait3A_545 : memref<1x1x1x5x80xi32, #tpu.memory_space<hbm>> -> memref<5x80xi32, #tpu.memory_space<hbm>>
      tpu.wait_dma2 semaphore(%arg24 : memref<!tpu.dma_semaphore, #tpu.memory_space<semaphore_mem>>) src(%dma_wait3A_546 : memref<5x80xi32, #tpu.memory_space<hbm>>) dst(%dma_wait3A_542 : memref<5x80xi32, #tpu.memory_space<vmem>>)
      %dma_wait3A_547 = arith.constant 0 : i32
      %dma_wait3A_548 = arith.constant 0 : i32
      %dma_wait3A_549 = arith.constant 0 : i32
      %dma_wait3A_550 = arith.constant 0 : i32
      %dma_wait3A_551 = tpu.memref_slice %arg8[%dma_wait3A_548, %dma_wait3A_549, %dma_wait3A_550] : memref<2x5x80xi32, #tpu.memory_space<vmem>> -> memref<1x5x80xi32, #tpu.memory_space<vmem>>
      %dma_wait3A_552 = tpu.memref_squeeze %dma_wait3A_551 : memref<1x5x80xi32, #tpu.memory_space<vmem>> -> memref<5x80xi32, #tpu.memory_space<vmem>>
      %dma_wait3A_553 = arith.constant 0 : i32
      %dma_wait3A_554 = arith.constant 0 : i32
      %dma_wait3A_555 = tpu.memref_slice %arg3[%arg0, %arg1, %dma_wait3A_547, %dma_wait3A_553, %dma_wait3A_554] : memref<2x16x25x5x80xi32, #tpu.memory_space<hbm>> -> memref<1x1x1x5x80xi32, #tpu.memory_space<hbm>>
      %dma_wait3A_556 = tpu.memref_squeeze %dma_wait3A_555 : memref<1x1x1x5x80xi32, #tpu.memory_space<hbm>> -> memref<5x80xi32, #tpu.memory_space<hbm>>
      %dma_wait3A_557 = arith.constant 0 : i32
      %dma_wait3A_558 = arith.constant 0 : i32
      %dma_wait3A_559 = tpu.memref_slice %arg8[%dma_wait3A_548, %dma_wait3A_557, %dma_wait3A_558] : memref<2x5x80xi32, #tpu.memory_space<vmem>> -> memref<1x5x80xi32, #tpu.memory_space<vmem>>
      %dma_wait3A_560 = tpu.memref_squeeze %dma_wait3A_559 : memref<1x5x80xi32, #tpu.memory_space<vmem>> -> memref<5x80xi32, #tpu.memory_space<vmem>>
      %dma_wait3A_561 = arith.constant 0 : i32
      %dma_wait3A_562 = arith.constant 0 : i32
      %dma_wait3A_563 = tpu.memref_slice %arg3[%arg0, %arg1, %dma_wait3A_547, %dma_wait3A_561, %dma_wait3A_562] : memref<2x16x25x5x80xi32, #tpu.memory_space<hbm>> -> memref<1x1x1x5x80xi32, #tpu.memory_space<hbm>>
      %dma_wait3A_564 = tpu.memref_squeeze %dma_wait3A_563 : memref<1x1x1x5x80xi32, #tpu.memory_space<hbm>> -> memref<5x80xi32, #tpu.memory_space<hbm>>
      tpu.wait_dma2 semaphore(%arg25 : memref<!tpu.dma_semaphore, #tpu.memory_space<semaphore_mem>>) src(%dma_wait3A_564 : memref<5x80xi32, #tpu.memory_space<hbm>>) dst(%dma_wait3A_560 : memref<5x80xi32, #tpu.memory_space<vmem>>)
      %dma_wait3A_565 = arith.constant 0 : i32
      %dma_wait3A_566 = arith.constant 0 : i32
      %dma_wait3A_567 = arith.constant 0 : i32
      %dma_wait3A_568 = tpu.memref_slice %arg8[%dma_wait3A_565, %dma_wait3A_566, %dma_wait3A_567] : memref<2x5x80xi32, #tpu.memory_space<vmem>> -> memref<1x1x80xi32, #tpu.memory_space<vmem>>
      %dma_wait3A_569 = tpu.memref_squeeze %dma_wait3A_568 : memref<1x1x80xi32, #tpu.memory_space<vmem>> -> memref<80xi32, #tpu.memory_space<vmem>>
      %dma_wait3A_570 = arith.constant 0 : i32
      %dma_wait3A_571 = arith.constant 0 : i32
      %dma_wait3A_572 = tpu.memref_slice %arg6[%dma_wait3A_570, %dma_wait3A_571] : memref<10240x64xf32, #tpu.memory_space<vmem_shared>> -> memref<10240x64xf32, #tpu.memory_space<vmem_shared>>
      tpu.wait_indirect_dma semaphore(%arg19 : memref<!tpu.dma_semaphore, #tpu.memory_space<semaphore_mem>>) src(%arg9 : memref<80x64xf32, #tpu.memory_space<vmem>>) dst(%dma_wait3A_572 : memref<10240x64xf32, #tpu.memory_space<vmem_shared>>)
      %dma_start3A_573 = arith.constant 0 : i32
      %dma_start3A_574 = arith.constant 0 : i32
      %dma_start3A_575 = tpu.memref_slice %arg7[%sub3A_453, %dma_start3A_573, %dma_start3A_574] : memref<2x5x80xi32, #tpu.memory_space<vmem>> -> memref<1x1x80xi32, #tpu.memory_space<vmem>>
      %dma_start3A_576 = tpu.memref_squeeze %dma_start3A_575 : memref<1x1x80xi32, #tpu.memory_space<vmem>> -> memref<80xi32, #tpu.memory_space<vmem>>
      %dma_start3A_577 = arith.constant 0 : i32
      %dma_start3A_578 = arith.constant 0 : i32
      %dma_start3A_579 = tpu.memref_slice %arg4[%dma_start3A_577, %dma_start3A_578] : memref<10240x64xf32, #tpu.memory_space<hbm>> -> memref<10240x64xf32, #tpu.memory_space<hbm>>
      tpu.enqueue_indirect_dma source(%dma_start3A_579 : memref<10240x64xf32, #tpu.memory_space<hbm>>) target(%arg9 : memref<80x64xf32, #tpu.memory_space<vmem>>) offsets(%dma_start3A_576 : memref<80xi32, #tpu.memory_space<vmem>>) semaphore(%arg14 : memref<!tpu.dma_semaphore, #tpu.memory_space<semaphore_mem>>)
      %dma_wait3A_580 = arith.constant 0 : i32
      %dma_wait3A_581 = arith.constant 0 : i32
      %dma_wait3A_582 = arith.constant 0 : i32
      %dma_wait3A_583 = tpu.memref_slice %arg8[%dma_wait3A_580, %dma_wait3A_581, %dma_wait3A_582] : memref<2x5x80xi32, #tpu.memory_space<vmem>> -> memref<1x1x80xi32, #tpu.memory_space<vmem>>
      %dma_wait3A_584 = tpu.memref_squeeze %dma_wait3A_583 : memref<1x1x80xi32, #tpu.memory_space<vmem>> -> memref<80xi32, #tpu.memory_space<vmem>>
      %dma_wait3A_585 = arith.constant 0 : i32
      %dma_wait3A_586 = arith.constant 0 : i32
      %dma_wait3A_587 = tpu.memref_slice %arg6[%dma_wait3A_585, %dma_wait3A_586] : memref<10240x64xf32, #tpu.memory_space<vmem_shared>> -> memref<10240x64xf32, #tpu.memory_space<vmem_shared>>
      tpu.wait_indirect_dma semaphore(%arg20 : memref<!tpu.dma_semaphore, #tpu.memory_space<semaphore_mem>>) src(%arg10 : memref<80x64xf32, #tpu.memory_space<vmem>>) dst(%dma_wait3A_587 : memref<10240x64xf32, #tpu.memory_space<vmem_shared>>)
      %dma_start3A_588 = arith.constant 1 : i32
      %dma_start3A_589 = arith.constant 0 : i32
      %dma_start3A_590 = tpu.memref_slice %arg7[%sub3A_453, %dma_start3A_588, %dma_start3A_589] : memref<2x5x80xi32, #tpu.memory_space<vmem>> -> memref<1x1x80xi32, #tpu.memory_space<vmem>>
      %dma_start3A_591 = tpu.memref_squeeze %dma_start3A_590 : memref<1x1x80xi32, #tpu.memory_space<vmem>> -> memref<80xi32, #tpu.memory_space<vmem>>
      %dma_start3A_592 = arith.constant 0 : i32
      %dma_start3A_593 = arith.constant 0 : i32
      %dma_start3A_594 = tpu.memref_slice %arg4[%dma_start3A_592, %dma_start3A_593] : memref<10240x64xf32, #tpu.memory_space<hbm>> -> memref<10240x64xf32, #tpu.memory_space<hbm>>
      tpu.enqueue_indirect_dma source(%dma_start3A_594 : memref<10240x64xf32, #tpu.memory_space<hbm>>) target(%arg10 : memref<80x64xf32, #tpu.memory_space<vmem>>) offsets(%dma_start3A_591 : memref<80xi32, #tpu.memory_space<vmem>>) semaphore(%arg15 : memref<!tpu.dma_semaphore, #tpu.memory_space<semaphore_mem>>)
      %dma_wait3A_595 = arith.constant 0 : i32
      %dma_wait3A_596 = arith.constant 0 : i32
      %dma_wait3A_597 = arith.constant 0 : i32
      %dma_wait3A_598 = tpu.memref_slice %arg8[%dma_wait3A_595, %dma_wait3A_596, %dma_wait3A_597] : memref<2x5x80xi32, #tpu.memory_space<vmem>> -> memref<1x1x80xi32, #tpu.memory_space<vmem>>
      %dma_wait3A_599 = tpu.memref_squeeze %dma_wait3A_598 : memref<1x1x80xi32, #tpu.memory_space<vmem>> -> memref<80xi32, #tpu.memory_space<vmem>>
      %dma_wait3A_600 = arith.constant 0 : i32
      %dma_wait3A_601 = arith.constant 0 : i32
      %dma_wait3A_602 = tpu.memref_slice %arg6[%dma_wait3A_600, %dma_wait3A_601] : memref<10240x64xf32, #tpu.memory_space<vmem_shared>> -> memref<10240x64xf32, #tpu.memory_space<vmem_shared>>
      tpu.wait_indirect_dma semaphore(%arg21 : memref<!tpu.dma_semaphore, #tpu.memory_space<semaphore_mem>>) src(%arg11 : memref<80x64xf32, #tpu.memory_space<vmem>>) dst(%dma_wait3A_602 : memref<10240x64xf32, #tpu.memory_space<vmem_shared>>)
      %dma_start3A_603 = arith.constant 2 : i32
      %dma_start3A_604 = arith.constant 0 : i32
      %dma_start3A_605 = tpu.memref_slice %arg7[%sub3A_453, %dma_start3A_603, %dma_start3A_604] : memref<2x5x80xi32, #tpu.memory_space<vmem>> -> memref<1x1x80xi32, #tpu.memory_space<vmem>>
      %dma_start3A_606 = tpu.memref_squeeze %dma_start3A_605 : memref<1x1x80xi32, #tpu.memory_space<vmem>> -> memref<80xi32, #tpu.memory_space<vmem>>
      %dma_start3A_607 = arith.constant 0 : i32
      %dma_start3A_608 = arith.constant 0 : i32
      %dma_start3A_609 = tpu.memref_slice %arg4[%dma_start3A_607, %dma_start3A_608] : memref<10240x64xf32, #tpu.memory_space<hbm>> -> memref<10240x64xf32, #tpu.memory_space<hbm>>
      tpu.enqueue_indirect_dma source(%dma_start3A_609 : memref<10240x64xf32, #tpu.memory_space<hbm>>) target(%arg11 : memref<80x64xf32, #tpu.memory_space<vmem>>) offsets(%dma_start3A_606 : memref<80xi32, #tpu.memory_space<vmem>>) semaphore(%arg16 : memref<!tpu.dma_semaphore, #tpu.memory_space<semaphore_mem>>)
      %dma_wait3A_610 = arith.constant 0 : i32
      %dma_wait3A_611 = arith.constant 0 : i32
      %dma_wait3A_612 = arith.constant 0 : i32
      %dma_wait3A_613 = tpu.memref_slice %arg8[%dma_wait3A_610, %dma_wait3A_611, %dma_wait3A_612] : memref<2x5x80xi32, #tpu.memory_space<vmem>> -> memref<1x1x80xi32, #tpu.memory_space<vmem>>
      %dma_wait3A_614 = tpu.memref_squeeze %dma_wait3A_613 : memref<1x1x80xi32, #tpu.memory_space<vmem>> -> memref<80xi32, #tpu.memory_space<vmem>>
      %dma_wait3A_615 = arith.constant 0 : i32
      %dma_wait3A_616 = arith.constant 0 : i32
      %dma_wait3A_617 = tpu.memref_slice %arg6[%dma_wait3A_615, %dma_wait3A_616] : memref<10240x64xf32, #tpu.memory_space<vmem_shared>> -> memref<10240x64xf32, #tpu.memory_space<vmem_shared>>
      tpu.wait_indirect_dma semaphore(%arg22 : memref<!tpu.dma_semaphore, #tpu.memory_space<semaphore_mem>>) src(%arg12 : memref<80x64xf32, #tpu.memory_space<vmem>>) dst(%dma_wait3A_617 : memref<10240x64xf32, #tpu.memory_space<vmem_shared>>)
      %dma_start3A_618 = arith.constant 3 : i32
      %dma_start3A_619 = arith.constant 0 : i32
      %dma_start3A_620 = tpu.memref_slice %arg7[%sub3A_453, %dma_start3A_618, %dma_start3A_619] : memref<2x5x80xi32, #tpu.memory_space<vmem>> -> memref<1x1x80xi32, #tpu.memory_space<vmem>>
      %dma_start3A_621 = tpu.memref_squeeze %dma_start3A_620 : memref<1x1x80xi32, #tpu.memory_space<vmem>> -> memref<80xi32, #tpu.memory_space<vmem>>
      %dma_start3A_622 = arith.constant 0 : i32
      %dma_start3A_623 = arith.constant 0 : i32
      %dma_start3A_624 = tpu.memref_slice %arg4[%dma_start3A_622, %dma_start3A_623] : memref<10240x64xf32, #tpu.memory_space<hbm>> -> memref<10240x64xf32, #tpu.memory_space<hbm>>
      tpu.enqueue_indirect_dma source(%dma_start3A_624 : memref<10240x64xf32, #tpu.memory_space<hbm>>) target(%arg12 : memref<80x64xf32, #tpu.memory_space<vmem>>) offsets(%dma_start3A_621 : memref<80xi32, #tpu.memory_space<vmem>>) semaphore(%arg17 : memref<!tpu.dma_semaphore, #tpu.memory_space<semaphore_mem>>)
      %dma_wait3A_625 = arith.constant 0 : i32
      %dma_wait3A_626 = arith.constant 0 : i32
      %dma_wait3A_627 = arith.constant 0 : i32
      %dma_wait3A_628 = tpu.memref_slice %arg8[%dma_wait3A_625, %dma_wait3A_626, %dma_wait3A_627] : memref<2x5x80xi32, #tpu.memory_space<vmem>> -> memref<1x1x80xi32, #tpu.memory_space<vmem>>
      %dma_wait3A_629 = tpu.memref_squeeze %dma_wait3A_628 : memref<1x1x80xi32, #tpu.memory_space<vmem>> -> memref<80xi32, #tpu.memory_space<vmem>>
      %dma_wait3A_630 = arith.constant 0 : i32
      %dma_wait3A_631 = arith.constant 0 : i32
      %dma_wait3A_632 = tpu.memref_slice %arg6[%dma_wait3A_630, %dma_wait3A_631] : memref<10240x64xf32, #tpu.memory_space<vmem_shared>> -> memref<10240x64xf32, #tpu.memory_space<vmem_shared>>
      tpu.wait_indirect_dma semaphore(%arg23 : memref<!tpu.dma_semaphore, #tpu.memory_space<semaphore_mem>>) src(%arg13 : memref<80x64xf32, #tpu.memory_space<vmem>>) dst(%dma_wait3A_632 : memref<10240x64xf32, #tpu.memory_space<vmem_shared>>)
      %dma_start3A_633 = arith.constant 4 : i32
      %dma_start3A_634 = arith.constant 0 : i32
      %dma_start3A_635 = tpu.memref_slice %arg7[%sub3A_453, %dma_start3A_633, %dma_start3A_634] : memref<2x5x80xi32, #tpu.memory_space<vmem>> -> memref<1x1x80xi32, #tpu.memory_space<vmem>>
      %dma_start3A_636 = tpu.memref_squeeze %dma_start3A_635 : memref<1x1x80xi32, #tpu.memory_space<vmem>> -> memref<80xi32, #tpu.memory_space<vmem>>
      %dma_start3A_637 = arith.constant 0 : i32
      %dma_start3A_638 = arith.constant 0 : i32
      %dma_start3A_639 = tpu.memref_slice %arg4[%dma_start3A_637, %dma_start3A_638] : memref<10240x64xf32, #tpu.memory_space<hbm>> -> memref<10240x64xf32, #tpu.memory_space<hbm>>
      tpu.enqueue_indirect_dma source(%dma_start3A_639 : memref<10240x64xf32, #tpu.memory_space<hbm>>) target(%arg13 : memref<80x64xf32, #tpu.memory_space<vmem>>) offsets(%dma_start3A_636 : memref<80xi32, #tpu.memory_space<vmem>>) semaphore(%arg18 : memref<!tpu.dma_semaphore, #tpu.memory_space<semaphore_mem>>)
      %add3A_640 = arith.constant 2 : i32
      %add3A_641 = arith.addi %scan3A_450, %add3A_640 : i32
      %min3A_642 = arith.constant 24 : i32
      %min3A_643 = arith.minsi %add3A_641, %min3A_642 : i32
      %dma_start3A_644 = arith.constant 0 : i32
      %dma_start3A_645 = arith.constant 0 : i32
      %dma_start3A_646 = tpu.memref_slice %arg7[%rem3A_452, %dma_start3A_644, %dma_start3A_645] : memref<2x5x80xi32, #tpu.memory_space<vmem>> -> memref<1x5x80xi32, #tpu.memory_space<vmem>>
      %dma_start3A_647 = tpu.memref_squeeze %dma_start3A_646 : memref<1x5x80xi32, #tpu.memory_space<vmem>> -> memref<5x80xi32, #tpu.memory_space<vmem>>
      %dma_start3A_648 = arith.constant 0 : i32
      %dma_start3A_649 = arith.constant 0 : i32
      %dma_start3A_650 = tpu.memref_slice %arg2[%arg0, %arg1, %min3A_643, %dma_start3A_648, %dma_start3A_649] : memref<2x16x25x5x80xi32, #tpu.memory_space<hbm>> -> memref<1x1x1x5x80xi32, #tpu.memory_space<hbm>>
      %dma_start3A_651 = tpu.memref_squeeze %dma_start3A_650 : memref<1x1x1x5x80xi32, #tpu.memory_space<hbm>> -> memref<5x80xi32, #tpu.memory_space<hbm>>
      %dma_start3A_652 = arith.constant 0 : i32
      %dma_start3A_653 = arith.constant 0 : i32
      %dma_start3A_654 = tpu.memref_slice %arg7[%rem3A_452, %dma_start3A_652, %dma_start3A_653] : memref<2x5x80xi32, #tpu.memory_space<vmem>> -> memref<1x5x80xi32, #tpu.memory_space<vmem>>
      %dma_start3A_655 = tpu.memref_squeeze %dma_start3A_654 : memref<1x5x80xi32, #tpu.memory_space<vmem>> -> memref<5x80xi32, #tpu.memory_space<vmem>>
      %dma_start3A_656 = arith.constant 0 : i32
      %dma_start3A_657 = arith.constant 0 : i32
      %dma_start3A_658 = tpu.memref_slice %arg2[%arg0, %arg1, %min3A_643, %dma_start3A_656, %dma_start3A_657] : memref<2x16x25x5x80xi32, #tpu.memory_space<hbm>> -> memref<1x1x1x5x80xi32, #tpu.memory_space<hbm>>
      %dma_start3A_659 = tpu.memref_squeeze %dma_start3A_658 : memref<1x1x1x5x80xi32, #tpu.memory_space<hbm>> -> memref<5x80xi32, #tpu.memory_space<hbm>>
      tpu.enqueue_dma source(%dma_start3A_659 : memref<5x80xi32, #tpu.memory_space<hbm>>) target(%dma_start3A_655 : memref<5x80xi32, #tpu.memory_space<vmem>>) target_semaphore(%arg24 : memref<!tpu.dma_semaphore, #tpu.memory_space<semaphore_mem>>)
      %dma_start3A_660 = arith.constant 0 : i32
      %dma_start3A_661 = arith.constant 0 : i32
      %dma_start3A_662 = tpu.memref_slice %arg8[%rem3A_452, %dma_start3A_660, %dma_start3A_661] : memref<2x5x80xi32, #tpu.memory_space<vmem>> -> memref<1x5x80xi32, #tpu.memory_space<vmem>>
      %dma_start3A_663 = tpu.memref_squeeze %dma_start3A_662 : memref<1x5x80xi32, #tpu.memory_space<vmem>> -> memref<5x80xi32, #tpu.memory_space<vmem>>
      %dma_start3A_664 = arith.constant 0 : i32
      %dma_start3A_665 = arith.constant 0 : i32
      %dma_start3A_666 = tpu.memref_slice %arg3[%arg0, %arg1, %min3A_643, %dma_start3A_664, %dma_start3A_665] : memref<2x16x25x5x80xi32, #tpu.memory_space<hbm>> -> memref<1x1x1x5x80xi32, #tpu.memory_space<hbm>>
      %dma_start3A_667 = tpu.memref_squeeze %dma_start3A_666 : memref<1x1x1x5x80xi32, #tpu.memory_space<hbm>> -> memref<5x80xi32, #tpu.memory_space<hbm>>
      %dma_start3A_668 = arith.constant 0 : i32
      %dma_start3A_669 = arith.constant 0 : i32
      %dma_start3A_670 = tpu.memref_slice %arg8[%rem3A_452, %dma_start3A_668, %dma_start3A_669] : memref<2x5x80xi32, #tpu.memory_space<vmem>> -> memref<1x5x80xi32, #tpu.memory_space<vmem>>
      %dma_start3A_671 = tpu.memref_squeeze %dma_start3A_670 : memref<1x5x80xi32, #tpu.memory_space<vmem>> -> memref<5x80xi32, #tpu.memory_space<vmem>>
      %dma_start3A_672 = arith.constant 0 : i32
      %dma_start3A_673 = arith.constant 0 : i32
      %dma_start3A_674 = tpu.memref_slice %arg3[%arg0, %arg1, %min3A_643, %dma_start3A_672, %dma_start3A_673] : memref<2x16x25x5x80xi32, #tpu.memory_space<hbm>> -> memref<1x1x1x5x80xi32, #tpu.memory_space<hbm>>
      %dma_start3A_675 = tpu.memref_squeeze %dma_start3A_674 : memref<1x1x1x5x80xi32, #tpu.memory_space<hbm>> -> memref<5x80xi32, #tpu.memory_space<hbm>>
      tpu.enqueue_dma source(%dma_start3A_675 : memref<5x80xi32, #tpu.memory_space<hbm>>) target(%dma_start3A_671 : memref<5x80xi32, #tpu.memory_space<vmem>>) target_semaphore(%arg25 : memref<!tpu.dma_semaphore, #tpu.memory_space<semaphore_mem>>)
      %scan3A_676 = arith.constant 0 : i32
      scf.yield %scan3A_676 : i32
    }
    %scan3A_285 = arith.constant 24 : i32
    %dma_wait3A_286 = arith.constant 0 : i32
    %dma_wait3A_287 = arith.constant 0 : i32
    %dma_wait3A_288 = arith.constant 0 : i32
    %dma_wait3A_289 = tpu.memref_slice %arg7[%dma_wait3A_286, %dma_wait3A_287, %dma_wait3A_288] : memref<2x5x80xi32, #tpu.memory_space<vmem>> -> memref<1x1x80xi32, #tpu.memory_space<vmem>>
    %dma_wait3A_290 = tpu.memref_squeeze %dma_wait3A_289 : memref<1x1x80xi32, #tpu.memory_space<vmem>> -> memref<80xi32, #tpu.memory_space<vmem>>
    %dma_wait3A_291 = arith.constant 0 : i32
    %dma_wait3A_292 = arith.constant 0 : i32
    %dma_wait3A_293 = tpu.memref_slice %arg4[%dma_wait3A_291, %dma_wait3A_292] : memref<10240x64xf32, #tpu.memory_space<hbm>> -> memref<10240x64xf32, #tpu.memory_space<hbm>>
    tpu.wait_indirect_dma semaphore(%arg14 : memref<!tpu.dma_semaphore, #tpu.memory_space<semaphore_mem>>) src(%dma_wait3A_293 : memref<10240x64xf32, #tpu.memory_space<hbm>>) dst(%arg9 : memref<80x64xf32, #tpu.memory_space<vmem>>)
    %dma_start3A_294 = arith.constant 0 : i32
    %dma_start3A_295 = arith.constant 0 : i32
    %dma_start3A_296 = arith.constant 0 : i32
    %dma_start3A_297 = tpu.memref_slice %arg8[%dma_start3A_294, %dma_start3A_295, %dma_start3A_296] : memref<2x5x80xi32, #tpu.memory_space<vmem>> -> memref<1x1x80xi32, #tpu.memory_space<vmem>>
    %dma_start3A_298 = tpu.memref_squeeze %dma_start3A_297 : memref<1x1x80xi32, #tpu.memory_space<vmem>> -> memref<80xi32, #tpu.memory_space<vmem>>
    %dma_start3A_299 = arith.constant 0 : i32
    %dma_start3A_300 = arith.constant 0 : i32
    %dma_start3A_301 = tpu.memref_slice %arg6[%dma_start3A_299, %dma_start3A_300] : memref<10240x64xf32, #tpu.memory_space<vmem_shared>> -> memref<10240x64xf32, #tpu.memory_space<vmem_shared>>
    tpu.enqueue_indirect_dma source(%arg9 : memref<80x64xf32, #tpu.memory_space<vmem>>) target(%dma_start3A_301 : memref<10240x64xf32, #tpu.memory_space<vmem_shared>>) offsets(%dma_start3A_298 : memref<80xi32, #tpu.memory_space<vmem>>) semaphore(%arg19 : memref<!tpu.dma_semaphore, #tpu.memory_space<semaphore_mem>>) {add = true}
    %dma_wait3A_302 = arith.constant 0 : i32
    %dma_wait3A_303 = arith.constant 0 : i32
    %dma_wait3A_304 = arith.constant 0 : i32
    %dma_wait3A_305 = tpu.memref_slice %arg7[%dma_wait3A_302, %dma_wait3A_303, %dma_wait3A_304] : memref<2x5x80xi32, #tpu.memory_space<vmem>> -> memref<1x1x80xi32, #tpu.memory_space<vmem>>
    %dma_wait3A_306 = tpu.memref_squeeze %dma_wait3A_305 : memref<1x1x80xi32, #tpu.memory_space<vmem>> -> memref<80xi32, #tpu.memory_space<vmem>>
    %dma_wait3A_307 = arith.constant 0 : i32
    %dma_wait3A_308 = arith.constant 0 : i32
    %dma_wait3A_309 = tpu.memref_slice %arg4[%dma_wait3A_307, %dma_wait3A_308] : memref<10240x64xf32, #tpu.memory_space<hbm>> -> memref<10240x64xf32, #tpu.memory_space<hbm>>
    tpu.wait_indirect_dma semaphore(%arg15 : memref<!tpu.dma_semaphore, #tpu.memory_space<semaphore_mem>>) src(%dma_wait3A_309 : memref<10240x64xf32, #tpu.memory_space<hbm>>) dst(%arg10 : memref<80x64xf32, #tpu.memory_space<vmem>>)
    %dma_start3A_310 = arith.constant 0 : i32
    %dma_start3A_311 = arith.constant 1 : i32
    %dma_start3A_312 = arith.constant 0 : i32
    %dma_start3A_313 = tpu.memref_slice %arg8[%dma_start3A_310, %dma_start3A_311, %dma_start3A_312] : memref<2x5x80xi32, #tpu.memory_space<vmem>> -> memref<1x1x80xi32, #tpu.memory_space<vmem>>
    %dma_start3A_314 = tpu.memref_squeeze %dma_start3A_313 : memref<1x1x80xi32, #tpu.memory_space<vmem>> -> memref<80xi32, #tpu.memory_space<vmem>>
    %dma_start3A_315 = arith.constant 0 : i32
    %dma_start3A_316 = arith.constant 0 : i32
    %dma_start3A_317 = tpu.memref_slice %arg6[%dma_start3A_315, %dma_start3A_316] : memref<10240x64xf32, #tpu.memory_space<vmem_shared>> -> memref<10240x64xf32, #tpu.memory_space<vmem_shared>>
    tpu.enqueue_indirect_dma source(%arg10 : memref<80x64xf32, #tpu.memory_space<vmem>>) target(%dma_start3A_317 : memref<10240x64xf32, #tpu.memory_space<vmem_shared>>) offsets(%dma_start3A_314 : memref<80xi32, #tpu.memory_space<vmem>>) semaphore(%arg20 : memref<!tpu.dma_semaphore, #tpu.memory_space<semaphore_mem>>) {add = true}
    %dma_wait3A_318 = arith.constant 0 : i32
    %dma_wait3A_319 = arith.constant 0 : i32
    %dma_wait3A_320 = arith.constant 0 : i32
    %dma_wait3A_321 = tpu.memref_slice %arg7[%dma_wait3A_318, %dma_wait3A_319, %dma_wait3A_320] : memref<2x5x80xi32, #tpu.memory_space<vmem>> -> memref<1x1x80xi32, #tpu.memory_space<vmem>>
    %dma_wait3A_322 = tpu.memref_squeeze %dma_wait3A_321 : memref<1x1x80xi32, #tpu.memory_space<vmem>> -> memref<80xi32, #tpu.memory_space<vmem>>
    %dma_wait3A_323 = arith.constant 0 : i32
    %dma_wait3A_324 = arith.constant 0 : i32
    %dma_wait3A_325 = tpu.memref_slice %arg4[%dma_wait3A_323, %dma_wait3A_324] : memref<10240x64xf32, #tpu.memory_space<hbm>> -> memref<10240x64xf32, #tpu.memory_space<hbm>>
    tpu.wait_indirect_dma semaphore(%arg16 : memref<!tpu.dma_semaphore, #tpu.memory_space<semaphore_mem>>) src(%dma_wait3A_325 : memref<10240x64xf32, #tpu.memory_space<hbm>>) dst(%arg11 : memref<80x64xf32, #tpu.memory_space<vmem>>)
    %dma_start3A_326 = arith.constant 0 : i32
    %dma_start3A_327 = arith.constant 2 : i32
    %dma_start3A_328 = arith.constant 0 : i32
    %dma_start3A_329 = tpu.memref_slice %arg8[%dma_start3A_326, %dma_start3A_327, %dma_start3A_328] : memref<2x5x80xi32, #tpu.memory_space<vmem>> -> memref<1x1x80xi32, #tpu.memory_space<vmem>>
    %dma_start3A_330 = tpu.memref_squeeze %dma_start3A_329 : memref<1x1x80xi32, #tpu.memory_space<vmem>> -> memref<80xi32, #tpu.memory_space<vmem>>
    %dma_start3A_331 = arith.constant 0 : i32
    %dma_start3A_332 = arith.constant 0 : i32
    %dma_start3A_333 = tpu.memref_slice %arg6[%dma_start3A_331, %dma_start3A_332] : memref<10240x64xf32, #tpu.memory_space<vmem_shared>> -> memref<10240x64xf32, #tpu.memory_space<vmem_shared>>
    tpu.enqueue_indirect_dma source(%arg11 : memref<80x64xf32, #tpu.memory_space<vmem>>) target(%dma_start3A_333 : memref<10240x64xf32, #tpu.memory_space<vmem_shared>>) offsets(%dma_start3A_330 : memref<80xi32, #tpu.memory_space<vmem>>) semaphore(%arg21 : memref<!tpu.dma_semaphore, #tpu.memory_space<semaphore_mem>>) {add = true}
    %dma_wait3A_334 = arith.constant 0 : i32
    %dma_wait3A_335 = arith.constant 0 : i32
    %dma_wait3A_336 = arith.constant 0 : i32
    %dma_wait3A_337 = tpu.memref_slice %arg7[%dma_wait3A_334, %dma_wait3A_335, %dma_wait3A_336] : memref<2x5x80xi32, #tpu.memory_space<vmem>> -> memref<1x1x80xi32, #tpu.memory_space<vmem>>
    %dma_wait3A_338 = tpu.memref_squeeze %dma_wait3A_337 : memref<1x1x80xi32, #tpu.memory_space<vmem>> -> memref<80xi32, #tpu.memory_space<vmem>>
    %dma_wait3A_339 = arith.constant 0 : i32
    %dma_wait3A_340 = arith.constant 0 : i32
    %dma_wait3A_341 = tpu.memref_slice %arg4[%dma_wait3A_339, %dma_wait3A_340] : memref<10240x64xf32, #tpu.memory_space<hbm>> -> memref<10240x64xf32, #tpu.memory_space<hbm>>
    tpu.wait_indirect_dma semaphore(%arg17 : memref<!tpu.dma_semaphore, #tpu.memory_space<semaphore_mem>>) src(%dma_wait3A_341 : memref<10240x64xf32, #tpu.memory_space<hbm>>) dst(%arg12 : memref<80x64xf32, #tpu.memory_space<vmem>>)
    %dma_start3A_342 = arith.constant 0 : i32
    %dma_start3A_343 = arith.constant 3 : i32
    %dma_start3A_344 = arith.constant 0 : i32
    %dma_start3A_345 = tpu.memref_slice %arg8[%dma_start3A_342, %dma_start3A_343, %dma_start3A_344] : memref<2x5x80xi32, #tpu.memory_space<vmem>> -> memref<1x1x80xi32, #tpu.memory_space<vmem>>
    %dma_start3A_346 = tpu.memref_squeeze %dma_start3A_345 : memref<1x1x80xi32, #tpu.memory_space<vmem>> -> memref<80xi32, #tpu.memory_space<vmem>>
    %dma_start3A_347 = arith.constant 0 : i32
    %dma_start3A_348 = arith.constant 0 : i32
    %dma_start3A_349 = tpu.memref_slice %arg6[%dma_start3A_347, %dma_start3A_348] : memref<10240x64xf32, #tpu.memory_space<vmem_shared>> -> memref<10240x64xf32, #tpu.memory_space<vmem_shared>>
    tpu.enqueue_indirect_dma source(%arg12 : memref<80x64xf32, #tpu.memory_space<vmem>>) target(%dma_start3A_349 : memref<10240x64xf32, #tpu.memory_space<vmem_shared>>) offsets(%dma_start3A_346 : memref<80xi32, #tpu.memory_space<vmem>>) semaphore(%arg22 : memref<!tpu.dma_semaphore, #tpu.memory_space<semaphore_mem>>) {add = true}
    %dma_wait3A_350 = arith.constant 0 : i32
    %dma_wait3A_351 = arith.constant 0 : i32
    %dma_wait3A_352 = arith.constant 0 : i32
    %dma_wait3A_353 = tpu.memref_slice %arg7[%dma_wait3A_350, %dma_wait3A_351, %dma_wait3A_352] : memref<2x5x80xi32, #tpu.memory_space<vmem>> -> memref<1x1x80xi32, #tpu.memory_space<vmem>>
    %dma_wait3A_354 = tpu.memref_squeeze %dma_wait3A_353 : memref<1x1x80xi32, #tpu.memory_space<vmem>> -> memref<80xi32, #tpu.memory_space<vmem>>
    %dma_wait3A_355 = arith.constant 0 : i32
    %dma_wait3A_356 = arith.constant 0 : i32
    %dma_wait3A_357 = tpu.memref_slice %arg4[%dma_wait3A_355, %dma_wait3A_356] : memref<10240x64xf32, #tpu.memory_space<hbm>> -> memref<10240x64xf32, #tpu.memory_space<hbm>>
    tpu.wait_indirect_dma semaphore(%arg18 : memref<!tpu.dma_semaphore, #tpu.memory_space<semaphore_mem>>) src(%dma_wait3A_357 : memref<10240x64xf32, #tpu.memory_space<hbm>>) dst(%arg13 : memref<80x64xf32, #tpu.memory_space<vmem>>)
    %dma_start3A_358 = arith.constant 0 : i32
    %dma_start3A_359 = arith.constant 4 : i32
    %dma_start3A_360 = arith.constant 0 : i32
    %dma_start3A_361 = tpu.memref_slice %arg8[%dma_start3A_358, %dma_start3A_359, %dma_start3A_360] : memref<2x5x80xi32, #tpu.memory_space<vmem>> -> memref<1x1x80xi32, #tpu.memory_space<vmem>>
    %dma_start3A_362 = tpu.memref_squeeze %dma_start3A_361 : memref<1x1x80xi32, #tpu.memory_space<vmem>> -> memref<80xi32, #tpu.memory_space<vmem>>
    %dma_start3A_363 = arith.constant 0 : i32
    %dma_start3A_364 = arith.constant 0 : i32
    %dma_start3A_365 = tpu.memref_slice %arg6[%dma_start3A_363, %dma_start3A_364] : memref<10240x64xf32, #tpu.memory_space<vmem_shared>> -> memref<10240x64xf32, #tpu.memory_space<vmem_shared>>
    tpu.enqueue_indirect_dma source(%arg13 : memref<80x64xf32, #tpu.memory_space<vmem>>) target(%dma_start3A_365 : memref<10240x64xf32, #tpu.memory_space<vmem_shared>>) offsets(%dma_start3A_362 : memref<80xi32, #tpu.memory_space<vmem>>) semaphore(%arg23 : memref<!tpu.dma_semaphore, #tpu.memory_space<semaphore_mem>>) {add = true}
    %dma_wait3A_366 = arith.constant 0 : i32
    %dma_wait3A_367 = arith.constant 0 : i32
    %dma_wait3A_368 = arith.constant 0 : i32
    %dma_wait3A_369 = arith.constant 0 : i32
    %dma_wait3A_370 = tpu.memref_slice %arg7[%dma_wait3A_367, %dma_wait3A_368, %dma_wait3A_369] : memref<2x5x80xi32, #tpu.memory_space<vmem>> -> memref<1x5x80xi32, #tpu.memory_space<vmem>>
    %dma_wait3A_371 = tpu.memref_squeeze %dma_wait3A_370 : memref<1x5x80xi32, #tpu.memory_space<vmem>> -> memref<5x80xi32, #tpu.memory_space<vmem>>
    %dma_wait3A_372 = arith.constant 0 : i32
    %dma_wait3A_373 = arith.constant 0 : i32
    %dma_wait3A_374 = tpu.memref_slice %arg2[%arg0, %arg1, %dma_wait3A_366, %dma_wait3A_372, %dma_wait3A_373] : memref<2x16x25x5x80xi32, #tpu.memory_space<hbm>> -> memref<1x1x1x5x80xi32, #tpu.memory_space<hbm>>
    %dma_wait3A_375 = tpu.memref_squeeze %dma_wait3A_374 : memref<1x1x1x5x80xi32, #tpu.memory_space<hbm>> -> memref<5x80xi32, #tpu.memory_space<hbm>>
    %dma_wait3A_376 = arith.constant 0 : i32
    %dma_wait3A_377 = arith.constant 0 : i32
    %dma_wait3A_378 = tpu.memref_slice %arg7[%dma_wait3A_367, %dma_wait3A_376, %dma_wait3A_377] : memref<2x5x80xi32, #tpu.memory_space<vmem>> -> memref<1x5x80xi32, #tpu.memory_space<vmem>>
    %dma_wait3A_379 = tpu.memref_squeeze %dma_wait3A_378 : memref<1x5x80xi32, #tpu.memory_space<vmem>> -> memref<5x80xi32, #tpu.memory_space<vmem>>
    %dma_wait3A_380 = arith.constant 0 : i32
    %dma_wait3A_381 = arith.constant 0 : i32
    %dma_wait3A_382 = tpu.memref_slice %arg2[%arg0, %arg1, %dma_wait3A_366, %dma_wait3A_380, %dma_wait3A_381] : memref<2x16x25x5x80xi32, #tpu.memory_space<hbm>> -> memref<1x1x1x5x80xi32, #tpu.memory_space<hbm>>
    %dma_wait3A_383 = tpu.memref_squeeze %dma_wait3A_382 : memref<1x1x1x5x80xi32, #tpu.memory_space<hbm>> -> memref<5x80xi32, #tpu.memory_space<hbm>>
    tpu.wait_dma2 semaphore(%arg24 : memref<!tpu.dma_semaphore, #tpu.memory_space<semaphore_mem>>) src(%dma_wait3A_383 : memref<5x80xi32, #tpu.memory_space<hbm>>) dst(%dma_wait3A_379 : memref<5x80xi32, #tpu.memory_space<vmem>>)
    %dma_wait3A_384 = arith.constant 0 : i32
    %dma_wait3A_385 = arith.constant 0 : i32
    %dma_wait3A_386 = arith.constant 0 : i32
    %dma_wait3A_387 = arith.constant 0 : i32
    %dma_wait3A_388 = tpu.memref_slice %arg8[%dma_wait3A_385, %dma_wait3A_386, %dma_wait3A_387] : memref<2x5x80xi32, #tpu.memory_space<vmem>> -> memref<1x5x80xi32, #tpu.memory_space<vmem>>
    %dma_wait3A_389 = tpu.memref_squeeze %dma_wait3A_388 : memref<1x5x80xi32, #tpu.memory_space<vmem>> -> memref<5x80xi32, #tpu.memory_space<vmem>>
    %dma_wait3A_390 = arith.constant 0 : i32
    %dma_wait3A_391 = arith.constant 0 : i32
    %dma_wait3A_392 = tpu.memref_slice %arg3[%arg0, %arg1, %dma_wait3A_384, %dma_wait3A_390, %dma_wait3A_391] : memref<2x16x25x5x80xi32, #tpu.memory_space<hbm>> -> memref<1x1x1x5x80xi32, #tpu.memory_space<hbm>>
    %dma_wait3A_393 = tpu.memref_squeeze %dma_wait3A_392 : memref<1x1x1x5x80xi32, #tpu.memory_space<hbm>> -> memref<5x80xi32, #tpu.memory_space<hbm>>
    %dma_wait3A_394 = arith.constant 0 : i32
    %dma_wait3A_395 = arith.constant 0 : i32
    %dma_wait3A_396 = tpu.memref_slice %arg8[%dma_wait3A_385, %dma_wait3A_394, %dma_wait3A_395] : memref<2x5x80xi32, #tpu.memory_space<vmem>> -> memref<1x5x80xi32, #tpu.memory_space<vmem>>
    %dma_wait3A_397 = tpu.memref_squeeze %dma_wait3A_396 : memref<1x5x80xi32, #tpu.memory_space<vmem>> -> memref<5x80xi32, #tpu.memory_space<vmem>>
    %dma_wait3A_398 = arith.constant 0 : i32
    %dma_wait3A_399 = arith.constant 0 : i32
    %dma_wait3A_400 = tpu.memref_slice %arg3[%arg0, %arg1, %dma_wait3A_384, %dma_wait3A_398, %dma_wait3A_399] : memref<2x16x25x5x80xi32, #tpu.memory_space<hbm>> -> memref<1x1x1x5x80xi32, #tpu.memory_space<hbm>>
    %dma_wait3A_401 = tpu.memref_squeeze %dma_wait3A_400 : memref<1x1x1x5x80xi32, #tpu.memory_space<hbm>> -> memref<5x80xi32, #tpu.memory_space<hbm>>
    tpu.wait_dma2 semaphore(%arg25 : memref<!tpu.dma_semaphore, #tpu.memory_space<semaphore_mem>>) src(%dma_wait3A_401 : memref<5x80xi32, #tpu.memory_space<hbm>>) dst(%dma_wait3A_397 : memref<5x80xi32, #tpu.memory_space<vmem>>)
    %dma_wait3A_402 = arith.constant 0 : i32
    %dma_wait3A_403 = arith.constant 0 : i32
    %dma_wait3A_404 = arith.constant 0 : i32
    %dma_wait3A_405 = tpu.memref_slice %arg8[%dma_wait3A_402, %dma_wait3A_403, %dma_wait3A_404] : memref<2x5x80xi32, #tpu.memory_space<vmem>> -> memref<1x1x80xi32, #tpu.memory_space<vmem>>
    %dma_wait3A_406 = tpu.memref_squeeze %dma_wait3A_405 : memref<1x1x80xi32, #tpu.memory_space<vmem>> -> memref<80xi32, #tpu.memory_space<vmem>>
    %dma_wait3A_407 = arith.constant 0 : i32
    %dma_wait3A_408 = arith.constant 0 : i32
    %dma_wait3A_409 = tpu.memref_slice %arg6[%dma_wait3A_407, %dma_wait3A_408] : memref<10240x64xf32, #tpu.memory_space<vmem_shared>> -> memref<10240x64xf32, #tpu.memory_space<vmem_shared>>
    tpu.wait_indirect_dma semaphore(%arg19 : memref<!tpu.dma_semaphore, #tpu.memory_space<semaphore_mem>>) src(%arg9 : memref<80x64xf32, #tpu.memory_space<vmem>>) dst(%dma_wait3A_409 : memref<10240x64xf32, #tpu.memory_space<vmem_shared>>)
    %dma_wait3A_410 = arith.constant 0 : i32
    %dma_wait3A_411 = arith.constant 0 : i32
    %dma_wait3A_412 = arith.constant 0 : i32
    %dma_wait3A_413 = tpu.memref_slice %arg8[%dma_wait3A_410, %dma_wait3A_411, %dma_wait3A_412] : memref<2x5x80xi32, #tpu.memory_space<vmem>> -> memref<1x1x80xi32, #tpu.memory_space<vmem>>
    %dma_wait3A_414 = tpu.memref_squeeze %dma_wait3A_413 : memref<1x1x80xi32, #tpu.memory_space<vmem>> -> memref<80xi32, #tpu.memory_space<vmem>>
    %dma_wait3A_415 = arith.constant 0 : i32
    %dma_wait3A_416 = arith.constant 0 : i32
    %dma_wait3A_417 = tpu.memref_slice %arg6[%dma_wait3A_415, %dma_wait3A_416] : memref<10240x64xf32, #tpu.memory_space<vmem_shared>> -> memref<10240x64xf32, #tpu.memory_space<vmem_shared>>
    tpu.wait_indirect_dma semaphore(%arg20 : memref<!tpu.dma_semaphore, #tpu.memory_space<semaphore_mem>>) src(%arg10 : memref<80x64xf32, #tpu.memory_space<vmem>>) dst(%dma_wait3A_417 : memref<10240x64xf32, #tpu.memory_space<vmem_shared>>)
    %dma_wait3A_418 = arith.constant 0 : i32
    %dma_wait3A_419 = arith.constant 0 : i32
    %dma_wait3A_420 = arith.constant 0 : i32
    %dma_wait3A_421 = tpu.memref_slice %arg8[%dma_wait3A_418, %dma_wait3A_419, %dma_wait3A_420] : memref<2x5x80xi32, #tpu.memory_space<vmem>> -> memref<1x1x80xi32, #tpu.memory_space<vmem>>
    %dma_wait3A_422 = tpu.memref_squeeze %dma_wait3A_421 : memref<1x1x80xi32, #tpu.memory_space<vmem>> -> memref<80xi32, #tpu.memory_space<vmem>>
    %dma_wait3A_423 = arith.constant 0 : i32
    %dma_wait3A_424 = arith.constant 0 : i32
    %dma_wait3A_425 = tpu.memref_slice %arg6[%dma_wait3A_423, %dma_wait3A_424] : memref<10240x64xf32, #tpu.memory_space<vmem_shared>> -> memref<10240x64xf32, #tpu.memory_space<vmem_shared>>
    tpu.wait_indirect_dma semaphore(%arg21 : memref<!tpu.dma_semaphore, #tpu.memory_space<semaphore_mem>>) src(%arg11 : memref<80x64xf32, #tpu.memory_space<vmem>>) dst(%dma_wait3A_425 : memref<10240x64xf32, #tpu.memory_space<vmem_shared>>)
    %dma_wait3A_426 = arith.constant 0 : i32
    %dma_wait3A_427 = arith.constant 0 : i32
    %dma_wait3A_428 = arith.constant 0 : i32
    %dma_wait3A_429 = tpu.memref_slice %arg8[%dma_wait3A_426, %dma_wait3A_427, %dma_wait3A_428] : memref<2x5x80xi32, #tpu.memory_space<vmem>> -> memref<1x1x80xi32, #tpu.memory_space<vmem>>
    %dma_wait3A_430 = tpu.memref_squeeze %dma_wait3A_429 : memref<1x1x80xi32, #tpu.memory_space<vmem>> -> memref<80xi32, #tpu.memory_space<vmem>>
    %dma_wait3A_431 = arith.constant 0 : i32
    %dma_wait3A_432 = arith.constant 0 : i32
    %dma_wait3A_433 = tpu.memref_slice %arg6[%dma_wait3A_431, %dma_wait3A_432] : memref<10240x64xf32, #tpu.memory_space<vmem_shared>> -> memref<10240x64xf32, #tpu.memory_space<vmem_shared>>
    tpu.wait_indirect_dma semaphore(%arg22 : memref<!tpu.dma_semaphore, #tpu.memory_space<semaphore_mem>>) src(%arg12 : memref<80x64xf32, #tpu.memory_space<vmem>>) dst(%dma_wait3A_433 : memref<10240x64xf32, #tpu.memory_space<vmem_shared>>)
    %dma_wait3A_434 = arith.constant 0 : i32
    %dma_wait3A_435 = arith.constant 0 : i32
    %dma_wait3A_436 = arith.constant 0 : i32
    %dma_wait3A_437 = tpu.memref_slice %arg8[%dma_wait3A_434, %dma_wait3A_435, %dma_wait3A_436] : memref<2x5x80xi32, #tpu.memory_space<vmem>> -> memref<1x1x80xi32, #tpu.memory_space<vmem>>
    %dma_wait3A_438 = tpu.memref_squeeze %dma_wait3A_437 : memref<1x1x80xi32, #tpu.memory_space<vmem>> -> memref<80xi32, #tpu.memory_space<vmem>>
    %dma_wait3A_439 = arith.constant 0 : i32
    %dma_wait3A_440 = arith.constant 0 : i32
    %dma_wait3A_441 = tpu.memref_slice %arg6[%dma_wait3A_439, %dma_wait3A_440] : memref<10240x64xf32, #tpu.memory_space<vmem_shared>> -> memref<10240x64xf32, #tpu.memory_space<vmem_shared>>
    tpu.wait_indirect_dma semaphore(%arg23 : memref<!tpu.dma_semaphore, #tpu.memory_space<semaphore_mem>>) src(%arg13 : memref<80x64xf32, #tpu.memory_space<vmem>>) dst(%dma_wait3A_441 : memref<10240x64xf32, #tpu.memory_space<vmem_shared>>)
    %barrier3A_442 = arith.constant 0 : index
    tpu.barrier barrier_id(%barrier3A_442)
    %mul3A_443 = arith.constant 10240 : i32
    %mul3A_444 = arith.muli %arg0, %mul3A_443 : i32
    %mul3A_445 = arith.constant 640 : i32
    %mul3A_446 = arith.muli %arg1, %mul3A_445 : i32
    %add3A_447 = arith.addi %mul3A_444, %mul3A_446 : i32
    %mul3A_448 = arith.constant 640 : i32
    %mul3A_449 = arith.muli %arg1, %mul3A_448 : i32
    "tpu.region"() ({
      %run_scoped3A = tpu.sem_alloc : memref<!tpu.dma_semaphore, #tpu.memory_space<semaphore_mem>>
      %dma_start3A_450 = arith.constant 0 : i32
      %dma_start3A_451 = tpu.memref_slice %arg5[%add3A_447, %dma_start3A_450] : memref<20480x64xf32, #tpu.memory_space<hbm>> -> memref<640x64xf32, #tpu.memory_space<hbm>>
      %dma_start3A_452 = arith.constant 0 : i32
      %dma_start3A_453 = tpu.memref_slice %arg6[%mul3A_449, %dma_start3A_452] : memref<10240x64xf32, #tpu.memory_space<vmem_shared>> -> memref<640x64xf32, #tpu.memory_space<vmem_shared>>
      tpu.enqueue_dma source(%dma_start3A_453 : memref<640x64xf32, #tpu.memory_space<vmem_shared>>) target(%dma_start3A_451 : memref<640x64xf32, #tpu.memory_space<hbm>>) target_semaphore(%run_scoped3A : memref<!tpu.dma_semaphore, #tpu.memory_space<semaphore_mem>>)
      %dma_wait3A_454 = arith.constant 0 : i32
      %dma_wait3A_455 = tpu.memref_slice %arg5[%add3A_447, %dma_wait3A_454] : memref<20480x64xf32, #tpu.memory_space<hbm>> -> memref<640x64xf32, #tpu.memory_space<hbm>>
      %dma_wait3A_456 = arith.constant 0 : i32
      %dma_wait3A_457 = tpu.memref_slice %arg6[%mul3A_449, %dma_wait3A_456] : memref<10240x64xf32, #tpu.memory_space<vmem_shared>> -> memref<640x64xf32, #tpu.memory_space<vmem_shared>>
      tpu.wait_dma2 semaphore(%run_scoped3A : memref<!tpu.dma_semaphore, #tpu.memory_space<semaphore_mem>>) src(%dma_wait3A_457 : memref<640x64xf32, #tpu.memory_space<vmem_shared>>) dst(%dma_wait3A_455 : memref<640x64xf32, #tpu.memory_space<hbm>>)
      tpu.yield
    }) : () -> ()
    return
  }
}

#map = affine_map<(d0, d1) -> (0, 0, 0, 0, 0)>
#map1 = affine_map<(d0, d1) -> (0, 0)>
module attributes {stable_mosaic.version = 14 : i64} {
  func.func @agg_kernel(%arg0: i32, %arg1: i32, %arg2: memref<2x16x100x5x40xi32, #tpu.memory_space<hbm>>, %arg3: memref<2x16x100x5x40xi32, #tpu.memory_space<hbm>>, %arg4: memref<20480x128xf32, #tpu.memory_space<hbm>>, %arg5: memref<20480x128xf32, #tpu.memory_space<hbm>>, %arg6: memref<10240x128xf32, #tpu.memory_space<vmem_shared>>, %arg7: memref<2x5x40xi32, #tpu.memory_space<vmem>>, %arg8: memref<2x5x40xi32, #tpu.memory_space<vmem>>, %arg9: memref<40x128xf32, #tpu.memory_space<vmem>>, %arg10: memref<40x128xf32, #tpu.memory_space<vmem>>, %arg11: memref<40x128xf32, #tpu.memory_space<vmem>>, %arg12: memref<40x128xf32, #tpu.memory_space<vmem>>, %arg13: memref<40x128xf32, #tpu.memory_space<vmem>>, %arg14: memref<!tpu.dma_semaphore, #tpu.memory_space<semaphore_mem>>, %arg15: memref<!tpu.dma_semaphore, #tpu.memory_space<semaphore_mem>>, %arg16: memref<!tpu.dma_semaphore, #tpu.memory_space<semaphore_mem>>, %arg17: memref<!tpu.dma_semaphore, #tpu.memory_space<semaphore_mem>>, %arg18: memref<!tpu.dma_semaphore, #tpu.memory_space<semaphore_mem>>, %arg19: memref<!tpu.dma_semaphore, #tpu.memory_space<semaphore_mem>>, %arg20: memref<!tpu.dma_semaphore, #tpu.memory_space<semaphore_mem>>, %arg21: memref<!tpu.dma_semaphore, #tpu.memory_space<semaphore_mem>>, %arg22: memref<!tpu.dma_semaphore, #tpu.memory_space<semaphore_mem>>, %arg23: memref<!tpu.dma_semaphore, #tpu.memory_space<semaphore_mem>>, %arg24: memref<!tpu.dma_semaphore, #tpu.memory_space<semaphore_mem>>, %arg25: memref<!tpu.dma_semaphore, #tpu.memory_space<semaphore_mem>>) attributes {dimension_semantics = [#tpu.dimension_semantics<core_parallel>, #tpu.dimension_semantics<subcore_parallel>], iteration_bounds = array<i64: 2, 16>, scalar_prefetch = 0 : i64, scratch_operands = 20 : i64, tpu.core_type = #tpu.core_type<sc_vector_subcore>, window_params = [{transform_indices = #map}, {transform_indices = #map}, {transform_indices = #map1}, {transform_indices = #map1}]} {
    %dma_start3A = arith.constant 0 : i32
    %dma_start3A_0 = arith.constant 0 : i32
    %dma_start3A_1 = arith.constant 0 : i32
    %dma_start3A_2 = arith.constant 0 : i32
    %dma_start3A_3 = tpu.memref_slice %arg7[%dma_start3A_0, %dma_start3A_1, %dma_start3A_2] : memref<2x5x40xi32, #tpu.memory_space<vmem>> -> memref<1x5x40xi32, #tpu.memory_space<vmem>>
    %dma_start3A_4 = tpu.memref_squeeze %dma_start3A_3 : memref<1x5x40xi32, #tpu.memory_space<vmem>> -> memref<5x40xi32, #tpu.memory_space<vmem>>
    %dma_start3A_5 = arith.constant 0 : i32
    %dma_start3A_6 = arith.constant 0 : i32
    %dma_start3A_7 = tpu.memref_slice %arg2[%arg0, %arg1, %dma_start3A, %dma_start3A_5, %dma_start3A_6] : memref<2x16x100x5x40xi32, #tpu.memory_space<hbm>> -> memref<1x1x1x5x40xi32, #tpu.memory_space<hbm>>
    %dma_start3A_8 = tpu.memref_squeeze %dma_start3A_7 : memref<1x1x1x5x40xi32, #tpu.memory_space<hbm>> -> memref<5x40xi32, #tpu.memory_space<hbm>>
    %dma_start3A_9 = arith.constant 0 : i32
    %dma_start3A_10 = arith.constant 0 : i32
    %dma_start3A_11 = tpu.memref_slice %arg7[%dma_start3A_0, %dma_start3A_9, %dma_start3A_10] : memref<2x5x40xi32, #tpu.memory_space<vmem>> -> memref<1x5x40xi32, #tpu.memory_space<vmem>>
    %dma_start3A_12 = tpu.memref_squeeze %dma_start3A_11 : memref<1x5x40xi32, #tpu.memory_space<vmem>> -> memref<5x40xi32, #tpu.memory_space<vmem>>
    %dma_start3A_13 = arith.constant 0 : i32
    %dma_start3A_14 = arith.constant 0 : i32
    %dma_start3A_15 = tpu.memref_slice %arg2[%arg0, %arg1, %dma_start3A, %dma_start3A_13, %dma_start3A_14] : memref<2x16x100x5x40xi32, #tpu.memory_space<hbm>> -> memref<1x1x1x5x40xi32, #tpu.memory_space<hbm>>
    %dma_start3A_16 = tpu.memref_squeeze %dma_start3A_15 : memref<1x1x1x5x40xi32, #tpu.memory_space<hbm>> -> memref<5x40xi32, #tpu.memory_space<hbm>>
    tpu.enqueue_dma source(%dma_start3A_16 : memref<5x40xi32, #tpu.memory_space<hbm>>) target(%dma_start3A_12 : memref<5x40xi32, #tpu.memory_space<vmem>>) target_semaphore(%arg24 : memref<!tpu.dma_semaphore, #tpu.memory_space<semaphore_mem>>)
    %dma_start3A_17 = arith.constant 0 : i32
    %dma_start3A_18 = arith.constant 0 : i32
    %dma_start3A_19 = arith.constant 0 : i32
    %dma_start3A_20 = arith.constant 0 : i32
    %dma_start3A_21 = tpu.memref_slice %arg8[%dma_start3A_18, %dma_start3A_19, %dma_start3A_20] : memref<2x5x40xi32, #tpu.memory_space<vmem>> -> memref<1x5x40xi32, #tpu.memory_space<vmem>>
    %dma_start3A_22 = tpu.memref_squeeze %dma_start3A_21 : memref<1x5x40xi32, #tpu.memory_space<vmem>> -> memref<5x40xi32, #tpu.memory_space<vmem>>
    %dma_start3A_23 = arith.constant 0 : i32
    %dma_start3A_24 = arith.constant 0 : i32
    %dma_start3A_25 = tpu.memref_slice %arg3[%arg0, %arg1, %dma_start3A_17, %dma_start3A_23, %dma_start3A_24] : memref<2x16x100x5x40xi32, #tpu.memory_space<hbm>> -> memref<1x1x1x5x40xi32, #tpu.memory_space<hbm>>
    %dma_start3A_26 = tpu.memref_squeeze %dma_start3A_25 : memref<1x1x1x5x40xi32, #tpu.memory_space<hbm>> -> memref<5x40xi32, #tpu.memory_space<hbm>>
    %dma_start3A_27 = arith.constant 0 : i32
    %dma_start3A_28 = arith.constant 0 : i32
    %dma_start3A_29 = tpu.memref_slice %arg8[%dma_start3A_18, %dma_start3A_27, %dma_start3A_28] : memref<2x5x40xi32, #tpu.memory_space<vmem>> -> memref<1x5x40xi32, #tpu.memory_space<vmem>>
    %dma_start3A_30 = tpu.memref_squeeze %dma_start3A_29 : memref<1x5x40xi32, #tpu.memory_space<vmem>> -> memref<5x40xi32, #tpu.memory_space<vmem>>
    %dma_start3A_31 = arith.constant 0 : i32
    %dma_start3A_32 = arith.constant 0 : i32
    %dma_start3A_33 = tpu.memref_slice %arg3[%arg0, %arg1, %dma_start3A_17, %dma_start3A_31, %dma_start3A_32] : memref<2x16x100x5x40xi32, #tpu.memory_space<hbm>> -> memref<1x1x1x5x40xi32, #tpu.memory_space<hbm>>
    %dma_start3A_34 = tpu.memref_squeeze %dma_start3A_33 : memref<1x1x1x5x40xi32, #tpu.memory_space<hbm>> -> memref<5x40xi32, #tpu.memory_space<hbm>>
    tpu.enqueue_dma source(%dma_start3A_34 : memref<5x40xi32, #tpu.memory_space<hbm>>) target(%dma_start3A_30 : memref<5x40xi32, #tpu.memory_space<vmem>>) target_semaphore(%arg25 : memref<!tpu.dma_semaphore, #tpu.memory_space<semaphore_mem>>)
    %broadcast_in_dim3A = arith.constant 0.000000e+00 : f32
    %broadcast_in_dim3A_35 = vector.broadcast %broadcast_in_dim3A : f32 to vector<16xf32>
    %scan3A = arith.constant 0 : i32
    %scan3A_36 = arith.constant 0 : i32
    %scan3A_37 = arith.constant 40 : i32
    %scan3A_38 = arith.addi %scan3A_36, %scan3A_37 : i32
    %scan3A_39 = arith.constant 1 : i32
    %scan3A_40 = scf.for %scan3A_578 = %scan3A_36 to %scan3A_38 step %scan3A_39 iter_args(%scan3A_579 = %scan3A) -> (i32)  : i32 {
      %swap3A = arith.index_cast %scan3A_578 : i32 to index
      %swap3A_580 = arith.constant 0 : index
      %swap3A_581 = tpu.vector_load %arg9[%swap3A, %swap3A_580] {strides = array<i32>} : memref<40x128xf32, #tpu.memory_space<vmem>>, vector<1x16xf32>,
      %swap3A_582 = vector.shape_cast %swap3A_581 : vector<1x16xf32> to vector<16xf32>
      %swap3A_583 = vector.shape_cast %broadcast_in_dim3A_35 : vector<16xf32> to vector<1x16xf32>
      tpu.vector_store %arg9[%swap3A, %swap3A_580], %swap3A_583 {strides = array<i32>} : memref<40x128xf32, #tpu.memory_space<vmem>>, vector<1x16xf32>,
      %swap3A_584 = arith.index_cast %scan3A_578 : i32 to index
      %swap3A_585 = arith.constant 16 : index
      %swap3A_586 = tpu.vector_load %arg9[%swap3A_584, %swap3A_585] {strides = array<i32>} : memref<40x128xf32, #tpu.memory_space<vmem>>, vector<1x16xf32>,
      %swap3A_587 = vector.shape_cast %swap3A_586 : vector<1x16xf32> to vector<16xf32>
      %swap3A_588 = vector.shape_cast %broadcast_in_dim3A_35 : vector<16xf32> to vector<1x16xf32>
      tpu.vector_store %arg9[%swap3A_584, %swap3A_585], %swap3A_588 {strides = array<i32>} : memref<40x128xf32, #tpu.memory_space<vmem>>, vector<1x16xf32>,
      %swap3A_589 = arith.index_cast %scan3A_578 : i32 to index
      %swap3A_590 = arith.constant 32 : index
      %swap3A_591 = tpu.vector_load %arg9[%swap3A_589, %swap3A_590] {strides = array<i32>} : memref<40x128xf32, #tpu.memory_space<vmem>>, vector<1x16xf32>,
      %swap3A_592 = vector.shape_cast %swap3A_591 : vector<1x16xf32> to vector<16xf32>
      %swap3A_593 = vector.shape_cast %broadcast_in_dim3A_35 : vector<16xf32> to vector<1x16xf32>
      tpu.vector_store %arg9[%swap3A_589, %swap3A_590], %swap3A_593 {strides = array<i32>} : memref<40x128xf32, #tpu.memory_space<vmem>>, vector<1x16xf32>,
      %swap3A_594 = arith.index_cast %scan3A_578 : i32 to index
      %swap3A_595 = arith.constant 48 : index
      %swap3A_596 = tpu.vector_load %arg9[%swap3A_594, %swap3A_595] {strides = array<i32>} : memref<40x128xf32, #tpu.memory_space<vmem>>, vector<1x16xf32>,
      %swap3A_597 = vector.shape_cast %swap3A_596 : vector<1x16xf32> to vector<16xf32>
      %swap3A_598 = vector.shape_cast %broadcast_in_dim3A_35 : vector<16xf32> to vector<1x16xf32>
      tpu.vector_store %arg9[%swap3A_594, %swap3A_595], %swap3A_598 {strides = array<i32>} : memref<40x128xf32, #tpu.memory_space<vmem>>, vector<1x16xf32>,
      %swap3A_599 = arith.index_cast %scan3A_578 : i32 to index
      %swap3A_600 = arith.constant 64 : index
      %swap3A_601 = tpu.vector_load %arg9[%swap3A_599, %swap3A_600] {strides = array<i32>} : memref<40x128xf32, #tpu.memory_space<vmem>>, vector<1x16xf32>,
      %swap3A_602 = vector.shape_cast %swap3A_601 : vector<1x16xf32> to vector<16xf32>
      %swap3A_603 = vector.shape_cast %broadcast_in_dim3A_35 : vector<16xf32> to vector<1x16xf32>
      tpu.vector_store %arg9[%swap3A_599, %swap3A_600], %swap3A_603 {strides = array<i32>} : memref<40x128xf32, #tpu.memory_space<vmem>>, vector<1x16xf32>,
      %swap3A_604 = arith.index_cast %scan3A_578 : i32 to index
      %swap3A_605 = arith.constant 80 : index
      %swap3A_606 = tpu.vector_load %arg9[%swap3A_604, %swap3A_605] {strides = array<i32>} : memref<40x128xf32, #tpu.memory_space<vmem>>, vector<1x16xf32>,
      %swap3A_607 = vector.shape_cast %swap3A_606 : vector<1x16xf32> to vector<16xf32>
      %swap3A_608 = vector.shape_cast %broadcast_in_dim3A_35 : vector<16xf32> to vector<1x16xf32>
      tpu.vector_store %arg9[%swap3A_604, %swap3A_605], %swap3A_608 {strides = array<i32>} : memref<40x128xf32, #tpu.memory_space<vmem>>, vector<1x16xf32>,
      %swap3A_609 = arith.index_cast %scan3A_578 : i32 to index
      %swap3A_610 = arith.constant 96 : index
      %swap3A_611 = tpu.vector_load %arg9[%swap3A_609, %swap3A_610] {strides = array<i32>} : memref<40x128xf32, #tpu.memory_space<vmem>>, vector<1x16xf32>,
      %swap3A_612 = vector.shape_cast %swap3A_611 : vector<1x16xf32> to vector<16xf32>
      %swap3A_613 = vector.shape_cast %broadcast_in_dim3A_35 : vector<16xf32> to vector<1x16xf32>
      tpu.vector_store %arg9[%swap3A_609, %swap3A_610], %swap3A_613 {strides = array<i32>} : memref<40x128xf32, #tpu.memory_space<vmem>>, vector<1x16xf32>,
      %swap3A_614 = arith.index_cast %scan3A_578 : i32 to index
      %swap3A_615 = arith.constant 112 : index
      %swap3A_616 = tpu.vector_load %arg9[%swap3A_614, %swap3A_615] {strides = array<i32>} : memref<40x128xf32, #tpu.memory_space<vmem>>, vector<1x16xf32>,
      %swap3A_617 = vector.shape_cast %swap3A_616 : vector<1x16xf32> to vector<16xf32>
      %swap3A_618 = vector.shape_cast %broadcast_in_dim3A_35 : vector<16xf32> to vector<1x16xf32>
      tpu.vector_store %arg9[%swap3A_614, %swap3A_615], %swap3A_618 {strides = array<i32>} : memref<40x128xf32, #tpu.memory_space<vmem>>, vector<1x16xf32>,
      %scan3A_619 = arith.constant 0 : i32
      scf.yield %scan3A_619 : i32
    }
    %scan3A_41 = arith.constant 40 : i32
    %dma_wait3A = arith.constant 0 : i32
    %dma_wait3A_42 = arith.constant 0 : i32
    %dma_wait3A_43 = arith.constant 0 : i32
    %dma_wait3A_44 = arith.constant 0 : i32
    %dma_wait3A_45 = tpu.memref_slice %arg7[%dma_wait3A_42, %dma_wait3A_43, %dma_wait3A_44] : memref<2x5x40xi32, #tpu.memory_space<vmem>> -> memref<1x5x40xi32, #tpu.memory_space<vmem>>
    %dma_wait3A_46 = tpu.memref_squeeze %dma_wait3A_45 : memref<1x5x40xi32, #tpu.memory_space<vmem>> -> memref<5x40xi32, #tpu.memory_space<vmem>>
    %dma_wait3A_47 = arith.constant 0 : i32
    %dma_wait3A_48 = arith.constant 0 : i32
    %dma_wait3A_49 = tpu.memref_slice %arg2[%arg0, %arg1, %dma_wait3A, %dma_wait3A_47, %dma_wait3A_48] : memref<2x16x100x5x40xi32, #tpu.memory_space<hbm>> -> memref<1x1x1x5x40xi32, #tpu.memory_space<hbm>>
    %dma_wait3A_50 = tpu.memref_squeeze %dma_wait3A_49 : memref<1x1x1x5x40xi32, #tpu.memory_space<hbm>> -> memref<5x40xi32, #tpu.memory_space<hbm>>
    %dma_wait3A_51 = arith.constant 0 : i32
    %dma_wait3A_52 = arith.constant 0 : i32
    %dma_wait3A_53 = tpu.memref_slice %arg7[%dma_wait3A_42, %dma_wait3A_51, %dma_wait3A_52] : memref<2x5x40xi32, #tpu.memory_space<vmem>> -> memref<1x5x40xi32, #tpu.memory_space<vmem>>
    %dma_wait3A_54 = tpu.memref_squeeze %dma_wait3A_53 : memref<1x5x40xi32, #tpu.memory_space<vmem>> -> memref<5x40xi32, #tpu.memory_space<vmem>>
    %dma_wait3A_55 = arith.constant 0 : i32
    %dma_wait3A_56 = arith.constant 0 : i32
    %dma_wait3A_57 = tpu.memref_slice %arg2[%arg0, %arg1, %dma_wait3A, %dma_wait3A_55, %dma_wait3A_56] : memref<2x16x100x5x40xi32, #tpu.memory_space<hbm>> -> memref<1x1x1x5x40xi32, #tpu.memory_space<hbm>>
    %dma_wait3A_58 = tpu.memref_squeeze %dma_wait3A_57 : memref<1x1x1x5x40xi32, #tpu.memory_space<hbm>> -> memref<5x40xi32, #tpu.memory_space<hbm>>
    tpu.wait_dma2 semaphore(%arg24 : memref<!tpu.dma_semaphore, #tpu.memory_space<semaphore_mem>>) src(%dma_wait3A_58 : memref<5x40xi32, #tpu.memory_space<hbm>>) dst(%dma_wait3A_54 : memref<5x40xi32, #tpu.memory_space<vmem>>)
    %dma_wait3A_59 = arith.constant 0 : i32
    %dma_wait3A_60 = arith.constant 0 : i32
    %dma_wait3A_61 = arith.constant 0 : i32
    %dma_wait3A_62 = arith.constant 0 : i32
    %dma_wait3A_63 = tpu.memref_slice %arg8[%dma_wait3A_60, %dma_wait3A_61, %dma_wait3A_62] : memref<2x5x40xi32, #tpu.memory_space<vmem>> -> memref<1x5x40xi32, #tpu.memory_space<vmem>>
    %dma_wait3A_64 = tpu.memref_squeeze %dma_wait3A_63 : memref<1x5x40xi32, #tpu.memory_space<vmem>> -> memref<5x40xi32, #tpu.memory_space<vmem>>
    %dma_wait3A_65 = arith.constant 0 : i32
    %dma_wait3A_66 = arith.constant 0 : i32
    %dma_wait3A_67 = tpu.memref_slice %arg3[%arg0, %arg1, %dma_wait3A_59, %dma_wait3A_65, %dma_wait3A_66] : memref<2x16x100x5x40xi32, #tpu.memory_space<hbm>> -> memref<1x1x1x5x40xi32, #tpu.memory_space<hbm>>
    %dma_wait3A_68 = tpu.memref_squeeze %dma_wait3A_67 : memref<1x1x1x5x40xi32, #tpu.memory_space<hbm>> -> memref<5x40xi32, #tpu.memory_space<hbm>>
    %dma_wait3A_69 = arith.constant 0 : i32
    %dma_wait3A_70 = arith.constant 0 : i32
    %dma_wait3A_71 = tpu.memref_slice %arg8[%dma_wait3A_60, %dma_wait3A_69, %dma_wait3A_70] : memref<2x5x40xi32, #tpu.memory_space<vmem>> -> memref<1x5x40xi32, #tpu.memory_space<vmem>>
    %dma_wait3A_72 = tpu.memref_squeeze %dma_wait3A_71 : memref<1x5x40xi32, #tpu.memory_space<vmem>> -> memref<5x40xi32, #tpu.memory_space<vmem>>
    %dma_wait3A_73 = arith.constant 0 : i32
    %dma_wait3A_74 = arith.constant 0 : i32
    %dma_wait3A_75 = tpu.memref_slice %arg3[%arg0, %arg1, %dma_wait3A_59, %dma_wait3A_73, %dma_wait3A_74] : memref<2x16x100x5x40xi32, #tpu.memory_space<hbm>> -> memref<1x1x1x5x40xi32, #tpu.memory_space<hbm>>
    %dma_wait3A_76 = tpu.memref_squeeze %dma_wait3A_75 : memref<1x1x1x5x40xi32, #tpu.memory_space<hbm>> -> memref<5x40xi32, #tpu.memory_space<hbm>>
    tpu.wait_dma2 semaphore(%arg25 : memref<!tpu.dma_semaphore, #tpu.memory_space<semaphore_mem>>) src(%dma_wait3A_76 : memref<5x40xi32, #tpu.memory_space<hbm>>) dst(%dma_wait3A_72 : memref<5x40xi32, #tpu.memory_space<vmem>>)
    %dma_start3A_77 = arith.constant 0 : i32
    %dma_start3A_78 = arith.constant 1 : i32
    %dma_start3A_79 = arith.constant 0 : i32
    %dma_start3A_80 = tpu.memref_slice %arg7[%dma_start3A_77, %dma_start3A_78, %dma_start3A_79] : memref<2x5x40xi32, #tpu.memory_space<vmem>> -> memref<1x1x40xi32, #tpu.memory_space<vmem>>
    %dma_start3A_81 = tpu.memref_squeeze %dma_start3A_80 : memref<1x1x40xi32, #tpu.memory_space<vmem>> -> memref<40xi32, #tpu.memory_space<vmem>>
    %dma_start3A_82 = arith.constant 0 : i32
    %dma_start3A_83 = arith.constant 0 : i32
    %dma_start3A_84 = tpu.memref_slice %arg4[%dma_start3A_82, %dma_start3A_83] : memref<20480x128xf32, #tpu.memory_space<hbm>> -> memref<20480x128xf32, #tpu.memory_space<hbm>>
    tpu.enqueue_indirect_dma source(%dma_start3A_84 : memref<20480x128xf32, #tpu.memory_space<hbm>>) target(%arg10 : memref<40x128xf32, #tpu.memory_space<vmem>>) offsets(%dma_start3A_81 : memref<40xi32, #tpu.memory_space<vmem>>) semaphore(%arg15 : memref<!tpu.dma_semaphore, #tpu.memory_space<semaphore_mem>>)
    %dma_start3A_85 = arith.constant 0 : i32
    %dma_start3A_86 = arith.constant 2 : i32
    %dma_start3A_87 = arith.constant 0 : i32
    %dma_start3A_88 = tpu.memref_slice %arg7[%dma_start3A_85, %dma_start3A_86, %dma_start3A_87] : memref<2x5x40xi32, #tpu.memory_space<vmem>> -> memref<1x1x40xi32, #tpu.memory_space<vmem>>
    %dma_start3A_89 = tpu.memref_squeeze %dma_start3A_88 : memref<1x1x40xi32, #tpu.memory_space<vmem>> -> memref<40xi32, #tpu.memory_space<vmem>>
    %dma_start3A_90 = arith.constant 0 : i32
    %dma_start3A_91 = arith.constant 0 : i32
    %dma_start3A_92 = tpu.memref_slice %arg4[%dma_start3A_90, %dma_start3A_91] : memref<20480x128xf32, #tpu.memory_space<hbm>> -> memref<20480x128xf32, #tpu.memory_space<hbm>>
    tpu.enqueue_indirect_dma source(%dma_start3A_92 : memref<20480x128xf32, #tpu.memory_space<hbm>>) target(%arg11 : memref<40x128xf32, #tpu.memory_space<vmem>>) offsets(%dma_start3A_89 : memref<40xi32, #tpu.memory_space<vmem>>) semaphore(%arg16 : memref<!tpu.dma_semaphore, #tpu.memory_space<semaphore_mem>>)
    %dma_start3A_93 = arith.constant 0 : i32
    %dma_start3A_94 = arith.constant 3 : i32
    %dma_start3A_95 = arith.constant 0 : i32
    %dma_start3A_96 = tpu.memref_slice %arg7[%dma_start3A_93, %dma_start3A_94, %dma_start3A_95] : memref<2x5x40xi32, #tpu.memory_space<vmem>> -> memref<1x1x40xi32, #tpu.memory_space<vmem>>
    %dma_start3A_97 = tpu.memref_squeeze %dma_start3A_96 : memref<1x1x40xi32, #tpu.memory_space<vmem>> -> memref<40xi32, #tpu.memory_space<vmem>>
    %dma_start3A_98 = arith.constant 0 : i32
    %dma_start3A_99 = arith.constant 0 : i32
    %dma_start3A_100 = tpu.memref_slice %arg4[%dma_start3A_98, %dma_start3A_99] : memref<20480x128xf32, #tpu.memory_space<hbm>> -> memref<20480x128xf32, #tpu.memory_space<hbm>>
    tpu.enqueue_indirect_dma source(%dma_start3A_100 : memref<20480x128xf32, #tpu.memory_space<hbm>>) target(%arg12 : memref<40x128xf32, #tpu.memory_space<vmem>>) offsets(%dma_start3A_97 : memref<40xi32, #tpu.memory_space<vmem>>) semaphore(%arg17 : memref<!tpu.dma_semaphore, #tpu.memory_space<semaphore_mem>>)
    %dma_start3A_101 = arith.constant 0 : i32
    %dma_start3A_102 = arith.constant 4 : i32
    %dma_start3A_103 = arith.constant 0 : i32
    %dma_start3A_104 = tpu.memref_slice %arg7[%dma_start3A_101, %dma_start3A_102, %dma_start3A_103] : memref<2x5x40xi32, #tpu.memory_space<vmem>> -> memref<1x1x40xi32, #tpu.memory_space<vmem>>
    %dma_start3A_105 = tpu.memref_squeeze %dma_start3A_104 : memref<1x1x40xi32, #tpu.memory_space<vmem>> -> memref<40xi32, #tpu.memory_space<vmem>>
    %dma_start3A_106 = arith.constant 0 : i32
    %dma_start3A_107 = arith.constant 0 : i32
    %dma_start3A_108 = tpu.memref_slice %arg4[%dma_start3A_106, %dma_start3A_107] : memref<20480x128xf32, #tpu.memory_space<hbm>> -> memref<20480x128xf32, #tpu.memory_space<hbm>>
    tpu.enqueue_indirect_dma source(%dma_start3A_108 : memref<20480x128xf32, #tpu.memory_space<hbm>>) target(%arg13 : memref<40x128xf32, #tpu.memory_space<vmem>>) offsets(%dma_start3A_105 : memref<40xi32, #tpu.memory_space<vmem>>) semaphore(%arg18 : memref<!tpu.dma_semaphore, #tpu.memory_space<semaphore_mem>>)
    %mul3A = arith.constant 640 : i32
    %mul3A_109 = arith.muli %arg1, %mul3A : i32
    %add3A = arith.constant 0 : i32
    %add3A_110 = arith.addi %mul3A_109, %add3A : i32
    %dma_start3A_111 = arith.constant 0 : i32
    %dma_start3A_112 = tpu.memref_slice %arg6[%add3A_110, %dma_start3A_111] : memref<10240x128xf32, #tpu.memory_space<vmem_shared>> -> memref<40x128xf32, #tpu.memory_space<vmem_shared>>
    %dma_start3A_113 = arith.constant 0 : i32
    %dma_start3A_114 = tpu.memref_slice %arg6[%add3A_110, %dma_start3A_113] : memref<10240x128xf32, #tpu.memory_space<vmem_shared>> -> memref<40x128xf32, #tpu.memory_space<vmem_shared>>
    tpu.enqueue_dma source(%arg9 : memref<40x128xf32, #tpu.memory_space<vmem>>) target(%dma_start3A_114 : memref<40x128xf32, #tpu.memory_space<vmem_shared>>) target_semaphore(%arg19 : memref<!tpu.dma_semaphore, #tpu.memory_space<semaphore_mem>>)
    %mul3A_115 = arith.constant 640 : i32
    %mul3A_116 = arith.muli %arg1, %mul3A_115 : i32
    %add3A_117 = arith.constant 40 : i32
    %add3A_118 = arith.addi %mul3A_116, %add3A_117 : i32
    %dma_start3A_119 = arith.constant 0 : i32
    %dma_start3A_120 = tpu.memref_slice %arg6[%add3A_118, %dma_start3A_119] : memref<10240x128xf32, #tpu.memory_space<vmem_shared>> -> memref<40x128xf32, #tpu.memory_space<vmem_shared>>
    %dma_start3A_121 = arith.constant 0 : i32
    %dma_start3A_122 = tpu.memref_slice %arg6[%add3A_118, %dma_start3A_121] : memref<10240x128xf32, #tpu.memory_space<vmem_shared>> -> memref<40x128xf32, #tpu.memory_space<vmem_shared>>
    tpu.enqueue_dma source(%arg9 : memref<40x128xf32, #tpu.memory_space<vmem>>) target(%dma_start3A_122 : memref<40x128xf32, #tpu.memory_space<vmem_shared>>) target_semaphore(%arg20 : memref<!tpu.dma_semaphore, #tpu.memory_space<semaphore_mem>>)
    %mul3A_123 = arith.constant 640 : i32
    %mul3A_124 = arith.muli %arg1, %mul3A_123 : i32
    %add3A_125 = arith.constant 80 : i32
    %add3A_126 = arith.addi %mul3A_124, %add3A_125 : i32
    %dma_start3A_127 = arith.constant 0 : i32
    %dma_start3A_128 = tpu.memref_slice %arg6[%add3A_126, %dma_start3A_127] : memref<10240x128xf32, #tpu.memory_space<vmem_shared>> -> memref<40x128xf32, #tpu.memory_space<vmem_shared>>
    %dma_start3A_129 = arith.constant 0 : i32
    %dma_start3A_130 = tpu.memref_slice %arg6[%add3A_126, %dma_start3A_129] : memref<10240x128xf32, #tpu.memory_space<vmem_shared>> -> memref<40x128xf32, #tpu.memory_space<vmem_shared>>
    tpu.enqueue_dma source(%arg9 : memref<40x128xf32, #tpu.memory_space<vmem>>) target(%dma_start3A_130 : memref<40x128xf32, #tpu.memory_space<vmem_shared>>) target_semaphore(%arg21 : memref<!tpu.dma_semaphore, #tpu.memory_space<semaphore_mem>>)
    %mul3A_131 = arith.constant 640 : i32
    %mul3A_132 = arith.muli %arg1, %mul3A_131 : i32
    %add3A_133 = arith.constant 120 : i32
    %add3A_134 = arith.addi %mul3A_132, %add3A_133 : i32
    %dma_start3A_135 = arith.constant 0 : i32
    %dma_start3A_136 = tpu.memref_slice %arg6[%add3A_134, %dma_start3A_135] : memref<10240x128xf32, #tpu.memory_space<vmem_shared>> -> memref<40x128xf32, #tpu.memory_space<vmem_shared>>
    %dma_start3A_137 = arith.constant 0 : i32
    %dma_start3A_138 = tpu.memref_slice %arg6[%add3A_134, %dma_start3A_137] : memref<10240x128xf32, #tpu.memory_space<vmem_shared>> -> memref<40x128xf32, #tpu.memory_space<vmem_shared>>
    tpu.enqueue_dma source(%arg9 : memref<40x128xf32, #tpu.memory_space<vmem>>) target(%dma_start3A_138 : memref<40x128xf32, #tpu.memory_space<vmem_shared>>) target_semaphore(%arg22 : memref<!tpu.dma_semaphore, #tpu.memory_space<semaphore_mem>>)
    %mul3A_139 = arith.constant 640 : i32
    %mul3A_140 = arith.muli %arg1, %mul3A_139 : i32
    %add3A_141 = arith.constant 160 : i32
    %add3A_142 = arith.addi %mul3A_140, %add3A_141 : i32
    %dma_start3A_143 = arith.constant 0 : i32
    %dma_start3A_144 = tpu.memref_slice %arg6[%add3A_142, %dma_start3A_143] : memref<10240x128xf32, #tpu.memory_space<vmem_shared>> -> memref<40x128xf32, #tpu.memory_space<vmem_shared>>
    %dma_start3A_145 = arith.constant 0 : i32
    %dma_start3A_146 = tpu.memref_slice %arg6[%add3A_142, %dma_start3A_145] : memref<10240x128xf32, #tpu.memory_space<vmem_shared>> -> memref<40x128xf32, #tpu.memory_space<vmem_shared>>
    tpu.enqueue_dma source(%arg9 : memref<40x128xf32, #tpu.memory_space<vmem>>) target(%dma_start3A_146 : memref<40x128xf32, #tpu.memory_space<vmem_shared>>) target_semaphore(%arg23 : memref<!tpu.dma_semaphore, #tpu.memory_space<semaphore_mem>>)
    %mul3A_147 = arith.constant 640 : i32
    %mul3A_148 = arith.muli %arg1, %mul3A_147 : i32
    %add3A_149 = arith.constant 200 : i32
    %add3A_150 = arith.addi %mul3A_148, %add3A_149 : i32
    %dma_start3A_151 = arith.constant 0 : i32
    %dma_start3A_152 = tpu.memref_slice %arg6[%add3A_150, %dma_start3A_151] : memref<10240x128xf32, #tpu.memory_space<vmem_shared>> -> memref<40x128xf32, #tpu.memory_space<vmem_shared>>
    %dma_start3A_153 = arith.constant 0 : i32
    %dma_start3A_154 = tpu.memref_slice %arg6[%add3A_150, %dma_start3A_153] : memref<10240x128xf32, #tpu.memory_space<vmem_shared>> -> memref<40x128xf32, #tpu.memory_space<vmem_shared>>
    tpu.enqueue_dma source(%arg9 : memref<40x128xf32, #tpu.memory_space<vmem>>) target(%dma_start3A_154 : memref<40x128xf32, #tpu.memory_space<vmem_shared>>) target_semaphore(%arg19 : memref<!tpu.dma_semaphore, #tpu.memory_space<semaphore_mem>>)
    %mul3A_155 = arith.constant 640 : i32
    %mul3A_156 = arith.muli %arg1, %mul3A_155 : i32
    %add3A_157 = arith.constant 240 : i32
    %add3A_158 = arith.addi %mul3A_156, %add3A_157 : i32
    %dma_start3A_159 = arith.constant 0 : i32
    %dma_start3A_160 = tpu.memref_slice %arg6[%add3A_158, %dma_start3A_159] : memref<10240x128xf32, #tpu.memory_space<vmem_shared>> -> memref<40x128xf32, #tpu.memory_space<vmem_shared>>
    %dma_start3A_161 = arith.constant 0 : i32
    %dma_start3A_162 = tpu.memref_slice %arg6[%add3A_158, %dma_start3A_161] : memref<10240x128xf32, #tpu.memory_space<vmem_shared>> -> memref<40x128xf32, #tpu.memory_space<vmem_shared>>
    tpu.enqueue_dma source(%arg9 : memref<40x128xf32, #tpu.memory_space<vmem>>) target(%dma_start3A_162 : memref<40x128xf32, #tpu.memory_space<vmem_shared>>) target_semaphore(%arg20 : memref<!tpu.dma_semaphore, #tpu.memory_space<semaphore_mem>>)
    %mul3A_163 = arith.constant 640 : i32
    %mul3A_164 = arith.muli %arg1, %mul3A_163 : i32
    %add3A_165 = arith.constant 280 : i32
    %add3A_166 = arith.addi %mul3A_164, %add3A_165 : i32
    %dma_start3A_167 = arith.constant 0 : i32
    %dma_start3A_168 = tpu.memref_slice %arg6[%add3A_166, %dma_start3A_167] : memref<10240x128xf32, #tpu.memory_space<vmem_shared>> -> memref<40x128xf32, #tpu.memory_space<vmem_shared>>
    %dma_start3A_169 = arith.constant 0 : i32
    %dma_start3A_170 = tpu.memref_slice %arg6[%add3A_166, %dma_start3A_169] : memref<10240x128xf32, #tpu.memory_space<vmem_shared>> -> memref<40x128xf32, #tpu.memory_space<vmem_shared>>
    tpu.enqueue_dma source(%arg9 : memref<40x128xf32, #tpu.memory_space<vmem>>) target(%dma_start3A_170 : memref<40x128xf32, #tpu.memory_space<vmem_shared>>) target_semaphore(%arg21 : memref<!tpu.dma_semaphore, #tpu.memory_space<semaphore_mem>>)
    %mul3A_171 = arith.constant 640 : i32
    %mul3A_172 = arith.muli %arg1, %mul3A_171 : i32
    %add3A_173 = arith.constant 320 : i32
    %add3A_174 = arith.addi %mul3A_172, %add3A_173 : i32
    %dma_start3A_175 = arith.constant 0 : i32
    %dma_start3A_176 = tpu.memref_slice %arg6[%add3A_174, %dma_start3A_175] : memref<10240x128xf32, #tpu.memory_space<vmem_shared>> -> memref<40x128xf32, #tpu.memory_space<vmem_shared>>
    %dma_start3A_177 = arith.constant 0 : i32
    %dma_start3A_178 = tpu.memref_slice %arg6[%add3A_174, %dma_start3A_177] : memref<10240x128xf32, #tpu.memory_space<vmem_shared>> -> memref<40x128xf32, #tpu.memory_space<vmem_shared>>
    tpu.enqueue_dma source(%arg9 : memref<40x128xf32, #tpu.memory_space<vmem>>) target(%dma_start3A_178 : memref<40x128xf32, #tpu.memory_space<vmem_shared>>) target_semaphore(%arg22 : memref<!tpu.dma_semaphore, #tpu.memory_space<semaphore_mem>>)
    %mul3A_179 = arith.constant 640 : i32
    %mul3A_180 = arith.muli %arg1, %mul3A_179 : i32
    %add3A_181 = arith.constant 360 : i32
    %add3A_182 = arith.addi %mul3A_180, %add3A_181 : i32
    %dma_start3A_183 = arith.constant 0 : i32
    %dma_start3A_184 = tpu.memref_slice %arg6[%add3A_182, %dma_start3A_183] : memref<10240x128xf32, #tpu.memory_space<vmem_shared>> -> memref<40x128xf32, #tpu.memory_space<vmem_shared>>
    %dma_start3A_185 = arith.constant 0 : i32
    %dma_start3A_186 = tpu.memref_slice %arg6[%add3A_182, %dma_start3A_185] : memref<10240x128xf32, #tpu.memory_space<vmem_shared>> -> memref<40x128xf32, #tpu.memory_space<vmem_shared>>
    tpu.enqueue_dma source(%arg9 : memref<40x128xf32, #tpu.memory_space<vmem>>) target(%dma_start3A_186 : memref<40x128xf32, #tpu.memory_space<vmem_shared>>) target_semaphore(%arg23 : memref<!tpu.dma_semaphore, #tpu.memory_space<semaphore_mem>>)
    %mul3A_187 = arith.constant 640 : i32
    %mul3A_188 = arith.muli %arg1, %mul3A_187 : i32
    %add3A_189 = arith.constant 400 : i32
    %add3A_190 = arith.addi %mul3A_188, %add3A_189 : i32
    %dma_start3A_191 = arith.constant 0 : i32
    %dma_start3A_192 = tpu.memref_slice %arg6[%add3A_190, %dma_start3A_191] : memref<10240x128xf32, #tpu.memory_space<vmem_shared>> -> memref<40x128xf32, #tpu.memory_space<vmem_shared>>
    %dma_start3A_193 = arith.constant 0 : i32
    %dma_start3A_194 = tpu.memref_slice %arg6[%add3A_190, %dma_start3A_193] : memref<10240x128xf32, #tpu.memory_space<vmem_shared>> -> memref<40x128xf32, #tpu.memory_space<vmem_shared>>
    tpu.enqueue_dma source(%arg9 : memref<40x128xf32, #tpu.memory_space<vmem>>) target(%dma_start3A_194 : memref<40x128xf32, #tpu.memory_space<vmem_shared>>) target_semaphore(%arg19 : memref<!tpu.dma_semaphore, #tpu.memory_space<semaphore_mem>>)
    %mul3A_195 = arith.constant 640 : i32
    %mul3A_196 = arith.muli %arg1, %mul3A_195 : i32
    %add3A_197 = arith.constant 440 : i32
    %add3A_198 = arith.addi %mul3A_196, %add3A_197 : i32
    %dma_start3A_199 = arith.constant 0 : i32
    %dma_start3A_200 = tpu.memref_slice %arg6[%add3A_198, %dma_start3A_199] : memref<10240x128xf32, #tpu.memory_space<vmem_shared>> -> memref<40x128xf32, #tpu.memory_space<vmem_shared>>
    %dma_start3A_201 = arith.constant 0 : i32
    %dma_start3A_202 = tpu.memref_slice %arg6[%add3A_198, %dma_start3A_201] : memref<10240x128xf32, #tpu.memory_space<vmem_shared>> -> memref<40x128xf32, #tpu.memory_space<vmem_shared>>
    tpu.enqueue_dma source(%arg9 : memref<40x128xf32, #tpu.memory_space<vmem>>) target(%dma_start3A_202 : memref<40x128xf32, #tpu.memory_space<vmem_shared>>) target_semaphore(%arg20 : memref<!tpu.dma_semaphore, #tpu.memory_space<semaphore_mem>>)
    %mul3A_203 = arith.constant 640 : i32
    %mul3A_204 = arith.muli %arg1, %mul3A_203 : i32
    %add3A_205 = arith.constant 480 : i32
    %add3A_206 = arith.addi %mul3A_204, %add3A_205 : i32
    %dma_start3A_207 = arith.constant 0 : i32
    %dma_start3A_208 = tpu.memref_slice %arg6[%add3A_206, %dma_start3A_207] : memref<10240x128xf32, #tpu.memory_space<vmem_shared>> -> memref<40x128xf32, #tpu.memory_space<vmem_shared>>
    %dma_start3A_209 = arith.constant 0 : i32
    %dma_start3A_210 = tpu.memref_slice %arg6[%add3A_206, %dma_start3A_209] : memref<10240x128xf32, #tpu.memory_space<vmem_shared>> -> memref<40x128xf32, #tpu.memory_space<vmem_shared>>
    tpu.enqueue_dma source(%arg9 : memref<40x128xf32, #tpu.memory_space<vmem>>) target(%dma_start3A_210 : memref<40x128xf32, #tpu.memory_space<vmem_shared>>) target_semaphore(%arg21 : memref<!tpu.dma_semaphore, #tpu.memory_space<semaphore_mem>>)
    %mul3A_211 = arith.constant 640 : i32
    %mul3A_212 = arith.muli %arg1, %mul3A_211 : i32
    %add3A_213 = arith.constant 520 : i32
    %add3A_214 = arith.addi %mul3A_212, %add3A_213 : i32
    %dma_start3A_215 = arith.constant 0 : i32
    %dma_start3A_216 = tpu.memref_slice %arg6[%add3A_214, %dma_start3A_215] : memref<10240x128xf32, #tpu.memory_space<vmem_shared>> -> memref<40x128xf32, #tpu.memory_space<vmem_shared>>
    %dma_start3A_217 = arith.constant 0 : i32
    %dma_start3A_218 = tpu.memref_slice %arg6[%add3A_214, %dma_start3A_217] : memref<10240x128xf32, #tpu.memory_space<vmem_shared>> -> memref<40x128xf32, #tpu.memory_space<vmem_shared>>
    tpu.enqueue_dma source(%arg9 : memref<40x128xf32, #tpu.memory_space<vmem>>) target(%dma_start3A_218 : memref<40x128xf32, #tpu.memory_space<vmem_shared>>) target_semaphore(%arg22 : memref<!tpu.dma_semaphore, #tpu.memory_space<semaphore_mem>>)
    %mul3A_219 = arith.constant 640 : i32
    %mul3A_220 = arith.muli %arg1, %mul3A_219 : i32
    %add3A_221 = arith.constant 560 : i32
    %add3A_222 = arith.addi %mul3A_220, %add3A_221 : i32
    %dma_start3A_223 = arith.constant 0 : i32
    %dma_start3A_224 = tpu.memref_slice %arg6[%add3A_222, %dma_start3A_223] : memref<10240x128xf32, #tpu.memory_space<vmem_shared>> -> memref<40x128xf32, #tpu.memory_space<vmem_shared>>
    %dma_start3A_225 = arith.constant 0 : i32
    %dma_start3A_226 = tpu.memref_slice %arg6[%add3A_222, %dma_start3A_225] : memref<10240x128xf32, #tpu.memory_space<vmem_shared>> -> memref<40x128xf32, #tpu.memory_space<vmem_shared>>
    tpu.enqueue_dma source(%arg9 : memref<40x128xf32, #tpu.memory_space<vmem>>) target(%dma_start3A_226 : memref<40x128xf32, #tpu.memory_space<vmem_shared>>) target_semaphore(%arg23 : memref<!tpu.dma_semaphore, #tpu.memory_space<semaphore_mem>>)
    %mul3A_227 = arith.constant 640 : i32
    %mul3A_228 = arith.muli %arg1, %mul3A_227 : i32
    %add3A_229 = arith.constant 600 : i32
    %add3A_230 = arith.addi %mul3A_228, %add3A_229 : i32
    %dma_start3A_231 = arith.constant 0 : i32
    %dma_start3A_232 = tpu.memref_slice %arg6[%add3A_230, %dma_start3A_231] : memref<10240x128xf32, #tpu.memory_space<vmem_shared>> -> memref<40x128xf32, #tpu.memory_space<vmem_shared>>
    %dma_start3A_233 = arith.constant 0 : i32
    %dma_start3A_234 = tpu.memref_slice %arg6[%add3A_230, %dma_start3A_233] : memref<10240x128xf32, #tpu.memory_space<vmem_shared>> -> memref<40x128xf32, #tpu.memory_space<vmem_shared>>
    tpu.enqueue_dma source(%arg9 : memref<40x128xf32, #tpu.memory_space<vmem>>) target(%dma_start3A_234 : memref<40x128xf32, #tpu.memory_space<vmem_shared>>) target_semaphore(%arg19 : memref<!tpu.dma_semaphore, #tpu.memory_space<semaphore_mem>>)
    %mul3A_235 = arith.constant 640 : i32
    %mul3A_236 = arith.muli %arg1, %mul3A_235 : i32
    %add3A_237 = arith.constant 0 : i32
    %add3A_238 = arith.addi %mul3A_236, %add3A_237 : i32
    %dma_wait3A_239 = arith.constant 0 : i32
    %dma_wait3A_240 = tpu.memref_slice %arg6[%add3A_238, %dma_wait3A_239] : memref<10240x128xf32, #tpu.memory_space<vmem_shared>> -> memref<40x128xf32, #tpu.memory_space<vmem_shared>>
    %dma_wait3A_241 = arith.constant 0 : i32
    %dma_wait3A_242 = tpu.memref_slice %arg6[%add3A_238, %dma_wait3A_241] : memref<10240x128xf32, #tpu.memory_space<vmem_shared>> -> memref<40x128xf32, #tpu.memory_space<vmem_shared>>
    tpu.wait_dma2 semaphore(%arg19 : memref<!tpu.dma_semaphore, #tpu.memory_space<semaphore_mem>>) src(%arg9 : memref<40x128xf32, #tpu.memory_space<vmem>>) dst(%dma_wait3A_242 : memref<40x128xf32, #tpu.memory_space<vmem_shared>>)
    %mul3A_243 = arith.constant 640 : i32
    %mul3A_244 = arith.muli %arg1, %mul3A_243 : i32
    %add3A_245 = arith.constant 40 : i32
    %add3A_246 = arith.addi %mul3A_244, %add3A_245 : i32
    %dma_wait3A_247 = arith.constant 0 : i32
    %dma_wait3A_248 = tpu.memref_slice %arg6[%add3A_246, %dma_wait3A_247] : memref<10240x128xf32, #tpu.memory_space<vmem_shared>> -> memref<40x128xf32, #tpu.memory_space<vmem_shared>>
    %dma_wait3A_249 = arith.constant 0 : i32
    %dma_wait3A_250 = tpu.memref_slice %arg6[%add3A_246, %dma_wait3A_249] : memref<10240x128xf32, #tpu.memory_space<vmem_shared>> -> memref<40x128xf32, #tpu.memory_space<vmem_shared>>
    tpu.wait_dma2 semaphore(%arg20 : memref<!tpu.dma_semaphore, #tpu.memory_space<semaphore_mem>>) src(%arg9 : memref<40x128xf32, #tpu.memory_space<vmem>>) dst(%dma_wait3A_250 : memref<40x128xf32, #tpu.memory_space<vmem_shared>>)
    %mul3A_251 = arith.constant 640 : i32
    %mul3A_252 = arith.muli %arg1, %mul3A_251 : i32
    %add3A_253 = arith.constant 80 : i32
    %add3A_254 = arith.addi %mul3A_252, %add3A_253 : i32
    %dma_wait3A_255 = arith.constant 0 : i32
    %dma_wait3A_256 = tpu.memref_slice %arg6[%add3A_254, %dma_wait3A_255] : memref<10240x128xf32, #tpu.memory_space<vmem_shared>> -> memref<40x128xf32, #tpu.memory_space<vmem_shared>>
    %dma_wait3A_257 = arith.constant 0 : i32
    %dma_wait3A_258 = tpu.memref_slice %arg6[%add3A_254, %dma_wait3A_257] : memref<10240x128xf32, #tpu.memory_space<vmem_shared>> -> memref<40x128xf32, #tpu.memory_space<vmem_shared>>
    tpu.wait_dma2 semaphore(%arg21 : memref<!tpu.dma_semaphore, #tpu.memory_space<semaphore_mem>>) src(%arg9 : memref<40x128xf32, #tpu.memory_space<vmem>>) dst(%dma_wait3A_258 : memref<40x128xf32, #tpu.memory_space<vmem_shared>>)
    %mul3A_259 = arith.constant 640 : i32
    %mul3A_260 = arith.muli %arg1, %mul3A_259 : i32
    %add3A_261 = arith.constant 120 : i32
    %add3A_262 = arith.addi %mul3A_260, %add3A_261 : i32
    %dma_wait3A_263 = arith.constant 0 : i32
    %dma_wait3A_264 = tpu.memref_slice %arg6[%add3A_262, %dma_wait3A_263] : memref<10240x128xf32, #tpu.memory_space<vmem_shared>> -> memref<40x128xf32, #tpu.memory_space<vmem_shared>>
    %dma_wait3A_265 = arith.constant 0 : i32
    %dma_wait3A_266 = tpu.memref_slice %arg6[%add3A_262, %dma_wait3A_265] : memref<10240x128xf32, #tpu.memory_space<vmem_shared>> -> memref<40x128xf32, #tpu.memory_space<vmem_shared>>
    tpu.wait_dma2 semaphore(%arg22 : memref<!tpu.dma_semaphore, #tpu.memory_space<semaphore_mem>>) src(%arg9 : memref<40x128xf32, #tpu.memory_space<vmem>>) dst(%dma_wait3A_266 : memref<40x128xf32, #tpu.memory_space<vmem_shared>>)
    %mul3A_267 = arith.constant 640 : i32
    %mul3A_268 = arith.muli %arg1, %mul3A_267 : i32
    %add3A_269 = arith.constant 160 : i32
    %add3A_270 = arith.addi %mul3A_268, %add3A_269 : i32
    %dma_wait3A_271 = arith.constant 0 : i32
    %dma_wait3A_272 = tpu.memref_slice %arg6[%add3A_270, %dma_wait3A_271] : memref<10240x128xf32, #tpu.memory_space<vmem_shared>> -> memref<40x128xf32, #tpu.memory_space<vmem_shared>>
    %dma_wait3A_273 = arith.constant 0 : i32
    %dma_wait3A_274 = tpu.memref_slice %arg6[%add3A_270, %dma_wait3A_273] : memref<10240x128xf32, #tpu.memory_space<vmem_shared>> -> memref<40x128xf32, #tpu.memory_space<vmem_shared>>
    tpu.wait_dma2 semaphore(%arg23 : memref<!tpu.dma_semaphore, #tpu.memory_space<semaphore_mem>>) src(%arg9 : memref<40x128xf32, #tpu.memory_space<vmem>>) dst(%dma_wait3A_274 : memref<40x128xf32, #tpu.memory_space<vmem_shared>>)
    %mul3A_275 = arith.constant 640 : i32
    %mul3A_276 = arith.muli %arg1, %mul3A_275 : i32
    %add3A_277 = arith.constant 200 : i32
    %add3A_278 = arith.addi %mul3A_276, %add3A_277 : i32
    %dma_wait3A_279 = arith.constant 0 : i32
    %dma_wait3A_280 = tpu.memref_slice %arg6[%add3A_278, %dma_wait3A_279] : memref<10240x128xf32, #tpu.memory_space<vmem_shared>> -> memref<40x128xf32, #tpu.memory_space<vmem_shared>>
    %dma_wait3A_281 = arith.constant 0 : i32
    %dma_wait3A_282 = tpu.memref_slice %arg6[%add3A_278, %dma_wait3A_281] : memref<10240x128xf32, #tpu.memory_space<vmem_shared>> -> memref<40x128xf32, #tpu.memory_space<vmem_shared>>
    tpu.wait_dma2 semaphore(%arg19 : memref<!tpu.dma_semaphore, #tpu.memory_space<semaphore_mem>>) src(%arg9 : memref<40x128xf32, #tpu.memory_space<vmem>>) dst(%dma_wait3A_282 : memref<40x128xf32, #tpu.memory_space<vmem_shared>>)
    %mul3A_283 = arith.constant 640 : i32
    %mul3A_284 = arith.muli %arg1, %mul3A_283 : i32
    %add3A_285 = arith.constant 240 : i32
    %add3A_286 = arith.addi %mul3A_284, %add3A_285 : i32
    %dma_wait3A_287 = arith.constant 0 : i32
    %dma_wait3A_288 = tpu.memref_slice %arg6[%add3A_286, %dma_wait3A_287] : memref<10240x128xf32, #tpu.memory_space<vmem_shared>> -> memref<40x128xf32, #tpu.memory_space<vmem_shared>>
    %dma_wait3A_289 = arith.constant 0 : i32
    %dma_wait3A_290 = tpu.memref_slice %arg6[%add3A_286, %dma_wait3A_289] : memref<10240x128xf32, #tpu.memory_space<vmem_shared>> -> memref<40x128xf32, #tpu.memory_space<vmem_shared>>
    tpu.wait_dma2 semaphore(%arg20 : memref<!tpu.dma_semaphore, #tpu.memory_space<semaphore_mem>>) src(%arg9 : memref<40x128xf32, #tpu.memory_space<vmem>>) dst(%dma_wait3A_290 : memref<40x128xf32, #tpu.memory_space<vmem_shared>>)
    %mul3A_291 = arith.constant 640 : i32
    %mul3A_292 = arith.muli %arg1, %mul3A_291 : i32
    %add3A_293 = arith.constant 280 : i32
    %add3A_294 = arith.addi %mul3A_292, %add3A_293 : i32
    %dma_wait3A_295 = arith.constant 0 : i32
    %dma_wait3A_296 = tpu.memref_slice %arg6[%add3A_294, %dma_wait3A_295] : memref<10240x128xf32, #tpu.memory_space<vmem_shared>> -> memref<40x128xf32, #tpu.memory_space<vmem_shared>>
    %dma_wait3A_297 = arith.constant 0 : i32
    %dma_wait3A_298 = tpu.memref_slice %arg6[%add3A_294, %dma_wait3A_297] : memref<10240x128xf32, #tpu.memory_space<vmem_shared>> -> memref<40x128xf32, #tpu.memory_space<vmem_shared>>
    tpu.wait_dma2 semaphore(%arg21 : memref<!tpu.dma_semaphore, #tpu.memory_space<semaphore_mem>>) src(%arg9 : memref<40x128xf32, #tpu.memory_space<vmem>>) dst(%dma_wait3A_298 : memref<40x128xf32, #tpu.memory_space<vmem_shared>>)
    %mul3A_299 = arith.constant 640 : i32
    %mul3A_300 = arith.muli %arg1, %mul3A_299 : i32
    %add3A_301 = arith.constant 320 : i32
    %add3A_302 = arith.addi %mul3A_300, %add3A_301 : i32
    %dma_wait3A_303 = arith.constant 0 : i32
    %dma_wait3A_304 = tpu.memref_slice %arg6[%add3A_302, %dma_wait3A_303] : memref<10240x128xf32, #tpu.memory_space<vmem_shared>> -> memref<40x128xf32, #tpu.memory_space<vmem_shared>>
    %dma_wait3A_305 = arith.constant 0 : i32
    %dma_wait3A_306 = tpu.memref_slice %arg6[%add3A_302, %dma_wait3A_305] : memref<10240x128xf32, #tpu.memory_space<vmem_shared>> -> memref<40x128xf32, #tpu.memory_space<vmem_shared>>
    tpu.wait_dma2 semaphore(%arg22 : memref<!tpu.dma_semaphore, #tpu.memory_space<semaphore_mem>>) src(%arg9 : memref<40x128xf32, #tpu.memory_space<vmem>>) dst(%dma_wait3A_306 : memref<40x128xf32, #tpu.memory_space<vmem_shared>>)
    %mul3A_307 = arith.constant 640 : i32
    %mul3A_308 = arith.muli %arg1, %mul3A_307 : i32
    %add3A_309 = arith.constant 360 : i32
    %add3A_310 = arith.addi %mul3A_308, %add3A_309 : i32
    %dma_wait3A_311 = arith.constant 0 : i32
    %dma_wait3A_312 = tpu.memref_slice %arg6[%add3A_310, %dma_wait3A_311] : memref<10240x128xf32, #tpu.memory_space<vmem_shared>> -> memref<40x128xf32, #tpu.memory_space<vmem_shared>>
    %dma_wait3A_313 = arith.constant 0 : i32
    %dma_wait3A_314 = tpu.memref_slice %arg6[%add3A_310, %dma_wait3A_313] : memref<10240x128xf32, #tpu.memory_space<vmem_shared>> -> memref<40x128xf32, #tpu.memory_space<vmem_shared>>
    tpu.wait_dma2 semaphore(%arg23 : memref<!tpu.dma_semaphore, #tpu.memory_space<semaphore_mem>>) src(%arg9 : memref<40x128xf32, #tpu.memory_space<vmem>>) dst(%dma_wait3A_314 : memref<40x128xf32, #tpu.memory_space<vmem_shared>>)
    %mul3A_315 = arith.constant 640 : i32
    %mul3A_316 = arith.muli %arg1, %mul3A_315 : i32
    %add3A_317 = arith.constant 400 : i32
    %add3A_318 = arith.addi %mul3A_316, %add3A_317 : i32
    %dma_wait3A_319 = arith.constant 0 : i32
    %dma_wait3A_320 = tpu.memref_slice %arg6[%add3A_318, %dma_wait3A_319] : memref<10240x128xf32, #tpu.memory_space<vmem_shared>> -> memref<40x128xf32, #tpu.memory_space<vmem_shared>>
    %dma_wait3A_321 = arith.constant 0 : i32
    %dma_wait3A_322 = tpu.memref_slice %arg6[%add3A_318, %dma_wait3A_321] : memref<10240x128xf32, #tpu.memory_space<vmem_shared>> -> memref<40x128xf32, #tpu.memory_space<vmem_shared>>
    tpu.wait_dma2 semaphore(%arg19 : memref<!tpu.dma_semaphore, #tpu.memory_space<semaphore_mem>>) src(%arg9 : memref<40x128xf32, #tpu.memory_space<vmem>>) dst(%dma_wait3A_322 : memref<40x128xf32, #tpu.memory_space<vmem_shared>>)
    %mul3A_323 = arith.constant 640 : i32
    %mul3A_324 = arith.muli %arg1, %mul3A_323 : i32
    %add3A_325 = arith.constant 440 : i32
    %add3A_326 = arith.addi %mul3A_324, %add3A_325 : i32
    %dma_wait3A_327 = arith.constant 0 : i32
    %dma_wait3A_328 = tpu.memref_slice %arg6[%add3A_326, %dma_wait3A_327] : memref<10240x128xf32, #tpu.memory_space<vmem_shared>> -> memref<40x128xf32, #tpu.memory_space<vmem_shared>>
    %dma_wait3A_329 = arith.constant 0 : i32
    %dma_wait3A_330 = tpu.memref_slice %arg6[%add3A_326, %dma_wait3A_329] : memref<10240x128xf32, #tpu.memory_space<vmem_shared>> -> memref<40x128xf32, #tpu.memory_space<vmem_shared>>
    tpu.wait_dma2 semaphore(%arg20 : memref<!tpu.dma_semaphore, #tpu.memory_space<semaphore_mem>>) src(%arg9 : memref<40x128xf32, #tpu.memory_space<vmem>>) dst(%dma_wait3A_330 : memref<40x128xf32, #tpu.memory_space<vmem_shared>>)
    %mul3A_331 = arith.constant 640 : i32
    %mul3A_332 = arith.muli %arg1, %mul3A_331 : i32
    %add3A_333 = arith.constant 480 : i32
    %add3A_334 = arith.addi %mul3A_332, %add3A_333 : i32
    %dma_wait3A_335 = arith.constant 0 : i32
    %dma_wait3A_336 = tpu.memref_slice %arg6[%add3A_334, %dma_wait3A_335] : memref<10240x128xf32, #tpu.memory_space<vmem_shared>> -> memref<40x128xf32, #tpu.memory_space<vmem_shared>>
    %dma_wait3A_337 = arith.constant 0 : i32
    %dma_wait3A_338 = tpu.memref_slice %arg6[%add3A_334, %dma_wait3A_337] : memref<10240x128xf32, #tpu.memory_space<vmem_shared>> -> memref<40x128xf32, #tpu.memory_space<vmem_shared>>
    tpu.wait_dma2 semaphore(%arg21 : memref<!tpu.dma_semaphore, #tpu.memory_space<semaphore_mem>>) src(%arg9 : memref<40x128xf32, #tpu.memory_space<vmem>>) dst(%dma_wait3A_338 : memref<40x128xf32, #tpu.memory_space<vmem_shared>>)
    %mul3A_339 = arith.constant 640 : i32
    %mul3A_340 = arith.muli %arg1, %mul3A_339 : i32
    %add3A_341 = arith.constant 520 : i32
    %add3A_342 = arith.addi %mul3A_340, %add3A_341 : i32
    %dma_wait3A_343 = arith.constant 0 : i32
    %dma_wait3A_344 = tpu.memref_slice %arg6[%add3A_342, %dma_wait3A_343] : memref<10240x128xf32, #tpu.memory_space<vmem_shared>> -> memref<40x128xf32, #tpu.memory_space<vmem_shared>>
    %dma_wait3A_345 = arith.constant 0 : i32
    %dma_wait3A_346 = tpu.memref_slice %arg6[%add3A_342, %dma_wait3A_345] : memref<10240x128xf32, #tpu.memory_space<vmem_shared>> -> memref<40x128xf32, #tpu.memory_space<vmem_shared>>
    tpu.wait_dma2 semaphore(%arg22 : memref<!tpu.dma_semaphore, #tpu.memory_space<semaphore_mem>>) src(%arg9 : memref<40x128xf32, #tpu.memory_space<vmem>>) dst(%dma_wait3A_346 : memref<40x128xf32, #tpu.memory_space<vmem_shared>>)
    %mul3A_347 = arith.constant 640 : i32
    %mul3A_348 = arith.muli %arg1, %mul3A_347 : i32
    %add3A_349 = arith.constant 560 : i32
    %add3A_350 = arith.addi %mul3A_348, %add3A_349 : i32
    %dma_wait3A_351 = arith.constant 0 : i32
    %dma_wait3A_352 = tpu.memref_slice %arg6[%add3A_350, %dma_wait3A_351] : memref<10240x128xf32, #tpu.memory_space<vmem_shared>> -> memref<40x128xf32, #tpu.memory_space<vmem_shared>>
    %dma_wait3A_353 = arith.constant 0 : i32
    %dma_wait3A_354 = tpu.memref_slice %arg6[%add3A_350, %dma_wait3A_353] : memref<10240x128xf32, #tpu.memory_space<vmem_shared>> -> memref<40x128xf32, #tpu.memory_space<vmem_shared>>
    tpu.wait_dma2 semaphore(%arg23 : memref<!tpu.dma_semaphore, #tpu.memory_space<semaphore_mem>>) src(%arg9 : memref<40x128xf32, #tpu.memory_space<vmem>>) dst(%dma_wait3A_354 : memref<40x128xf32, #tpu.memory_space<vmem_shared>>)
    %mul3A_355 = arith.constant 640 : i32
    %mul3A_356 = arith.muli %arg1, %mul3A_355 : i32
    %add3A_357 = arith.constant 600 : i32
    %add3A_358 = arith.addi %mul3A_356, %add3A_357 : i32
    %dma_wait3A_359 = arith.constant 0 : i32
    %dma_wait3A_360 = tpu.memref_slice %arg6[%add3A_358, %dma_wait3A_359] : memref<10240x128xf32, #tpu.memory_space<vmem_shared>> -> memref<40x128xf32, #tpu.memory_space<vmem_shared>>
    %dma_wait3A_361 = arith.constant 0 : i32
    %dma_wait3A_362 = tpu.memref_slice %arg6[%add3A_358, %dma_wait3A_361] : memref<10240x128xf32, #tpu.memory_space<vmem_shared>> -> memref<40x128xf32, #tpu.memory_space<vmem_shared>>
    tpu.wait_dma2 semaphore(%arg19 : memref<!tpu.dma_semaphore, #tpu.memory_space<semaphore_mem>>) src(%arg9 : memref<40x128xf32, #tpu.memory_space<vmem>>) dst(%dma_wait3A_362 : memref<40x128xf32, #tpu.memory_space<vmem_shared>>)
    %dma_start3A_363 = arith.constant 0 : i32
    %dma_start3A_364 = arith.constant 0 : i32
    %dma_start3A_365 = arith.constant 0 : i32
    %dma_start3A_366 = tpu.memref_slice %arg7[%dma_start3A_363, %dma_start3A_364, %dma_start3A_365] : memref<2x5x40xi32, #tpu.memory_space<vmem>> -> memref<1x1x40xi32, #tpu.memory_space<vmem>>
    %dma_start3A_367 = tpu.memref_squeeze %dma_start3A_366 : memref<1x1x40xi32, #tpu.memory_space<vmem>> -> memref<40xi32, #tpu.memory_space<vmem>>
    %dma_start3A_368 = arith.constant 0 : i32
    %dma_start3A_369 = arith.constant 0 : i32
    %dma_start3A_370 = tpu.memref_slice %arg4[%dma_start3A_368, %dma_start3A_369] : memref<20480x128xf32, #tpu.memory_space<hbm>> -> memref<20480x128xf32, #tpu.memory_space<hbm>>
    tpu.enqueue_indirect_dma source(%dma_start3A_370 : memref<20480x128xf32, #tpu.memory_space<hbm>>) target(%arg9 : memref<40x128xf32, #tpu.memory_space<vmem>>) offsets(%dma_start3A_367 : memref<40xi32, #tpu.memory_space<vmem>>) semaphore(%arg14 : memref<!tpu.dma_semaphore, #tpu.memory_space<semaphore_mem>>)
    %min3A = arith.constant 1 : i32
    %min3A_371 = arith.constant 99 : i32
    %min3A_372 = arith.minsi %min3A, %min3A_371 : i32
    %dma_start3A_373 = arith.constant 1 : i32
    %dma_start3A_374 = arith.constant 0 : i32
    %dma_start3A_375 = arith.constant 0 : i32
    %dma_start3A_376 = tpu.memref_slice %arg7[%dma_start3A_373, %dma_start3A_374, %dma_start3A_375] : memref<2x5x40xi32, #tpu.memory_space<vmem>> -> memref<1x5x40xi32, #tpu.memory_space<vmem>>
    %dma_start3A_377 = tpu.memref_squeeze %dma_start3A_376 : memref<1x5x40xi32, #tpu.memory_space<vmem>> -> memref<5x40xi32, #tpu.memory_space<vmem>>
    %dma_start3A_378 = arith.constant 0 : i32
    %dma_start3A_379 = arith.constant 0 : i32
    %dma_start3A_380 = tpu.memref_slice %arg2[%arg0, %arg1, %min3A_372, %dma_start3A_378, %dma_start3A_379] : memref<2x16x100x5x40xi32, #tpu.memory_space<hbm>> -> memref<1x1x1x5x40xi32, #tpu.memory_space<hbm>>
    %dma_start3A_381 = tpu.memref_squeeze %dma_start3A_380 : memref<1x1x1x5x40xi32, #tpu.memory_space<hbm>> -> memref<5x40xi32, #tpu.memory_space<hbm>>
    %dma_start3A_382 = arith.constant 0 : i32
    %dma_start3A_383 = arith.constant 0 : i32
    %dma_start3A_384 = tpu.memref_slice %arg7[%dma_start3A_373, %dma_start3A_382, %dma_start3A_383] : memref<2x5x40xi32, #tpu.memory_space<vmem>> -> memref<1x5x40xi32, #tpu.memory_space<vmem>>
    %dma_start3A_385 = tpu.memref_squeeze %dma_start3A_384 : memref<1x5x40xi32, #tpu.memory_space<vmem>> -> memref<5x40xi32, #tpu.memory_space<vmem>>
    %dma_start3A_386 = arith.constant 0 : i32
    %dma_start3A_387 = arith.constant 0 : i32
    %dma_start3A_388 = tpu.memref_slice %arg2[%arg0, %arg1, %min3A_372, %dma_start3A_386, %dma_start3A_387] : memref<2x16x100x5x40xi32, #tpu.memory_space<hbm>> -> memref<1x1x1x5x40xi32, #tpu.memory_space<hbm>>
    %dma_start3A_389 = tpu.memref_squeeze %dma_start3A_388 : memref<1x1x1x5x40xi32, #tpu.memory_space<hbm>> -> memref<5x40xi32, #tpu.memory_space<hbm>>
    tpu.enqueue_dma source(%dma_start3A_389 : memref<5x40xi32, #tpu.memory_space<hbm>>) target(%dma_start3A_385 : memref<5x40xi32, #tpu.memory_space<vmem>>) target_semaphore(%arg24 : memref<!tpu.dma_semaphore, #tpu.memory_space<semaphore_mem>>)
    %dma_start3A_390 = arith.constant 1 : i32
    %dma_start3A_391 = arith.constant 0 : i32
    %dma_start3A_392 = arith.constant 0 : i32
    %dma_start3A_393 = tpu.memref_slice %arg8[%dma_start3A_390, %dma_start3A_391, %dma_start3A_392] : memref<2x5x40xi32, #tpu.memory_space<vmem>> -> memref<1x5x40xi32, #tpu.memory_space<vmem>>
    %dma_start3A_394 = tpu.memref_squeeze %dma_start3A_393 : memref<1x5x40xi32, #tpu.memory_space<vmem>> -> memref<5x40xi32, #tpu.memory_space<vmem>>
    %dma_start3A_395 = arith.constant 0 : i32
    %dma_start3A_396 = arith.constant 0 : i32
    %dma_start3A_397 = tpu.memref_slice %arg3[%arg0, %arg1, %min3A_372, %dma_start3A_395, %dma_start3A_396] : memref<2x16x100x5x40xi32, #tpu.memory_space<hbm>> -> memref<1x1x1x5x40xi32, #tpu.memory_space<hbm>>
    %dma_start3A_398 = tpu.memref_squeeze %dma_start3A_397 : memref<1x1x1x5x40xi32, #tpu.memory_space<hbm>> -> memref<5x40xi32, #tpu.memory_space<hbm>>
    %dma_start3A_399 = arith.constant 0 : i32
    %dma_start3A_400 = arith.constant 0 : i32
    %dma_start3A_401 = tpu.memref_slice %arg8[%dma_start3A_390, %dma_start3A_399, %dma_start3A_400] : memref<2x5x40xi32, #tpu.memory_space<vmem>> -> memref<1x5x40xi32, #tpu.memory_space<vmem>>
    %dma_start3A_402 = tpu.memref_squeeze %dma_start3A_401 : memref<1x5x40xi32, #tpu.memory_space<vmem>> -> memref<5x40xi32, #tpu.memory_space<vmem>>
    %dma_start3A_403 = arith.constant 0 : i32
    %dma_start3A_404 = arith.constant 0 : i32
    %dma_start3A_405 = tpu.memref_slice %arg3[%arg0, %arg1, %min3A_372, %dma_start3A_403, %dma_start3A_404] : memref<2x16x100x5x40xi32, #tpu.memory_space<hbm>> -> memref<1x1x1x5x40xi32, #tpu.memory_space<hbm>>
    %dma_start3A_406 = tpu.memref_squeeze %dma_start3A_405 : memref<1x1x1x5x40xi32, #tpu.memory_space<hbm>> -> memref<5x40xi32, #tpu.memory_space<hbm>>
    tpu.enqueue_dma source(%dma_start3A_406 : memref<5x40xi32, #tpu.memory_space<hbm>>) target(%dma_start3A_402 : memref<5x40xi32, #tpu.memory_space<vmem>>) target_semaphore(%arg25 : memref<!tpu.dma_semaphore, #tpu.memory_space<semaphore_mem>>)
    %barrier3A = arith.constant 0 : index
    tpu.barrier barrier_id(%barrier3A)
    %scan3A_407 = arith.constant 0 : i32
    %scan3A_408 = arith.constant 0 : i32
    %scan3A_409 = arith.constant 99 : i32
    %scan3A_410 = arith.addi %scan3A_408, %scan3A_409 : i32
    %scan3A_411 = arith.constant 1 : i32
    %scan3A_412 = scf.for %scan3A_578 = %scan3A_408 to %scan3A_410 step %scan3A_411 iter_args(%scan3A_579 = %scan3A_407) -> (i32)  : i32 {
      %rem3A = arith.constant 2 : i32
      %rem3A_580 = arith.remsi %scan3A_578, %rem3A : i32
      %sub3A = arith.constant 1 : i32
      %sub3A_581 = arith.subi %sub3A, %rem3A_580 : i32
      %dma_wait3A_582 = arith.constant 0 : i32
      %dma_wait3A_583 = arith.constant 0 : i32
      %dma_wait3A_584 = arith.constant 0 : i32
      %dma_wait3A_585 = tpu.memref_slice %arg7[%dma_wait3A_582, %dma_wait3A_583, %dma_wait3A_584] : memref<2x5x40xi32, #tpu.memory_space<vmem>> -> memref<1x1x40xi32, #tpu.memory_space<vmem>>
      %dma_wait3A_586 = tpu.memref_squeeze %dma_wait3A_585 : memref<1x1x40xi32, #tpu.memory_space<vmem>> -> memref<40xi32, #tpu.memory_space<vmem>>
      %dma_wait3A_587 = arith.constant 0 : i32
      %dma_wait3A_588 = arith.constant 0 : i32
      %dma_wait3A_589 = tpu.memref_slice %arg4[%dma_wait3A_587, %dma_wait3A_588] : memref<20480x128xf32, #tpu.memory_space<hbm>> -> memref<20480x128xf32, #tpu.memory_space<hbm>>
      tpu.wait_indirect_dma semaphore(%arg14 : memref<!tpu.dma_semaphore, #tpu.memory_space<semaphore_mem>>) src(%dma_wait3A_589 : memref<20480x128xf32, #tpu.memory_space<hbm>>) dst(%arg9 : memref<40x128xf32, #tpu.memory_space<vmem>>)
      %dma_start3A_590 = arith.constant 0 : i32
      %dma_start3A_591 = arith.constant 0 : i32
      %dma_start3A_592 = tpu.memref_slice %arg8[%rem3A_580, %dma_start3A_590, %dma_start3A_591] : memref<2x5x40xi32, #tpu.memory_space<vmem>> -> memref<1x1x40xi32, #tpu.memory_space<vmem>>
      %dma_start3A_593 = tpu.memref_squeeze %dma_start3A_592 : memref<1x1x40xi32, #tpu.memory_space<vmem>> -> memref<40xi32, #tpu.memory_space<vmem>>
      %dma_start3A_594 = arith.constant 0 : i32
      %dma_start3A_595 = arith.constant 0 : i32
      %dma_start3A_596 = tpu.memref_slice %arg6[%dma_start3A_594, %dma_start3A_595] : memref<10240x128xf32, #tpu.memory_space<vmem_shared>> -> memref<10240x128xf32, #tpu.memory_space<vmem_shared>>
      tpu.enqueue_indirect_dma source(%arg9 : memref<40x128xf32, #tpu.memory_space<vmem>>) target(%dma_start3A_596 : memref<10240x128xf32, #tpu.memory_space<vmem_shared>>) offsets(%dma_start3A_593 : memref<40xi32, #tpu.memory_space<vmem>>) semaphore(%arg19 : memref<!tpu.dma_semaphore, #tpu.memory_space<semaphore_mem>>) {add = true}
      %dma_wait3A_597 = arith.constant 0 : i32
      %dma_wait3A_598 = arith.constant 0 : i32
      %dma_wait3A_599 = arith.constant 0 : i32
      %dma_wait3A_600 = tpu.memref_slice %arg7[%dma_wait3A_597, %dma_wait3A_598, %dma_wait3A_599] : memref<2x5x40xi32, #tpu.memory_space<vmem>> -> memref<1x1x40xi32, #tpu.memory_space<vmem>>
      %dma_wait3A_601 = tpu.memref_squeeze %dma_wait3A_600 : memref<1x1x40xi32, #tpu.memory_space<vmem>> -> memref<40xi32, #tpu.memory_space<vmem>>
      %dma_wait3A_602 = arith.constant 0 : i32
      %dma_wait3A_603 = arith.constant 0 : i32
      %dma_wait3A_604 = tpu.memref_slice %arg4[%dma_wait3A_602, %dma_wait3A_603] : memref<20480x128xf32, #tpu.memory_space<hbm>> -> memref<20480x128xf32, #tpu.memory_space<hbm>>
      tpu.wait_indirect_dma semaphore(%arg15 : memref<!tpu.dma_semaphore, #tpu.memory_space<semaphore_mem>>) src(%dma_wait3A_604 : memref<20480x128xf32, #tpu.memory_space<hbm>>) dst(%arg10 : memref<40x128xf32, #tpu.memory_space<vmem>>)
      %dma_start3A_605 = arith.constant 1 : i32
      %dma_start3A_606 = arith.constant 0 : i32
      %dma_start3A_607 = tpu.memref_slice %arg8[%rem3A_580, %dma_start3A_605, %dma_start3A_606] : memref<2x5x40xi32, #tpu.memory_space<vmem>> -> memref<1x1x40xi32, #tpu.memory_space<vmem>>
      %dma_start3A_608 = tpu.memref_squeeze %dma_start3A_607 : memref<1x1x40xi32, #tpu.memory_space<vmem>> -> memref<40xi32, #tpu.memory_space<vmem>>
      %dma_start3A_609 = arith.constant 0 : i32
      %dma_start3A_610 = arith.constant 0 : i32
      %dma_start3A_611 = tpu.memref_slice %arg6[%dma_start3A_609, %dma_start3A_610] : memref<10240x128xf32, #tpu.memory_space<vmem_shared>> -> memref<10240x128xf32, #tpu.memory_space<vmem_shared>>
      tpu.enqueue_indirect_dma source(%arg10 : memref<40x128xf32, #tpu.memory_space<vmem>>) target(%dma_start3A_611 : memref<10240x128xf32, #tpu.memory_space<vmem_shared>>) offsets(%dma_start3A_608 : memref<40xi32, #tpu.memory_space<vmem>>) semaphore(%arg20 : memref<!tpu.dma_semaphore, #tpu.memory_space<semaphore_mem>>) {add = true}
      %dma_wait3A_612 = arith.constant 0 : i32
      %dma_wait3A_613 = arith.constant 0 : i32
      %dma_wait3A_614 = arith.constant 0 : i32
      %dma_wait3A_615 = tpu.memref_slice %arg7[%dma_wait3A_612, %dma_wait3A_613, %dma_wait3A_614] : memref<2x5x40xi32, #tpu.memory_space<vmem>> -> memref<1x1x40xi32, #tpu.memory_space<vmem>>
      %dma_wait3A_616 = tpu.memref_squeeze %dma_wait3A_615 : memref<1x1x40xi32, #tpu.memory_space<vmem>> -> memref<40xi32, #tpu.memory_space<vmem>>
      %dma_wait3A_617 = arith.constant 0 : i32
      %dma_wait3A_618 = arith.constant 0 : i32
      %dma_wait3A_619 = tpu.memref_slice %arg4[%dma_wait3A_617, %dma_wait3A_618] : memref<20480x128xf32, #tpu.memory_space<hbm>> -> memref<20480x128xf32, #tpu.memory_space<hbm>>
      tpu.wait_indirect_dma semaphore(%arg16 : memref<!tpu.dma_semaphore, #tpu.memory_space<semaphore_mem>>) src(%dma_wait3A_619 : memref<20480x128xf32, #tpu.memory_space<hbm>>) dst(%arg11 : memref<40x128xf32, #tpu.memory_space<vmem>>)
      %dma_start3A_620 = arith.constant 2 : i32
      %dma_start3A_621 = arith.constant 0 : i32
      %dma_start3A_622 = tpu.memref_slice %arg8[%rem3A_580, %dma_start3A_620, %dma_start3A_621] : memref<2x5x40xi32, #tpu.memory_space<vmem>> -> memref<1x1x40xi32, #tpu.memory_space<vmem>>
      %dma_start3A_623 = tpu.memref_squeeze %dma_start3A_622 : memref<1x1x40xi32, #tpu.memory_space<vmem>> -> memref<40xi32, #tpu.memory_space<vmem>>
      %dma_start3A_624 = arith.constant 0 : i32
      %dma_start3A_625 = arith.constant 0 : i32
      %dma_start3A_626 = tpu.memref_slice %arg6[%dma_start3A_624, %dma_start3A_625] : memref<10240x128xf32, #tpu.memory_space<vmem_shared>> -> memref<10240x128xf32, #tpu.memory_space<vmem_shared>>
      tpu.enqueue_indirect_dma source(%arg11 : memref<40x128xf32, #tpu.memory_space<vmem>>) target(%dma_start3A_626 : memref<10240x128xf32, #tpu.memory_space<vmem_shared>>) offsets(%dma_start3A_623 : memref<40xi32, #tpu.memory_space<vmem>>) semaphore(%arg21 : memref<!tpu.dma_semaphore, #tpu.memory_space<semaphore_mem>>) {add = true}
      %dma_wait3A_627 = arith.constant 0 : i32
      %dma_wait3A_628 = arith.constant 0 : i32
      %dma_wait3A_629 = arith.constant 0 : i32
      %dma_wait3A_630 = tpu.memref_slice %arg7[%dma_wait3A_627, %dma_wait3A_628, %dma_wait3A_629] : memref<2x5x40xi32, #tpu.memory_space<vmem>> -> memref<1x1x40xi32, #tpu.memory_space<vmem>>
      %dma_wait3A_631 = tpu.memref_squeeze %dma_wait3A_630 : memref<1x1x40xi32, #tpu.memory_space<vmem>> -> memref<40xi32, #tpu.memory_space<vmem>>
      %dma_wait3A_632 = arith.constant 0 : i32
      %dma_wait3A_633 = arith.constant 0 : i32
      %dma_wait3A_634 = tpu.memref_slice %arg4[%dma_wait3A_632, %dma_wait3A_633] : memref<20480x128xf32, #tpu.memory_space<hbm>> -> memref<20480x128xf32, #tpu.memory_space<hbm>>
      tpu.wait_indirect_dma semaphore(%arg17 : memref<!tpu.dma_semaphore, #tpu.memory_space<semaphore_mem>>) src(%dma_wait3A_634 : memref<20480x128xf32, #tpu.memory_space<hbm>>) dst(%arg12 : memref<40x128xf32, #tpu.memory_space<vmem>>)
      %dma_start3A_635 = arith.constant 3 : i32
      %dma_start3A_636 = arith.constant 0 : i32
      %dma_start3A_637 = tpu.memref_slice %arg8[%rem3A_580, %dma_start3A_635, %dma_start3A_636] : memref<2x5x40xi32, #tpu.memory_space<vmem>> -> memref<1x1x40xi32, #tpu.memory_space<vmem>>
      %dma_start3A_638 = tpu.memref_squeeze %dma_start3A_637 : memref<1x1x40xi32, #tpu.memory_space<vmem>> -> memref<40xi32, #tpu.memory_space<vmem>>
      %dma_start3A_639 = arith.constant 0 : i32
      %dma_start3A_640 = arith.constant 0 : i32
      %dma_start3A_641 = tpu.memref_slice %arg6[%dma_start3A_639, %dma_start3A_640] : memref<10240x128xf32, #tpu.memory_space<vmem_shared>> -> memref<10240x128xf32, #tpu.memory_space<vmem_shared>>
      tpu.enqueue_indirect_dma source(%arg12 : memref<40x128xf32, #tpu.memory_space<vmem>>) target(%dma_start3A_641 : memref<10240x128xf32, #tpu.memory_space<vmem_shared>>) offsets(%dma_start3A_638 : memref<40xi32, #tpu.memory_space<vmem>>) semaphore(%arg22 : memref<!tpu.dma_semaphore, #tpu.memory_space<semaphore_mem>>) {add = true}
      %dma_wait3A_642 = arith.constant 0 : i32
      %dma_wait3A_643 = arith.constant 0 : i32
      %dma_wait3A_644 = arith.constant 0 : i32
      %dma_wait3A_645 = tpu.memref_slice %arg7[%dma_wait3A_642, %dma_wait3A_643, %dma_wait3A_644] : memref<2x5x40xi32, #tpu.memory_space<vmem>> -> memref<1x1x40xi32, #tpu.memory_space<vmem>>
      %dma_wait3A_646 = tpu.memref_squeeze %dma_wait3A_645 : memref<1x1x40xi32, #tpu.memory_space<vmem>> -> memref<40xi32, #tpu.memory_space<vmem>>
      %dma_wait3A_647 = arith.constant 0 : i32
      %dma_wait3A_648 = arith.constant 0 : i32
      %dma_wait3A_649 = tpu.memref_slice %arg4[%dma_wait3A_647, %dma_wait3A_648] : memref<20480x128xf32, #tpu.memory_space<hbm>> -> memref<20480x128xf32, #tpu.memory_space<hbm>>
      tpu.wait_indirect_dma semaphore(%arg18 : memref<!tpu.dma_semaphore, #tpu.memory_space<semaphore_mem>>) src(%dma_wait3A_649 : memref<20480x128xf32, #tpu.memory_space<hbm>>) dst(%arg13 : memref<40x128xf32, #tpu.memory_space<vmem>>)
      %dma_start3A_650 = arith.constant 4 : i32
      %dma_start3A_651 = arith.constant 0 : i32
      %dma_start3A_652 = tpu.memref_slice %arg8[%rem3A_580, %dma_start3A_650, %dma_start3A_651] : memref<2x5x40xi32, #tpu.memory_space<vmem>> -> memref<1x1x40xi32, #tpu.memory_space<vmem>>
      %dma_start3A_653 = tpu.memref_squeeze %dma_start3A_652 : memref<1x1x40xi32, #tpu.memory_space<vmem>> -> memref<40xi32, #tpu.memory_space<vmem>>
      %dma_start3A_654 = arith.constant 0 : i32
      %dma_start3A_655 = arith.constant 0 : i32
      %dma_start3A_656 = tpu.memref_slice %arg6[%dma_start3A_654, %dma_start3A_655] : memref<10240x128xf32, #tpu.memory_space<vmem_shared>> -> memref<10240x128xf32, #tpu.memory_space<vmem_shared>>
      tpu.enqueue_indirect_dma source(%arg13 : memref<40x128xf32, #tpu.memory_space<vmem>>) target(%dma_start3A_656 : memref<10240x128xf32, #tpu.memory_space<vmem_shared>>) offsets(%dma_start3A_653 : memref<40xi32, #tpu.memory_space<vmem>>) semaphore(%arg23 : memref<!tpu.dma_semaphore, #tpu.memory_space<semaphore_mem>>) {add = true}
      %dma_wait3A_657 = arith.constant 0 : i32
      %dma_wait3A_658 = arith.constant 0 : i32
      %dma_wait3A_659 = arith.constant 0 : i32
      %dma_wait3A_660 = arith.constant 0 : i32
      %dma_wait3A_661 = tpu.memref_slice %arg7[%dma_wait3A_658, %dma_wait3A_659, %dma_wait3A_660] : memref<2x5x40xi32, #tpu.memory_space<vmem>> -> memref<1x5x40xi32, #tpu.memory_space<vmem>>
      %dma_wait3A_662 = tpu.memref_squeeze %dma_wait3A_661 : memref<1x5x40xi32, #tpu.memory_space<vmem>> -> memref<5x40xi32, #tpu.memory_space<vmem>>
      %dma_wait3A_663 = arith.constant 0 : i32
      %dma_wait3A_664 = arith.constant 0 : i32
      %dma_wait3A_665 = tpu.memref_slice %arg2[%arg0, %arg1, %dma_wait3A_657, %dma_wait3A_663, %dma_wait3A_664] : memref<2x16x100x5x40xi32, #tpu.memory_space<hbm>> -> memref<1x1x1x5x40xi32, #tpu.memory_space<hbm>>
      %dma_wait3A_666 = tpu.memref_squeeze %dma_wait3A_665 : memref<1x1x1x5x40xi32, #tpu.memory_space<hbm>> -> memref<5x40xi32, #tpu.memory_space<hbm>>
      %dma_wait3A_667 = arith.constant 0 : i32
      %dma_wait3A_668 = arith.constant 0 : i32
      %dma_wait3A_669 = tpu.memref_slice %arg7[%dma_wait3A_658, %dma_wait3A_667, %dma_wait3A_668] : memref<2x5x40xi32, #tpu.memory_space<vmem>> -> memref<1x5x40xi32, #tpu.memory_space<vmem>>
      %dma_wait3A_670 = tpu.memref_squeeze %dma_wait3A_669 : memref<1x5x40xi32, #tpu.memory_space<vmem>> -> memref<5x40xi32, #tpu.memory_space<vmem>>
      %dma_wait3A_671 = arith.constant 0 : i32
      %dma_wait3A_672 = arith.constant 0 : i32
      %dma_wait3A_673 = tpu.memref_slice %arg2[%arg0, %arg1, %dma_wait3A_657, %dma_wait3A_671, %dma_wait3A_672] : memref<2x16x100x5x40xi32, #tpu.memory_space<hbm>> -> memref<1x1x1x5x40xi32, #tpu.memory_space<hbm>>
      %dma_wait3A_674 = tpu.memref_squeeze %dma_wait3A_673 : memref<1x1x1x5x40xi32, #tpu.memory_space<hbm>> -> memref<5x40xi32, #tpu.memory_space<hbm>>
      tpu.wait_dma2 semaphore(%arg24 : memref<!tpu.dma_semaphore, #tpu.memory_space<semaphore_mem>>) src(%dma_wait3A_674 : memref<5x40xi32, #tpu.memory_space<hbm>>) dst(%dma_wait3A_670 : memref<5x40xi32, #tpu.memory_space<vmem>>)
      %dma_wait3A_675 = arith.constant 0 : i32
      %dma_wait3A_676 = arith.constant 0 : i32
      %dma_wait3A_677 = arith.constant 0 : i32
      %dma_wait3A_678 = arith.constant 0 : i32
      %dma_wait3A_679 = tpu.memref_slice %arg8[%dma_wait3A_676, %dma_wait3A_677, %dma_wait3A_678] : memref<2x5x40xi32, #tpu.memory_space<vmem>> -> memref<1x5x40xi32, #tpu.memory_space<vmem>>
      %dma_wait3A_680 = tpu.memref_squeeze %dma_wait3A_679 : memref<1x5x40xi32, #tpu.memory_space<vmem>> -> memref<5x40xi32, #tpu.memory_space<vmem>>
      %dma_wait3A_681 = arith.constant 0 : i32
      %dma_wait3A_682 = arith.constant 0 : i32
      %dma_wait3A_683 = tpu.memref_slice %arg3[%arg0, %arg1, %dma_wait3A_675, %dma_wait3A_681, %dma_wait3A_682] : memref<2x16x100x5x40xi32, #tpu.memory_space<hbm>> -> memref<1x1x1x5x40xi32, #tpu.memory_space<hbm>>
      %dma_wait3A_684 = tpu.memref_squeeze %dma_wait3A_683 : memref<1x1x1x5x40xi32, #tpu.memory_space<hbm>> -> memref<5x40xi32, #tpu.memory_space<hbm>>
      %dma_wait3A_685 = arith.constant 0 : i32
      %dma_wait3A_686 = arith.constant 0 : i32
      %dma_wait3A_687 = tpu.memref_slice %arg8[%dma_wait3A_676, %dma_wait3A_685, %dma_wait3A_686] : memref<2x5x40xi32, #tpu.memory_space<vmem>> -> memref<1x5x40xi32, #tpu.memory_space<vmem>>
      %dma_wait3A_688 = tpu.memref_squeeze %dma_wait3A_687 : memref<1x5x40xi32, #tpu.memory_space<vmem>> -> memref<5x40xi32, #tpu.memory_space<vmem>>
      %dma_wait3A_689 = arith.constant 0 : i32
      %dma_wait3A_690 = arith.constant 0 : i32
      %dma_wait3A_691 = tpu.memref_slice %arg3[%arg0, %arg1, %dma_wait3A_675, %dma_wait3A_689, %dma_wait3A_690] : memref<2x16x100x5x40xi32, #tpu.memory_space<hbm>> -> memref<1x1x1x5x40xi32, #tpu.memory_space<hbm>>
      %dma_wait3A_692 = tpu.memref_squeeze %dma_wait3A_691 : memref<1x1x1x5x40xi32, #tpu.memory_space<hbm>> -> memref<5x40xi32, #tpu.memory_space<hbm>>
      tpu.wait_dma2 semaphore(%arg25 : memref<!tpu.dma_semaphore, #tpu.memory_space<semaphore_mem>>) src(%dma_wait3A_692 : memref<5x40xi32, #tpu.memory_space<hbm>>) dst(%dma_wait3A_688 : memref<5x40xi32, #tpu.memory_space<vmem>>)
      %dma_wait3A_693 = arith.constant 0 : i32
      %dma_wait3A_694 = arith.constant 0 : i32
      %dma_wait3A_695 = arith.constant 0 : i32
      %dma_wait3A_696 = tpu.memref_slice %arg8[%dma_wait3A_693, %dma_wait3A_694, %dma_wait3A_695] : memref<2x5x40xi32, #tpu.memory_space<vmem>> -> memref<1x1x40xi32, #tpu.memory_space<vmem>>
      %dma_wait3A_697 = tpu.memref_squeeze %dma_wait3A_696 : memref<1x1x40xi32, #tpu.memory_space<vmem>> -> memref<40xi32, #tpu.memory_space<vmem>>
      %dma_wait3A_698 = arith.constant 0 : i32
      %dma_wait3A_699 = arith.constant 0 : i32
      %dma_wait3A_700 = tpu.memref_slice %arg6[%dma_wait3A_698, %dma_wait3A_699] : memref<10240x128xf32, #tpu.memory_space<vmem_shared>> -> memref<10240x128xf32, #tpu.memory_space<vmem_shared>>
      tpu.wait_indirect_dma semaphore(%arg19 : memref<!tpu.dma_semaphore, #tpu.memory_space<semaphore_mem>>) src(%arg9 : memref<40x128xf32, #tpu.memory_space<vmem>>) dst(%dma_wait3A_700 : memref<10240x128xf32, #tpu.memory_space<vmem_shared>>)
      %dma_start3A_701 = arith.constant 0 : i32
      %dma_start3A_702 = arith.constant 0 : i32
      %dma_start3A_703 = tpu.memref_slice %arg7[%sub3A_581, %dma_start3A_701, %dma_start3A_702] : memref<2x5x40xi32, #tpu.memory_space<vmem>> -> memref<1x1x40xi32, #tpu.memory_space<vmem>>
      %dma_start3A_704 = tpu.memref_squeeze %dma_start3A_703 : memref<1x1x40xi32, #tpu.memory_space<vmem>> -> memref<40xi32, #tpu.memory_space<vmem>>
      %dma_start3A_705 = arith.constant 0 : i32
      %dma_start3A_706 = arith.constant 0 : i32
      %dma_start3A_707 = tpu.memref_slice %arg4[%dma_start3A_705, %dma_start3A_706] : memref<20480x128xf32, #tpu.memory_space<hbm>> -> memref<20480x128xf32, #tpu.memory_space<hbm>>
      tpu.enqueue_indirect_dma source(%dma_start3A_707 : memref<20480x128xf32, #tpu.memory_space<hbm>>) target(%arg9 : memref<40x128xf32, #tpu.memory_space<vmem>>) offsets(%dma_start3A_704 : memref<40xi32, #tpu.memory_space<vmem>>) semaphore(%arg14 : memref<!tpu.dma_semaphore, #tpu.memory_space<semaphore_mem>>)
      %dma_wait3A_708 = arith.constant 0 : i32
      %dma_wait3A_709 = arith.constant 0 : i32
      %dma_wait3A_710 = arith.constant 0 : i32
      %dma_wait3A_711 = tpu.memref_slice %arg8[%dma_wait3A_708, %dma_wait3A_709, %dma_wait3A_710] : memref<2x5x40xi32, #tpu.memory_space<vmem>> -> memref<1x1x40xi32, #tpu.memory_space<vmem>>
      %dma_wait3A_712 = tpu.memref_squeeze %dma_wait3A_711 : memref<1x1x40xi32, #tpu.memory_space<vmem>> -> memref<40xi32, #tpu.memory_space<vmem>>
      %dma_wait3A_713 = arith.constant 0 : i32
      %dma_wait3A_714 = arith.constant 0 : i32
      %dma_wait3A_715 = tpu.memref_slice %arg6[%dma_wait3A_713, %dma_wait3A_714] : memref<10240x128xf32, #tpu.memory_space<vmem_shared>> -> memref<10240x128xf32, #tpu.memory_space<vmem_shared>>
      tpu.wait_indirect_dma semaphore(%arg20 : memref<!tpu.dma_semaphore, #tpu.memory_space<semaphore_mem>>) src(%arg10 : memref<40x128xf32, #tpu.memory_space<vmem>>) dst(%dma_wait3A_715 : memref<10240x128xf32, #tpu.memory_space<vmem_shared>>)
      %dma_start3A_716 = arith.constant 1 : i32
      %dma_start3A_717 = arith.constant 0 : i32
      %dma_start3A_718 = tpu.memref_slice %arg7[%sub3A_581, %dma_start3A_716, %dma_start3A_717] : memref<2x5x40xi32, #tpu.memory_space<vmem>> -> memref<1x1x40xi32, #tpu.memory_space<vmem>>
      %dma_start3A_719 = tpu.memref_squeeze %dma_start3A_718 : memref<1x1x40xi32, #tpu.memory_space<vmem>> -> memref<40xi32, #tpu.memory_space<vmem>>
      %dma_start3A_720 = arith.constant 0 : i32
      %dma_start3A_721 = arith.constant 0 : i32
      %dma_start3A_722 = tpu.memref_slice %arg4[%dma_start3A_720, %dma_start3A_721] : memref<20480x128xf32, #tpu.memory_space<hbm>> -> memref<20480x128xf32, #tpu.memory_space<hbm>>
      tpu.enqueue_indirect_dma source(%dma_start3A_722 : memref<20480x128xf32, #tpu.memory_space<hbm>>) target(%arg10 : memref<40x128xf32, #tpu.memory_space<vmem>>) offsets(%dma_start3A_719 : memref<40xi32, #tpu.memory_space<vmem>>) semaphore(%arg15 : memref<!tpu.dma_semaphore, #tpu.memory_space<semaphore_mem>>)
      %dma_wait3A_723 = arith.constant 0 : i32
      %dma_wait3A_724 = arith.constant 0 : i32
      %dma_wait3A_725 = arith.constant 0 : i32
      %dma_wait3A_726 = tpu.memref_slice %arg8[%dma_wait3A_723, %dma_wait3A_724, %dma_wait3A_725] : memref<2x5x40xi32, #tpu.memory_space<vmem>> -> memref<1x1x40xi32, #tpu.memory_space<vmem>>
      %dma_wait3A_727 = tpu.memref_squeeze %dma_wait3A_726 : memref<1x1x40xi32, #tpu.memory_space<vmem>> -> memref<40xi32, #tpu.memory_space<vmem>>
      %dma_wait3A_728 = arith.constant 0 : i32
      %dma_wait3A_729 = arith.constant 0 : i32
      %dma_wait3A_730 = tpu.memref_slice %arg6[%dma_wait3A_728, %dma_wait3A_729] : memref<10240x128xf32, #tpu.memory_space<vmem_shared>> -> memref<10240x128xf32, #tpu.memory_space<vmem_shared>>
      tpu.wait_indirect_dma semaphore(%arg21 : memref<!tpu.dma_semaphore, #tpu.memory_space<semaphore_mem>>) src(%arg11 : memref<40x128xf32, #tpu.memory_space<vmem>>) dst(%dma_wait3A_730 : memref<10240x128xf32, #tpu.memory_space<vmem_shared>>)
      %dma_start3A_731 = arith.constant 2 : i32
      %dma_start3A_732 = arith.constant 0 : i32
      %dma_start3A_733 = tpu.memref_slice %arg7[%sub3A_581, %dma_start3A_731, %dma_start3A_732] : memref<2x5x40xi32, #tpu.memory_space<vmem>> -> memref<1x1x40xi32, #tpu.memory_space<vmem>>
      %dma_start3A_734 = tpu.memref_squeeze %dma_start3A_733 : memref<1x1x40xi32, #tpu.memory_space<vmem>> -> memref<40xi32, #tpu.memory_space<vmem>>
      %dma_start3A_735 = arith.constant 0 : i32
      %dma_start3A_736 = arith.constant 0 : i32
      %dma_start3A_737 = tpu.memref_slice %arg4[%dma_start3A_735, %dma_start3A_736] : memref<20480x128xf32, #tpu.memory_space<hbm>> -> memref<20480x128xf32, #tpu.memory_space<hbm>>
      tpu.enqueue_indirect_dma source(%dma_start3A_737 : memref<20480x128xf32, #tpu.memory_space<hbm>>) target(%arg11 : memref<40x128xf32, #tpu.memory_space<vmem>>) offsets(%dma_start3A_734 : memref<40xi32, #tpu.memory_space<vmem>>) semaphore(%arg16 : memref<!tpu.dma_semaphore, #tpu.memory_space<semaphore_mem>>)
      %dma_wait3A_738 = arith.constant 0 : i32
      %dma_wait3A_739 = arith.constant 0 : i32
      %dma_wait3A_740 = arith.constant 0 : i32
      %dma_wait3A_741 = tpu.memref_slice %arg8[%dma_wait3A_738, %dma_wait3A_739, %dma_wait3A_740] : memref<2x5x40xi32, #tpu.memory_space<vmem>> -> memref<1x1x40xi32, #tpu.memory_space<vmem>>
      %dma_wait3A_742 = tpu.memref_squeeze %dma_wait3A_741 : memref<1x1x40xi32, #tpu.memory_space<vmem>> -> memref<40xi32, #tpu.memory_space<vmem>>
      %dma_wait3A_743 = arith.constant 0 : i32
      %dma_wait3A_744 = arith.constant 0 : i32
      %dma_wait3A_745 = tpu.memref_slice %arg6[%dma_wait3A_743, %dma_wait3A_744] : memref<10240x128xf32, #tpu.memory_space<vmem_shared>> -> memref<10240x128xf32, #tpu.memory_space<vmem_shared>>
      tpu.wait_indirect_dma semaphore(%arg22 : memref<!tpu.dma_semaphore, #tpu.memory_space<semaphore_mem>>) src(%arg12 : memref<40x128xf32, #tpu.memory_space<vmem>>) dst(%dma_wait3A_745 : memref<10240x128xf32, #tpu.memory_space<vmem_shared>>)
      %dma_start3A_746 = arith.constant 3 : i32
      %dma_start3A_747 = arith.constant 0 : i32
      %dma_start3A_748 = tpu.memref_slice %arg7[%sub3A_581, %dma_start3A_746, %dma_start3A_747] : memref<2x5x40xi32, #tpu.memory_space<vmem>> -> memref<1x1x40xi32, #tpu.memory_space<vmem>>
      %dma_start3A_749 = tpu.memref_squeeze %dma_start3A_748 : memref<1x1x40xi32, #tpu.memory_space<vmem>> -> memref<40xi32, #tpu.memory_space<vmem>>
      %dma_start3A_750 = arith.constant 0 : i32
      %dma_start3A_751 = arith.constant 0 : i32
      %dma_start3A_752 = tpu.memref_slice %arg4[%dma_start3A_750, %dma_start3A_751] : memref<20480x128xf32, #tpu.memory_space<hbm>> -> memref<20480x128xf32, #tpu.memory_space<hbm>>
      tpu.enqueue_indirect_dma source(%dma_start3A_752 : memref<20480x128xf32, #tpu.memory_space<hbm>>) target(%arg12 : memref<40x128xf32, #tpu.memory_space<vmem>>) offsets(%dma_start3A_749 : memref<40xi32, #tpu.memory_space<vmem>>) semaphore(%arg17 : memref<!tpu.dma_semaphore, #tpu.memory_space<semaphore_mem>>)
      %dma_wait3A_753 = arith.constant 0 : i32
      %dma_wait3A_754 = arith.constant 0 : i32
      %dma_wait3A_755 = arith.constant 0 : i32
      %dma_wait3A_756 = tpu.memref_slice %arg8[%dma_wait3A_753, %dma_wait3A_754, %dma_wait3A_755] : memref<2x5x40xi32, #tpu.memory_space<vmem>> -> memref<1x1x40xi32, #tpu.memory_space<vmem>>
      %dma_wait3A_757 = tpu.memref_squeeze %dma_wait3A_756 : memref<1x1x40xi32, #tpu.memory_space<vmem>> -> memref<40xi32, #tpu.memory_space<vmem>>
      %dma_wait3A_758 = arith.constant 0 : i32
      %dma_wait3A_759 = arith.constant 0 : i32
      %dma_wait3A_760 = tpu.memref_slice %arg6[%dma_wait3A_758, %dma_wait3A_759] : memref<10240x128xf32, #tpu.memory_space<vmem_shared>> -> memref<10240x128xf32, #tpu.memory_space<vmem_shared>>
      tpu.wait_indirect_dma semaphore(%arg23 : memref<!tpu.dma_semaphore, #tpu.memory_space<semaphore_mem>>) src(%arg13 : memref<40x128xf32, #tpu.memory_space<vmem>>) dst(%dma_wait3A_760 : memref<10240x128xf32, #tpu.memory_space<vmem_shared>>)
      %dma_start3A_761 = arith.constant 4 : i32
      %dma_start3A_762 = arith.constant 0 : i32
      %dma_start3A_763 = tpu.memref_slice %arg7[%sub3A_581, %dma_start3A_761, %dma_start3A_762] : memref<2x5x40xi32, #tpu.memory_space<vmem>> -> memref<1x1x40xi32, #tpu.memory_space<vmem>>
      %dma_start3A_764 = tpu.memref_squeeze %dma_start3A_763 : memref<1x1x40xi32, #tpu.memory_space<vmem>> -> memref<40xi32, #tpu.memory_space<vmem>>
      %dma_start3A_765 = arith.constant 0 : i32
      %dma_start3A_766 = arith.constant 0 : i32
      %dma_start3A_767 = tpu.memref_slice %arg4[%dma_start3A_765, %dma_start3A_766] : memref<20480x128xf32, #tpu.memory_space<hbm>> -> memref<20480x128xf32, #tpu.memory_space<hbm>>
      tpu.enqueue_indirect_dma source(%dma_start3A_767 : memref<20480x128xf32, #tpu.memory_space<hbm>>) target(%arg13 : memref<40x128xf32, #tpu.memory_space<vmem>>) offsets(%dma_start3A_764 : memref<40xi32, #tpu.memory_space<vmem>>) semaphore(%arg18 : memref<!tpu.dma_semaphore, #tpu.memory_space<semaphore_mem>>)
      %add3A_768 = arith.constant 2 : i32
      %add3A_769 = arith.addi %scan3A_578, %add3A_768 : i32
      %min3A_770 = arith.constant 99 : i32
      %min3A_771 = arith.minsi %add3A_769, %min3A_770 : i32
      %dma_start3A_772 = arith.constant 0 : i32
      %dma_start3A_773 = arith.constant 0 : i32
      %dma_start3A_774 = tpu.memref_slice %arg7[%rem3A_580, %dma_start3A_772, %dma_start3A_773] : memref<2x5x40xi32, #tpu.memory_space<vmem>> -> memref<1x5x40xi32, #tpu.memory_space<vmem>>
      %dma_start3A_775 = tpu.memref_squeeze %dma_start3A_774 : memref<1x5x40xi32, #tpu.memory_space<vmem>> -> memref<5x40xi32, #tpu.memory_space<vmem>>
      %dma_start3A_776 = arith.constant 0 : i32
      %dma_start3A_777 = arith.constant 0 : i32
      %dma_start3A_778 = tpu.memref_slice %arg2[%arg0, %arg1, %min3A_771, %dma_start3A_776, %dma_start3A_777] : memref<2x16x100x5x40xi32, #tpu.memory_space<hbm>> -> memref<1x1x1x5x40xi32, #tpu.memory_space<hbm>>
      %dma_start3A_779 = tpu.memref_squeeze %dma_start3A_778 : memref<1x1x1x5x40xi32, #tpu.memory_space<hbm>> -> memref<5x40xi32, #tpu.memory_space<hbm>>
      %dma_start3A_780 = arith.constant 0 : i32
      %dma_start3A_781 = arith.constant 0 : i32
      %dma_start3A_782 = tpu.memref_slice %arg7[%rem3A_580, %dma_start3A_780, %dma_start3A_781] : memref<2x5x40xi32, #tpu.memory_space<vmem>> -> memref<1x5x40xi32, #tpu.memory_space<vmem>>
      %dma_start3A_783 = tpu.memref_squeeze %dma_start3A_782 : memref<1x5x40xi32, #tpu.memory_space<vmem>> -> memref<5x40xi32, #tpu.memory_space<vmem>>
      %dma_start3A_784 = arith.constant 0 : i32
      %dma_start3A_785 = arith.constant 0 : i32
      %dma_start3A_786 = tpu.memref_slice %arg2[%arg0, %arg1, %min3A_771, %dma_start3A_784, %dma_start3A_785] : memref<2x16x100x5x40xi32, #tpu.memory_space<hbm>> -> memref<1x1x1x5x40xi32, #tpu.memory_space<hbm>>
      %dma_start3A_787 = tpu.memref_squeeze %dma_start3A_786 : memref<1x1x1x5x40xi32, #tpu.memory_space<hbm>> -> memref<5x40xi32, #tpu.memory_space<hbm>>
      tpu.enqueue_dma source(%dma_start3A_787 : memref<5x40xi32, #tpu.memory_space<hbm>>) target(%dma_start3A_783 : memref<5x40xi32, #tpu.memory_space<vmem>>) target_semaphore(%arg24 : memref<!tpu.dma_semaphore, #tpu.memory_space<semaphore_mem>>)
      %dma_start3A_788 = arith.constant 0 : i32
      %dma_start3A_789 = arith.constant 0 : i32
      %dma_start3A_790 = tpu.memref_slice %arg8[%rem3A_580, %dma_start3A_788, %dma_start3A_789] : memref<2x5x40xi32, #tpu.memory_space<vmem>> -> memref<1x5x40xi32, #tpu.memory_space<vmem>>
      %dma_start3A_791 = tpu.memref_squeeze %dma_start3A_790 : memref<1x5x40xi32, #tpu.memory_space<vmem>> -> memref<5x40xi32, #tpu.memory_space<vmem>>
      %dma_start3A_792 = arith.constant 0 : i32
      %dma_start3A_793 = arith.constant 0 : i32
      %dma_start3A_794 = tpu.memref_slice %arg3[%arg0, %arg1, %min3A_771, %dma_start3A_792, %dma_start3A_793] : memref<2x16x100x5x40xi32, #tpu.memory_space<hbm>> -> memref<1x1x1x5x40xi32, #tpu.memory_space<hbm>>
      %dma_start3A_795 = tpu.memref_squeeze %dma_start3A_794 : memref<1x1x1x5x40xi32, #tpu.memory_space<hbm>> -> memref<5x40xi32, #tpu.memory_space<hbm>>
      %dma_start3A_796 = arith.constant 0 : i32
      %dma_start3A_797 = arith.constant 0 : i32
      %dma_start3A_798 = tpu.memref_slice %arg8[%rem3A_580, %dma_start3A_796, %dma_start3A_797] : memref<2x5x40xi32, #tpu.memory_space<vmem>> -> memref<1x5x40xi32, #tpu.memory_space<vmem>>
      %dma_start3A_799 = tpu.memref_squeeze %dma_start3A_798 : memref<1x5x40xi32, #tpu.memory_space<vmem>> -> memref<5x40xi32, #tpu.memory_space<vmem>>
      %dma_start3A_800 = arith.constant 0 : i32
      %dma_start3A_801 = arith.constant 0 : i32
      %dma_start3A_802 = tpu.memref_slice %arg3[%arg0, %arg1, %min3A_771, %dma_start3A_800, %dma_start3A_801] : memref<2x16x100x5x40xi32, #tpu.memory_space<hbm>> -> memref<1x1x1x5x40xi32, #tpu.memory_space<hbm>>
      %dma_start3A_803 = tpu.memref_squeeze %dma_start3A_802 : memref<1x1x1x5x40xi32, #tpu.memory_space<hbm>> -> memref<5x40xi32, #tpu.memory_space<hbm>>
      tpu.enqueue_dma source(%dma_start3A_803 : memref<5x40xi32, #tpu.memory_space<hbm>>) target(%dma_start3A_799 : memref<5x40xi32, #tpu.memory_space<vmem>>) target_semaphore(%arg25 : memref<!tpu.dma_semaphore, #tpu.memory_space<semaphore_mem>>)
      %scan3A_804 = arith.constant 0 : i32
      scf.yield %scan3A_804 : i32
    }
    %scan3A_413 = arith.constant 99 : i32
    %dma_wait3A_414 = arith.constant 0 : i32
    %dma_wait3A_415 = arith.constant 0 : i32
    %dma_wait3A_416 = arith.constant 0 : i32
    %dma_wait3A_417 = tpu.memref_slice %arg7[%dma_wait3A_414, %dma_wait3A_415, %dma_wait3A_416] : memref<2x5x40xi32, #tpu.memory_space<vmem>> -> memref<1x1x40xi32, #tpu.memory_space<vmem>>
    %dma_wait3A_418 = tpu.memref_squeeze %dma_wait3A_417 : memref<1x1x40xi32, #tpu.memory_space<vmem>> -> memref<40xi32, #tpu.memory_space<vmem>>
    %dma_wait3A_419 = arith.constant 0 : i32
    %dma_wait3A_420 = arith.constant 0 : i32
    %dma_wait3A_421 = tpu.memref_slice %arg4[%dma_wait3A_419, %dma_wait3A_420] : memref<20480x128xf32, #tpu.memory_space<hbm>> -> memref<20480x128xf32, #tpu.memory_space<hbm>>
    tpu.wait_indirect_dma semaphore(%arg14 : memref<!tpu.dma_semaphore, #tpu.memory_space<semaphore_mem>>) src(%dma_wait3A_421 : memref<20480x128xf32, #tpu.memory_space<hbm>>) dst(%arg9 : memref<40x128xf32, #tpu.memory_space<vmem>>)
    %dma_start3A_422 = arith.constant 1 : i32
    %dma_start3A_423 = arith.constant 0 : i32
    %dma_start3A_424 = arith.constant 0 : i32
    %dma_start3A_425 = tpu.memref_slice %arg8[%dma_start3A_422, %dma_start3A_423, %dma_start3A_424] : memref<2x5x40xi32, #tpu.memory_space<vmem>> -> memref<1x1x40xi32, #tpu.memory_space<vmem>>
    %dma_start3A_426 = tpu.memref_squeeze %dma_start3A_425 : memref<1x1x40xi32, #tpu.memory_space<vmem>> -> memref<40xi32, #tpu.memory_space<vmem>>
    %dma_start3A_427 = arith.constant 0 : i32
    %dma_start3A_428 = arith.constant 0 : i32
    %dma_start3A_429 = tpu.memref_slice %arg6[%dma_start3A_427, %dma_start3A_428] : memref<10240x128xf32, #tpu.memory_space<vmem_shared>> -> memref<10240x128xf32, #tpu.memory_space<vmem_shared>>
    tpu.enqueue_indirect_dma source(%arg9 : memref<40x128xf32, #tpu.memory_space<vmem>>) target(%dma_start3A_429 : memref<10240x128xf32, #tpu.memory_space<vmem_shared>>) offsets(%dma_start3A_426 : memref<40xi32, #tpu.memory_space<vmem>>) semaphore(%arg19 : memref<!tpu.dma_semaphore, #tpu.memory_space<semaphore_mem>>) {add = true}
    %dma_wait3A_430 = arith.constant 0 : i32
    %dma_wait3A_431 = arith.constant 0 : i32
    %dma_wait3A_432 = arith.constant 0 : i32
    %dma_wait3A_433 = tpu.memref_slice %arg7[%dma_wait3A_430, %dma_wait3A_431, %dma_wait3A_432] : memref<2x5x40xi32, #tpu.memory_space<vmem>> -> memref<1x1x40xi32, #tpu.memory_space<vmem>>
    %dma_wait3A_434 = tpu.memref_squeeze %dma_wait3A_433 : memref<1x1x40xi32, #tpu.memory_space<vmem>> -> memref<40xi32, #tpu.memory_space<vmem>>
    %dma_wait3A_435 = arith.constant 0 : i32
    %dma_wait3A_436 = arith.constant 0 : i32
    %dma_wait3A_437 = tpu.memref_slice %arg4[%dma_wait3A_435, %dma_wait3A_436] : memref<20480x128xf32, #tpu.memory_space<hbm>> -> memref<20480x128xf32, #tpu.memory_space<hbm>>
    tpu.wait_indirect_dma semaphore(%arg15 : memref<!tpu.dma_semaphore, #tpu.memory_space<semaphore_mem>>) src(%dma_wait3A_437 : memref<20480x128xf32, #tpu.memory_space<hbm>>) dst(%arg10 : memref<40x128xf32, #tpu.memory_space<vmem>>)
    %dma_start3A_438 = arith.constant 1 : i32
    %dma_start3A_439 = arith.constant 1 : i32
    %dma_start3A_440 = arith.constant 0 : i32
    %dma_start3A_441 = tpu.memref_slice %arg8[%dma_start3A_438, %dma_start3A_439, %dma_start3A_440] : memref<2x5x40xi32, #tpu.memory_space<vmem>> -> memref<1x1x40xi32, #tpu.memory_space<vmem>>
    %dma_start3A_442 = tpu.memref_squeeze %dma_start3A_441 : memref<1x1x40xi32, #tpu.memory_space<vmem>> -> memref<40xi32, #tpu.memory_space<vmem>>
    %dma_start3A_443 = arith.constant 0 : i32
    %dma_start3A_444 = arith.constant 0 : i32
    %dma_start3A_445 = tpu.memref_slice %arg6[%dma_start3A_443, %dma_start3A_444] : memref<10240x128xf32, #tpu.memory_space<vmem_shared>> -> memref<10240x128xf32, #tpu.memory_space<vmem_shared>>
    tpu.enqueue_indirect_dma source(%arg10 : memref<40x128xf32, #tpu.memory_space<vmem>>) target(%dma_start3A_445 : memref<10240x128xf32, #tpu.memory_space<vmem_shared>>) offsets(%dma_start3A_442 : memref<40xi32, #tpu.memory_space<vmem>>) semaphore(%arg20 : memref<!tpu.dma_semaphore, #tpu.memory_space<semaphore_mem>>) {add = true}
    %dma_wait3A_446 = arith.constant 0 : i32
    %dma_wait3A_447 = arith.constant 0 : i32
    %dma_wait3A_448 = arith.constant 0 : i32
    %dma_wait3A_449 = tpu.memref_slice %arg7[%dma_wait3A_446, %dma_wait3A_447, %dma_wait3A_448] : memref<2x5x40xi32, #tpu.memory_space<vmem>> -> memref<1x1x40xi32, #tpu.memory_space<vmem>>
    %dma_wait3A_450 = tpu.memref_squeeze %dma_wait3A_449 : memref<1x1x40xi32, #tpu.memory_space<vmem>> -> memref<40xi32, #tpu.memory_space<vmem>>
    %dma_wait3A_451 = arith.constant 0 : i32
    %dma_wait3A_452 = arith.constant 0 : i32
    %dma_wait3A_453 = tpu.memref_slice %arg4[%dma_wait3A_451, %dma_wait3A_452] : memref<20480x128xf32, #tpu.memory_space<hbm>> -> memref<20480x128xf32, #tpu.memory_space<hbm>>
    tpu.wait_indirect_dma semaphore(%arg16 : memref<!tpu.dma_semaphore, #tpu.memory_space<semaphore_mem>>) src(%dma_wait3A_453 : memref<20480x128xf32, #tpu.memory_space<hbm>>) dst(%arg11 : memref<40x128xf32, #tpu.memory_space<vmem>>)
    %dma_start3A_454 = arith.constant 1 : i32
    %dma_start3A_455 = arith.constant 2 : i32
    %dma_start3A_456 = arith.constant 0 : i32
    %dma_start3A_457 = tpu.memref_slice %arg8[%dma_start3A_454, %dma_start3A_455, %dma_start3A_456] : memref<2x5x40xi32, #tpu.memory_space<vmem>> -> memref<1x1x40xi32, #tpu.memory_space<vmem>>
    %dma_start3A_458 = tpu.memref_squeeze %dma_start3A_457 : memref<1x1x40xi32, #tpu.memory_space<vmem>> -> memref<40xi32, #tpu.memory_space<vmem>>
    %dma_start3A_459 = arith.constant 0 : i32
    %dma_start3A_460 = arith.constant 0 : i32
    %dma_start3A_461 = tpu.memref_slice %arg6[%dma_start3A_459, %dma_start3A_460] : memref<10240x128xf32, #tpu.memory_space<vmem_shared>> -> memref<10240x128xf32, #tpu.memory_space<vmem_shared>>
    tpu.enqueue_indirect_dma source(%arg11 : memref<40x128xf32, #tpu.memory_space<vmem>>) target(%dma_start3A_461 : memref<10240x128xf32, #tpu.memory_space<vmem_shared>>) offsets(%dma_start3A_458 : memref<40xi32, #tpu.memory_space<vmem>>) semaphore(%arg21 : memref<!tpu.dma_semaphore, #tpu.memory_space<semaphore_mem>>) {add = true}
    %dma_wait3A_462 = arith.constant 0 : i32
    %dma_wait3A_463 = arith.constant 0 : i32
    %dma_wait3A_464 = arith.constant 0 : i32
    %dma_wait3A_465 = tpu.memref_slice %arg7[%dma_wait3A_462, %dma_wait3A_463, %dma_wait3A_464] : memref<2x5x40xi32, #tpu.memory_space<vmem>> -> memref<1x1x40xi32, #tpu.memory_space<vmem>>
    %dma_wait3A_466 = tpu.memref_squeeze %dma_wait3A_465 : memref<1x1x40xi32, #tpu.memory_space<vmem>> -> memref<40xi32, #tpu.memory_space<vmem>>
    %dma_wait3A_467 = arith.constant 0 : i32
    %dma_wait3A_468 = arith.constant 0 : i32
    %dma_wait3A_469 = tpu.memref_slice %arg4[%dma_wait3A_467, %dma_wait3A_468] : memref<20480x128xf32, #tpu.memory_space<hbm>> -> memref<20480x128xf32, #tpu.memory_space<hbm>>
    tpu.wait_indirect_dma semaphore(%arg17 : memref<!tpu.dma_semaphore, #tpu.memory_space<semaphore_mem>>) src(%dma_wait3A_469 : memref<20480x128xf32, #tpu.memory_space<hbm>>) dst(%arg12 : memref<40x128xf32, #tpu.memory_space<vmem>>)
    %dma_start3A_470 = arith.constant 1 : i32
    %dma_start3A_471 = arith.constant 3 : i32
    %dma_start3A_472 = arith.constant 0 : i32
    %dma_start3A_473 = tpu.memref_slice %arg8[%dma_start3A_470, %dma_start3A_471, %dma_start3A_472] : memref<2x5x40xi32, #tpu.memory_space<vmem>> -> memref<1x1x40xi32, #tpu.memory_space<vmem>>
    %dma_start3A_474 = tpu.memref_squeeze %dma_start3A_473 : memref<1x1x40xi32, #tpu.memory_space<vmem>> -> memref<40xi32, #tpu.memory_space<vmem>>
    %dma_start3A_475 = arith.constant 0 : i32
    %dma_start3A_476 = arith.constant 0 : i32
    %dma_start3A_477 = tpu.memref_slice %arg6[%dma_start3A_475, %dma_start3A_476] : memref<10240x128xf32, #tpu.memory_space<vmem_shared>> -> memref<10240x128xf32, #tpu.memory_space<vmem_shared>>
    tpu.enqueue_indirect_dma source(%arg12 : memref<40x128xf32, #tpu.memory_space<vmem>>) target(%dma_start3A_477 : memref<10240x128xf32, #tpu.memory_space<vmem_shared>>) offsets(%dma_start3A_474 : memref<40xi32, #tpu.memory_space<vmem>>) semaphore(%arg22 : memref<!tpu.dma_semaphore, #tpu.memory_space<semaphore_mem>>) {add = true}
    %dma_wait3A_478 = arith.constant 0 : i32
    %dma_wait3A_479 = arith.constant 0 : i32
    %dma_wait3A_480 = arith.constant 0 : i32
    %dma_wait3A_481 = tpu.memref_slice %arg7[%dma_wait3A_478, %dma_wait3A_479, %dma_wait3A_480] : memref<2x5x40xi32, #tpu.memory_space<vmem>> -> memref<1x1x40xi32, #tpu.memory_space<vmem>>
    %dma_wait3A_482 = tpu.memref_squeeze %dma_wait3A_481 : memref<1x1x40xi32, #tpu.memory_space<vmem>> -> memref<40xi32, #tpu.memory_space<vmem>>
    %dma_wait3A_483 = arith.constant 0 : i32
    %dma_wait3A_484 = arith.constant 0 : i32
    %dma_wait3A_485 = tpu.memref_slice %arg4[%dma_wait3A_483, %dma_wait3A_484] : memref<20480x128xf32, #tpu.memory_space<hbm>> -> memref<20480x128xf32, #tpu.memory_space<hbm>>
    tpu.wait_indirect_dma semaphore(%arg18 : memref<!tpu.dma_semaphore, #tpu.memory_space<semaphore_mem>>) src(%dma_wait3A_485 : memref<20480x128xf32, #tpu.memory_space<hbm>>) dst(%arg13 : memref<40x128xf32, #tpu.memory_space<vmem>>)
    %dma_start3A_486 = arith.constant 1 : i32
    %dma_start3A_487 = arith.constant 4 : i32
    %dma_start3A_488 = arith.constant 0 : i32
    %dma_start3A_489 = tpu.memref_slice %arg8[%dma_start3A_486, %dma_start3A_487, %dma_start3A_488] : memref<2x5x40xi32, #tpu.memory_space<vmem>> -> memref<1x1x40xi32, #tpu.memory_space<vmem>>
    %dma_start3A_490 = tpu.memref_squeeze %dma_start3A_489 : memref<1x1x40xi32, #tpu.memory_space<vmem>> -> memref<40xi32, #tpu.memory_space<vmem>>
    %dma_start3A_491 = arith.constant 0 : i32
    %dma_start3A_492 = arith.constant 0 : i32
    %dma_start3A_493 = tpu.memref_slice %arg6[%dma_start3A_491, %dma_start3A_492] : memref<10240x128xf32, #tpu.memory_space<vmem_shared>> -> memref<10240x128xf32, #tpu.memory_space<vmem_shared>>
    tpu.enqueue_indirect_dma source(%arg13 : memref<40x128xf32, #tpu.memory_space<vmem>>) target(%dma_start3A_493 : memref<10240x128xf32, #tpu.memory_space<vmem_shared>>) offsets(%dma_start3A_490 : memref<40xi32, #tpu.memory_space<vmem>>) semaphore(%arg23 : memref<!tpu.dma_semaphore, #tpu.memory_space<semaphore_mem>>) {add = true}
    %dma_wait3A_494 = arith.constant 0 : i32
    %dma_wait3A_495 = arith.constant 0 : i32
    %dma_wait3A_496 = arith.constant 0 : i32
    %dma_wait3A_497 = arith.constant 0 : i32
    %dma_wait3A_498 = tpu.memref_slice %arg7[%dma_wait3A_495, %dma_wait3A_496, %dma_wait3A_497] : memref<2x5x40xi32, #tpu.memory_space<vmem>> -> memref<1x5x40xi32, #tpu.memory_space<vmem>>
    %dma_wait3A_499 = tpu.memref_squeeze %dma_wait3A_498 : memref<1x5x40xi32, #tpu.memory_space<vmem>> -> memref<5x40xi32, #tpu.memory_space<vmem>>
    %dma_wait3A_500 = arith.constant 0 : i32
    %dma_wait3A_501 = arith.constant 0 : i32
    %dma_wait3A_502 = tpu.memref_slice %arg2[%arg0, %arg1, %dma_wait3A_494, %dma_wait3A_500, %dma_wait3A_501] : memref<2x16x100x5x40xi32, #tpu.memory_space<hbm>> -> memref<1x1x1x5x40xi32, #tpu.memory_space<hbm>>
    %dma_wait3A_503 = tpu.memref_squeeze %dma_wait3A_502 : memref<1x1x1x5x40xi32, #tpu.memory_space<hbm>> -> memref<5x40xi32, #tpu.memory_space<hbm>>
    %dma_wait3A_504 = arith.constant 0 : i32
    %dma_wait3A_505 = arith.constant 0 : i32
    %dma_wait3A_506 = tpu.memref_slice %arg7[%dma_wait3A_495, %dma_wait3A_504, %dma_wait3A_505] : memref<2x5x40xi32, #tpu.memory_space<vmem>> -> memref<1x5x40xi32, #tpu.memory_space<vmem>>
    %dma_wait3A_507 = tpu.memref_squeeze %dma_wait3A_506 : memref<1x5x40xi32, #tpu.memory_space<vmem>> -> memref<5x40xi32, #tpu.memory_space<vmem>>
    %dma_wait3A_508 = arith.constant 0 : i32
    %dma_wait3A_509 = arith.constant 0 : i32
    %dma_wait3A_510 = tpu.memref_slice %arg2[%arg0, %arg1, %dma_wait3A_494, %dma_wait3A_508, %dma_wait3A_509] : memref<2x16x100x5x40xi32, #tpu.memory_space<hbm>> -> memref<1x1x1x5x40xi32, #tpu.memory_space<hbm>>
    %dma_wait3A_511 = tpu.memref_squeeze %dma_wait3A_510 : memref<1x1x1x5x40xi32, #tpu.memory_space<hbm>> -> memref<5x40xi32, #tpu.memory_space<hbm>>
    tpu.wait_dma2 semaphore(%arg24 : memref<!tpu.dma_semaphore, #tpu.memory_space<semaphore_mem>>) src(%dma_wait3A_511 : memref<5x40xi32, #tpu.memory_space<hbm>>) dst(%dma_wait3A_507 : memref<5x40xi32, #tpu.memory_space<vmem>>)
    %dma_wait3A_512 = arith.constant 0 : i32
    %dma_wait3A_513 = arith.constant 0 : i32
    %dma_wait3A_514 = arith.constant 0 : i32
    %dma_wait3A_515 = arith.constant 0 : i32
    %dma_wait3A_516 = tpu.memref_slice %arg8[%dma_wait3A_513, %dma_wait3A_514, %dma_wait3A_515] : memref<2x5x40xi32, #tpu.memory_space<vmem>> -> memref<1x5x40xi32, #tpu.memory_space<vmem>>
    %dma_wait3A_517 = tpu.memref_squeeze %dma_wait3A_516 : memref<1x5x40xi32, #tpu.memory_space<vmem>> -> memref<5x40xi32, #tpu.memory_space<vmem>>
    %dma_wait3A_518 = arith.constant 0 : i32
    %dma_wait3A_519 = arith.constant 0 : i32
    %dma_wait3A_520 = tpu.memref_slice %arg3[%arg0, %arg1, %dma_wait3A_512, %dma_wait3A_518, %dma_wait3A_519] : memref<2x16x100x5x40xi32, #tpu.memory_space<hbm>> -> memref<1x1x1x5x40xi32, #tpu.memory_space<hbm>>
    %dma_wait3A_521 = tpu.memref_squeeze %dma_wait3A_520 : memref<1x1x1x5x40xi32, #tpu.memory_space<hbm>> -> memref<5x40xi32, #tpu.memory_space<hbm>>
    %dma_wait3A_522 = arith.constant 0 : i32
    %dma_wait3A_523 = arith.constant 0 : i32
    %dma_wait3A_524 = tpu.memref_slice %arg8[%dma_wait3A_513, %dma_wait3A_522, %dma_wait3A_523] : memref<2x5x40xi32, #tpu.memory_space<vmem>> -> memref<1x5x40xi32, #tpu.memory_space<vmem>>
    %dma_wait3A_525 = tpu.memref_squeeze %dma_wait3A_524 : memref<1x5x40xi32, #tpu.memory_space<vmem>> -> memref<5x40xi32, #tpu.memory_space<vmem>>
    %dma_wait3A_526 = arith.constant 0 : i32
    %dma_wait3A_527 = arith.constant 0 : i32
    %dma_wait3A_528 = tpu.memref_slice %arg3[%arg0, %arg1, %dma_wait3A_512, %dma_wait3A_526, %dma_wait3A_527] : memref<2x16x100x5x40xi32, #tpu.memory_space<hbm>> -> memref<1x1x1x5x40xi32, #tpu.memory_space<hbm>>
    %dma_wait3A_529 = tpu.memref_squeeze %dma_wait3A_528 : memref<1x1x1x5x40xi32, #tpu.memory_space<hbm>> -> memref<5x40xi32, #tpu.memory_space<hbm>>
    tpu.wait_dma2 semaphore(%arg25 : memref<!tpu.dma_semaphore, #tpu.memory_space<semaphore_mem>>) src(%dma_wait3A_529 : memref<5x40xi32, #tpu.memory_space<hbm>>) dst(%dma_wait3A_525 : memref<5x40xi32, #tpu.memory_space<vmem>>)
    %dma_wait3A_530 = arith.constant 0 : i32
    %dma_wait3A_531 = arith.constant 0 : i32
    %dma_wait3A_532 = arith.constant 0 : i32
    %dma_wait3A_533 = tpu.memref_slice %arg8[%dma_wait3A_530, %dma_wait3A_531, %dma_wait3A_532] : memref<2x5x40xi32, #tpu.memory_space<vmem>> -> memref<1x1x40xi32, #tpu.memory_space<vmem>>
    %dma_wait3A_534 = tpu.memref_squeeze %dma_wait3A_533 : memref<1x1x40xi32, #tpu.memory_space<vmem>> -> memref<40xi32, #tpu.memory_space<vmem>>
    %dma_wait3A_535 = arith.constant 0 : i32
    %dma_wait3A_536 = arith.constant 0 : i32
    %dma_wait3A_537 = tpu.memref_slice %arg6[%dma_wait3A_535, %dma_wait3A_536] : memref<10240x128xf32, #tpu.memory_space<vmem_shared>> -> memref<10240x128xf32, #tpu.memory_space<vmem_shared>>
    tpu.wait_indirect_dma semaphore(%arg19 : memref<!tpu.dma_semaphore, #tpu.memory_space<semaphore_mem>>) src(%arg9 : memref<40x128xf32, #tpu.memory_space<vmem>>) dst(%dma_wait3A_537 : memref<10240x128xf32, #tpu.memory_space<vmem_shared>>)
    %dma_wait3A_538 = arith.constant 0 : i32
    %dma_wait3A_539 = arith.constant 0 : i32
    %dma_wait3A_540 = arith.constant 0 : i32
    %dma_wait3A_541 = tpu.memref_slice %arg8[%dma_wait3A_538, %dma_wait3A_539, %dma_wait3A_540] : memref<2x5x40xi32, #tpu.memory_space<vmem>> -> memref<1x1x40xi32, #tpu.memory_space<vmem>>
    %dma_wait3A_542 = tpu.memref_squeeze %dma_wait3A_541 : memref<1x1x40xi32, #tpu.memory_space<vmem>> -> memref<40xi32, #tpu.memory_space<vmem>>
    %dma_wait3A_543 = arith.constant 0 : i32
    %dma_wait3A_544 = arith.constant 0 : i32
    %dma_wait3A_545 = tpu.memref_slice %arg6[%dma_wait3A_543, %dma_wait3A_544] : memref<10240x128xf32, #tpu.memory_space<vmem_shared>> -> memref<10240x128xf32, #tpu.memory_space<vmem_shared>>
    tpu.wait_indirect_dma semaphore(%arg20 : memref<!tpu.dma_semaphore, #tpu.memory_space<semaphore_mem>>) src(%arg10 : memref<40x128xf32, #tpu.memory_space<vmem>>) dst(%dma_wait3A_545 : memref<10240x128xf32, #tpu.memory_space<vmem_shared>>)
    %dma_wait3A_546 = arith.constant 0 : i32
    %dma_wait3A_547 = arith.constant 0 : i32
    %dma_wait3A_548 = arith.constant 0 : i32
    %dma_wait3A_549 = tpu.memref_slice %arg8[%dma_wait3A_546, %dma_wait3A_547, %dma_wait3A_548] : memref<2x5x40xi32, #tpu.memory_space<vmem>> -> memref<1x1x40xi32, #tpu.memory_space<vmem>>
    %dma_wait3A_550 = tpu.memref_squeeze %dma_wait3A_549 : memref<1x1x40xi32, #tpu.memory_space<vmem>> -> memref<40xi32, #tpu.memory_space<vmem>>
    %dma_wait3A_551 = arith.constant 0 : i32
    %dma_wait3A_552 = arith.constant 0 : i32
    %dma_wait3A_553 = tpu.memref_slice %arg6[%dma_wait3A_551, %dma_wait3A_552] : memref<10240x128xf32, #tpu.memory_space<vmem_shared>> -> memref<10240x128xf32, #tpu.memory_space<vmem_shared>>
    tpu.wait_indirect_dma semaphore(%arg21 : memref<!tpu.dma_semaphore, #tpu.memory_space<semaphore_mem>>) src(%arg11 : memref<40x128xf32, #tpu.memory_space<vmem>>) dst(%dma_wait3A_553 : memref<10240x128xf32, #tpu.memory_space<vmem_shared>>)
    %dma_wait3A_554 = arith.constant 0 : i32
    %dma_wait3A_555 = arith.constant 0 : i32
    %dma_wait3A_556 = arith.constant 0 : i32
    %dma_wait3A_557 = tpu.memref_slice %arg8[%dma_wait3A_554, %dma_wait3A_555, %dma_wait3A_556] : memref<2x5x40xi32, #tpu.memory_space<vmem>> -> memref<1x1x40xi32, #tpu.memory_space<vmem>>
    %dma_wait3A_558 = tpu.memref_squeeze %dma_wait3A_557 : memref<1x1x40xi32, #tpu.memory_space<vmem>> -> memref<40xi32, #tpu.memory_space<vmem>>
    %dma_wait3A_559 = arith.constant 0 : i32
    %dma_wait3A_560 = arith.constant 0 : i32
    %dma_wait3A_561 = tpu.memref_slice %arg6[%dma_wait3A_559, %dma_wait3A_560] : memref<10240x128xf32, #tpu.memory_space<vmem_shared>> -> memref<10240x128xf32, #tpu.memory_space<vmem_shared>>
    tpu.wait_indirect_dma semaphore(%arg22 : memref<!tpu.dma_semaphore, #tpu.memory_space<semaphore_mem>>) src(%arg12 : memref<40x128xf32, #tpu.memory_space<vmem>>) dst(%dma_wait3A_561 : memref<10240x128xf32, #tpu.memory_space<vmem_shared>>)
    %dma_wait3A_562 = arith.constant 0 : i32
    %dma_wait3A_563 = arith.constant 0 : i32
    %dma_wait3A_564 = arith.constant 0 : i32
    %dma_wait3A_565 = tpu.memref_slice %arg8[%dma_wait3A_562, %dma_wait3A_563, %dma_wait3A_564] : memref<2x5x40xi32, #tpu.memory_space<vmem>> -> memref<1x1x40xi32, #tpu.memory_space<vmem>>
    %dma_wait3A_566 = tpu.memref_squeeze %dma_wait3A_565 : memref<1x1x40xi32, #tpu.memory_space<vmem>> -> memref<40xi32, #tpu.memory_space<vmem>>
    %dma_wait3A_567 = arith.constant 0 : i32
    %dma_wait3A_568 = arith.constant 0 : i32
    %dma_wait3A_569 = tpu.memref_slice %arg6[%dma_wait3A_567, %dma_wait3A_568] : memref<10240x128xf32, #tpu.memory_space<vmem_shared>> -> memref<10240x128xf32, #tpu.memory_space<vmem_shared>>
    tpu.wait_indirect_dma semaphore(%arg23 : memref<!tpu.dma_semaphore, #tpu.memory_space<semaphore_mem>>) src(%arg13 : memref<40x128xf32, #tpu.memory_space<vmem>>) dst(%dma_wait3A_569 : memref<10240x128xf32, #tpu.memory_space<vmem_shared>>)
    %barrier3A_570 = arith.constant 0 : index
    tpu.barrier barrier_id(%barrier3A_570)
    %mul3A_571 = arith.constant 10240 : i32
    %mul3A_572 = arith.muli %arg0, %mul3A_571 : i32
    %mul3A_573 = arith.constant 640 : i32
    %mul3A_574 = arith.muli %arg1, %mul3A_573 : i32
    %add3A_575 = arith.addi %mul3A_572, %mul3A_574 : i32
    %mul3A_576 = arith.constant 640 : i32
    %mul3A_577 = arith.muli %arg1, %mul3A_576 : i32
    "tpu.region"() ({
      %run_scoped3A = tpu.sem_alloc : memref<!tpu.dma_semaphore, #tpu.memory_space<semaphore_mem>>
      %dma_start3A_578 = arith.constant 0 : i32
      %dma_start3A_579 = tpu.memref_slice %arg5[%add3A_575, %dma_start3A_578] : memref<20480x128xf32, #tpu.memory_space<hbm>> -> memref<640x128xf32, #tpu.memory_space<hbm>>
      %dma_start3A_580 = arith.constant 0 : i32
      %dma_start3A_581 = tpu.memref_slice %arg6[%mul3A_577, %dma_start3A_580] : memref<10240x128xf32, #tpu.memory_space<vmem_shared>> -> memref<640x128xf32, #tpu.memory_space<vmem_shared>>
      tpu.enqueue_dma source(%dma_start3A_581 : memref<640x128xf32, #tpu.memory_space<vmem_shared>>) target(%dma_start3A_579 : memref<640x128xf32, #tpu.memory_space<hbm>>) target_semaphore(%run_scoped3A : memref<!tpu.dma_semaphore, #tpu.memory_space<semaphore_mem>>)
      %dma_wait3A_582 = arith.constant 0 : i32
      %dma_wait3A_583 = tpu.memref_slice %arg5[%add3A_575, %dma_wait3A_582] : memref<20480x128xf32, #tpu.memory_space<hbm>> -> memref<640x128xf32, #tpu.memory_space<hbm>>
      %dma_wait3A_584 = arith.constant 0 : i32
      %dma_wait3A_585 = tpu.memref_slice %arg6[%mul3A_577, %dma_wait3A_584] : memref<10240x128xf32, #tpu.memory_space<vmem_shared>> -> memref<640x128xf32, #tpu.memory_space<vmem_shared>>
      tpu.wait_dma2 semaphore(%run_scoped3A : memref<!tpu.dma_semaphore, #tpu.memory_space<semaphore_mem>>) src(%dma_wait3A_585 : memref<640x128xf32, #tpu.memory_space<vmem_shared>>) dst(%dma_wait3A_583 : memref<640x128xf32, #tpu.memory_space<hbm>>)
      tpu.yield
    }) : () -> ()
    return
  }
}

module attributes {stable_mosaic.version = 14 : i64} {
  func.func @body(%arg0: i32, %arg1: memref<1000x128xf32, #tpu.memory_space<vmem>>, %arg2: memref<128x256xf32, #tpu.memory_space<vmem>>, %arg3: memref<1x256xf32, #tpu.memory_space<vmem>>, %arg4: memref<1000x256xf32, #tpu.memory_space<vmem>>) attributes {dimension_semantics = [#tpu.dimension_semantics<arbitrary>], iteration_bounds = array<i64: 10>, scalar_prefetch = 0 : i64, scratch_operands = 0 : i64, tpu.core_type = #tpu.core_type<tc>, window_params = [{transform_indices = @transform_0, window_bounds = array<i64: 1000, 128>}, {pipeline_mode = #tpu.pipeline_mode<synchronous>, transform_indices = @transform_1, window_bounds = array<i64: 128, 256>}, {pipeline_mode = #tpu.pipeline_mode<synchronous>, transform_indices = @transform_2, window_bounds = array<i64: 1, 256>}, {transform_indices = @transform_3, window_bounds = array<i64: 1000, 256>}]} {
    %get3A = arith.constant 0 : index
    %get3A_0 = arith.constant 0 : index
    %get3A_1 = vector.load %arg1[%get3A, %get3A_0] : memref<1000x128xf32, #tpu.memory_space<vmem>>, vector<1000x128xf32>
    %get3A_2 = arith.constant 0 : index
    %get3A_3 = arith.constant 0 : index
    %get3A_4 = vector.load %arg2[%get3A_2, %get3A_3] : memref<128x256xf32, #tpu.memory_space<vmem>>, vector<128x256xf32>
    %dot_general3A = arith.constant dense<0.000000e+00> : vector<1000x256xf32>
    %dot_general3A_5 = tpu.matmul %get3A_1, %get3A_4, %dot_general3A {dimension_numbers = #tpu.dot_dimension_numbers<[1], [0], [0], [1], [0, 0, 1, 1], [], []>, transpose_lhs_hint = false} : vector<1000x128xf32>, vector<128x256xf32>, vector<1000x256xf32> -> vector<1000x256xf32>
    %get3A_6 = arith.constant 0 : index
    %get3A_7 = arith.constant 0 : index
    %get3A_8 = vector.load %arg3[%get3A_6, %get3A_7] : memref<1x256xf32, #tpu.memory_space<vmem>>, vector<1x256xf32>
    %add3A = vector.broadcast %get3A_8 : vector<1x256xf32> to vector<1000x256xf32>
    %add3A_9 = arith.addf %dot_general3A_5, %add3A : vector<1000x256xf32>
    %swap3A = arith.constant 0 : index
    %swap3A_10 = arith.constant 0 : index
    %swap3A_11 = vector.load %arg4[%swap3A, %swap3A_10] : memref<1000x256xf32, #tpu.memory_space<vmem>>, vector<1000x256xf32>
    tpu.vector_store %arg4[%swap3A, %swap3A_10], %add3A_9 {strides = array<i32>} : memref<1000x256xf32, #tpu.memory_space<vmem>>, vector<1000x256xf32>,
    return
  }
  func.func @transform_0(%arg0: i32) -> (i32, i32) {
    %c0_i32 = arith.constant 0 : i32
    %c0_i32_0 = arith.constant 0 : i32
    return %arg0, %c0_i32 : i32, i32
  }
  func.func @transform_1(%arg0: i32) -> (i32, i32) {
    %c0_i32 = arith.constant 0 : i32
    %c0_i32_0 = arith.constant 0 : i32
    %c0_i32_1 = arith.constant 0 : i32
    return %c0_i32, %c0_i32_0 : i32, i32
  }
  func.func @transform_2(%arg0: i32) -> (i32, i32) {
    %c0_i32 = arith.constant 0 : i32
    %c0_i32_0 = arith.constant 0 : i32
    %c0_i32_1 = arith.constant 0 : i32
    return %c0_i32, %c0_i32_0 : i32, i32
  }
  func.func @transform_3(%arg0: i32) -> (i32, i32) {
    %c0_i32 = arith.constant 0 : i32
    %c0_i32_0 = arith.constant 0 : i32
    return %arg0, %c0_i32 : i32, i32
  }
}

module attributes {stable_mosaic.version = 14 : i64} {
  func.func @body(%arg0: i32, %arg1: memref<1000x256xf32, #tpu.memory_space<vmem>>, %arg2: memref<2x1000x144xf32, #tpu.memory_space<vmem>>, %arg3: memref<128x256xf32, #tpu.memory_space<vmem>>, %arg4: memref<1000x256xf32, #tpu.memory_space<vmem>>, %arg5: memref<2x1000x128xf32, #tpu.memory_space<vmem>>) attributes {dimension_semantics = [#tpu.dimension_semantics<arbitrary>], iteration_bounds = array<i64: 10>, scalar_prefetch = 0 : i64, scratch_operands = 0 : i64, tpu.core_type = #tpu.core_type<tc>, window_params = [{transform_indices = @transform_0, window_bounds = array<i64: 1000, 256>}, {transform_indices = @transform_1, window_bounds = array<i64: 2, 1000, 144>}, {pipeline_mode = #tpu.pipeline_mode<synchronous>, transform_indices = @transform_2, window_bounds = array<i64: 128, 256>}, {transform_indices = @transform_3, window_bounds = array<i64: 1000, 256>}, {transform_indices = @transform_4, window_bounds = array<i64: 2, 1000, 128>}]} {
    %get3A = arith.constant 0 : index
    %get3A_0 = arith.constant 0 : index
    %get3A_1 = arith.constant 0 : index
    %get3A_2 = vector.load %arg2[%get3A, %get3A_0, %get3A_1] : memref<2x1000x144xf32, #tpu.memory_space<vmem>>, vector<1x1000x144xf32>
    %get3A_3 = vector.shape_cast %get3A_2 : vector<1x1000x144xf32> to vector<1000x144xf32>
    %get3A_4 = arith.constant 1 : index
    %get3A_5 = arith.constant 0 : index
    %get3A_6 = arith.constant 0 : index
    %get3A_7 = vector.load %arg2[%get3A_4, %get3A_5, %get3A_6] : memref<2x1000x144xf32, #tpu.memory_space<vmem>>, vector<1x1000x144xf32>
    %get3A_8 = vector.shape_cast %get3A_7 : vector<1x1000x144xf32> to vector<1000x144xf32>
    %slice3A = vector.extract_strided_slice %get3A_3 {offsets = [0, 128], sizes = [1000, 1], strides = [1, 1]} : vector<1000x144xf32> to vector<1000x1xf32>
    %slice3A_9 = vector.extract_strided_slice %get3A_8 {offsets = [0, 128], sizes = [1000, 1], strides = [1, 1]} : vector<1000x144xf32> to vector<1000x1xf32>
    %add3A = arith.addf %slice3A, %slice3A_9 : vector<1000x1xf32>
    %max3A = arith.constant 1.000000e+00 : f32
    %max3A_10 = vector.broadcast %max3A : f32 to vector<1000x1xf32>
    %max3A_11 = arith.maximumf %add3A, %max3A_10 : vector<1000x1xf32>
    %div3A = arith.constant 1.000000e+00 : f32
    %div3A_12 = vector.broadcast %div3A : f32 to vector<1000x1xf32>
    %div3A_13 = arith.divf %div3A_12, %max3A_11 : vector<1000x1xf32>
    %slice3A_14 = vector.extract_strided_slice %get3A_3 {offsets = [0, 0], sizes = [1000, 128], strides = [1, 1]} : vector<1000x144xf32> to vector<1000x128xf32>
    %slice3A_15 = vector.extract_strided_slice %get3A_8 {offsets = [0, 0], sizes = [1000, 128], strides = [1, 1]} : vector<1000x144xf32> to vector<1000x128xf32>
    %add3A_16 = arith.addf %slice3A_14, %slice3A_15 : vector<1000x128xf32>
    %mul3A = vector.broadcast %div3A_13 : vector<1000x1xf32> to vector<1000x128xf32>
    %mul3A_17 = arith.mulf %add3A_16, %mul3A : vector<1000x128xf32>
    %get3A_18 = arith.constant 0 : index
    %get3A_19 = arith.constant 0 : index
    %get3A_20 = vector.load %arg1[%get3A_18, %get3A_19] : memref<1000x256xf32, #tpu.memory_space<vmem>>, vector<1000x256xf32>
    %get3A_21 = arith.constant 0 : index
    %get3A_22 = arith.constant 0 : index
    %get3A_23 = vector.load %arg3[%get3A_21, %get3A_22] : memref<128x256xf32, #tpu.memory_space<vmem>>, vector<128x256xf32>
    %dot_general3A = arith.constant dense<0.000000e+00> : vector<1000x256xf32>
    %dot_general3A_24 = tpu.matmul %mul3A_17, %get3A_23, %dot_general3A {dimension_numbers = #tpu.dot_dimension_numbers<[1], [0], [0], [1], [0, 0, 1, 1], [], []>, transpose_lhs_hint = false} : vector<1000x128xf32>, vector<128x256xf32>, vector<1000x256xf32> -> vector<1000x256xf32>
    %add3A_25 = arith.addf %get3A_20, %dot_general3A_24 : vector<1000x256xf32>
    %max3A_26 = arith.constant 0.000000e+00 : f32
    %max3A_27 = vector.broadcast %max3A_26 : f32 to vector<1000x256xf32>
    %max3A_28 = arith.maximumf %add3A_25, %max3A_27 : vector<1000x256xf32>
    %swap3A = arith.constant 0 : index
    %swap3A_29 = arith.constant 0 : index
    %swap3A_30 = vector.load %arg4[%swap3A, %swap3A_29] : memref<1000x256xf32, #tpu.memory_space<vmem>>, vector<1000x256xf32>
    tpu.vector_store %arg4[%swap3A, %swap3A_29], %max3A_28 {strides = array<i32>} : memref<1000x256xf32, #tpu.memory_space<vmem>>, vector<1000x256xf32>,
    %slice3A_31 = vector.extract_strided_slice %max3A_28 {offsets = [0, 0], sizes = [1000, 128], strides = [1, 1]} : vector<1000x256xf32> to vector<1000x128xf32>
    %swap3A_32 = arith.constant 0 : index
    %swap3A_33 = arith.constant 0 : index
    %swap3A_34 = arith.constant 0 : index
    %swap3A_35 = vector.load %arg5[%swap3A_32, %swap3A_33, %swap3A_34] : memref<2x1000x128xf32, #tpu.memory_space<vmem>>, vector<1x1000x128xf32>
    %swap3A_36 = vector.shape_cast %swap3A_35 : vector<1x1000x128xf32> to vector<1000x128xf32>
    %swap3A_37 = vector.shape_cast %slice3A_31 : vector<1000x128xf32> to vector<1x1000x128xf32>
    tpu.vector_store %arg5[%swap3A_32, %swap3A_33, %swap3A_34], %swap3A_37 {strides = array<i32>} : memref<2x1000x128xf32, #tpu.memory_space<vmem>>, vector<1x1000x128xf32>,
    %slice3A_38 = vector.extract_strided_slice %max3A_28 {offsets = [0, 128], sizes = [1000, 128], strides = [1, 1]} : vector<1000x256xf32> to vector<1000x128xf32>
    %swap3A_39 = arith.constant 1 : index
    %swap3A_40 = arith.constant 0 : index
    %swap3A_41 = arith.constant 0 : index
    %swap3A_42 = vector.load %arg5[%swap3A_39, %swap3A_40, %swap3A_41] : memref<2x1000x128xf32, #tpu.memory_space<vmem>>, vector<1x1000x128xf32>
    %swap3A_43 = vector.shape_cast %swap3A_42 : vector<1x1000x128xf32> to vector<1000x128xf32>
    %swap3A_44 = vector.shape_cast %slice3A_38 : vector<1000x128xf32> to vector<1x1000x128xf32>
    tpu.vector_store %arg5[%swap3A_39, %swap3A_40, %swap3A_41], %swap3A_44 {strides = array<i32>} : memref<2x1000x128xf32, #tpu.memory_space<vmem>>, vector<1x1000x128xf32>,
    return
  }
  func.func @transform_0(%arg0: i32) -> (i32, i32) {
    %c0_i32 = arith.constant 0 : i32
    %c0_i32_0 = arith.constant 0 : i32
    return %arg0, %c0_i32 : i32, i32
  }
  func.func @transform_1(%arg0: i32) -> (i32, i32, i32) {
    %c0_i32 = arith.constant 0 : i32
    %c0_i32_0 = arith.constant 0 : i32
    %c0_i32_1 = arith.constant 0 : i32
    return %c0_i32, %arg0, %c0_i32_0 : i32, i32, i32
  }
  func.func @transform_2(%arg0: i32) -> (i32, i32) {
    %c0_i32 = arith.constant 0 : i32
    %c0_i32_0 = arith.constant 0 : i32
    %c0_i32_1 = arith.constant 0 : i32
    return %c0_i32, %c0_i32_0 : i32, i32
  }
  func.func @transform_3(%arg0: i32) -> (i32, i32) {
    %c0_i32 = arith.constant 0 : i32
    %c0_i32_0 = arith.constant 0 : i32
    return %arg0, %c0_i32 : i32, i32
  }
  func.func @transform_4(%arg0: i32) -> (i32, i32, i32) {
    %c0_i32 = arith.constant 0 : i32
    %c0_i32_0 = arith.constant 0 : i32
    %c0_i32_1 = arith.constant 0 : i32
    return %c0_i32, %arg0, %c0_i32_0 : i32, i32, i32
  }
}

module attributes {stable_mosaic.version = 14 : i64} {
  func.func @body(%arg0: i32, %arg1: memref<1000x256xf32, #tpu.memory_space<vmem>>, %arg2: memref<256x256xf32, #tpu.memory_space<vmem>>, %arg3: memref<1x256xf32, #tpu.memory_space<vmem>>, %arg4: memref<1000x256xf32, #tpu.memory_space<vmem>>) attributes {dimension_semantics = [#tpu.dimension_semantics<arbitrary>], iteration_bounds = array<i64: 10>, scalar_prefetch = 0 : i64, scratch_operands = 0 : i64, tpu.core_type = #tpu.core_type<tc>, window_params = [{transform_indices = @transform_0, window_bounds = array<i64: 1000, 256>}, {pipeline_mode = #tpu.pipeline_mode<synchronous>, transform_indices = @transform_1, window_bounds = array<i64: 256, 256>}, {pipeline_mode = #tpu.pipeline_mode<synchronous>, transform_indices = @transform_2, window_bounds = array<i64: 1, 256>}, {transform_indices = @transform_3, window_bounds = array<i64: 1000, 256>}]} {
    %get3A = arith.constant 0 : index
    %get3A_0 = arith.constant 0 : index
    %get3A_1 = vector.load %arg1[%get3A, %get3A_0] : memref<1000x256xf32, #tpu.memory_space<vmem>>, vector<1000x256xf32>
    %get3A_2 = arith.constant 0 : index
    %get3A_3 = arith.constant 0 : index
    %get3A_4 = vector.load %arg2[%get3A_2, %get3A_3] : memref<256x256xf32, #tpu.memory_space<vmem>>, vector<256x256xf32>
    %dot_general3A = arith.constant dense<0.000000e+00> : vector<1000x256xf32>
    %dot_general3A_5 = tpu.matmul %get3A_1, %get3A_4, %dot_general3A {dimension_numbers = #tpu.dot_dimension_numbers<[1], [0], [0], [1], [0, 0, 1, 1], [], []>, transpose_lhs_hint = false} : vector<1000x256xf32>, vector<256x256xf32>, vector<1000x256xf32> -> vector<1000x256xf32>
    %get3A_6 = arith.constant 0 : index
    %get3A_7 = arith.constant 0 : index
    %get3A_8 = vector.load %arg3[%get3A_6, %get3A_7] : memref<1x256xf32, #tpu.memory_space<vmem>>, vector<1x256xf32>
    %add3A = vector.broadcast %get3A_8 : vector<1x256xf32> to vector<1000x256xf32>
    %add3A_9 = arith.addf %dot_general3A_5, %add3A : vector<1000x256xf32>
    %swap3A = arith.constant 0 : index
    %swap3A_10 = arith.constant 0 : index
    %swap3A_11 = vector.load %arg4[%swap3A, %swap3A_10] : memref<1000x256xf32, #tpu.memory_space<vmem>>, vector<1000x256xf32>
    tpu.vector_store %arg4[%swap3A, %swap3A_10], %add3A_9 {strides = array<i32>} : memref<1000x256xf32, #tpu.memory_space<vmem>>, vector<1000x256xf32>,
    return
  }
  func.func @transform_0(%arg0: i32) -> (i32, i32) {
    %c0_i32 = arith.constant 0 : i32
    %c0_i32_0 = arith.constant 0 : i32
    return %arg0, %c0_i32 : i32, i32
  }
  func.func @transform_1(%arg0: i32) -> (i32, i32) {
    %c0_i32 = arith.constant 0 : i32
    %c0_i32_0 = arith.constant 0 : i32
    %c0_i32_1 = arith.constant 0 : i32
    return %c0_i32, %c0_i32_0 : i32, i32
  }
  func.func @transform_2(%arg0: i32) -> (i32, i32) {
    %c0_i32 = arith.constant 0 : i32
    %c0_i32_0 = arith.constant 0 : i32
    %c0_i32_1 = arith.constant 0 : i32
    return %c0_i32, %c0_i32_0 : i32, i32
  }
  func.func @transform_3(%arg0: i32) -> (i32, i32) {
    %c0_i32 = arith.constant 0 : i32
    %c0_i32_0 = arith.constant 0 : i32
    return %arg0, %c0_i32 : i32, i32
  }
}

module attributes {stable_mosaic.version = 14 : i64} {
  func.func @body(%arg0: i32, %arg1: memref<1000x256xf32, #tpu.memory_space<vmem>>, %arg2: memref<2x1000x128xf32, #tpu.memory_space<vmem>>, %arg3: memref<1000x2xf32, #tpu.memory_space<vmem>>, %arg4: memref<256x256xf32, #tpu.memory_space<vmem>>, %arg5: memref<256x64xf32, #tpu.memory_space<vmem>>, %arg6: memref<1000x256xf32, #tpu.memory_space<vmem>>, %arg7: memref<1000x64xf32, #tpu.memory_space<vmem>>) attributes {dimension_semantics = [#tpu.dimension_semantics<arbitrary>], iteration_bounds = array<i64: 10>, scalar_prefetch = 0 : i64, scratch_operands = 0 : i64, tpu.core_type = #tpu.core_type<tc>, window_params = [{transform_indices = @transform_0, window_bounds = array<i64: 1000, 256>}, {transform_indices = @transform_1, window_bounds = array<i64: 2, 1000, 128>}, {transform_indices = @transform_2, window_bounds = array<i64: 1000, 2>}, {pipeline_mode = #tpu.pipeline_mode<synchronous>, transform_indices = @transform_3, window_bounds = array<i64: 256, 256>}, {pipeline_mode = #tpu.pipeline_mode<synchronous>, transform_indices = @transform_4, window_bounds = array<i64: 256, 64>}, {transform_indices = @transform_5, window_bounds = array<i64: 1000, 256>}, {transform_indices = @transform_6, window_bounds = array<i64: 1000, 64>}]} {
    %get3A = arith.constant 0 : index
    %get3A_0 = arith.constant 0 : index
    %get3A_1 = vector.load %arg3[%get3A, %get3A_0] : memref<1000x2xf32, #tpu.memory_space<vmem>>, vector<1000x1xf32>
    %get3A_2 = arith.constant 0 : index
    %get3A_3 = arith.constant 1 : index
    %get3A_4 = vector.load %arg3[%get3A_2, %get3A_3] : memref<1000x2xf32, #tpu.memory_space<vmem>>, vector<1000x1xf32>
    %add3A = arith.addf %get3A_1, %get3A_4 : vector<1000x1xf32>
    %max3A = arith.constant 1.000000e+00 : f32
    %max3A_5 = vector.broadcast %max3A : f32 to vector<1000x1xf32>
    %max3A_6 = arith.maximumf %add3A, %max3A_5 : vector<1000x1xf32>
    %div3A = arith.constant 1.000000e+00 : f32
    %div3A_7 = vector.broadcast %div3A : f32 to vector<1000x1xf32>
    %div3A_8 = arith.divf %div3A_7, %max3A_6 : vector<1000x1xf32>
    %get3A_9 = arith.constant 0 : index
    %get3A_10 = arith.constant 0 : index
    %get3A_11 = arith.constant 0 : index
    %get3A_12 = vector.load %arg2[%get3A_9, %get3A_10, %get3A_11] : memref<2x1000x128xf32, #tpu.memory_space<vmem>>, vector<1x1000x128xf32>
    %get3A_13 = vector.shape_cast %get3A_12 : vector<1x1000x128xf32> to vector<1000x128xf32>
    %get3A_14 = arith.constant 1 : index
    %get3A_15 = arith.constant 0 : index
    %get3A_16 = arith.constant 0 : index
    %get3A_17 = vector.load %arg2[%get3A_14, %get3A_15, %get3A_16] : memref<2x1000x128xf32, #tpu.memory_space<vmem>>, vector<1x1000x128xf32>
    %get3A_18 = vector.shape_cast %get3A_17 : vector<1x1000x128xf32> to vector<1000x128xf32>
    %concatenate3A = tpu.concatenate %get3A_13, %get3A_18 in 1 : vector<1000x128xf32>, vector<1000x128xf32> -> vector<1000x256xf32>
    %mul3A = vector.broadcast %div3A_8 : vector<1000x1xf32> to vector<1000x256xf32>
    %mul3A_19 = arith.mulf %concatenate3A, %mul3A : vector<1000x256xf32>
    %get3A_20 = arith.constant 0 : index
    %get3A_21 = arith.constant 0 : index
    %get3A_22 = vector.load %arg1[%get3A_20, %get3A_21] : memref<1000x256xf32, #tpu.memory_space<vmem>>, vector<1000x256xf32>
    %get3A_23 = arith.constant 0 : index
    %get3A_24 = arith.constant 0 : index
    %get3A_25 = vector.load %arg4[%get3A_23, %get3A_24] : memref<256x256xf32, #tpu.memory_space<vmem>>, vector<256x256xf32>
    %dot_general3A = arith.constant dense<0.000000e+00> : vector<1000x256xf32>
    %dot_general3A_26 = tpu.matmul %mul3A_19, %get3A_25, %dot_general3A {dimension_numbers = #tpu.dot_dimension_numbers<[1], [0], [0], [1], [0, 0, 1, 1], [], []>, transpose_lhs_hint = false} : vector<1000x256xf32>, vector<256x256xf32>, vector<1000x256xf32> -> vector<1000x256xf32>
    %add3A_27 = arith.addf %get3A_22, %dot_general3A_26 : vector<1000x256xf32>
    %max3A_28 = arith.constant 0.000000e+00 : f32
    %max3A_29 = vector.broadcast %max3A_28 : f32 to vector<1000x256xf32>
    %max3A_30 = arith.maximumf %add3A_27, %max3A_29 : vector<1000x256xf32>
    %swap3A = arith.constant 0 : index
    %swap3A_31 = arith.constant 0 : index
    %swap3A_32 = vector.load %arg6[%swap3A, %swap3A_31] : memref<1000x256xf32, #tpu.memory_space<vmem>>, vector<1000x256xf32>
    tpu.vector_store %arg6[%swap3A, %swap3A_31], %max3A_30 {strides = array<i32>} : memref<1000x256xf32, #tpu.memory_space<vmem>>, vector<1000x256xf32>,
    %get3A_33 = arith.constant 0 : index
    %get3A_34 = arith.constant 0 : index
    %get3A_35 = vector.load %arg5[%get3A_33, %get3A_34] : memref<256x64xf32, #tpu.memory_space<vmem>>, vector<256x64xf32>
    %dot_general3A_36 = arith.constant dense<0.000000e+00> : vector<1000x64xf32>
    %dot_general3A_37 = tpu.matmul %max3A_30, %get3A_35, %dot_general3A_36 {dimension_numbers = #tpu.dot_dimension_numbers<[1], [0], [0], [1], [0, 0, 1, 1], [], []>, transpose_lhs_hint = false} : vector<1000x256xf32>, vector<256x64xf32>, vector<1000x64xf32> -> vector<1000x64xf32>
    %swap3A_38 = arith.constant 0 : index
    %swap3A_39 = arith.constant 0 : index
    %swap3A_40 = vector.load %arg7[%swap3A_38, %swap3A_39] : memref<1000x64xf32, #tpu.memory_space<vmem>>, vector<1000x64xf32>
    tpu.vector_store %arg7[%swap3A_38, %swap3A_39], %dot_general3A_37 {strides = array<i32>} : memref<1000x64xf32, #tpu.memory_space<vmem>>, vector<1000x64xf32>,
    return
  }
  func.func @transform_0(%arg0: i32) -> (i32, i32) {
    %c0_i32 = arith.constant 0 : i32
    %c0_i32_0 = arith.constant 0 : i32
    return %arg0, %c0_i32 : i32, i32
  }
  func.func @transform_1(%arg0: i32) -> (i32, i32, i32) {
    %c0_i32 = arith.constant 0 : i32
    %c0_i32_0 = arith.constant 0 : i32
    %c0_i32_1 = arith.constant 0 : i32
    return %c0_i32, %arg0, %c0_i32_0 : i32, i32, i32
  }
  func.func @transform_2(%arg0: i32) -> (i32, i32) {
    %c0_i32 = arith.constant 0 : i32
    %c0_i32_0 = arith.constant 0 : i32
    return %arg0, %c0_i32 : i32, i32
  }
  func.func @transform_3(%arg0: i32) -> (i32, i32) {
    %c0_i32 = arith.constant 0 : i32
    %c0_i32_0 = arith.constant 0 : i32
    %c0_i32_1 = arith.constant 0 : i32
    return %c0_i32, %c0_i32_0 : i32, i32
  }
  func.func @transform_4(%arg0: i32) -> (i32, i32) {
    %c0_i32 = arith.constant 0 : i32
    %c0_i32_0 = arith.constant 0 : i32
    %c0_i32_1 = arith.constant 0 : i32
    return %c0_i32, %c0_i32_0 : i32, i32
  }
  func.func @transform_5(%arg0: i32) -> (i32, i32) {
    %c0_i32 = arith.constant 0 : i32
    %c0_i32_0 = arith.constant 0 : i32
    return %arg0, %c0_i32 : i32, i32
  }
  func.func @transform_6(%arg0: i32) -> (i32, i32) {
    %c0_i32 = arith.constant 0 : i32
    %c0_i32_0 = arith.constant 0 : i32
    return %arg0, %c0_i32 : i32, i32
  }
}

module attributes {stable_mosaic.version = 14 : i64} {
  func.func @body(%arg0: i32, %arg1: memref<1000x256xf32, #tpu.memory_space<vmem>>, %arg2: memref<256x64xf32, #tpu.memory_space<vmem>>, %arg3: memref<1x64xf32, #tpu.memory_space<vmem>>, %arg4: memref<1000x64xf32, #tpu.memory_space<vmem>>) attributes {dimension_semantics = [#tpu.dimension_semantics<arbitrary>], iteration_bounds = array<i64: 10>, scalar_prefetch = 0 : i64, scratch_operands = 0 : i64, tpu.core_type = #tpu.core_type<tc>, window_params = [{transform_indices = @transform_0, window_bounds = array<i64: 1000, 256>}, {pipeline_mode = #tpu.pipeline_mode<synchronous>, transform_indices = @transform_1, window_bounds = array<i64: 256, 64>}, {pipeline_mode = #tpu.pipeline_mode<synchronous>, transform_indices = @transform_2, window_bounds = array<i64: 1, 64>}, {transform_indices = @transform_3, window_bounds = array<i64: 1000, 64>}]} {
    %get3A = arith.constant 0 : index
    %get3A_0 = arith.constant 0 : index
    %get3A_1 = vector.load %arg1[%get3A, %get3A_0] : memref<1000x256xf32, #tpu.memory_space<vmem>>, vector<1000x256xf32>
    %get3A_2 = arith.constant 0 : index
    %get3A_3 = arith.constant 0 : index
    %get3A_4 = vector.load %arg2[%get3A_2, %get3A_3] : memref<256x64xf32, #tpu.memory_space<vmem>>, vector<256x64xf32>
    %dot_general3A = arith.constant dense<0.000000e+00> : vector<1000x64xf32>
    %dot_general3A_5 = tpu.matmul %get3A_1, %get3A_4, %dot_general3A {dimension_numbers = #tpu.dot_dimension_numbers<[1], [0], [0], [1], [0, 0, 1, 1], [], []>, transpose_lhs_hint = false} : vector<1000x256xf32>, vector<256x64xf32>, vector<1000x64xf32> -> vector<1000x64xf32>
    %get3A_6 = arith.constant 0 : index
    %get3A_7 = arith.constant 0 : index
    %get3A_8 = vector.load %arg3[%get3A_6, %get3A_7] : memref<1x64xf32, #tpu.memory_space<vmem>>, vector<1x64xf32>
    %add3A = vector.broadcast %get3A_8 : vector<1x64xf32> to vector<1000x64xf32>
    %add3A_9 = arith.addf %dot_general3A_5, %add3A : vector<1000x64xf32>
    %swap3A = arith.constant 0 : index
    %swap3A_10 = arith.constant 0 : index
    %swap3A_11 = vector.load %arg4[%swap3A, %swap3A_10] : memref<1000x64xf32, #tpu.memory_space<vmem>>, vector<1000x64xf32>
    tpu.vector_store %arg4[%swap3A, %swap3A_10], %add3A_9 {strides = array<i32>} : memref<1000x64xf32, #tpu.memory_space<vmem>>, vector<1000x64xf32>,
    return
  }
  func.func @transform_0(%arg0: i32) -> (i32, i32) {
    %c0_i32 = arith.constant 0 : i32
    %c0_i32_0 = arith.constant 0 : i32
    return %arg0, %c0_i32 : i32, i32
  }
  func.func @transform_1(%arg0: i32) -> (i32, i32) {
    %c0_i32 = arith.constant 0 : i32
    %c0_i32_0 = arith.constant 0 : i32
    %c0_i32_1 = arith.constant 0 : i32
    return %c0_i32, %c0_i32_0 : i32, i32
  }
  func.func @transform_2(%arg0: i32) -> (i32, i32) {
    %c0_i32 = arith.constant 0 : i32
    %c0_i32_0 = arith.constant 0 : i32
    %c0_i32_1 = arith.constant 0 : i32
    return %c0_i32, %c0_i32_0 : i32, i32
  }
  func.func @transform_3(%arg0: i32) -> (i32, i32) {
    %c0_i32 = arith.constant 0 : i32
    %c0_i32_0 = arith.constant 0 : i32
    return %arg0, %c0_i32 : i32, i32
  }
}

module attributes {stable_mosaic.version = 14 : i64} {
  func.func @body(%arg0: i32, %arg1: memref<1000x64xf32, #tpu.memory_space<vmem>>, %arg2: memref<2x1000x64xf32, #tpu.memory_space<vmem>>, %arg3: memref<1000x2xf32, #tpu.memory_space<vmem>>, %arg4: memref<1000x64xf32, #tpu.memory_space<vmem>>) attributes {dimension_semantics = [#tpu.dimension_semantics<arbitrary>], iteration_bounds = array<i64: 10>, scalar_prefetch = 0 : i64, scratch_operands = 0 : i64, tpu.core_type = #tpu.core_type<tc>, window_params = [{transform_indices = @transform_0, window_bounds = array<i64: 1000, 64>}, {transform_indices = @transform_1, window_bounds = array<i64: 2, 1000, 64>}, {transform_indices = @transform_2, window_bounds = array<i64: 1000, 2>}, {transform_indices = @transform_3, window_bounds = array<i64: 1000, 64>}]} {
    %get3A = arith.constant 0 : index
    %get3A_0 = arith.constant 0 : index
    %get3A_1 = vector.load %arg3[%get3A, %get3A_0] : memref<1000x2xf32, #tpu.memory_space<vmem>>, vector<1000x1xf32>
    %get3A_2 = arith.constant 0 : index
    %get3A_3 = arith.constant 1 : index
    %get3A_4 = vector.load %arg3[%get3A_2, %get3A_3] : memref<1000x2xf32, #tpu.memory_space<vmem>>, vector<1000x1xf32>
    %add3A = arith.addf %get3A_1, %get3A_4 : vector<1000x1xf32>
    %max3A = arith.constant 1.000000e+00 : f32
    %max3A_5 = vector.broadcast %max3A : f32 to vector<1000x1xf32>
    %max3A_6 = arith.maximumf %add3A, %max3A_5 : vector<1000x1xf32>
    %div3A = arith.constant 1.000000e+00 : f32
    %div3A_7 = vector.broadcast %div3A : f32 to vector<1000x1xf32>
    %div3A_8 = arith.divf %div3A_7, %max3A_6 : vector<1000x1xf32>
    %get3A_9 = arith.constant 0 : index
    %get3A_10 = arith.constant 0 : index
    %get3A_11 = vector.load %arg1[%get3A_9, %get3A_10] : memref<1000x64xf32, #tpu.memory_space<vmem>>, vector<1000x64xf32>
    %get3A_12 = arith.constant 0 : index
    %get3A_13 = arith.constant 0 : index
    %get3A_14 = arith.constant 0 : index
    %get3A_15 = vector.load %arg2[%get3A_12, %get3A_13, %get3A_14] : memref<2x1000x64xf32, #tpu.memory_space<vmem>>, vector<1x1000x64xf32>
    %get3A_16 = vector.shape_cast %get3A_15 : vector<1x1000x64xf32> to vector<1000x64xf32>
    %get3A_17 = arith.constant 1 : index
    %get3A_18 = arith.constant 0 : index
    %get3A_19 = arith.constant 0 : index
    %get3A_20 = vector.load %arg2[%get3A_17, %get3A_18, %get3A_19] : memref<2x1000x64xf32, #tpu.memory_space<vmem>>, vector<1x1000x64xf32>
    %get3A_21 = vector.shape_cast %get3A_20 : vector<1x1000x64xf32> to vector<1000x64xf32>
    %add3A_22 = arith.addf %get3A_16, %get3A_21 : vector<1000x64xf32>
    %mul3A = vector.broadcast %div3A_8 : vector<1000x1xf32> to vector<1000x64xf32>
    %mul3A_23 = arith.mulf %add3A_22, %mul3A : vector<1000x64xf32>
    %add3A_24 = arith.addf %get3A_11, %mul3A_23 : vector<1000x64xf32>
    %swap3A = arith.constant 0 : index
    %swap3A_25 = arith.constant 0 : index
    %swap3A_26 = vector.load %arg4[%swap3A, %swap3A_25] : memref<1000x64xf32, #tpu.memory_space<vmem>>, vector<1000x64xf32>
    tpu.vector_store %arg4[%swap3A, %swap3A_25], %add3A_24 {strides = array<i32>} : memref<1000x64xf32, #tpu.memory_space<vmem>>, vector<1000x64xf32>,
    return
  }
  func.func @transform_0(%arg0: i32) -> (i32, i32) {
    %c0_i32 = arith.constant 0 : i32
    %c0_i32_0 = arith.constant 0 : i32
    return %arg0, %c0_i32 : i32, i32
  }
  func.func @transform_1(%arg0: i32) -> (i32, i32, i32) {
    %c0_i32 = arith.constant 0 : i32
    %c0_i32_0 = arith.constant 0 : i32
    %c0_i32_1 = arith.constant 0 : i32
    return %c0_i32, %arg0, %c0_i32_0 : i32, i32, i32
  }
  func.func @transform_2(%arg0: i32) -> (i32, i32) {
    %c0_i32 = arith.constant 0 : i32
    %c0_i32_0 = arith.constant 0 : i32
    return %arg0, %c0_i32 : i32, i32
  }
  func.func @transform_3(%arg0: i32) -> (i32, i32) {
    %c0_i32 = arith.constant 0 : i32
    %c0_i32_0 = arith.constant 0 : i32
    return %arg0, %c0_i32 : i32, i32
  }
}

</mosaic_0001>

<sc_bundles>
// kernel: kernel.11.cloned.1.call-start
scs
__scs_entry_jumppad:
0x0: {  	(pc) =	sbr.rel $0x88, $3  }
0x1: {  	(tag) =	ssettag $0x0;
	lr =	simm.s32 $0x1  }
0x2: {  	[smem:$0x3F96] =	sst lr;
	_ =	strace $0xD0000000  }
0x3: {  	_ = 	snop  }
0x4: {  	_ = 	snop  }
0x5: {  	_ = 	snop  }
0x6: {  	_ = 	snop  }
0x7: {  	_ = 	snop  }
__scs_overlays_trampoline_lowered:
0x8: {  	[smem:$0x3FA5] =	sst s0  }
0x9: {  	[smem:$0x3FA6] =	sst s1  }
0xa: {  	[smem:$0x3FA7] =	sst s2  }
0xb: {  	[smem:$0x3FA8] =	sst s3  }
0xc: {  	[smem:$0x3FA9] =	sst s4  }
0xd: {  	[smem:$0x3FAA] =	sst s5  }
0xe: {  	[smem:$0x3FAB] =	sst s6  }
0xf: {  	[smem:$0x3FAC] =	sst s7  }
0x10: {  	[smem:$0x3FAD] =	sst s8  }
0x11: {  	[smem:$0x3FAE] =	sst s9;
	s0 =	simm.s32 @!p0 $0x0  }
0x12: {  	s1 =	sld [smem:$0x3F94];
	s0 =	simm.s32 @p0 $0x1  }
0x13: {  	[smem:$0x3FAF] =	sst s0;
	s0 =	simm.s32 @!p1 $0x0  }
0x14: {  	s2 =	sld [smem:$0x3F93];
	s0 =	simm.s32 @p1 $0x1  }
0x15: {  	[smem:$0x3FB0] =	sst s0;
	s0 =	simm.s32 @!p2 $0x0  }
0x16: {  	s3 =	sld [smem:$0x3FDB];
	s0 =	simm.s32 @p2 $0x1  }
0x17: {  	s4 =	simm.s32 $0x1BF5;
	[smem:$0x3FB2] =	sst s0  }
0x18: {  	s0 =	sld [smem:$0x3F95];
	_ =	swait.ge [sflag:s4], $0x0  }
0x19: {  	s7 =	sld [smem:$0x3F96]  }
0x1a: {  	s8 =	sadd.s32 $0xFFFFE003, lr  }
0x1b: {  	s9 =	sadd.s32 $0xFFFFFEF7, lr;
	s5 =	simm.s32 $0xFFFFFFFF;
	p2 =	slt.u32 s8, $0xFFFFF086  }
0x1c: {  	p1 =	slt.u32 s9, $0xF7A;
	s5 =	simm.s32 @!p2 $0x0  }
0x1d: {  	s5 =	simm.s32 @p1 $0x1;
	p0 =	seq.s32 s7, s2  }
0x1e: {  	s7 =	smul.u32 @!p0 $0xF7A, s2;
	p2 =	seq.s32 @!p0 s5, $0x0  }
0x1f: {  	s9 =	smul.u32 $0xF7A, s1;
	s8 =	simm.s32 @!p0 $0x1BF5;
	p2 =	por !p2, p0  }
0x20: {  	[sflag:s8] =	ssyncset.s32 @!p0 $0xFFFFF086;
	s6 =	sadd.s32 @!p0 s3, s7;
	s7 =	simm.s32 @!p0 $0x108  }
0x21: {  	s3 =	sadd.s32 s3, s9;
	s6 =	sadd.s32 @!p0 $0x88, s6;
	s7 =	simm.s32 @p2 $0x1082  }
0x22: {  	[simem:s7], [sflag:s8] =	dma.local @!p0 [hbm:s6], $0xF7A  }
0x23: {  	s9 =	sor.u32 $0xD0000000, s2;
	s6 =	simm.s32 $0x108;
	_ =	swait.ge @!p0 [sflag:s8], $0x0  }
0x24: {  	s3 =	sadd.s32 $0x88, s3;
	s6 =	simm.s32 @!p1 $0x1082;
	[sflag:s4] =	ssyncset.s32 $0xFFFFF086  }
0x25: {  	[simem:s6], [sflag:s4] =	dma.local [hbm:s3], $0xF7A  }
0x26: {  	[smem:$0x3F96] =	sst s1;
	(tag) =	ssettag s2;
	_ =	strace s9  }
0x27: {  	s1 =	sld [smem:$0x3FA6]  }
0x28: {  	s2 =	sld [smem:$0x3FA7]  }
0x29: {  	s4 =	sld [smem:$0x3FA9]  }
0x2a: {  	p0 =	seq.s32 s5, $0x0;
	s5 =	sld [smem:$0x3FAA]  }
0x2b: {  	s6 =	sld [smem:$0x3FAB]  }
0x2c: {  	s7 =	sld [smem:$0x3FAC]  }
0x2d: {  	s3 =	simm.s32 $0x108;
	s8 =	sld [smem:$0x3FAD]  }
0x2e: {  	s3 =	simm.s32 @!p0 $0x1082;
	s9 =	sld [smem:$0x3FAE]  }
0x2f: {  	lr =	sadd.s32 s0, s3;
	s0 =	sld [smem:$0x3FA5]  }
0x30: {  	s3 =	sld [smem:$0x3FA8]  }
0x31: {  	[smem:$0x3FB1] =	sst s10  }
0x32: {  	s10 =	sld [smem:$0x3FAF];
	_ =	sdelay $0x3  }
0x33: {  	p0 =	seq.s32 s10, $0x1;
	s10 =	sld [smem:$0x3FB1];
	_ =	sdelay $0x3  }
0x34: {  	[smem:$0x3FB1] =	sst s10  }
0x35: {  	s10 =	sld [smem:$0x3FB0];
	_ =	sdelay $0x3  }
0x36: {  	p1 =	seq.s32 s10, $0x1;
	s10 =	sld [smem:$0x3FB1];
	_ =	sdelay $0x3  }
0x37: {  	[smem:$0x3FB1] =	sst s10  }
0x38: {  	s10 =	sld [smem:$0x3FB2]  }
0x39: {  	_ = 	snop;
	(pc) =	sbr.ind lr, $3  }
0x3a: {  	_ = 	snop  }
0x3b: {  	_ = 	snop  }
0x3c: {  	p2 =	seq.s32 s10, $0x1;
	s10 =	sld [smem:$0x3FB1]  }
0x3d: {  	_ =	shalt  }
0x3e: {  	_ =	shalt  }
0x3f: {  	_ =	shalt  }
0x40: {  	_ =	shalt  }
0x41: {  	_ =	shalt  }
0x42: {  	_ =	shalt  }
0x43: {  	_ =	shalt  }
0x44: {  	_ =	shalt  }
0x45: {  	_ =	shalt  }
0x46: {  	_ =	shalt  }
0x47: {  	_ =	shalt  }
0x48: {  	_ =	shalt  }
0x49: {  	_ =	shalt  }
0x4a: {  	_ =	shalt  }
0x4b: {  	_ =	shalt  }
0x4c: {  	_ =	shalt  }
0x4d: {  	_ =	shalt  }
0x4e: {  	_ =	shalt  }
0x4f: {  	_ =	shalt  }
0x50: {  	_ =	shalt  }
0x51: {  	_ =	shalt  }
0x52: {  	_ =	shalt  }
0x53: {  	_ =	shalt  }
0x54: {  	_ =	shalt  }
0x55: {  	_ =	shalt  }
0x56: {  	_ =	shalt  }
0x57: {  	_ =	shalt  }
0x58: {  	_ =	shalt  }
0x59: {  	_ =	shalt  }
0x5a: {  	_ =	shalt  }
0x5b: {  	_ =	shalt  }
0x5c: {  	_ =	shalt  }
0x5d: {  	_ =	shalt  }
0x5e: {  	_ =	shalt  }
0x5f: {  	_ =	shalt  }
0x60: {  	_ =	shalt  }
0x61: {  	_ =	shalt  }
0x62: {  	_ =	shalt  }
0x63: {  	_ =	shalt  }
0x64: {  	_ =	shalt  }
0x65: {  	_ =	shalt  }
0x66: {  	_ =	shalt  }
0x67: {  	_ =	shalt  }
0x68: {  	_ =	shalt  }
0x69: {  	_ =	shalt  }
0x6a: {  	_ =	shalt  }
0x6b: {  	_ =	shalt  }
0x6c: {  	_ =	shalt  }
0x6d: {  	_ =	shalt  }
0x6e: {  	_ =	shalt  }
0x6f: {  	_ =	shalt  }
0x70: {  	_ =	shalt  }
0x71: {  	_ =	shalt  }
0x72: {  	_ =	shalt  }
0x73: {  	_ =	shalt  }
0x74: {  	_ =	shalt  }
0x75: {  	_ =	shalt  }
0x76: {  	_ =	shalt  }
0x77: {  	_ =	shalt  }
0x78: {  	_ =	shalt  }
0x79: {  	_ =	shalt  }
0x7a: {  	_ =	shalt  }
0x7b: {  	_ =	shalt  }
0x7c: {  	_ =	shalt  }
0x7d: {  	_ =	shalt  }
0x7e: {  	_ =	shalt  }
0x7f: {  	_ =	shalt  }
0x80: {  	_ =	shalt  }
0x81: {  	_ =	shalt  }
0x82: {  	_ =	shalt  }
0x83: {  	_ =	shalt  }
0x84: {  	_ =	shalt  }
0x85: {  	_ =	shalt  }
0x86: {  	_ =	shalt  }
0x87: {  	_ =	shalt  }
.Lfunc_end0:
.L_simem_size_0:
called_computation_lowered:
.L_overlay_start_0:
0x88: {  	s2 =	sld [smem:$0x3FD9]  }
0x89: {  	s3 =	sld [smem:$0x3FFE];
	_ =	sdelay $0x1  }
0x8a: {  	s1 =	srdreg.scid  }
0x8b: {  	s0 =	sand.u32 $0x1, s1  }
0x8c: {  	s16 =	sshll.u32 s0, $0xA;
	s2 =	sadd.s32 s3, s2  }
0x8d: {  	s2 =	sadd.s32 s2, s16  }
0x8e: {  	[smem:$0x3FBD] =	sst s2  }
0x8f: {  	_ = 	snop  }
0x90: {  	(tm) =	ssettm $0x1  }
0x91: {  	s17 =	sld [smem:$0x3FFB];
	_ =	sdelay $0x3  }
0x92: {  	_ =	strace s17  }
0x93: {  	s2 =	sld [smem:$0x3FFC];
	_ =	sdelay $0x3  }
0x94: {  	_ =	strace s2  }
0x95: {  	s2 =	sld [smem:$0x3FFD];
	_ =	sdelay $0x3  }
0x96: {  	_ =	strace s2  }
0x97: {  	_ =	strace $0x8FFFFFFF  }
0x98: {  	s18 =	sld [smem:$0x3FDB];
	_ =	sdelay $0x1  }
0x99: {  	s19 =	simm.s32 $_scs_section_size  }
0x9a: {  	s4 =	simm.s32 $_size__tile_overlayer_lowered;
	s5 =	simm.s32 $_tile_overlayer_lowered  }
0x9b: {  	s22 =	simm.s32 $0x1BFF;
	s21 =	sshll.u32 s5, $0x1;
	s2 =	sadd.s32 s19, s18  }
0x9c: {  	s6 =	simm.s32 $0x0;
	s20 =	sshll.u32 s4, $0x1;
	s4 =	sadd.s32 s21, s2  }
0x9d: {  	[timem:s6], [sflag:s22] =	dma.local [hbm:s4], s20  }
0x9e: {  	_ =	swait.ge [sflag:s22], s20  }
0x9f: {  	s3 =	ssub.s32 $0x0, s20;
	[sflag:s22] =	ssyncset.done $0x0  }
0xa0: {  	[sflag:s22] =	ssyncadd.s32 s3;
	_ =	sdelay $0x1  }
0xa1: {  	s23 =	simm.s32 $0x1B8B  }
0xa2: {  	_ =	swait.ge [sflag:s23], $0x1  }
0xa3: {  	[sflag:s23] =	ssyncset.done $0x0  }
0xa4: {  	s25 =	simm.s32 $0x1B8E;
	s24 =	sld [smem:$0x3FFE];
	[sflag:s23] =	ssyncadd.s32 $0xFFFFFFFF  }
0xa5: {  	s26 =	simm.s32 $execute0_lowered;
	[smem:$0x3FD2] =	sst s25  }
0xa6: {  	s4 =	sshll.u32 s26, $0x1;
	_ =	strace $0x80000046;
	[dreg:$0x1] =	wrdreg $0xFFFFFFFF  }
0xa7: {  	s28 =	simm.s32 $_size_execute0_lowered;
	s2 =	sadd.s32 s2, s4;
	[dreg:$0x0] =	wrdreg $0x0  }
0xa8: {  	s4 =	sshll.u32 s28, $0x1;
	[dreg:$0x2] =	wrdreg s2  }
0xa9: {  	[dreg:$0x3] =	wrdreg s4  }
0xaa: {  	[dreg:$0x4] =	wrdreg $0xC0  }
0xab: {  	_ =	task [dreg:s6], $0x5FFFF  }
0xac: {  	[dreg:$0x1] =	wrdreg $0xFFFFFFFF  }
0xad: {  	[dreg:$0x0] =	wrdreg $0x60  }
0xae: {  	[dreg:$0x2] =	wrdreg s24  }
0xaf: {  	[dreg:$0x3] =	wrdreg $0x0  }
0xb0: {  	[dreg:$0x4] =	wrdreg $0x9  }
0xb1: {  	_ =	task.clear_ibuf [dreg:s6], $0x5FFFF;
	_ =	strace $0x90000046  }
0xb2: {  	s29 =	simm.s32 $0x9;
	_ =	strace $0x80000048  }
0xb3: {  	_ =	swait.ge [sflag:s29], $0x1  }
0xb4: {  	[sflag:s29] =	ssyncadd.s32 $0xFFFFFFFF  }
0xb5: {  	_ =	strace $0x90000048  }
0xb6: {  	_ =	sfence  }
0xb7: {  	s30 =	sld [smem:$0x0];
	_ =	sdelay $0x2  }
0xb8: {  	s31 =	sshll.u32 s1, $0xD;
	s1 =	sshrl.u32 s1, $0x2  }
0xb9: {  	s3 =	sand.u32 $0x4000, s31;
	s1 =	sadd.s32 s1, s30  }
0xba: {  	s0 =	sor.u32 s3, s0;
	s1 =	sshll.u32 s1, $0x11  }
0xbb: {  	s0 =	sor.u32 s1, s0  }
0xbc: {  	s0 =	sadd.s32 $0x8F2B, s0  }
0xbd: {  	[sflag:s0] =	ssyncadd.remote.s32 $0x1  }
0xbe: {  	_ =	sfence.sel $0xFFFF  }
0xbf: {  	[dreg:$0x0] =	wrdreg $0xFFFFFFFF;
	(pc) =	sbr.abs _section_cstart, $3  }
0xc0: {  	[dreg:$0x1] =	wrdreg $0xFFFFFFFF  }
0xc1: {  	_ =	task.clear_ibuf [dreg:s6], $0x2FFFF;
	_ =	strace $0x9FFFFFFF  }
0xc2: {  	(tm) =	ssettm $0x7FFFFFFF  }
0xc3: {  	_ =	shalt  }
tec
execute0_lowered:
.L_overlay_start_1:
0x0: {  	(tag) =	ssettag $0x1  }
0x1: {  	s10 =	stileid.u32  }
0x2: {  	s6 =	smul.u32 $0x2D00, s10  }
0x3: {  	s1 =	srdreg.scid;
	s9 =	smul.u32 $0x2710, s10  }
0x4: {  	s0 =	rddreg [dreg:$0x0];
	s1 =	sand.u32 $0x1, s1;
	s10 =	smul.u32 $0x5A000, s10  }
0x5: {  	s2 =	rddreg [dreg:$0x1];
	s7 =	smul.u32 $0x2D000, s1  }
0x6: {  	s3 =	simm.s32 $0x0;
	s8 =	smul.u32 $0x27100, s1;
	s1 =	ssub.s32 $0x2, s1  }
0x7: {  	[smem:$0x7FF] =	sst s3;
	s24 =	sshrl.u32 s1, $0x1;
	s25 =	sshrl.u32 s10, $0x2  }
0x8: {  	_ =	strace $0x80000047;
	s1 =	ssub.s32 s1, s24;
	s24 =	sadd.s32 s25, s2  }
0x9: {  	s8 =	sadd.s32 s9, s8;
	s9 =	sadd.s32 $0x1680, s24;
	[dreg:$0x4] =	wrdreg s24  }
0xa: {  	s31 =	simm.s32 $0x28;
	s10 =	sadd.s32 $0x2D00, s24;
	[dreg:$0x7] =	wrdreg s9  }
0xb: {  	s30 =	simm.s32 $0x5;
	s11 =	sadd.s32 $0x4380, s24;
	[dreg:$0x8] =	wrdreg s10  }
0xc: {  	s4 =	sadd.s32 $0xC800, s0;
	s12 =	sadd.s32 $0x5A00, s24;
	[dreg:$0x9] =	wrdreg s11  }
0xd: {  	s5 =	sadd.s32 $0x2A00, s0;
	s13 =	sadd.s32 $0x7080, s24;
	[dreg:$0xa] =	wrdreg s12  }
0xe: {  	s7 =	sadd.s32 s6, s7;
	s14 =	sadd.s32 $0x8700, s24;
	[dreg:$0xb] =	wrdreg s13  }
0xf: {  	s6 =	sadd.s32 $0x16600, s0;
	s15 =	sadd.s32 $0x9D80, s24;
	[dreg:$0xc] =	wrdreg s14  }
0x10: {  	s0 =	sadd.s32 s7, s0;
	s16 =	sadd.s32 $0xB400, s24;
	[dreg:$0xd] =	wrdreg s15  }
0x11: {  	s26 =	sshrl.u32 s8, $0x3;
	s17 =	sadd.s32 $0xCA80, s24;
	[dreg:$0xe] =	wrdreg s16  }
0x12: {  	s18 =	sadd.s32 $0xE100, s24;
	s19 =	sadd.s32 $0xF780, s24;
	[dreg:$0xf] =	wrdreg s17  }
0x13: {  	s20 =	sadd.s32 $0xC8, s8;
	s8 =	sadd.s32 $0x190, s8;
	[dreg:$0x10] =	wrdreg s18  }
0x14: {  	s21 =	sadd.s32 $0x10E00, s24;
	s25 =	smax.u32 s1, $0x1;
	[dreg:$0x11] =	wrdreg s19  }
0x15: {  	s1 =	simm.s32 $0xB;
	s28 =	sadd.s32 s4, s26;
	[dreg:$0x12] =	wrdreg s21  }
0x16: {  	s29 =	sadd.s32 s5, s26;
	s9 =	sshrl.u32 s20, $0x3;
	[dreg:$0x3] =	wrdreg s8  }
0x17: {  	s0 =	sadd.s32 $0x43600, s0;
	[dreg:$0x16] =	wrdreg s25;
	s26 =	sadd.s32 $0x12480, s24  }
0x18: {  	s25 =	simm.s32 $0x16800;
	s8 =	simm.s32 $0x181A0;
	s10 =	simm.s32 $0x1AEA0  }
0x19: {  	s11 =	simm.s32 $0x1C520;
	s12 =	simm.s32 $0x16B20;
	s13 =	simm.s32 $0x6  }
0x1a: {  	s14 =	simm.s32 $0x7;
	s15 =	simm.s32 $0x8;
	[dreg:$0x5] =	wrdreg s28  }
0x1b: {  	s16 =	simm.s32 $0x9;
	s17 =	simm.s32 $0xA;
	[dreg:$0x6] =	wrdreg s29  }
0x1c: {  	s19 =	simm.s32 $0x1;
	s20 =	simm.s32 $0x2;
	[dreg:$0x15] =	wrdreg s0  }
0x1d: {  	s21 =	simm.s32 $0x3;
	s22 =	sadd.s32 s4, s9;
	[dreg:$0x17] =	wrdreg s26  }
0x1e: {  	s23 =	sadd.s32 s5, s9;
	s28 =	sadd.s32 $0x13B00, s24;
	[dreg:$0x13] =	wrdreg s22  }
0x1f: {  	s29 =	sadd.s32 $0x15180, s24;
	s0 =	simm.s32 $0xC;
	[dreg:$0x14] =	wrdreg s23  }
0x20: {  	s9 =	simm.s32 $0x19820;
	s26 =	simm.s32 $0x16A58;
	[dreg:$0x18] =	wrdreg s28  }
0x21: {  	v0 =	vimm.f32 $0.0e+00;
	[dreg:$0x19] =	wrdreg s29;
	s22 =	simm.s32 $0x4;
	s23 =	simm.s32 $0x0  }
.LBB2_1:
0x22: {  	s7 =	rddreg [dreg:$0x5]  }
0x23: {  	[tilespmem:s25], [sflag:$0xB] =	stream.linear.gather [hbm4b:s7+s3], $0xC8, $0x38;
	[tilespmem:$0x1DBA0] =	vst v63  }
0x24: {  	s29 =	rddreg [dreg:$0x6];
	s18 =	simm.s32 $0x16990  }
0x25: {  	[tilespmem:s18], [sflag:$0xC] =	stream.linear.gather [hbm4b:s29+s3], $0xC8, $0x38;
	[tilespmem:$0x1DBA0] =	vst v63  }
0x26: {  	[dreg:$0x1a] =	wrdreg s23;
	s23 =	simm.s32 $0x240;
	s18 =	simm.s32 $0x0  }
.LBB2_2:
0x27: {  	p0 =	sne.s32 s23, $0x57C0;
	[tilespmem:s18+$0x16BA0] =	vst v0  }
0x28: {  	[tilespmem:s18+$0x16B20] =	vst v0  }
0x29: {  	[tilespmem:s18+$0x16B30] =	vst v0  }
0x2a: {  	[tilespmem:s18+$0x16B40] =	vst v0  }
.Ltmp0:
0x2b: {  	[tilespmem:s18+$0x16B50] =	vst v0;
	(pc) =	sbr.rel @p0 .LBB2_2-.Ltmp0, $4  }
0x2c: {  	[tilespmem:s18+$0x16B60] =	vst v0  }
0x2d: {  	[tilespmem:s18+$0x16B70] =	vst v0  }
0x2e: {  	[tilespmem:s18+$0x16B80] =	vst v0  }
0x2f: {  	[tilespmem:s18+$0x16B90] =	vst v0;
	s18 =	sshra.s32 s23, $0x2;
	s23 =	sadd.s32 $0x240, s23  }
0x30: {  	[tilespmem:s18+$0x16BA0] =	vst v0  }
0x31: {  	[tilespmem:s18+$0x16B20] =	vst v0  }
0x32: {  	[tilespmem:s18+$0x16B30] =	vst v0  }
0x33: {  	[tilespmem:s18+$0x16B40] =	vst v0  }
0x34: {  	[tilespmem:s18+$0x16B50] =	vst v0  }
0x35: {  	[tilespmem:s18+$0x16B60] =	vst v0  }
0x36: {  	[tilespmem:s18+$0x16B70] =	vst v0  }
0x37: {  	[tilespmem:s18+$0x16B80] =	vst v0  }
0x38: {  	[tilespmem:s18+$0x16B90] =	vst v0  }
0x39: {  	_ =	swait.ge [sflag:s1], $0xC8  }
0x3a: {  	[sflag:s1] =	ssyncset.done $0x0  }
0x3b: {  	[sflag:s1] =	ssyncadd.s32 $0xFFFFFF38  }
0x3c: {  	_ =	swait.ge [sflag:s0], $0xC8  }
0x3d: {  	[sflag:s0] =	ssyncset.done $0x0  }
0x3e: {  	s7 =	simm.s32 $0x16828;
	[sflag:s0] =	ssyncadd.s32 $0xFFFFFF38  }
0x3f: {  	[tilespmem:s8], [sflag:$0x2] =	stream.indirect.gather [hbm4b:s6+s31], $0x90, s7, s31, $0xb8;
	[tilespmem:$0x1DBA0] =	vst v63  }
0x40: {  	s18 =	simm.s32 $0x16850  }
0x41: {  	[tilespmem:s9], [sflag:$0x3] =	stream.indirect.gather [hbm4b:s6+s31], $0x90, s18, s31, $0xb8;
	[tilespmem:$0x1DBA0] =	vst v63  }
0x42: {  	s23 =	simm.s32 $0x16878  }
0x43: {  	[tilespmem:s10], [sflag:$0x4] =	stream.indirect.gather [hbm4b:s6+s31], $0x90, s23, s31, $0xb8;
	[tilespmem:$0x1DBA0] =	vst v63  }
0x44: {  	s29 =	simm.s32 $0x168A0  }
0x45: {  	[tilespmem:s11], [sflag:$0x5] =	stream.indirect.gather [hbm4b:s6+s31], $0x90, s29, s31, $0xb8;
	[tilespmem:$0x1DBA0] =	vst v63  }
0x46: {  	_ = 	snop  }
0x47: {  	[spmem:s24] =	stream.linear.scatter [tilespmem:s12], [sflag:$0x6], $0x1680, $0x38;
	[tilespmem:$0x1DBA0] =	vst v63  }
0x48: {  	s18 =	rddreg [dreg:$0x7]  }
0x49: {  	[spmem:s18] =	stream.linear.scatter [tilespmem:s12], [sflag:$0x7], $0x1680, $0x38;
	[tilespmem:$0x1DBA0] =	vst v63  }
0x4a: {  	s23 =	rddreg [dreg:$0x8]  }
0x4b: {  	[spmem:s23] =	stream.linear.scatter [tilespmem:s12], [sflag:$0x8], $0x1680, $0x38;
	[tilespmem:$0x1DBA0] =	vst v63  }
0x4c: {  	s24 =	rddreg [dreg:$0x9]  }
0x4d: {  	[spmem:s24] =	stream.linear.scatter [tilespmem:s12], [sflag:$0x9], $0x1680, $0x38;
	[tilespmem:$0x1DBA0] =	vst v63  }
0x4e: {  	s29 =	rddreg [dreg:$0xa]  }
0x4f: {  	[spmem:s29] =	stream.linear.scatter [tilespmem:s12], [sflag:$0xA], $0x1680, $0x38;
	[tilespmem:$0x1DBA0] =	vst v63  }
0x50: {  	s18 =	rddreg [dreg:$0xb]  }
0x51: {  	[spmem:s18] =	stream.linear.scatter [tilespmem:s12], [sflag:$0x6], $0x1680, $0x38;
	[tilespmem:$0x1DBA0] =	vst v63  }
0x52: {  	s23 =	rddreg [dreg:$0xc]  }
0x53: {  	[spmem:s23] =	stream.linear.scatter [tilespmem:s12], [sflag:$0x7], $0x1680, $0x38;
	[tilespmem:$0x1DBA0] =	vst v63  }
0x54: {  	s24 =	rddreg [dreg:$0xd]  }
0x55: {  	[spmem:s24] =	stream.linear.scatter [tilespmem:s12], [sflag:$0x8], $0x1680, $0x38;
	[tilespmem:$0x1DBA0] =	vst v63  }
0x56: {  	s29 =	rddreg [dreg:$0xe]  }
0x57: {  	[spmem:s29] =	stream.linear.scatter [tilespmem:s12], [sflag:$0x9], $0x1680, $0x38;
	[tilespmem:$0x1DBA0] =	vst v63  }
0x58: {  	s18 =	rddreg [dreg:$0xf]  }
0x59: {  	[spmem:s18] =	stream.linear.scatter [tilespmem:s12], [sflag:$0xA], $0x1680, $0x38;
	[tilespmem:$0x1DBA0] =	vst v63  }
0x5a: {  	s23 =	rddreg [dreg:$0x10]  }
0x5b: {  	[spmem:s23] =	stream.linear.scatter [tilespmem:s12], [sflag:$0x6], $0x1680, $0x38;
	[tilespmem:$0x1DBA0] =	vst v63  }
0x5c: {  	s24 =	rddreg [dreg:$0x11]  }
0x5d: {  	[spmem:s24] =	stream.linear.scatter [tilespmem:s12], [sflag:$0x7], $0x1680, $0x38;
	[tilespmem:$0x1DBA0] =	vst v63  }
0x5e: {  	s29 =	rddreg [dreg:$0x12]  }
0x5f: {  	[spmem:s29] =	stream.linear.scatter [tilespmem:s12], [sflag:$0x8], $0x1680, $0x38;
	[tilespmem:$0x1DBA0] =	vst v63  }
0x60: {  	s18 =	rddreg [dreg:$0x17]  }
0x61: {  	[spmem:s18] =	stream.linear.scatter [tilespmem:s12], [sflag:$0x9], $0x1680, $0x38;
	[tilespmem:$0x1DBA0] =	vst v63  }
0x62: {  	s23 =	rddreg [dreg:$0x18]  }
0x63: {  	[spmem:s23] =	stream.linear.scatter [tilespmem:s12], [sflag:$0xA], $0x1680, $0x38;
	[tilespmem:$0x1DBA0] =	vst v63  }
0x64: {  	s24 =	rddreg [dreg:$0x19]  }
0x65: {  	[spmem:s24] =	stream.linear.scatter [tilespmem:s12], [sflag:$0x6], $0x1680, $0x38;
	[tilespmem:$0x1DBA0] =	vst v63  }
0x66: {  	_ =	swait.ge [sflag:s13], $0x1680  }
0x67: {  	[sflag:s13] =	ssyncset.done $0x0  }
0x68: {  	[sflag:s13] =	ssyncadd.s32 $0xFFFFE980  }
0x69: {  	_ =	swait.ge [sflag:s14], $0x1680  }
0x6a: {  	[sflag:s14] =	ssyncset.done $0x0  }
0x6b: {  	[sflag:s14] =	ssyncadd.s32 $0xFFFFE980  }
0x6c: {  	_ =	swait.ge [sflag:s15], $0x1680  }
0x6d: {  	[sflag:s15] =	ssyncset.done $0x0  }
0x6e: {  	[sflag:s15] =	ssyncadd.s32 $0xFFFFE980  }
0x6f: {  	_ =	swait.ge [sflag:s16], $0x1680  }
0x70: {  	[sflag:s16] =	ssyncset.done $0x0  }
0x71: {  	[sflag:s16] =	ssyncadd.s32 $0xFFFFE980  }
0x72: {  	_ =	swait.ge [sflag:s17], $0x1680  }
0x73: {  	[sflag:s17] =	ssyncset.done $0x0  }
0x74: {  	[sflag:s17] =	ssyncadd.s32 $0xFFFFE980  }
0x75: {  	_ =	swait.ge [sflag:s13], $0x1680  }
0x76: {  	[sflag:s13] =	ssyncset.done $0x0  }
0x77: {  	[sflag:s13] =	ssyncadd.s32 $0xFFFFE980  }
0x78: {  	_ =	swait.ge [sflag:s14], $0x1680  }
0x79: {  	[sflag:s14] =	ssyncset.done $0x0  }
0x7a: {  	[sflag:s14] =	ssyncadd.s32 $0xFFFFE980  }
0x7b: {  	_ =	swait.ge [sflag:s15], $0x1680  }
0x7c: {  	[sflag:s15] =	ssyncset.done $0x0  }
0x7d: {  	[sflag:s15] =	ssyncadd.s32 $0xFFFFE980  }
0x7e: {  	_ =	swait.ge [sflag:s16], $0x1680  }
0x7f: {  	[sflag:s16] =	ssyncset.done $0x0  }
0x80: {  	[sflag:s16] =	ssyncadd.s32 $0xFFFFE980  }
0x81: {  	_ =	swait.ge [sflag:s17], $0x1680  }
0x82: {  	[sflag:s17] =	ssyncset.done $0x0  }
0x83: {  	[sflag:s17] =	ssyncadd.s32 $0xFFFFE980  }
0x84: {  	_ =	swait.ge [sflag:s13], $0x1680  }
0x85: {  	[sflag:s13] =	ssyncset.done $0x0  }
0x86: {  	[sflag:s13] =	ssyncadd.s32 $0xFFFFE980  }
0x87: {  	_ =	swait.ge [sflag:s14], $0x1680  }
0x88: {  	[sflag:s14] =	ssyncset.done $0x0  }
0x89: {  	[sflag:s14] =	ssyncadd.s32 $0xFFFFE980  }
0x8a: {  	_ =	swait.ge [sflag:s15], $0x1680  }
0x8b: {  	[sflag:s15] =	ssyncset.done $0x0  }
0x8c: {  	[sflag:s15] =	ssyncadd.s32 $0xFFFFE980  }
0x8d: {  	_ =	swait.ge [sflag:s16], $0x1680  }
0x8e: {  	[sflag:s16] =	ssyncset.done $0x0  }
0x8f: {  	[sflag:s16] =	ssyncadd.s32 $0xFFFFE980  }
0x90: {  	_ =	swait.ge [sflag:s17], $0x1680  }
0x91: {  	[sflag:s17] =	ssyncset.done $0x0  }
0x92: {  	[sflag:s17] =	ssyncadd.s32 $0xFFFFE980  }
0x93: {  	_ =	swait.ge [sflag:s13], $0x1680  }
0x94: {  	[sflag:s13] =	ssyncset.done $0x0  }
0x95: {  	[sflag:s13] =	ssyncadd.s32 $0xFFFFE980  }
0x96: {  	[tilespmem:s12], [sflag:$0x1] =	stream.indirect.gather [hbm4b:s6+s31], $0x90, s25, s31, $0xb8;
	[tilespmem:$0x1DBA0] =	vst v63  }
0x97: {  	s18 =	simm.s32 $0x0;
	s23 =	simm.s32 $0x168C8;
	s25 =	rddreg [dreg:$0x13]  }
0x98: {  	[tilespmem:s23], [sflag:$0xB] =	stream.linear.gather [hbm4b:s25+s18], $0xC8, $0x38;
	[tilespmem:$0x1DBA0] =	vst v63  }
0x99: {  	s29 =	rddreg [dreg:$0x14]  }
0x9a: {  	[tilespmem:s26], [sflag:$0xC] =	stream.linear.gather [hbm4b:s29+s18], $0xC8, $0x38;
	[tilespmem:$0x1DBA0] =	vst v63  }
0x9b: {  	s23 =	sand.u32 $0x1, s18;
	[bflag:$0x0] =	sbarrier.arrive $0xFFFF  }
0x9c: {  	s29 =	smul.u32 $0xC8, s23;
	_ =	swait.ge [sflag:s19], $0x1680  }
0x9d: {  	[sflag:s19] =	ssyncset.done $0x0  }
0x9e: {  	s25 =	sadd.s32 $0x16990, s29;
	[sflag:s19] =	ssyncadd.s32 $0xFFFFE980  }
0x9f: {  	[spmem:s2] =	stream.indirect.scatter.add.f32 [tilespmem:s12], [sflag:$0x6], $0x90, s25, s31, $0xb8;
	[tilespmem:$0x1DBA0] =	vst v63  }
0xa0: {  	_ =	swait.ge [sflag:s20], $0x1680  }
0xa1: {  	[sflag:s20] =	ssyncset.done $0x0  }
0xa2: {  	s7 =	sadd.s32 $0x169B8, s29;
	[sflag:s20] =	ssyncadd.s32 $0xFFFFE980  }
0xa3: {  	[spmem:s2] =	stream.indirect.scatter.add.f32 [tilespmem:s8], [sflag:$0x7], $0x90, s7, s31, $0xb8;
	[tilespmem:$0x1DBA0] =	vst v63  }
0xa4: {  	_ =	swait.ge [sflag:s21], $0x1680  }
0xa5: {  	[sflag:s21] =	ssyncset.done $0x0  }
0xa6: {  	s24 =	sadd.s32 $0x169E0, s29;
	[sflag:s21] =	ssyncadd.s32 $0xFFFFE980  }
0xa7: {  	[spmem:s2] =	stream.indirect.scatter.add.f32 [tilespmem:s9], [sflag:$0x8], $0x90, s24, s31, $0xb8;
	[tilespmem:$0x1DBA0] =	vst v63  }
0xa8: {  	_ =	swait.ge [sflag:s22], $0x1680  }
0xa9: {  	[sflag:s22] =	ssyncset.done $0x0  }
0xaa: {  	s7 =	sadd.s32 $0x16A08, s29;
	[sflag:s22] =	ssyncadd.s32 $0xFFFFE980  }
0xab: {  	[spmem:s2] =	stream.indirect.scatter.add.f32 [tilespmem:s10], [sflag:$0x9], $0x90, s7, s31, $0xb8;
	[tilespmem:$0x1DBA0] =	vst v63  }
0xac: {  	_ =	swait.ge [sflag:s30], $0x1680  }
0xad: {  	[sflag:s30] =	ssyncset.done $0x0  }
0xae: {  	s24 =	sadd.s32 $0x16A30, s29;
	[sflag:s30] =	ssyncadd.s32 $0xFFFFE980  }
0xaf: {  	[spmem:s2] =	stream.indirect.scatter.add.f32 [tilespmem:s11], [sflag:$0xA], $0x90, s24, s31, $0xb8;
	[tilespmem:$0x1DBA0] =	vst v63  }
0xb0: {  	_ =	swait.ge [sflag:s1], $0xC8  }
0xb1: {  	[sflag:s1] =	ssyncset.done $0x0  }
0xb2: {  	[sflag:s1] =	ssyncadd.s32 $0xFFFFFF38  }
0xb3: {  	_ =	swait.ge [sflag:s0], $0xC8  }
0xb4: {  	s23 =	sxor.u32 $0x1, s23;
	[sflag:s0] =	ssyncset.done $0x0  }
0xb5: {  	s23 =	smul.u32 $0x320, s23;
	[sflag:s0] =	ssyncadd.s32 $0xFFFFFF38  }
0xb6: {  	_ =	swait.ge [sflag:s13], $0x1680  }
0xb7: {  	s28 =	sshrl.u32 s23, $0x2;
	[sflag:s13] =	ssyncset.done $0x0  }
0xb8: {  	s23 =	sor.u32 $0x16800, s28;
	[sflag:s13] =	ssyncadd.s32 $0xFFFFE980  }
0xb9: {  	[tilespmem:s12], [sflag:$0x1] =	stream.indirect.gather [hbm4b:s6+s31], $0x90, s23, s31, $0xb8;
	[tilespmem:$0x1DBA0] =	vst v63  }
0xba: {  	_ =	swait.ge [sflag:s14], $0x1680  }
0xbb: {  	[sflag:s14] =	ssyncset.done $0x0  }
0xbc: {  	s26 =	sadd.s32 $0x16828, s28;
	[sflag:s14] =	ssyncadd.s32 $0xFFFFE980  }
0xbd: {  	[tilespmem:s8], [sflag:$0x2] =	stream.indirect.gather [hbm4b:s6+s31], $0x90, s26, s31, $0xb8;
	[tilespmem:$0x1DBA0] =	vst v63  }
0xbe: {  	_ =	swait.ge [sflag:s15], $0x1680  }
0xbf: {  	[sflag:s15] =	ssyncset.done $0x0  }
0xc0: {  	s7 =	sadd.s32 $0x16850, s28;
	[sflag:s15] =	ssyncadd.s32 $0xFFFFE980  }
0xc1: {  	[tilespmem:s9], [sflag:$0x3] =	stream.indirect.gather [hbm4b:s6+s31], $0x90, s7, s31, $0xb8;
	[tilespmem:$0x1DBA0] =	vst v63  }
0xc2: {  	_ =	swait.ge [sflag:s16], $0x1680  }
0xc3: {  	[sflag:s16] =	ssyncset.done $0x0  }
0xc4: {  	s18 =	smin.u32 s18, $0x2F;
	s24 =	sadd.s32 $0x16878, s28;
	[sflag:s16] =	ssyncadd.s32 $0xFFFFE980  }
0xc5: {  	[tilespmem:s10], [sflag:$0x4] =	stream.indirect.gather [hbm4b:s6+s31], $0x90, s24, s31, $0xb8;
	[tilespmem:$0x1DBA0] =	vst v63  }
0xc6: {  	s18 =	smul.u32 $0xC8, s18;
	_ =	swait.ge [sflag:s17], $0x1680  }
0xc7: {  	s28 =	sadd.s32 $0x168A0, s28;
	s26 =	rddreg [dreg:$0x3];
	[sflag:s17] =	ssyncset.done $0x0  }
0xc8: {  	s23 =	sadd.s32 s18, s26;
	s26 =	simm.s32 $0x1;
	s18 =	sor.u32 $0x16800, s29  }
.LBB2_4:
0xc9: {  	[sflag:s17] =	ssyncadd.s32 $0xFFFFE980;
	s23 =	sshrl.u32 s23, $0x3  }
0xca: {  	[tilespmem:s11], [sflag:$0x5] =	stream.indirect.gather [hbm4b:s6+s31], $0x90, s28, s31, $0xb8;
	[tilespmem:$0x1DBA0] =	vst v63  }
0xcb: {  	s24 =	sadd.s32 s4, s23  }
0xcc: {  	[tilespmem:s18], [sflag:$0xB] =	stream.linear.gather [hbm4b:s24+s3], $0xC8, $0x38;
	[tilespmem:$0x1DBA0] =	vst v63  }
0xcd: {  	s7 =	sand.u32 $0x1, s26;
	s23 =	sadd.s32 s5, s23  }
0xce: {  	[tilespmem:s25], [sflag:$0xC] =	stream.linear.gather [hbm4b:s23+s3], $0xC8, $0x38;
	[tilespmem:$0x1DBA0] =	vst v63  }
0xcf: {  	s18 =	smul.u32 $0xC8, s7;
	_ =	swait.ge [sflag:s19], $0x1680  }
0xd0: {  	[sflag:s19] =	ssyncset.done $0x0  }
0xd1: {  	s25 =	sadd.s32 $0x16990, s18;
	[sflag:s19] =	ssyncadd.s32 $0xFFFFE980  }
0xd2: {  	[spmem:s2] =	stream.indirect.scatter.add.f32 [tilespmem:s12], [sflag:$0x6], $0x90, s25, s31, $0xb8;
	[tilespmem:$0x1DBA0] =	vst v63  }
0xd3: {  	_ =	swait.ge [sflag:s20], $0x1680  }
0xd4: {  	[sflag:s20] =	ssyncset.done $0x0  }
0xd5: {  	s28 =	sxor.u32 $0x1, s7;
	s7 =	sadd.s32 $0x169B8, s18;
	[sflag:s20] =	ssyncadd.s32 $0xFFFFE980  }
0xd6: {  	[spmem:s2] =	stream.indirect.scatter.add.f32 [tilespmem:s8], [sflag:$0x7], $0x90, s7, s31, $0xb8;
	[tilespmem:$0x1DBA0] =	vst v63  }
0xd7: {  	s24 =	smul.u32 $0x320, s28;
	_ =	swait.ge [sflag:s21], $0x1680  }
0xd8: {  	[sflag:s21] =	ssyncset.done $0x0  }
0xd9: {  	s23 =	sshrl.u32 s24, $0x2;
	s24 =	sadd.s32 $0x169E0, s18;
	[sflag:s21] =	ssyncadd.s32 $0xFFFFE980  }
0xda: {  	[spmem:s2] =	stream.indirect.scatter.add.f32 [tilespmem:s9], [sflag:$0x8], $0x90, s24, s31, $0xb8;
	[tilespmem:$0x1DBA0] =	vst v63  }
0xdb: {  	_ =	swait.ge [sflag:s22], $0x1680  }
0xdc: {  	[sflag:s22] =	ssyncset.done $0x0  }
0xdd: {  	s24 =	sadd.s32 $0x16A08, s18;
	[sflag:s22] =	ssyncadd.s32 $0xFFFFE980  }
0xde: {  	[spmem:s2] =	stream.indirect.scatter.add.f32 [tilespmem:s10], [sflag:$0x9], $0x90, s24, s31, $0xb8;
	[tilespmem:$0x1DBA0] =	vst v63  }
0xdf: {  	_ =	swait.ge [sflag:s30], $0x1680  }
0xe0: {  	[sflag:s30] =	ssyncset.done $0x0  }
0xe1: {  	s24 =	sadd.s32 $0x16A30, s18;
	[sflag:s30] =	ssyncadd.s32 $0xFFFFE980  }
0xe2: {  	[spmem:s2] =	stream.indirect.scatter.add.f32 [tilespmem:s11], [sflag:$0xA], $0x90, s24, s31, $0xb8;
	[tilespmem:$0x1DBA0] =	vst v63  }
0xe3: {  	_ =	swait.ge [sflag:s1], $0xC8  }
0xe4: {  	[sflag:s1] =	ssyncset.done $0x0  }
0xe5: {  	[sflag:s1] =	ssyncadd.s32 $0xFFFFFF38  }
0xe6: {  	_ =	swait.ge [sflag:s0], $0xC8  }
0xe7: {  	[sflag:s0] =	ssyncset.done $0x0  }
0xe8: {  	[sflag:s0] =	ssyncadd.s32 $0xFFFFFF38  }
0xe9: {  	_ =	swait.ge [sflag:s13], $0x1680  }
0xea: {  	[sflag:s13] =	ssyncset.done $0x0  }
0xeb: {  	s24 =	sor.u32 $0x16800, s23;
	[sflag:s13] =	ssyncadd.s32 $0xFFFFE980  }
0xec: {  	[tilespmem:s12], [sflag:$0x1] =	stream.indirect.gather [hbm4b:s6+s31], $0x90, s24, s31, $0xb8;
	[tilespmem:$0x1DBA0] =	vst v63  }
0xed: {  	_ =	swait.ge [sflag:s14], $0x1680  }
0xee: {  	[sflag:s14] =	ssyncset.done $0x0  }
0xef: {  	s24 =	sadd.s32 $0x16828, s23;
	[sflag:s14] =	ssyncadd.s32 $0xFFFFE980  }
0xf0: {  	[tilespmem:s8], [sflag:$0x2] =	stream.indirect.gather [hbm4b:s6+s31], $0x90, s24, s31, $0xb8;
	[tilespmem:$0x1DBA0] =	vst v63  }
0xf1: {  	_ =	swait.ge [sflag:s15], $0x1680  }
0xf2: {  	[sflag:s15] =	ssyncset.done $0x0  }
0xf3: {  	s24 =	sadd.s32 $0x16850, s23;
	[sflag:s15] =	ssyncadd.s32 $0xFFFFE980  }
0xf4: {  	[tilespmem:s9], [sflag:$0x3] =	stream.indirect.gather [hbm4b:s6+s31], $0x90, s24, s31, $0xb8;
	[tilespmem:$0x1DBA0] =	vst v63  }
0xf5: {  	s29 =	smov.u32 s26;
	p0 =	sne.s32 s26, $0x30;
	_ =	swait.ge [sflag:s16], $0x1680  }
0xf6: {  	s28 =	sadd.s32 $0x168A0, s23;
	s23 =	sadd.s32 $0x16878, s23;
	[sflag:s16] =	ssyncset.done $0x0  }
.Ltmp1:
0xf7: {  	s24 =	smin.u32 s29, $0x2F;
	[sflag:s16] =	ssyncadd.s32 $0xFFFFE980;
	(pc) =	sbr.rel @p0 .LBB2_4-.Ltmp1, $4  }
0xf8: {  	[tilespmem:s10], [sflag:$0x4] =	stream.indirect.gather [hbm4b:s6+s31], $0x90, s23, s31, $0xb8;
	[tilespmem:$0x1DBA0] =	vst v63  }
0xf9: {  	s7 =	smul.u32 $0xC8, s24;
	_ =	swait.ge [sflag:s17], $0x1680  }
0xfa: {  	s26 =	sadd.s32 $0x1, s26;
	s29 =	rddreg [dreg:$0x3]  }
0xfb: {  	s18 =	sor.u32 $0x16800, s18;
	[sflag:s17] =	ssyncset.done $0x0;
	s23 =	sadd.s32 s7, s29  }
0xfc: {  	[sflag:s17] =	ssyncadd.s32 $0xFFFFE980;
	s7 =	sshrl.u32 s23, $0x3  }
0xfd: {  	[tilespmem:s11], [sflag:$0x5] =	stream.indirect.gather [hbm4b:s6+s31], $0x90, s28, s31, $0xb8;
	[tilespmem:$0x1DBA0] =	vst v63  }
0xfe: {  	s23 =	sadd.s32 s4, s7  }
0xff: {  	[tilespmem:s18], [sflag:$0xB] =	stream.linear.gather [hbm4b:s23+s3], $0xC8, $0x38;
	[tilespmem:$0x1DBA0] =	vst v63  }
0x100: {  	s7 =	sadd.s32 s5, s7  }
0x101: {  	[tilespmem:s25], [sflag:$0xC] =	stream.linear.gather [hbm4b:s7+s3], $0xC8, $0x38;
	[tilespmem:$0x1DBA0] =	vst v63  }
0x102: {  	_ =	swait.ge [sflag:s19], $0x1680  }
0x103: {  	[sflag:s19] =	ssyncset.done $0x0  }
0x104: {  	s26 =	simm.s32 $0x16A58;
	[sflag:s19] =	ssyncadd.s32 $0xFFFFE980  }
0x105: {  	[spmem:s2] =	stream.indirect.scatter.add.f32 [tilespmem:s12], [sflag:$0x6], $0x90, s26, s31, $0xb8;
	[tilespmem:$0x1DBA0] =	vst v63  }
0x106: {  	_ =	swait.ge [sflag:s20], $0x1680  }
0x107: {  	[sflag:s20] =	ssyncset.done $0x0  }
0x108: {  	s29 =	simm.s32 $0x16A80;
	[sflag:s20] =	ssyncadd.s32 $0xFFFFE980  }
0x109: {  	[spmem:s2] =	stream.indirect.scatter.add.f32 [tilespmem:s8], [sflag:$0x7], $0x90, s29, s31, $0xb8;
	[tilespmem:$0x1DBA0] =	vst v63  }
0x10a: {  	_ =	swait.ge [sflag:s21], $0x1680  }
0x10b: {  	[sflag:s21] =	ssyncset.done $0x0  }
0x10c: {  	s18 =	simm.s32 $0x16AA8;
	[sflag:s21] =	ssyncadd.s32 $0xFFFFE980  }
0x10d: {  	[spmem:s2] =	stream.indirect.scatter.add.f32 [tilespmem:s9], [sflag:$0x8], $0x90, s18, s31, $0xb8;
	[tilespmem:$0x1DBA0] =	vst v63  }
0x10e: {  	_ =	swait.ge [sflag:s22], $0x1680  }
0x10f: {  	[sflag:s22] =	ssyncset.done $0x0  }
0x110: {  	s23 =	simm.s32 $0x16AD0;
	[sflag:s22] =	ssyncadd.s32 $0xFFFFE980  }
0x111: {  	[spmem:s2] =	stream.indirect.scatter.add.f32 [tilespmem:s10], [sflag:$0x9], $0x90, s23, s31, $0xb8;
	[tilespmem:$0x1DBA0] =	vst v63  }
0x112: {  	_ =	swait.ge [sflag:s30], $0x1680  }
0x113: {  	[sflag:s30] =	ssyncset.done $0x0  }
0x114: {  	s24 =	simm.s32 $0x16AF8;
	[sflag:s30] =	ssyncadd.s32 $0xFFFFE980  }
0x115: {  	[spmem:s2] =	stream.indirect.scatter.add.f32 [tilespmem:s11], [sflag:$0xA], $0x90, s24, s31, $0xb8;
	[tilespmem:$0x1DBA0] =	vst v63  }
0x116: {  	_ =	swait.ge [sflag:s1], $0xC8  }
0x117: {  	[sflag:s1] =	ssyncset.done $0x0  }
0x118: {  	[sflag:s1] =	ssyncadd.s32 $0xFFFFFF38  }
0x119: {  	_ =	swait.ge [sflag:s0], $0xC8  }
0x11a: {  	[sflag:s0] =	ssyncset.done $0x0  }
0x11b: {  	[sflag:s0] =	ssyncadd.s32 $0xFFFFFF38  }
0x11c: {  	_ =	swait.ge [sflag:s13], $0x1680  }
0x11d: {  	[sflag:s13] =	ssyncset.done $0x0  }
0x11e: {  	[sflag:s13] =	ssyncadd.s32 $0xFFFFE980  }
0x11f: {  	_ =	swait.ge [sflag:s14], $0x1680  }
0x120: {  	[sflag:s14] =	ssyncset.done $0x0  }
0x121: {  	[sflag:s14] =	ssyncadd.s32 $0xFFFFE980  }
0x122: {  	_ =	swait.ge [sflag:s15], $0x1680  }
0x123: {  	[sflag:s15] =	ssyncset.done $0x0  }
0x124: {  	[sflag:s15] =	ssyncadd.s32 $0xFFFFE980  }
0x125: {  	_ =	swait.ge [sflag:s16], $0x1680  }
0x126: {  	[sflag:s16] =	ssyncset.done $0x0  }
0x127: {  	[sflag:s16] =	ssyncadd.s32 $0xFFFFE980  }
0x128: {  	_ =	swait.ge [sflag:s17], $0x1680  }
0x129: {  	[sflag:s17] =	ssyncset.done $0x0  }
0x12a: {  	[sflag:s17] =	ssyncadd.s32 $0xFFFFE980  }
0x12b: {  	s25 =	stileid.u32;
	[bflag:$0x0] =	sbarrier.arrive $0xFFFF  }
0x12c: {  	s7 =	sshll.u32 s25, $0x6;
	s25 =	simm.s32 $0xD;
	s24 =	rddreg [dreg:$0x4]  }
0x12d: {  	s7 =	sor.u32 $0x1C0D, s7;
	s29 =	rddreg [dreg:$0x15];
	s28 =	sshrl.u32 s24, $0x3  }
0x12e: {  	[hbm:s29], [sflag:s7] =	dma.local [spmem:s28], $0x2D00  }
0x12f: {  	_ =	swait.ge [sflag:s25], $0x2D00  }
0x130: {  	s28 =	rddreg [dreg:$0x1a]  }
0x131: {  	s29 =	rddreg [dreg:$0x16];
	s23 =	sadd.s32 $0x1, s28  }
0x132: {  	p0 =	sne.s32 s23, s29  }
.Ltmp2:
0x133: {  	_ = 	snop;
	(pc) =	sbr.rel @p0 .LBB2_1-.Ltmp2, $3  }
0x134: {  	_ =	sdelay $0x1  }
0x135: {  	[sflag:s25] =	ssyncset.done $0x0  }
0x136: {  	[sflag:s25] =	ssyncadd.s32 $0xFFFFD300;
	s25 =	simm.s32 $0x16800  }
0x137: {  	_ =	sfence.sel $0x180000  }
0x138: {  	[bflag:$0x0] =	sbarrier.arrive $0xFFFF  }
0x139: {  	_ =	strace $0x90000047  }
0x13a: {  	s0 =	stileid.u32;
	[bflag:$0x2] =	sbarrier.arrive $0xFFFF  }
0x13b: {  	p0 =	sne.s32 s0, $0x0;
	s0 =	rddreg [dreg:$0x2]  }
0x13c: {  	s0 =	sadd.s32 @!p0 $0x100000, s0  }
0x13d: {  	[sflag:s0] =	ssyncadd.tile.s32 @!p0 $0x1;
	_ =	shalt  }
.Lfunc_end2:
_tile_overlayer_lowered:
.L_overlay_start_2:
0x13e: {  	(tag) =	ssettag $0x2  }
0x13f: {  	s0 =	rddreg [dreg:$0x0];
	s2 =	stileid.u32  }
0x140: {  	s1 =	rddreg [dreg:$0x1];
	p0 =	sne.s32 s2, $0x0  }
0x141: {  	s3 =	rddreg [dreg:$0x2];
	[bflag:$0x3] =	sbarrier.arrive $0xFFFF;
	s2 =	simm.s32 @!p0 $0x1C0D  }
0x142: {  	[timem:s3], [sflag:s2] =	dma.local @!p0 [hbm:s0], s1  }
0x143: {  	s0 =	simm.s32 @!p0 $0xD  }
0x144: {  	_ =	swait.ge @!p0 [sflag:s0], s1  }
0x145: {  	s1 =	ssub.s32 @!p0 $0x0, s1;
	[sflag:s0] =	ssyncset.done @!p0 $0x0  }
0x146: {  	[sflag:s0] =	ssyncadd.s32 @!p0 s1  }
0x147: {  	[bflag:$0x3] =	sbarrier.arrive $0xFFFF  }
0x148: {  	_ =	shalt  }

// kernel: kernel.14.cloned.1.call-start
scs
__scs_entry_jumppad:
0x0: {  	(pc) =	sbr.rel $0x88, $3  }
0x1: {  	(tag) =	ssettag $0x0;
	lr =	simm.s32 $0x1  }
0x2: {  	[smem:$0x3F96] =	sst lr;
	_ =	strace $0xD0000000  }
0x3: {  	_ = 	snop  }
0x4: {  	_ = 	snop  }
0x5: {  	_ = 	snop  }
0x6: {  	_ = 	snop  }
0x7: {  	_ = 	snop  }
__scs_overlays_trampoline_lowered:
0x8: {  	[smem:$0x3FA5] =	sst s0  }
0x9: {  	[smem:$0x3FA6] =	sst s1  }
0xa: {  	[smem:$0x3FA7] =	sst s2  }
0xb: {  	[smem:$0x3FA8] =	sst s3  }
0xc: {  	[smem:$0x3FA9] =	sst s4  }
0xd: {  	[smem:$0x3FAA] =	sst s5  }
0xe: {  	[smem:$0x3FAB] =	sst s6  }
0xf: {  	[smem:$0x3FAC] =	sst s7  }
0x10: {  	[smem:$0x3FAD] =	sst s8  }
0x11: {  	[smem:$0x3FAE] =	sst s9;
	s0 =	simm.s32 @!p0 $0x0  }
0x12: {  	s1 =	sld [smem:$0x3F94];
	s0 =	simm.s32 @p0 $0x1  }
0x13: {  	[smem:$0x3FAF] =	sst s0;
	s0 =	simm.s32 @!p1 $0x0  }
0x14: {  	s2 =	sld [smem:$0x3F93];
	s0 =	simm.s32 @p1 $0x1  }
0x15: {  	[smem:$0x3FB0] =	sst s0;
	s0 =	simm.s32 @!p2 $0x0  }
0x16: {  	s3 =	sld [smem:$0x3FDB];
	s0 =	simm.s32 @p2 $0x1  }
0x17: {  	s4 =	simm.s32 $0x1BF5;
	[smem:$0x3FB2] =	sst s0  }
0x18: {  	s0 =	sld [smem:$0x3F95];
	_ =	swait.ge [sflag:s4], $0x0  }
0x19: {  	s7 =	sld [smem:$0x3F96]  }
0x1a: {  	s8 =	sadd.s32 $0xFFFFE003, lr  }
0x1b: {  	s9 =	sadd.s32 $0xFFFFFEF7, lr;
	s5 =	simm.s32 $0xFFFFFFFF;
	p2 =	slt.u32 s8, $0xFFFFF086  }
0x1c: {  	p1 =	slt.u32 s9, $0xF7A;
	s5 =	simm.s32 @!p2 $0x0  }
0x1d: {  	s5 =	simm.s32 @p1 $0x1;
	p0 =	seq.s32 s7, s2  }
0x1e: {  	s7 =	smul.u32 @!p0 $0xF7A, s2;
	p2 =	seq.s32 @!p0 s5, $0x0  }
0x1f: {  	s9 =	smul.u32 $0xF7A, s1;
	s8 =	simm.s32 @!p0 $0x1BF5;
	p2 =	por !p2, p0  }
0x20: {  	[sflag:s8] =	ssyncset.s32 @!p0 $0xFFFFF086;
	s6 =	sadd.s32 @!p0 s3, s7;
	s7 =	simm.s32 @!p0 $0x108  }
0x21: {  	s3 =	sadd.s32 s3, s9;
	s6 =	sadd.s32 @!p0 $0x88, s6;
	s7 =	simm.s32 @p2 $0x1082  }
0x22: {  	[simem:s7], [sflag:s8] =	dma.local @!p0 [hbm:s6], $0xF7A  }
0x23: {  	s9 =	sor.u32 $0xD0000000, s2;
	s6 =	simm.s32 $0x108;
	_ =	swait.ge @!p0 [sflag:s8], $0x0  }
0x24: {  	s3 =	sadd.s32 $0x88, s3;
	s6 =	simm.s32 @!p1 $0x1082;
	[sflag:s4] =	ssyncset.s32 $0xFFFFF086  }
0x25: {  	[simem:s6], [sflag:s4] =	dma.local [hbm:s3], $0xF7A  }
0x26: {  	[smem:$0x3F96] =	sst s1;
	(tag) =	ssettag s2;
	_ =	strace s9  }
0x27: {  	s1 =	sld [smem:$0x3FA6]  }
0x28: {  	s2 =	sld [smem:$0x3FA7]  }
0x29: {  	s4 =	sld [smem:$0x3FA9]  }
0x2a: {  	p0 =	seq.s32 s5, $0x0;
	s5 =	sld [smem:$0x3FAA]  }
0x2b: {  	s6 =	sld [smem:$0x3FAB]  }
0x2c: {  	s7 =	sld [smem:$0x3FAC]  }
0x2d: {  	s3 =	simm.s32 $0x108;
	s8 =	sld [smem:$0x3FAD]  }
0x2e: {  	s3 =	simm.s32 @!p0 $0x1082;
	s9 =	sld [smem:$0x3FAE]  }
0x2f: {  	lr =	sadd.s32 s0, s3;
	s0 =	sld [smem:$0x3FA5]  }
0x30: {  	s3 =	sld [smem:$0x3FA8]  }
0x31: {  	[smem:$0x3FB1] =	sst s10  }
0x32: {  	s10 =	sld [smem:$0x3FAF];
	_ =	sdelay $0x3  }
0x33: {  	p0 =	seq.s32 s10, $0x1;
	s10 =	sld [smem:$0x3FB1];
	_ =	sdelay $0x3  }
0x34: {  	[smem:$0x3FB1] =	sst s10  }
0x35: {  	s10 =	sld [smem:$0x3FB0];
	_ =	sdelay $0x3  }
0x36: {  	p1 =	seq.s32 s10, $0x1;
	s10 =	sld [smem:$0x3FB1];
	_ =	sdelay $0x3  }
0x37: {  	[smem:$0x3FB1] =	sst s10  }
0x38: {  	s10 =	sld [smem:$0x3FB2]  }
0x39: {  	_ = 	snop;
	(pc) =	sbr.ind lr, $3  }
0x3a: {  	_ = 	snop  }
0x3b: {  	_ = 	snop  }
0x3c: {  	p2 =	seq.s32 s10, $0x1;
	s10 =	sld [smem:$0x3FB1]  }
0x3d: {  	_ =	shalt  }
0x3e: {  	_ =	shalt  }
0x3f: {  	_ =	shalt  }
0x40: {  	_ =	shalt  }
0x41: {  	_ =	shalt  }
0x42: {  	_ =	shalt  }
0x43: {  	_ =	shalt  }
0x44: {  	_ =	shalt  }
0x45: {  	_ =	shalt  }
0x46: {  	_ =	shalt  }
0x47: {  	_ =	shalt  }
0x48: {  	_ =	shalt  }
0x49: {  	_ =	shalt  }
0x4a: {  	_ =	shalt  }
0x4b: {  	_ =	shalt  }
0x4c: {  	_ =	shalt  }
0x4d: {  	_ =	shalt  }
0x4e: {  	_ =	shalt  }
0x4f: {  	_ =	shalt  }
0x50: {  	_ =	shalt  }
0x51: {  	_ =	shalt  }
0x52: {  	_ =	shalt  }
0x53: {  	_ =	shalt  }
0x54: {  	_ =	shalt  }
0x55: {  	_ =	shalt  }
0x56: {  	_ =	shalt  }
0x57: {  	_ =	shalt  }
0x58: {  	_ =	shalt  }
0x59: {  	_ =	shalt  }
0x5a: {  	_ =	shalt  }
0x5b: {  	_ =	shalt  }
0x5c: {  	_ =	shalt  }
0x5d: {  	_ =	shalt  }
0x5e: {  	_ =	shalt  }
0x5f: {  	_ =	shalt  }
0x60: {  	_ =	shalt  }
0x61: {  	_ =	shalt  }
0x62: {  	_ =	shalt  }
0x63: {  	_ =	shalt  }
0x64: {  	_ =	shalt  }
0x65: {  	_ =	shalt  }
0x66: {  	_ =	shalt  }
0x67: {  	_ =	shalt  }
0x68: {  	_ =	shalt  }
0x69: {  	_ =	shalt  }
0x6a: {  	_ =	shalt  }
0x6b: {  	_ =	shalt  }
0x6c: {  	_ =	shalt  }
0x6d: {  	_ =	shalt  }
0x6e: {  	_ =	shalt  }
0x6f: {  	_ =	shalt  }
0x70: {  	_ =	shalt  }
0x71: {  	_ =	shalt  }
0x72: {  	_ =	shalt  }
0x73: {  	_ =	shalt  }
0x74: {  	_ =	shalt  }
0x75: {  	_ =	shalt  }
0x76: {  	_ =	shalt  }
0x77: {  	_ =	shalt  }
0x78: {  	_ =	shalt  }
0x79: {  	_ =	shalt  }
0x7a: {  	_ =	shalt  }
0x7b: {  	_ =	shalt  }
0x7c: {  	_ =	shalt  }
0x7d: {  	_ =	shalt  }
0x7e: {  	_ =	shalt  }
0x7f: {  	_ =	shalt  }
0x80: {  	_ =	shalt  }
0x81: {  	_ =	shalt  }
0x82: {  	_ =	shalt  }
0x83: {  	_ =	shalt  }
0x84: {  	_ =	shalt  }
0x85: {  	_ =	shalt  }
0x86: {  	_ =	shalt  }
0x87: {  	_ =	shalt  }
.Lfunc_end0:
.L_simem_size_0:
called_computation.1_lowered:
.L_overlay_start_0:
0x88: {  	s2 =	sld [smem:$0x3FD9]  }
0x89: {  	s3 =	sld [smem:$0x3FFE];
	_ =	sdelay $0x1  }
0x8a: {  	s1 =	srdreg.scid  }
0x8b: {  	s0 =	sand.u32 $0x1, s1  }
0x8c: {  	s17 =	sshll.u32 s0, $0xA;
	s2 =	sadd.s32 s3, s2  }
0x8d: {  	s2 =	sadd.s32 s2, s17  }
0x8e: {  	[smem:$0x3FBD] =	sst s2  }
0x8f: {  	_ = 	snop  }
0x90: {  	s2 =	sld [smem:$0x3FD0];
	(tm) =	ssettm $0x1  }
0x91: {  	s18 =	sld [smem:$0x3FFB];
	_ =	sdelay $0x3  }
0x92: {  	_ =	strace s18  }
0x93: {  	s3 =	sld [smem:$0x3FFC];
	_ =	sdelay $0x3  }
0x94: {  	_ =	strace s3  }
0x95: {  	s3 =	sld [smem:$0x3FFD];
	_ =	sdelay $0x3  }
0x96: {  	_ =	strace s3  }
0x97: {  	_ =	strace $0x8FFFFFFF  }
0x98: {  	s19 =	sld [smem:$0x3FDB];
	_ =	sdelay $0x1  }
0x99: {  	s4 =	simm.s32 $_scs_section_size  }
0x9a: {  	s5 =	simm.s32 $_size__tile_overlayer_lowered;
	s6 =	simm.s32 $_tile_overlayer_lowered  }
0x9b: {  	s22 =	simm.s32 $0x1BFF;
	s21 =	sshll.u32 s6, $0x1;
	s3 =	sadd.s32 s4, s19  }
0x9c: {  	s7 =	simm.s32 $0x0;
	s20 =	sshll.u32 s5, $0x1;
	s5 =	sadd.s32 s21, s3  }
0x9d: {  	[timem:s7], [sflag:s22] =	dma.local [hbm:s5], s20  }
0x9e: {  	_ =	swait.ge [sflag:s22], s20  }
0x9f: {  	s4 =	ssub.s32 $0x0, s20;
	[sflag:s22] =	ssyncset.done $0x0  }
0xa0: {  	[sflag:s22] =	ssyncadd.s32 s4;
	_ =	sdelay $0x1  }
0xa1: {  	s23 =	simm.s32 $0x1B8B  }
0xa2: {  	_ =	swait.ge [sflag:s23], $0x1  }
0xa3: {  	[sflag:s23] =	ssyncset.done $0x0  }
0xa4: {  	s25 =	simm.s32 $0x1B8E;
	s24 =	sld [smem:$0x3FFE];
	[sflag:s23] =	ssyncadd.s32 $0xFFFFFFFF  }
0xa5: {  	s26 =	simm.s32 $execute0_lowered;
	[smem:$0x3FD2] =	sst s25  }
0xa6: {  	s5 =	sshll.u32 s26, $0x1;
	_ =	strace $0x80000049;
	[dreg:$0x1] =	wrdreg $0xFFFFFFFF  }
0xa7: {  	s28 =	simm.s32 $_size_execute0_lowered;
	s3 =	sadd.s32 s3, s5;
	[dreg:$0x0] =	wrdreg $0x0  }
0xa8: {  	s5 =	sshll.u32 s28, $0x1;
	[dreg:$0x2] =	wrdreg s3  }
0xa9: {  	[dreg:$0x3] =	wrdreg s5  }
0xaa: {  	[dreg:$0x4] =	wrdreg $0xC0  }
0xab: {  	_ =	task [dreg:s7], $0x5FFFF  }
0xac: {  	[dreg:$0x1] =	wrdreg $0xFFFFFFFF  }
0xad: {  	[dreg:$0x0] =	wrdreg $0x60  }
0xae: {  	[dreg:$0x2] =	wrdreg s2  }
0xaf: {  	[dreg:$0x3] =	wrdreg s24  }
0xb0: {  	[dreg:$0x4] =	wrdreg $0x0  }
0xb1: {  	[dreg:$0x5] =	wrdreg $0x9  }
0xb2: {  	_ =	task.clear_ibuf [dreg:s7], $0x6FFFF;
	_ =	strace $0x90000049  }
0xb3: {  	s29 =	simm.s32 $0x9;
	_ =	strace $0x8000004B  }
0xb4: {  	_ =	swait.ge [sflag:s29], $0x1  }
0xb5: {  	[sflag:s29] =	ssyncadd.s32 $0xFFFFFFFF  }
0xb6: {  	_ =	strace $0x9000004B  }
0xb7: {  	_ =	sfence  }
0xb8: {  	s30 =	sld [smem:$0x0];
	_ =	sdelay $0x2  }
0xb9: {  	s31 =	sshll.u32 s1, $0xD;
	s1 =	sshrl.u32 s1, $0x2  }
0xba: {  	s3 =	sand.u32 $0x4000, s31;
	s1 =	sadd.s32 s1, s30  }
0xbb: {  	s0 =	sor.u32 s3, s0;
	s1 =	sshll.u32 s1, $0x11  }
0xbc: {  	s0 =	sor.u32 s1, s0  }
0xbd: {  	s0 =	sadd.s32 $0x8F2B, s0  }
0xbe: {  	[sflag:s0] =	ssyncadd.remote.s32 $0x1  }
0xbf: {  	_ =	sfence.sel $0xFFFF  }
0xc0: {  	[dreg:$0x0] =	wrdreg $0xFFFFFFFF;
	(pc) =	sbr.abs _section_cstart, $3  }
0xc1: {  	[dreg:$0x1] =	wrdreg $0xFFFFFFFF  }
0xc2: {  	_ =	task.clear_ibuf [dreg:s7], $0x2FFFF;
	_ =	strace $0x9FFFFFFF  }
0xc3: {  	(tm) =	ssettm $0x7FFFFFFF  }
tec
execute0_lowered:
.L_overlay_start_1:
0x0: {  	(tag) =	ssettag $0x1  }
0x1: {  	s10 =	stileid.u32  }
0x2: {  	s1 =	rddreg [dreg:$0x0];
	s6 =	smul.u32 $0x2800, s10  }
0x3: {  	s2 =	srdreg.scid;
	s9 =	smul.u32 $0x4E20, s10  }
0x4: {  	s0 =	rddreg [dreg:$0x1];
	s2 =	sand.u32 $0x1, s2;
	s10 =	smul.u32 $0x50000, s10  }
0x5: {  	s3 =	rddreg [dreg:$0x2];
	s7 =	smul.u32 $0x28000, s2  }
0x6: {  	s4 =	simm.s32 $0x0;
	s8 =	smul.u32 $0x4E200, s2;
	s2 =	ssub.s32 $0x2, s2  }
0x7: {  	[smem:$0x7FF] =	sst s4;
	s24 =	sshrl.u32 s2, $0x1;
	s25 =	sshrl.u32 s10, $0x2  }
0x8: {  	_ =	strace $0x8000004A;
	s2 =	ssub.s32 s2, s24;
	s24 =	sadd.s32 s25, s3  }
0x9: {  	s8 =	sadd.s32 s9, s8;
	s9 =	sadd.s32 $0x1400, s24;
	[dreg:$0x5] =	wrdreg s24  }
0xa: {  	s10 =	sadd.s32 $0x2800, s24;
	[dreg:$0x8] =	wrdreg s9  }
0xb: {  	s31 =	simm.s32 $0x28;
	s11 =	sadd.s32 $0x3C00, s24;
	[dreg:$0x9] =	wrdreg s10  }
0xc: {  	s30 =	simm.s32 $0x5;
	s12 =	sadd.s32 $0x5000, s24;
	[dreg:$0xa] =	wrdreg s11  }
0xd: {  	s5 =	sadd.s32 $0x9D600, s0;
	s13 =	sadd.s32 $0x6400, s24;
	[dreg:$0xb] =	wrdreg s12  }
0xe: {  	s7 =	sadd.s32 s6, s7;
	s14 =	sadd.s32 $0x7800, s24;
	[dreg:$0xc] =	wrdreg s13  }
0xf: {  	s6 =	sadd.s32 $0x151000, s0;
	s15 =	sadd.s32 $0x8C00, s24;
	[dreg:$0xd] =	wrdreg s14  }
0x10: {  	s0 =	sadd.s32 s7, s0;
	s16 =	sadd.s32 $0xA000, s24;
	[dreg:$0xe] =	wrdreg s15  }
0x11: {  	s26 =	sshrl.u32 s8, $0x3;
	s17 =	sadd.s32 $0xB400, s24;
	[dreg:$0xf] =	wrdreg s16  }
0x12: {  	s18 =	sadd.s32 $0xC800, s24;
	s19 =	sadd.s32 $0xDC00, s24;
	[dreg:$0x10] =	wrdreg s17  }
0x13: {  	s20 =	sadd.s32 $0xC8, s8;
	s8 =	sadd.s32 $0x190, s8;
	[dreg:$0x11] =	wrdreg s18  }
0x14: {  	s21 =	sadd.s32 $0xF000, s24;
	s25 =	smax.u32 s2, $0x1;
	[dreg:$0x12] =	wrdreg s19  }
0x15: {  	s2 =	simm.s32 $0xB;
	s28 =	sadd.s32 s1, s26;
	[dreg:$0x13] =	wrdreg s21  }
0x16: {  	s29 =	sadd.s32 s5, s26;
	s9 =	sshrl.u32 s20, $0x3;
	[dreg:$0x4] =	wrdreg s8  }
0x17: {  	s0 =	sadd.s32 $0xB1000, s0;
	[dreg:$0x17] =	wrdreg s25;
	s26 =	sadd.s32 $0x10400, s24  }
0x18: {  	s25 =	simm.s32 $0x14000;
	s8 =	simm.s32 $0x15720;
	s10 =	simm.s32 $0x17F20  }
0x19: {  	s11 =	simm.s32 $0x19320;
	s12 =	simm.s32 $0x14320;
	s13 =	simm.s32 $0x6  }
0x1a: {  	s14 =	simm.s32 $0x7;
	s15 =	simm.s32 $0x8;
	[dreg:$0x6] =	wrdreg s28  }
0x1b: {  	s16 =	simm.s32 $0x9;
	s17 =	simm.s32 $0xA;
	[dreg:$0x7] =	wrdreg s29  }
0x1c: {  	s19 =	simm.s32 $0x1;
	s20 =	simm.s32 $0x2;
	[dreg:$0x16] =	wrdreg s0  }
0x1d: {  	s21 =	simm.s32 $0x3;
	s22 =	sadd.s32 s1, s9;
	[dreg:$0x18] =	wrdreg s26  }
0x1e: {  	s23 =	sadd.s32 s5, s9;
	s28 =	sadd.s32 $0x11800, s24;
	[dreg:$0x14] =	wrdreg s22  }
0x1f: {  	s29 =	sadd.s32 $0x12C00, s24;
	s0 =	simm.s32 $0xC;
	[dreg:$0x15] =	wrdreg s23  }
0x20: {  	s9 =	simm.s32 $0x16B20;
	s26 =	simm.s32 $0x14258;
	[dreg:$0x19] =	wrdreg s28  }
0x21: {  	v0 =	vimm.f32 $0.0e+00;
	[dreg:$0x1a] =	wrdreg s29;
	s22 =	simm.s32 $0x4;
	s23 =	simm.s32 $0x0  }
.LBB2_1:
0x22: {  	s7 =	rddreg [dreg:$0x6]  }
0x23: {  	[tilespmem:s25], [sflag:$0xB] =	stream.linear.gather [hbm4b:s7+s4], $0xC8, $0x38;
	[tilespmem:$0x1A720] =	vst v63  }
0x24: {  	s29 =	rddreg [dreg:$0x7];
	s18 =	simm.s32 $0x14190  }
0x25: {  	[tilespmem:s18], [sflag:$0xC] =	stream.linear.gather [hbm4b:s29+s4], $0xC8, $0x38;
	[tilespmem:$0x1A720] =	vst v63  }
0x26: {  	[dreg:$0x1b] =	wrdreg s23;
	s23 =	simm.s32 $0x200;
	s18 =	simm.s32 $0x0  }
.LBB2_2:
0x27: {  	p0 =	sne.s32 s23, $0x4E00;
	[tilespmem:s18+$0x14390] =	vst v0  }
0x28: {  	[tilespmem:s18+$0x14320] =	vst v0  }
0x29: {  	[tilespmem:s18+$0x14330] =	vst v0  }
.Ltmp0:
0x2a: {  	[tilespmem:s18+$0x14340] =	vst v0;
	(pc) =	sbr.rel @p0 .LBB2_2-.Ltmp0, $4  }
0x2b: {  	[tilespmem:s18+$0x14350] =	vst v0  }
0x2c: {  	[tilespmem:s18+$0x14360] =	vst v0  }
0x2d: {  	[tilespmem:s18+$0x14370] =	vst v0  }
0x2e: {  	[tilespmem:s18+$0x14380] =	vst v0;
	s18 =	sshra.s32 s23, $0x2;
	s23 =	sadd.s32 $0x200, s23  }
0x2f: {  	[tilespmem:s18+$0x14390] =	vst v0  }
0x30: {  	[tilespmem:s18+$0x14320] =	vst v0  }
0x31: {  	[tilespmem:s18+$0x14330] =	vst v0  }
0x32: {  	[tilespmem:s18+$0x14340] =	vst v0  }
0x33: {  	[tilespmem:s18+$0x14350] =	vst v0  }
0x34: {  	[tilespmem:s18+$0x14360] =	vst v0  }
0x35: {  	[tilespmem:s18+$0x14370] =	vst v0  }
0x36: {  	[tilespmem:s18+$0x14380] =	vst v0  }
0x37: {  	_ =	swait.ge [sflag:s2], $0xC8  }
0x38: {  	[sflag:s2] =	ssyncset.done $0x0  }
0x39: {  	[sflag:s2] =	ssyncadd.s32 $0xFFFFFF38  }
0x3a: {  	_ =	swait.ge [sflag:s0], $0xC8  }
0x3b: {  	[sflag:s0] =	ssyncset.done $0x0  }
0x3c: {  	s7 =	simm.s32 $0x14028;
	[sflag:s0] =	ssyncadd.s32 $0xFFFFFF38  }
0x3d: {  	[tilespmem:s8], [sflag:$0x2] =	stream.indirect.gather [hbm4b:s6+s31], $0x80, s7, s31, $0xb8;
	[tilespmem:$0x1A720] =	vst v63  }
0x3e: {  	s18 =	simm.s32 $0x14050  }
0x3f: {  	[tilespmem:s9], [sflag:$0x3] =	stream.indirect.gather [hbm4b:s6+s31], $0x80, s18, s31, $0xb8;
	[tilespmem:$0x1A720] =	vst v63  }
0x40: {  	s23 =	simm.s32 $0x14078  }
0x41: {  	[tilespmem:s10], [sflag:$0x4] =	stream.indirect.gather [hbm4b:s6+s31], $0x80, s23, s31, $0xb8;
	[tilespmem:$0x1A720] =	vst v63  }
0x42: {  	s29 =	simm.s32 $0x140A0  }
0x43: {  	[tilespmem:s11], [sflag:$0x5] =	stream.indirect.gather [hbm4b:s6+s31], $0x80, s29, s31, $0xb8;
	[tilespmem:$0x1A720] =	vst v63  }
0x44: {  	_ = 	snop  }
0x45: {  	[spmem:s24] =	stream.linear.scatter [tilespmem:s12], [sflag:$0x6], $0x1400, $0x38;
	[tilespmem:$0x1A720] =	vst v63  }
0x46: {  	s18 =	rddreg [dreg:$0x8]  }
0x47: {  	[spmem:s18] =	stream.linear.scatter [tilespmem:s12], [sflag:$0x7], $0x1400, $0x38;
	[tilespmem:$0x1A720] =	vst v63  }
0x48: {  	s23 =	rddreg [dreg:$0x9]  }
0x49: {  	[spmem:s23] =	stream.linear.scatter [tilespmem:s12], [sflag:$0x8], $0x1400, $0x38;
	[tilespmem:$0x1A720] =	vst v63  }
0x4a: {  	s24 =	rddreg [dreg:$0xa]  }
0x4b: {  	[spmem:s24] =	stream.linear.scatter [tilespmem:s12], [sflag:$0x9], $0x1400, $0x38;
	[tilespmem:$0x1A720] =	vst v63  }
0x4c: {  	s29 =	rddreg [dreg:$0xb]  }
0x4d: {  	[spmem:s29] =	stream.linear.scatter [tilespmem:s12], [sflag:$0xA], $0x1400, $0x38;
	[tilespmem:$0x1A720] =	vst v63  }
0x4e: {  	s18 =	rddreg [dreg:$0xc]  }
0x4f: {  	[spmem:s18] =	stream.linear.scatter [tilespmem:s12], [sflag:$0x6], $0x1400, $0x38;
	[tilespmem:$0x1A720] =	vst v63  }
0x50: {  	s23 =	rddreg [dreg:$0xd]  }
0x51: {  	[spmem:s23] =	stream.linear.scatter [tilespmem:s12], [sflag:$0x7], $0x1400, $0x38;
	[tilespmem:$0x1A720] =	vst v63  }
0x52: {  	s24 =	rddreg [dreg:$0xe]  }
0x53: {  	[spmem:s24] =	stream.linear.scatter [tilespmem:s12], [sflag:$0x8], $0x1400, $0x38;
	[tilespmem:$0x1A720] =	vst v63  }
0x54: {  	s29 =	rddreg [dreg:$0xf]  }
0x55: {  	[spmem:s29] =	stream.linear.scatter [tilespmem:s12], [sflag:$0x9], $0x1400, $0x38;
	[tilespmem:$0x1A720] =	vst v63  }
0x56: {  	s18 =	rddreg [dreg:$0x10]  }
0x57: {  	[spmem:s18] =	stream.linear.scatter [tilespmem:s12], [sflag:$0xA], $0x1400, $0x38;
	[tilespmem:$0x1A720] =	vst v63  }
0x58: {  	s23 =	rddreg [dreg:$0x11]  }
0x59: {  	[spmem:s23] =	stream.linear.scatter [tilespmem:s12], [sflag:$0x6], $0x1400, $0x38;
	[tilespmem:$0x1A720] =	vst v63  }
0x5a: {  	s24 =	rddreg [dreg:$0x12]  }
0x5b: {  	[spmem:s24] =	stream.linear.scatter [tilespmem:s12], [sflag:$0x7], $0x1400, $0x38;
	[tilespmem:$0x1A720] =	vst v63  }
0x5c: {  	s29 =	rddreg [dreg:$0x13]  }
0x5d: {  	[spmem:s29] =	stream.linear.scatter [tilespmem:s12], [sflag:$0x8], $0x1400, $0x38;
	[tilespmem:$0x1A720] =	vst v63  }
0x5e: {  	s18 =	rddreg [dreg:$0x18]  }
0x5f: {  	[spmem:s18] =	stream.linear.scatter [tilespmem:s12], [sflag:$0x9], $0x1400, $0x38;
	[tilespmem:$0x1A720] =	vst v63  }
0x60: {  	s23 =	rddreg [dreg:$0x19]  }
0x61: {  	[spmem:s23] =	stream.linear.scatter [tilespmem:s12], [sflag:$0xA], $0x1400, $0x38;
	[tilespmem:$0x1A720] =	vst v63  }
0x62: {  	s24 =	rddreg [dreg:$0x1a]  }
0x63: {  	[spmem:s24] =	stream.linear.scatter [tilespmem:s12], [sflag:$0x6], $0x1400, $0x38;
	[tilespmem:$0x1A720] =	vst v63  }
0x64: {  	_ =	swait.ge [sflag:s13], $0x1400  }
0x65: {  	[sflag:s13] =	ssyncset.done $0x0  }
0x66: {  	[sflag:s13] =	ssyncadd.s32 $0xFFFFEC00  }
0x67: {  	_ =	swait.ge [sflag:s14], $0x1400  }
0x68: {  	[sflag:s14] =	ssyncset.done $0x0  }
0x69: {  	[sflag:s14] =	ssyncadd.s32 $0xFFFFEC00  }
0x6a: {  	_ =	swait.ge [sflag:s15], $0x1400  }
0x6b: {  	[sflag:s15] =	ssyncset.done $0x0  }
0x6c: {  	[sflag:s15] =	ssyncadd.s32 $0xFFFFEC00  }
0x6d: {  	_ =	swait.ge [sflag:s16], $0x1400  }
0x6e: {  	[sflag:s16] =	ssyncset.done $0x0  }
0x6f: {  	[sflag:s16] =	ssyncadd.s32 $0xFFFFEC00  }
0x70: {  	_ =	swait.ge [sflag:s17], $0x1400  }
0x71: {  	[sflag:s17] =	ssyncset.done $0x0  }
0x72: {  	[sflag:s17] =	ssyncadd.s32 $0xFFFFEC00  }
0x73: {  	_ =	swait.ge [sflag:s13], $0x1400  }
0x74: {  	[sflag:s13] =	ssyncset.done $0x0  }
0x75: {  	[sflag:s13] =	ssyncadd.s32 $0xFFFFEC00  }
0x76: {  	_ =	swait.ge [sflag:s14], $0x1400  }
0x77: {  	[sflag:s14] =	ssyncset.done $0x0  }
0x78: {  	[sflag:s14] =	ssyncadd.s32 $0xFFFFEC00  }
0x79: {  	_ =	swait.ge [sflag:s15], $0x1400  }
0x7a: {  	[sflag:s15] =	ssyncset.done $0x0  }
0x7b: {  	[sflag:s15] =	ssyncadd.s32 $0xFFFFEC00  }
0x7c: {  	_ =	swait.ge [sflag:s16], $0x1400  }
0x7d: {  	[sflag:s16] =	ssyncset.done $0x0  }
0x7e: {  	[sflag:s16] =	ssyncadd.s32 $0xFFFFEC00  }
0x7f: {  	_ =	swait.ge [sflag:s17], $0x1400  }
0x80: {  	[sflag:s17] =	ssyncset.done $0x0  }
0x81: {  	[sflag:s17] =	ssyncadd.s32 $0xFFFFEC00  }
0x82: {  	_ =	swait.ge [sflag:s13], $0x1400  }
0x83: {  	[sflag:s13] =	ssyncset.done $0x0  }
0x84: {  	[sflag:s13] =	ssyncadd.s32 $0xFFFFEC00  }
0x85: {  	_ =	swait.ge [sflag:s14], $0x1400  }
0x86: {  	[sflag:s14] =	ssyncset.done $0x0  }
0x87: {  	[sflag:s14] =	ssyncadd.s32 $0xFFFFEC00  }
0x88: {  	_ =	swait.ge [sflag:s15], $0x1400  }
0x89: {  	[sflag:s15] =	ssyncset.done $0x0  }
0x8a: {  	[sflag:s15] =	ssyncadd.s32 $0xFFFFEC00  }
0x8b: {  	_ =	swait.ge [sflag:s16], $0x1400  }
0x8c: {  	[sflag:s16] =	ssyncset.done $0x0  }
0x8d: {  	[sflag:s16] =	ssyncadd.s32 $0xFFFFEC00  }
0x8e: {  	_ =	swait.ge [sflag:s17], $0x1400  }
0x8f: {  	[sflag:s17] =	ssyncset.done $0x0  }
0x90: {  	[sflag:s17] =	ssyncadd.s32 $0xFFFFEC00  }
0x91: {  	_ =	swait.ge [sflag:s13], $0x1400  }
0x92: {  	[sflag:s13] =	ssyncset.done $0x0  }
0x93: {  	[sflag:s13] =	ssyncadd.s32 $0xFFFFEC00  }
0x94: {  	[tilespmem:s12], [sflag:$0x1] =	stream.indirect.gather [hbm4b:s6+s31], $0x80, s25, s31, $0xb8;
	[tilespmem:$0x1A720] =	vst v63  }
0x95: {  	s18 =	simm.s32 $0x0;
	s23 =	simm.s32 $0x140C8;
	s25 =	rddreg [dreg:$0x14]  }
0x96: {  	[tilespmem:s23], [sflag:$0xB] =	stream.linear.gather [hbm4b:s25+s18], $0xC8, $0x38;
	[tilespmem:$0x1A720] =	vst v63  }
0x97: {  	s29 =	rddreg [dreg:$0x15]  }
0x98: {  	[tilespmem:s26], [sflag:$0xC] =	stream.linear.gather [hbm4b:s29+s18], $0xC8, $0x38;
	[tilespmem:$0x1A720] =	vst v63  }
0x99: {  	s23 =	sand.u32 $0x1, s18;
	[bflag:$0x0] =	sbarrier.arrive $0xFFFF  }
0x9a: {  	s29 =	smul.u32 $0xC8, s23;
	_ =	swait.ge [sflag:s19], $0x1400  }
0x9b: {  	[sflag:s19] =	ssyncset.done $0x0  }
0x9c: {  	s25 =	sadd.s32 $0x14190, s29;
	[sflag:s19] =	ssyncadd.s32 $0xFFFFEC00  }
0x9d: {  	[spmem:s3] =	stream.indirect.scatter.add.f32 [tilespmem:s12], [sflag:$0x6], $0x80, s25, s31, $0xb8;
	[tilespmem:$0x1A720] =	vst v63  }
0x9e: {  	_ =	swait.ge [sflag:s20], $0x1400  }
0x9f: {  	[sflag:s20] =	ssyncset.done $0x0  }
0xa0: {  	s7 =	sadd.s32 $0x141B8, s29;
	[sflag:s20] =	ssyncadd.s32 $0xFFFFEC00  }
0xa1: {  	[spmem:s3] =	stream.indirect.scatter.add.f32 [tilespmem:s8], [sflag:$0x7], $0x80, s7, s31, $0xb8;
	[tilespmem:$0x1A720] =	vst v63  }
0xa2: {  	_ =	swait.ge [sflag:s21], $0x1400  }
0xa3: {  	[sflag:s21] =	ssyncset.done $0x0  }
0xa4: {  	s24 =	sadd.s32 $0x141E0, s29;
	[sflag:s21] =	ssyncadd.s32 $0xFFFFEC00  }
0xa5: {  	[spmem:s3] =	stream.indirect.scatter.add.f32 [tilespmem:s9], [sflag:$0x8], $0x80, s24, s31, $0xb8;
	[tilespmem:$0x1A720] =	vst v63  }
0xa6: {  	_ =	swait.ge [sflag:s22], $0x1400  }
0xa7: {  	[sflag:s22] =	ssyncset.done $0x0  }
0xa8: {  	s7 =	sadd.s32 $0x14208, s29;
	[sflag:s22] =	ssyncadd.s32 $0xFFFFEC00  }
0xa9: {  	[spmem:s3] =	stream.indirect.scatter.add.f32 [tilespmem:s10], [sflag:$0x9], $0x80, s7, s31, $0xb8;
	[tilespmem:$0x1A720] =	vst v63  }
0xaa: {  	_ =	swait.ge [sflag:s30], $0x1400  }
0xab: {  	[sflag:s30] =	ssyncset.done $0x0  }
0xac: {  	s24 =	sadd.s32 $0x14230, s29;
	[sflag:s30] =	ssyncadd.s32 $0xFFFFEC00  }
0xad: {  	[spmem:s3] =	stream.indirect.scatter.add.f32 [tilespmem:s11], [sflag:$0xA], $0x80, s24, s31, $0xb8;
	[tilespmem:$0x1A720] =	vst v63  }
0xae: {  	_ =	swait.ge [sflag:s2], $0xC8  }
0xaf: {  	[sflag:s2] =	ssyncset.done $0x0  }
0xb0: {  	[sflag:s2] =	ssyncadd.s32 $0xFFFFFF38  }
0xb1: {  	_ =	swait.ge [sflag:s0], $0xC8  }
0xb2: {  	s23 =	sxor.u32 $0x1, s23;
	[sflag:s0] =	ssyncset.done $0x0  }
0xb3: {  	s23 =	smul.u32 $0x320, s23;
	[sflag:s0] =	ssyncadd.s32 $0xFFFFFF38  }
0xb4: {  	_ =	swait.ge [sflag:s13], $0x1400  }
0xb5: {  	s28 =	sshrl.u32 s23, $0x2;
	[sflag:s13] =	ssyncset.done $0x0  }
0xb6: {  	s23 =	sor.u32 $0x14000, s28;
	[sflag:s13] =	ssyncadd.s32 $0xFFFFEC00  }
0xb7: {  	[tilespmem:s12], [sflag:$0x1] =	stream.indirect.gather [hbm4b:s6+s31], $0x80, s23, s31, $0xb8;
	[tilespmem:$0x1A720] =	vst v63  }
0xb8: {  	_ =	swait.ge [sflag:s14], $0x1400  }
0xb9: {  	[sflag:s14] =	ssyncset.done $0x0  }
0xba: {  	s26 =	sadd.s32 $0x14028, s28;
	[sflag:s14] =	ssyncadd.s32 $0xFFFFEC00  }
0xbb: {  	[tilespmem:s8], [sflag:$0x2] =	stream.indirect.gather [hbm4b:s6+s31], $0x80, s26, s31, $0xb8;
	[tilespmem:$0x1A720] =	vst v63  }
0xbc: {  	_ =	swait.ge [sflag:s15], $0x1400  }
0xbd: {  	[sflag:s15] =	ssyncset.done $0x0  }
0xbe: {  	s7 =	sadd.s32 $0x14050, s28;
	[sflag:s15] =	ssyncadd.s32 $0xFFFFEC00  }
0xbf: {  	[tilespmem:s9], [sflag:$0x3] =	stream.indirect.gather [hbm4b:s6+s31], $0x80, s7, s31, $0xb8;
	[tilespmem:$0x1A720] =	vst v63  }
0xc0: {  	_ =	swait.ge [sflag:s16], $0x1400  }
0xc1: {  	[sflag:s16] =	ssyncset.done $0x0  }
0xc2: {  	s18 =	smin.u32 s18, $0x61;
	s24 =	sadd.s32 $0x14078, s28;
	[sflag:s16] =	ssyncadd.s32 $0xFFFFEC00  }
0xc3: {  	[tilespmem:s10], [sflag:$0x4] =	stream.indirect.gather [hbm4b:s6+s31], $0x80, s24, s31, $0xb8;
	[tilespmem:$0x1A720] =	vst v63  }
0xc4: {  	s18 =	smul.u32 $0xC8, s18;
	_ =	swait.ge [sflag:s17], $0x1400  }
0xc5: {  	s28 =	sadd.s32 $0x140A0, s28;
	s26 =	rddreg [dreg:$0x4];
	[sflag:s17] =	ssyncset.done $0x0  }
0xc6: {  	s23 =	sadd.s32 s18, s26;
	s26 =	simm.s32 $0x1;
	s18 =	sor.u32 $0x14000, s29  }
.LBB2_4:
0xc7: {  	[sflag:s17] =	ssyncadd.s32 $0xFFFFEC00;
	s23 =	sshrl.u32 s23, $0x3  }
0xc8: {  	[tilespmem:s11], [sflag:$0x5] =	stream.indirect.gather [hbm4b:s6+s31], $0x80, s28, s31, $0xb8;
	[tilespmem:$0x1A720] =	vst v63  }
0xc9: {  	s24 =	sadd.s32 s1, s23  }
0xca: {  	[tilespmem:s18], [sflag:$0xB] =	stream.linear.gather [hbm4b:s24+s4], $0xC8, $0x38;
	[tilespmem:$0x1A720] =	vst v63  }
0xcb: {  	s7 =	sand.u32 $0x1, s26;
	s23 =	sadd.s32 s5, s23  }
0xcc: {  	[tilespmem:s25], [sflag:$0xC] =	stream.linear.gather [hbm4b:s23+s4], $0xC8, $0x38;
	[tilespmem:$0x1A720] =	vst v63  }
0xcd: {  	s18 =	smul.u32 $0xC8, s7;
	_ =	swait.ge [sflag:s19], $0x1400  }
0xce: {  	[sflag:s19] =	ssyncset.done $0x0  }
0xcf: {  	s25 =	sadd.s32 $0x14190, s18;
	[sflag:s19] =	ssyncadd.s32 $0xFFFFEC00  }
0xd0: {  	[spmem:s3] =	stream.indirect.scatter.add.f32 [tilespmem:s12], [sflag:$0x6], $0x80, s25, s31, $0xb8;
	[tilespmem:$0x1A720] =	vst v63  }
0xd1: {  	_ =	swait.ge [sflag:s20], $0x1400  }
0xd2: {  	[sflag:s20] =	ssyncset.done $0x0  }
0xd3: {  	s28 =	sxor.u32 $0x1, s7;
	s7 =	sadd.s32 $0x141B8, s18;
	[sflag:s20] =	ssyncadd.s32 $0xFFFFEC00  }
0xd4: {  	[spmem:s3] =	stream.indirect.scatter.add.f32 [tilespmem:s8], [sflag:$0x7], $0x80, s7, s31, $0xb8;
	[tilespmem:$0x1A720] =	vst v63  }
0xd5: {  	s24 =	smul.u32 $0x320, s28;
	_ =	swait.ge [sflag:s21], $0x1400  }
0xd6: {  	[sflag:s21] =	ssyncset.done $0x0  }
0xd7: {  	s23 =	sshrl.u32 s24, $0x2;
	s24 =	sadd.s32 $0x141E0, s18;
	[sflag:s21] =	ssyncadd.s32 $0xFFFFEC00  }
0xd8: {  	[spmem:s3] =	stream.indirect.scatter.add.f32 [tilespmem:s9], [sflag:$0x8], $0x80, s24, s31, $0xb8;
	[tilespmem:$0x1A720] =	vst v63  }
0xd9: {  	_ =	swait.ge [sflag:s22], $0x1400  }
0xda: {  	[sflag:s22] =	ssyncset.done $0x0  }
0xdb: {  	s24 =	sadd.s32 $0x14208, s18;
	[sflag:s22] =	ssyncadd.s32 $0xFFFFEC00  }
0xdc: {  	[spmem:s3] =	stream.indirect.scatter.add.f32 [tilespmem:s10], [sflag:$0x9], $0x80, s24, s31, $0xb8;
	[tilespmem:$0x1A720] =	vst v63  }
0xdd: {  	_ =	swait.ge [sflag:s30], $0x1400  }
0xde: {  	[sflag:s30] =	ssyncset.done $0x0  }
0xdf: {  	s24 =	sadd.s32 $0x14230, s18;
	[sflag:s30] =	ssyncadd.s32 $0xFFFFEC00  }
0xe0: {  	[spmem:s3] =	stream.indirect.scatter.add.f32 [tilespmem:s11], [sflag:$0xA], $0x80, s24, s31, $0xb8;
	[tilespmem:$0x1A720] =	vst v63  }
0xe1: {  	_ =	swait.ge [sflag:s2], $0xC8  }
0xe2: {  	[sflag:s2] =	ssyncset.done $0x0  }
0xe3: {  	[sflag:s2] =	ssyncadd.s32 $0xFFFFFF38  }
0xe4: {  	_ =	swait.ge [sflag:s0], $0xC8  }
0xe5: {  	[sflag:s0] =	ssyncset.done $0x0  }
0xe6: {  	[sflag:s0] =	ssyncadd.s32 $0xFFFFFF38  }
0xe7: {  	_ =	swait.ge [sflag:s13], $0x1400  }
0xe8: {  	[sflag:s13] =	ssyncset.done $0x0  }
0xe9: {  	s24 =	sor.u32 $0x14000, s23;
	[sflag:s13] =	ssyncadd.s32 $0xFFFFEC00  }
0xea: {  	[tilespmem:s12], [sflag:$0x1] =	stream.indirect.gather [hbm4b:s6+s31], $0x80, s24, s31, $0xb8;
	[tilespmem:$0x1A720] =	vst v63  }
0xeb: {  	_ =	swait.ge [sflag:s14], $0x1400  }
0xec: {  	[sflag:s14] =	ssyncset.done $0x0  }
0xed: {  	s24 =	sadd.s32 $0x14028, s23;
	[sflag:s14] =	ssyncadd.s32 $0xFFFFEC00  }
0xee: {  	[tilespmem:s8], [sflag:$0x2] =	stream.indirect.gather [hbm4b:s6+s31], $0x80, s24, s31, $0xb8;
	[tilespmem:$0x1A720] =	vst v63  }
0xef: {  	_ =	swait.ge [sflag:s15], $0x1400  }
0xf0: {  	[sflag:s15] =	ssyncset.done $0x0  }
0xf1: {  	s24 =	sadd.s32 $0x14050, s23;
	[sflag:s15] =	ssyncadd.s32 $0xFFFFEC00  }
0xf2: {  	[tilespmem:s9], [sflag:$0x3] =	stream.indirect.gather [hbm4b:s6+s31], $0x80, s24, s31, $0xb8;
	[tilespmem:$0x1A720] =	vst v63  }
0xf3: {  	s29 =	smov.u32 s26;
	p0 =	sne.s32 s26, $0x62;
	_ =	swait.ge [sflag:s16], $0x1400  }
0xf4: {  	s28 =	sadd.s32 $0x140A0, s23;
	s23 =	sadd.s32 $0x14078, s23;
	[sflag:s16] =	ssyncset.done $0x0  }
.Ltmp1:
0xf5: {  	s24 =	smin.u32 s29, $0x61;
	[sflag:s16] =	ssyncadd.s32 $0xFFFFEC00;
	(pc) =	sbr.rel @p0 .LBB2_4-.Ltmp1, $4  }
0xf6: {  	[tilespmem:s10], [sflag:$0x4] =	stream.indirect.gather [hbm4b:s6+s31], $0x80, s23, s31, $0xb8;
	[tilespmem:$0x1A720] =	vst v63  }
0xf7: {  	s7 =	smul.u32 $0xC8, s24;
	_ =	swait.ge [sflag:s17], $0x1400  }
0xf8: {  	s26 =	sadd.s32 $0x1, s26;
	s29 =	rddreg [dreg:$0x4]  }
0xf9: {  	s18 =	sor.u32 $0x14000, s18;
	[sflag:s17] =	ssyncset.done $0x0;
	s23 =	sadd.s32 s7, s29  }
0xfa: {  	[sflag:s17] =	ssyncadd.s32 $0xFFFFEC00;
	s7 =	sshrl.u32 s23, $0x3  }
0xfb: {  	[tilespmem:s11], [sflag:$0x5] =	stream.indirect.gather [hbm4b:s6+s31], $0x80, s28, s31, $0xb8;
	[tilespmem:$0x1A720] =	vst v63  }
0xfc: {  	s23 =	sadd.s32 s1, s7  }
0xfd: {  	[tilespmem:s18], [sflag:$0xB] =	stream.linear.gather [hbm4b:s23+s4], $0xC8, $0x38;
	[tilespmem:$0x1A720] =	vst v63  }
0xfe: {  	s7 =	sadd.s32 s5, s7  }
0xff: {  	[tilespmem:s25], [sflag:$0xC] =	stream.linear.gather [hbm4b:s7+s4], $0xC8, $0x38;
	[tilespmem:$0x1A720] =	vst v63  }
0x100: {  	_ =	swait.ge [sflag:s19], $0x1400  }
0x101: {  	[sflag:s19] =	ssyncset.done $0x0  }
0x102: {  	s26 =	simm.s32 $0x14258;
	[sflag:s19] =	ssyncadd.s32 $0xFFFFEC00  }
0x103: {  	[spmem:s3] =	stream.indirect.scatter.add.f32 [tilespmem:s12], [sflag:$0x6], $0x80, s26, s31, $0xb8;
	[tilespmem:$0x1A720] =	vst v63  }
0x104: {  	_ =	swait.ge [sflag:s20], $0x1400  }
0x105: {  	[sflag:s20] =	ssyncset.done $0x0  }
0x106: {  	s29 =	simm.s32 $0x14280;
	[sflag:s20] =	ssyncadd.s32 $0xFFFFEC00  }
0x107: {  	[spmem:s3] =	stream.indirect.scatter.add.f32 [tilespmem:s8], [sflag:$0x7], $0x80, s29, s31, $0xb8;
	[tilespmem:$0x1A720] =	vst v63  }
0x108: {  	_ =	swait.ge [sflag:s21], $0x1400  }
0x109: {  	[sflag:s21] =	ssyncset.done $0x0  }
0x10a: {  	s18 =	simm.s32 $0x142A8;
	[sflag:s21] =	ssyncadd.s32 $0xFFFFEC00  }
0x10b: {  	[spmem:s3] =	stream.indirect.scatter.add.f32 [tilespmem:s9], [sflag:$0x8], $0x80, s18, s31, $0xb8;
	[tilespmem:$0x1A720] =	vst v63  }
0x10c: {  	_ =	swait.ge [sflag:s22], $0x1400  }
0x10d: {  	[sflag:s22] =	ssyncset.done $0x0  }
0x10e: {  	s23 =	simm.s32 $0x142D0;
	[sflag:s22] =	ssyncadd.s32 $0xFFFFEC00  }
0x10f: {  	[spmem:s3] =	stream.indirect.scatter.add.f32 [tilespmem:s10], [sflag:$0x9], $0x80, s23, s31, $0xb8;
	[tilespmem:$0x1A720] =	vst v63  }
0x110: {  	_ =	swait.ge [sflag:s30], $0x1400  }
0x111: {  	[sflag:s30] =	ssyncset.done $0x0  }
0x112: {  	s24 =	simm.s32 $0x142F8;
	[sflag:s30] =	ssyncadd.s32 $0xFFFFEC00  }
0x113: {  	[spmem:s3] =	stream.indirect.scatter.add.f32 [tilespmem:s11], [sflag:$0xA], $0x80, s24, s31, $0xb8;
	[tilespmem:$0x1A720] =	vst v63  }
0x114: {  	_ =	swait.ge [sflag:s2], $0xC8  }
0x115: {  	[sflag:s2] =	ssyncset.done $0x0  }
0x116: {  	[sflag:s2] =	ssyncadd.s32 $0xFFFFFF38  }
0x117: {  	_ =	swait.ge [sflag:s0], $0xC8  }
0x118: {  	[sflag:s0] =	ssyncset.done $0x0  }
0x119: {  	[sflag:s0] =	ssyncadd.s32 $0xFFFFFF38  }
0x11a: {  	_ =	swait.ge [sflag:s13], $0x1400  }
0x11b: {  	[sflag:s13] =	ssyncset.done $0x0  }
0x11c: {  	[sflag:s13] =	ssyncadd.s32 $0xFFFFEC00  }
0x11d: {  	_ =	swait.ge [sflag:s14], $0x1400  }
0x11e: {  	[sflag:s14] =	ssyncset.done $0x0  }
0x11f: {  	[sflag:s14] =	ssyncadd.s32 $0xFFFFEC00  }
0x120: {  	_ =	swait.ge [sflag:s15], $0x1400  }
0x121: {  	[sflag:s15] =	ssyncset.done $0x0  }
0x122: {  	[sflag:s15] =	ssyncadd.s32 $0xFFFFEC00  }
0x123: {  	_ =	swait.ge [sflag:s16], $0x1400  }
0x124: {  	[sflag:s16] =	ssyncset.done $0x0  }
0x125: {  	[sflag:s16] =	ssyncadd.s32 $0xFFFFEC00  }
0x126: {  	_ =	swait.ge [sflag:s17], $0x1400  }
0x127: {  	[sflag:s17] =	ssyncset.done $0x0  }
0x128: {  	[sflag:s17] =	ssyncadd.s32 $0xFFFFEC00  }
0x129: {  	s25 =	stileid.u32;
	[bflag:$0x0] =	sbarrier.arrive $0xFFFF  }
0x12a: {  	s7 =	sshll.u32 s25, $0x6;
	s25 =	simm.s32 $0xD;
	s24 =	rddreg [dreg:$0x5]  }
0x12b: {  	s7 =	sor.u32 $0x1C0D, s7;
	s29 =	rddreg [dreg:$0x16];
	s28 =	sshrl.u32 s24, $0x3  }
0x12c: {  	[hbm:s29], [sflag:s7] =	dma.local [spmem:s28], $0x2800  }
0x12d: {  	_ =	swait.ge [sflag:s25], $0x2800  }
0x12e: {  	s28 =	rddreg [dreg:$0x1b]  }
0x12f: {  	s29 =	rddreg [dreg:$0x17];
	s23 =	sadd.s32 $0x1, s28  }
0x130: {  	p0 =	sne.s32 s23, s29  }
.Ltmp2:
0x131: {  	_ = 	snop;
	(pc) =	sbr.rel @p0 .LBB2_1-.Ltmp2, $3  }
0x132: {  	_ =	sdelay $0x1  }
0x133: {  	[sflag:s25] =	ssyncset.done $0x0  }
0x134: {  	[sflag:s25] =	ssyncadd.s32 $0xFFFFD800;
	s25 =	simm.s32 $0x14000  }
0x135: {  	_ =	sfence.sel $0x180000  }
0x136: {  	[bflag:$0x0] =	sbarrier.arrive $0xFFFF  }
0x137: {  	_ =	strace $0x9000004A  }
0x138: {  	s0 =	stileid.u32;
	[bflag:$0x2] =	sbarrier.arrive $0xFFFF  }
0x139: {  	p0 =	sne.s32 s0, $0x0;
	s0 =	rddreg [dreg:$0x3]  }
0x13a: {  	s0 =	sadd.s32 @!p0 $0x100000, s0  }
0x13b: {  	[sflag:s0] =	ssyncadd.tile.s32 @!p0 $0x1;
	_ =	shalt  }
.Lfunc_end2:
_tile_overlayer_lowered:
.L_overlay_start_2:
0x13c: {  	(tag) =	ssettag $0x2  }
0x13d: {  	s0 =	rddreg [dreg:$0x0];
	s2 =	stileid.u32  }
0x13e: {  	s1 =	rddreg [dreg:$0x1];
	p0 =	sne.s32 s2, $0x0  }
0x13f: {  	s3 =	rddreg [dreg:$0x2];
	[bflag:$0x3] =	sbarrier.arrive $0xFFFF;
	s2 =	simm.s32 @!p0 $0x1C0D  }
0x140: {  	[timem:s3], [sflag:s2] =	dma.local @!p0 [hbm:s0], s1  }
0x141: {  	s0 =	simm.s32 @!p0 $0xD  }
0x142: {  	_ =	swait.ge @!p0 [sflag:s0], s1  }
0x143: {  	s1 =	ssub.s32 @!p0 $0x0, s1;
	[sflag:s0] =	ssyncset.done @!p0 $0x0  }
0x144: {  	[sflag:s0] =	ssyncadd.s32 @!p0 s1  }
0x145: {  	[bflag:$0x3] =	sbarrier.arrive $0xFFFF  }
0x146: {  	_ =	shalt  }

// kernel: kernel.17.cloned.1.call-start
scs
__scs_entry_jumppad:
0x0: {  	(pc) =	sbr.rel $0x88, $3  }
0x1: {  	(tag) =	ssettag $0x0;
	lr =	simm.s32 $0x1  }
0x2: {  	[smem:$0x3F96] =	sst lr;
	_ =	strace $0xD0000000  }
0x3: {  	_ = 	snop  }
0x4: {  	_ = 	snop  }
0x5: {  	_ = 	snop  }
0x6: {  	_ = 	snop  }
0x7: {  	_ = 	snop  }
__scs_overlays_trampoline_lowered:
0x8: {  	[smem:$0x3FA5] =	sst s0  }
0x9: {  	[smem:$0x3FA6] =	sst s1  }
0xa: {  	[smem:$0x3FA7] =	sst s2  }
0xb: {  	[smem:$0x3FA8] =	sst s3  }
0xc: {  	[smem:$0x3FA9] =	sst s4  }
0xd: {  	[smem:$0x3FAA] =	sst s5  }
0xe: {  	[smem:$0x3FAB] =	sst s6  }
0xf: {  	[smem:$0x3FAC] =	sst s7  }
0x10: {  	[smem:$0x3FAD] =	sst s8  }
0x11: {  	[smem:$0x3FAE] =	sst s9;
	s0 =	simm.s32 @!p0 $0x0  }
0x12: {  	s1 =	sld [smem:$0x3F94];
	s0 =	simm.s32 @p0 $0x1  }
0x13: {  	[smem:$0x3FAF] =	sst s0;
	s0 =	simm.s32 @!p1 $0x0  }
0x14: {  	s2 =	sld [smem:$0x3F93];
	s0 =	simm.s32 @p1 $0x1  }
0x15: {  	[smem:$0x3FB0] =	sst s0;
	s0 =	simm.s32 @!p2 $0x0  }
0x16: {  	s3 =	sld [smem:$0x3FDB];
	s0 =	simm.s32 @p2 $0x1  }
0x17: {  	s4 =	simm.s32 $0x1BF5;
	[smem:$0x3FB2] =	sst s0  }
0x18: {  	s0 =	sld [smem:$0x3F95];
	_ =	swait.ge [sflag:s4], $0x0  }
0x19: {  	s7 =	sld [smem:$0x3F96]  }
0x1a: {  	s8 =	sadd.s32 $0xFFFFE003, lr  }
0x1b: {  	s9 =	sadd.s32 $0xFFFFFEF7, lr;
	s5 =	simm.s32 $0xFFFFFFFF;
	p2 =	slt.u32 s8, $0xFFFFF086  }
0x1c: {  	p1 =	slt.u32 s9, $0xF7A;
	s5 =	simm.s32 @!p2 $0x0  }
0x1d: {  	s5 =	simm.s32 @p1 $0x1;
	p0 =	seq.s32 s7, s2  }
0x1e: {  	s7 =	smul.u32 @!p0 $0xF7A, s2;
	p2 =	seq.s32 @!p0 s5, $0x0  }
0x1f: {  	s9 =	smul.u32 $0xF7A, s1;
	s8 =	simm.s32 @!p0 $0x1BF5;
	p2 =	por !p2, p0  }
0x20: {  	[sflag:s8] =	ssyncset.s32 @!p0 $0xFFFFF086;
	s6 =	sadd.s32 @!p0 s3, s7;
	s7 =	simm.s32 @!p0 $0x108  }
0x21: {  	s3 =	sadd.s32 s3, s9;
	s6 =	sadd.s32 @!p0 $0x88, s6;
	s7 =	simm.s32 @p2 $0x1082  }
0x22: {  	[simem:s7], [sflag:s8] =	dma.local @!p0 [hbm:s6], $0xF7A  }
0x23: {  	s9 =	sor.u32 $0xD0000000, s2;
	s6 =	simm.s32 $0x108;
	_ =	swait.ge @!p0 [sflag:s8], $0x0  }
0x24: {  	s3 =	sadd.s32 $0x88, s3;
	s6 =	simm.s32 @!p1 $0x1082;
	[sflag:s4] =	ssyncset.s32 $0xFFFFF086  }
0x25: {  	[simem:s6], [sflag:s4] =	dma.local [hbm:s3], $0xF7A  }
0x26: {  	[smem:$0x3F96] =	sst s1;
	(tag) =	ssettag s2;
	_ =	strace s9  }
0x27: {  	s1 =	sld [smem:$0x3FA6]  }
0x28: {  	s2 =	sld [smem:$0x3FA7]  }
0x29: {  	s4 =	sld [smem:$0x3FA9]  }
0x2a: {  	p0 =	seq.s32 s5, $0x0;
	s5 =	sld [smem:$0x3FAA]  }
0x2b: {  	s6 =	sld [smem:$0x3FAB]  }
0x2c: {  	s7 =	sld [smem:$0x3FAC]  }
0x2d: {  	s3 =	simm.s32 $0x108;
	s8 =	sld [smem:$0x3FAD]  }
0x2e: {  	s3 =	simm.s32 @!p0 $0x1082;
	s9 =	sld [smem:$0x3FAE]  }
0x2f: {  	lr =	sadd.s32 s0, s3;
	s0 =	sld [smem:$0x3FA5]  }
0x30: {  	s3 =	sld [smem:$0x3FA8]  }
0x31: {  	[smem:$0x3FB1] =	sst s10  }
0x32: {  	s10 =	sld [smem:$0x3FAF];
	_ =	sdelay $0x3  }
0x33: {  	p0 =	seq.s32 s10, $0x1;
	s10 =	sld [smem:$0x3FB1];
	_ =	sdelay $0x3  }
0x34: {  	[smem:$0x3FB1] =	sst s10  }
0x35: {  	s10 =	sld [smem:$0x3FB0];
	_ =	sdelay $0x3  }
0x36: {  	p1 =	seq.s32 s10, $0x1;
	s10 =	sld [smem:$0x3FB1];
	_ =	sdelay $0x3  }
0x37: {  	[smem:$0x3FB1] =	sst s10  }
0x38: {  	s10 =	sld [smem:$0x3FB2]  }
0x39: {  	_ = 	snop;
	(pc) =	sbr.ind lr, $3  }
0x3a: {  	_ = 	snop  }
0x3b: {  	_ = 	snop  }
0x3c: {  	p2 =	seq.s32 s10, $0x1;
	s10 =	sld [smem:$0x3FB1]  }
0x3d: {  	_ =	shalt  }
0x3e: {  	_ =	shalt  }
0x3f: {  	_ =	shalt  }
0x40: {  	_ =	shalt  }
0x41: {  	_ =	shalt  }
0x42: {  	_ =	shalt  }
0x43: {  	_ =	shalt  }
0x44: {  	_ =	shalt  }
0x45: {  	_ =	shalt  }
0x46: {  	_ =	shalt  }
0x47: {  	_ =	shalt  }
0x48: {  	_ =	shalt  }
0x49: {  	_ =	shalt  }
0x4a: {  	_ =	shalt  }
0x4b: {  	_ =	shalt  }
0x4c: {  	_ =	shalt  }
0x4d: {  	_ =	shalt  }
0x4e: {  	_ =	shalt  }
0x4f: {  	_ =	shalt  }
0x50: {  	_ =	shalt  }
0x51: {  	_ =	shalt  }
0x52: {  	_ =	shalt  }
0x53: {  	_ =	shalt  }
0x54: {  	_ =	shalt  }
0x55: {  	_ =	shalt  }
0x56: {  	_ =	shalt  }
0x57: {  	_ =	shalt  }
0x58: {  	_ =	shalt  }
0x59: {  	_ =	shalt  }
0x5a: {  	_ =	shalt  }
0x5b: {  	_ =	shalt  }
0x5c: {  	_ =	shalt  }
0x5d: {  	_ =	shalt  }
0x5e: {  	_ =	shalt  }
0x5f: {  	_ =	shalt  }
0x60: {  	_ =	shalt  }
0x61: {  	_ =	shalt  }
0x62: {  	_ =	shalt  }
0x63: {  	_ =	shalt  }
0x64: {  	_ =	shalt  }
0x65: {  	_ =	shalt  }
0x66: {  	_ =	shalt  }
0x67: {  	_ =	shalt  }
0x68: {  	_ =	shalt  }
0x69: {  	_ =	shalt  }
0x6a: {  	_ =	shalt  }
0x6b: {  	_ =	shalt  }
0x6c: {  	_ =	shalt  }
0x6d: {  	_ =	shalt  }
0x6e: {  	_ =	shalt  }
0x6f: {  	_ =	shalt  }
0x70: {  	_ =	shalt  }
0x71: {  	_ =	shalt  }
0x72: {  	_ =	shalt  }
0x73: {  	_ =	shalt  }
0x74: {  	_ =	shalt  }
0x75: {  	_ =	shalt  }
0x76: {  	_ =	shalt  }
0x77: {  	_ =	shalt  }
0x78: {  	_ =	shalt  }
0x79: {  	_ =	shalt  }
0x7a: {  	_ =	shalt  }
0x7b: {  	_ =	shalt  }
0x7c: {  	_ =	shalt  }
0x7d: {  	_ =	shalt  }
0x7e: {  	_ =	shalt  }
0x7f: {  	_ =	shalt  }
0x80: {  	_ =	shalt  }
0x81: {  	_ =	shalt  }
0x82: {  	_ =	shalt  }
0x83: {  	_ =	shalt  }
0x84: {  	_ =	shalt  }
0x85: {  	_ =	shalt  }
0x86: {  	_ =	shalt  }
0x87: {  	_ =	shalt  }
.Lfunc_end0:
.L_simem_size_0:
called_computation.2_lowered:
.L_overlay_start_0:
0x88: {  	s2 =	sld [smem:$0x3FD9]  }
0x89: {  	s3 =	sld [smem:$0x3FFE];
	_ =	sdelay $0x1  }
0x8a: {  	s1 =	srdreg.scid  }
0x8b: {  	s0 =	sand.u32 $0x1, s1  }
0x8c: {  	s16 =	sshll.u32 s0, $0xA;
	s2 =	sadd.s32 s3, s2  }
0x8d: {  	s2 =	sadd.s32 s2, s16  }
0x8e: {  	[smem:$0x3FBD] =	sst s2  }
0x8f: {  	_ = 	snop  }
0x90: {  	(tm) =	ssettm $0x1  }
0x91: {  	s17 =	sld [smem:$0x3FFB];
	_ =	sdelay $0x3  }
0x92: {  	_ =	strace s17  }
0x93: {  	s2 =	sld [smem:$0x3FFC];
	_ =	sdelay $0x3  }
0x94: {  	_ =	strace s2  }
0x95: {  	s2 =	sld [smem:$0x3FFD];
	_ =	sdelay $0x3  }
0x96: {  	_ =	strace s2  }
0x97: {  	_ =	strace $0x8FFFFFFF  }
0x98: {  	s18 =	sld [smem:$0x3FDB];
	_ =	sdelay $0x1  }
0x99: {  	s19 =	simm.s32 $_scs_section_size  }
0x9a: {  	s4 =	simm.s32 $_size__tile_overlayer_lowered;
	s5 =	simm.s32 $_tile_overlayer_lowered  }
0x9b: {  	s22 =	simm.s32 $0x1BFF;
	s21 =	sshll.u32 s5, $0x1;
	s2 =	sadd.s32 s19, s18  }
0x9c: {  	s6 =	simm.s32 $0x0;
	s20 =	sshll.u32 s4, $0x1;
	s4 =	sadd.s32 s21, s2  }
0x9d: {  	[timem:s6], [sflag:s22] =	dma.local [hbm:s4], s20  }
0x9e: {  	_ =	swait.ge [sflag:s22], s20  }
0x9f: {  	s3 =	ssub.s32 $0x0, s20;
	[sflag:s22] =	ssyncset.done $0x0  }
0xa0: {  	[sflag:s22] =	ssyncadd.s32 s3;
	_ =	sdelay $0x1  }
0xa1: {  	s23 =	simm.s32 $0x1B8B  }
0xa2: {  	_ =	swait.ge [sflag:s23], $0x1  }
0xa3: {  	[sflag:s23] =	ssyncset.done $0x0  }
0xa4: {  	s25 =	simm.s32 $0x1B8E;
	s24 =	sld [smem:$0x3FFE];
	[sflag:s23] =	ssyncadd.s32 $0xFFFFFFFF  }
0xa5: {  	s26 =	simm.s32 $execute0_lowered;
	[smem:$0x3FD2] =	sst s25  }
0xa6: {  	s4 =	sshll.u32 s26, $0x1;
	_ =	strace $0x8000004C;
	[dreg:$0x1] =	wrdreg $0xFFFFFFFF  }
0xa7: {  	s28 =	simm.s32 $_size_execute0_lowered;
	s2 =	sadd.s32 s2, s4;
	[dreg:$0x0] =	wrdreg $0x0  }
0xa8: {  	s4 =	sshll.u32 s28, $0x1;
	[dreg:$0x2] =	wrdreg s2  }
0xa9: {  	[dreg:$0x3] =	wrdreg s4  }
0xaa: {  	[dreg:$0x4] =	wrdreg $0xC0  }
0xab: {  	_ =	task [dreg:s6], $0x5FFFF  }
0xac: {  	[dreg:$0x1] =	wrdreg $0xFFFFFFFF  }
0xad: {  	[dreg:$0x0] =	wrdreg $0x60  }
0xae: {  	[dreg:$0x2] =	wrdreg s24  }
0xaf: {  	[dreg:$0x3] =	wrdreg $0x0  }
0xb0: {  	[dreg:$0x4] =	wrdreg $0x9  }
0xb1: {  	_ =	task.clear_ibuf [dreg:s6], $0x5FFFF;
	_ =	strace $0x9000004C  }
0xb2: {  	s29 =	simm.s32 $0x9;
	_ =	strace $0x8000004E  }
0xb3: {  	_ =	swait.ge [sflag:s29], $0x1  }
0xb4: {  	[sflag:s29] =	ssyncadd.s32 $0xFFFFFFFF  }
0xb5: {  	_ =	strace $0x9000004E  }
0xb6: {  	_ =	sfence  }
0xb7: {  	s30 =	sld [smem:$0x0];
	_ =	sdelay $0x2  }
0xb8: {  	s31 =	sshll.u32 s1, $0xD;
	s1 =	sshrl.u32 s1, $0x2  }
0xb9: {  	s3 =	sand.u32 $0x4000, s31;
	s1 =	sadd.s32 s1, s30  }
0xba: {  	s0 =	sor.u32 s3, s0;
	s1 =	sshll.u32 s1, $0x11  }
0xbb: {  	s0 =	sor.u32 s1, s0  }
0xbc: {  	s0 =	sadd.s32 $0x8F2B, s0  }
0xbd: {  	[sflag:s0] =	ssyncadd.remote.s32 $0x1  }
0xbe: {  	_ =	sfence.sel $0xFFFF  }
0xbf: {  	[dreg:$0x0] =	wrdreg $0xFFFFFFFF;
	(pc) =	sbr.abs _section_cstart, $3  }
0xc0: {  	[dreg:$0x1] =	wrdreg $0xFFFFFFFF  }
0xc1: {  	_ =	task.clear_ibuf [dreg:s6], $0x2FFFF;
	_ =	strace $0x9FFFFFFF  }
0xc2: {  	(tm) =	ssettm $0x7FFFFFFF  }
0xc3: {  	_ =	shalt  }
tec
execute0_lowered:
.L_overlay_start_1:
0x0: {  	(tag) =	ssettag $0x1  }
0x1: {  	s0 =	rddreg [dreg:$0x0];
	s1 =	srdreg.scid  }
0x2: {  	s10 =	stileid.u32;
	s2 =	rddreg [dreg:$0x1]  }
0x3: {  	s3 =	simm.s32 $0x0;
	s28 =	simm.s32 $0xBA40;
	s6 =	smul.u32 $0x1400, s10  }
0x4: {  	s30 =	simm.s32 $0xCE40;
	s29 =	simm.s32 $0xA640;
	s9 =	smul.u32 $0x2710, s10  }
0x5: {  	s31 =	simm.s32 $0x6;
	s1 =	sand.u32 $0x1, s1;
	s10 =	smul.u32 $0x28000, s10  }
0x6: {  	[smem:$0x7FF] =	sst s3;
	s4 =	sadd.s32 $0xC800, s0;
	s7 =	smul.u32 $0x14000, s1  }
0x7: {  	s5 =	sadd.s32 $0x2A00, s0;
	s8 =	smul.u32 $0x27100, s1;
	s1 =	ssub.s32 $0x2, s1  }
0x8: {  	_ =	strace $0x8000004D;
	s26 =	sshrl.u32 s1, $0x1;
	s11 =	sshrl.u32 s10, $0x2  }
0x9: {  	s10 =	simm.s32 $0xA;
	s7 =	sadd.s32 s6, s7;
	s6 =	sadd.s32 $0x64800, s0  }
0xa: {  	s8 =	sadd.s32 s9, s8;
	s1 =	ssub.s32 s1, s26;
	s17 =	sadd.s32 s11, s2  }
0xb: {  	s9 =	simm.s32 $0x9;
	s15 =	sadd.s32 $0x1400, s17;
	[dreg:$0x4] =	wrdreg s17  }
0xc: {  	s11 =	simm.s32 $0x1;
	s16 =	sadd.s32 $0x2800, s17;
	[dreg:$0x7] =	wrdreg s15  }
0xd: {  	s0 =	sadd.s32 s7, s0;
	s18 =	sadd.s32 $0x3C00, s17;
	[dreg:$0x8] =	wrdreg s16  }
0xe: {  	s12 =	sshrl.u32 s8, $0x3;
	s19 =	sadd.s32 $0x5000, s17;
	[dreg:$0x9] =	wrdreg s18  }
0xf: {  	s20 =	sadd.s32 $0x6400, s17;
	s21 =	sadd.s32 $0x7800, s17;
	[dreg:$0xa] =	wrdreg s19  }
0x10: {  	s23 =	sadd.s32 $0x8C00, s17;
	s8 =	sadd.s32 $0x320, s8;
	[dreg:$0xb] =	wrdreg s20  }
0x11: {  	s26 =	smax.u32 s1, $0x1;
	s1 =	simm.s32 $0xE240;
	[dreg:$0xc] =	wrdreg s21  }
0x12: {  	s13 =	sadd.s32 s4, s12;
	s14 =	sadd.s32 s5, s12;
	[dreg:$0xd] =	wrdreg s23  }
0x13: {  	s22 =	sadd.s32 $0x32, s12;
	[dreg:$0x3] =	wrdreg s8;
	s0 =	sadd.s32 $0x78800, s0  }
0x14: {  	[dreg:$0x11] =	wrdreg s26;
	s20 =	simm.s32 $0xA000;
	s19 =	simm.s32 $0xA320  }
0x15: {  	s23 =	simm.s32 $0xB;
	s26 =	simm.s32 $0xF640;
	s8 =	simm.s32 $0x8  }
0x16: {  	s12 =	simm.s32 $0x2;
	s15 =	simm.s32 $0x5;
	[dreg:$0x5] =	wrdreg s13  }
0x17: {  	s18 =	simm.s32 $0x0;
	[dreg:$0x6] =	wrdreg s14;
	s24 =	sadd.s32 s4, s22  }
0x18: {  	s25 =	sadd.s32 s5, s22;
	[dreg:$0x10] =	wrdreg s0;
	s0 =	simm.s32 $0x7  }
0x19: {  	s13 =	simm.s32 $0x3;
	s14 =	simm.s32 $0x4;
	[dreg:$0xe] =	wrdreg s24  }
0x1a: {  	v0 =	vimm.f32 $0.0e+00;
	[dreg:$0xf] =	wrdreg s25;
	s24 =	simm.s32 $0xC;
	s25 =	simm.s32 $0x50  }
.LBB2_1:
0x1b: {  	[dreg:$0x12] =	wrdreg s18  }
0x1c: {  	s7 =	rddreg [dreg:$0x5]  }
0x1d: {  	[tilespmem:s20], [sflag:$0xB] =	stream.linear.gather [hbm4b:s7+s3], $0x190, $0x38;
	[tilespmem:$0x10A40] =	vst v63  }
0x1e: {  	s22 =	rddreg [dreg:$0x6];
	s18 =	simm.s32 $0x100;
	s16 =	simm.s32 $0x0  }
0x1f: {  	[tilespmem:s19], [sflag:$0xC] =	stream.linear.gather [hbm4b:s22+s3], $0x190, $0x38;
	[tilespmem:$0x10A40] =	vst v63  }
.LBB2_2:
0x20: {  	p0 =	sne.s32 s18, $0x4F00;
	[tilespmem:s16+$0xA670] =	vst v0;
	s19 =	smov.u32 s18;
	s18 =	sadd.s32 $0x100, s18  }
.Ltmp0:
0x21: {  	[tilespmem:s16+$0xA660] =	vst v0;
	(pc) =	sbr.rel @p0 .LBB2_2-.Ltmp0, $3  }
0x22: {  	[tilespmem:s16+$0xA640] =	vst v0  }
0x23: {  	[tilespmem:s16+$0xA650] =	vst v0;
	_ =	sdelay $0x1  }
0x24: {  	s16 =	sshra.s32 s19, $0x2  }
0x25: {  	[tilespmem:s16+$0xA670] =	vst v0  }
0x26: {  	[tilespmem:s16+$0xA660] =	vst v0  }
0x27: {  	[tilespmem:s16+$0xA640] =	vst v0  }
0x28: {  	[tilespmem:s16+$0xA650] =	vst v0  }
0x29: {  	_ =	swait.ge [sflag:s23], $0x190  }
0x2a: {  	[sflag:s23] =	ssyncset.done $0x0  }
0x2b: {  	[sflag:s23] =	ssyncadd.s32 $0xFFFFFE70  }
0x2c: {  	_ =	swait.ge [sflag:s24], $0x190  }
0x2d: {  	[sflag:s24] =	ssyncset.done $0x0  }
0x2e: {  	s7 =	simm.s32 $0xA050;
	[sflag:s24] =	ssyncadd.s32 $0xFFFFFE70  }
0x2f: {  	[tilespmem:s28], [sflag:$0x2] =	stream.indirect.gather [hbm4b:s6+s25], $0x40, s7, s25, $0xb8;
	[tilespmem:$0x10A40] =	vst v63  }
0x30: {  	s21 =	simm.s32 $0xA0A0  }
0x31: {  	[tilespmem:s30], [sflag:$0x3] =	stream.indirect.gather [hbm4b:s6+s25], $0x40, s21, s25, $0xb8;
	[tilespmem:$0x10A40] =	vst v63  }
0x32: {  	s22 =	simm.s32 $0xA0F0  }
0x33: {  	[tilespmem:s1], [sflag:$0x4] =	stream.indirect.gather [hbm4b:s6+s25], $0x40, s22, s25, $0xb8;
	[tilespmem:$0x10A40] =	vst v63  }
0x34: {  	s16 =	simm.s32 $0xA140  }
0x35: {  	[tilespmem:s26], [sflag:$0x5] =	stream.indirect.gather [hbm4b:s6+s25], $0x40, s16, s25, $0xb8;
	[tilespmem:$0x10A40] =	vst v63  }
0x36: {  	_ = 	snop  }
0x37: {  	[spmem:s17] =	stream.linear.scatter [tilespmem:s29], [sflag:$0x6], $0x1400, $0x38;
	[tilespmem:$0x10A40] =	vst v63  }
0x38: {  	s18 =	rddreg [dreg:$0x7]  }
0x39: {  	[spmem:s18] =	stream.linear.scatter [tilespmem:s29], [sflag:$0x7], $0x1400, $0x38;
	[tilespmem:$0x10A40] =	vst v63  }
0x3a: {  	s19 =	rddreg [dreg:$0x8]  }
0x3b: {  	[spmem:s19] =	stream.linear.scatter [tilespmem:s29], [sflag:$0x8], $0x1400, $0x38;
	[tilespmem:$0x10A40] =	vst v63  }
0x3c: {  	s21 =	rddreg [dreg:$0x9]  }
0x3d: {  	[spmem:s21] =	stream.linear.scatter [tilespmem:s29], [sflag:$0x9], $0x1400, $0x38;
	[tilespmem:$0x10A40] =	vst v63  }
0x3e: {  	s22 =	rddreg [dreg:$0xa]  }
0x3f: {  	[spmem:s22] =	stream.linear.scatter [tilespmem:s29], [sflag:$0xA], $0x1400, $0x38;
	[tilespmem:$0x10A40] =	vst v63  }
0x40: {  	s16 =	rddreg [dreg:$0xb]  }
0x41: {  	[spmem:s16] =	stream.linear.scatter [tilespmem:s29], [sflag:$0x6], $0x1400, $0x38;
	[tilespmem:$0x10A40] =	vst v63  }
0x42: {  	s17 =	rddreg [dreg:$0xc]  }
0x43: {  	[spmem:s17] =	stream.linear.scatter [tilespmem:s29], [sflag:$0x7], $0x1400, $0x38;
	[tilespmem:$0x10A40] =	vst v63  }
0x44: {  	s18 =	rddreg [dreg:$0xd]  }
0x45: {  	[spmem:s18] =	stream.linear.scatter [tilespmem:s29], [sflag:$0x8], $0x1400, $0x38;
	[tilespmem:$0x10A40] =	vst v63  }
0x46: {  	_ =	swait.ge [sflag:s31], $0x1400  }
0x47: {  	[sflag:s31] =	ssyncset.done $0x0  }
0x48: {  	[sflag:s31] =	ssyncadd.s32 $0xFFFFEC00  }
0x49: {  	_ =	swait.ge [sflag:s0], $0x1400  }
0x4a: {  	[sflag:s0] =	ssyncset.done $0x0  }
0x4b: {  	[sflag:s0] =	ssyncadd.s32 $0xFFFFEC00  }
0x4c: {  	_ =	swait.ge [sflag:s8], $0x1400  }
0x4d: {  	[sflag:s8] =	ssyncset.done $0x0  }
0x4e: {  	[sflag:s8] =	ssyncadd.s32 $0xFFFFEC00  }
0x4f: {  	_ =	swait.ge [sflag:s9], $0x1400  }
0x50: {  	[sflag:s9] =	ssyncset.done $0x0  }
0x51: {  	[sflag:s9] =	ssyncadd.s32 $0xFFFFEC00  }
0x52: {  	_ =	swait.ge [sflag:s10], $0x1400  }
0x53: {  	[sflag:s10] =	ssyncset.done $0x0  }
0x54: {  	[sflag:s10] =	ssyncadd.s32 $0xFFFFEC00  }
0x55: {  	_ =	swait.ge [sflag:s31], $0x1400  }
0x56: {  	[sflag:s31] =	ssyncset.done $0x0  }
0x57: {  	[sflag:s31] =	ssyncadd.s32 $0xFFFFEC00  }
0x58: {  	_ =	swait.ge [sflag:s0], $0x1400  }
0x59: {  	[sflag:s0] =	ssyncset.done $0x0  }
0x5a: {  	[sflag:s0] =	ssyncadd.s32 $0xFFFFEC00  }
0x5b: {  	_ =	swait.ge [sflag:s8], $0x1400  }
0x5c: {  	[sflag:s8] =	ssyncset.done $0x0  }
0x5d: {  	[sflag:s8] =	ssyncadd.s32 $0xFFFFEC00  }
0x5e: {  	[tilespmem:s29], [sflag:$0x1] =	stream.indirect.gather [hbm4b:s6+s25], $0x40, s20, s25, $0xb8;
	[tilespmem:$0x10A40] =	vst v63  }
0x5f: {  	s16 =	simm.s32 $0x0;
	s19 =	rddreg [dreg:$0xe];
	s20 =	simm.s32 $0xA190  }
0x60: {  	[tilespmem:s20], [sflag:$0xB] =	stream.linear.gather [hbm4b:s19+s16], $0x190, $0x38;
	[tilespmem:$0x10A40] =	vst v63  }
0x61: {  	s22 =	simm.s32 $0xA4B0;
	s21 =	rddreg [dreg:$0xf]  }
0x62: {  	[tilespmem:s22], [sflag:$0xC] =	stream.linear.gather [hbm4b:s21+s16], $0x190, $0x38;
	[tilespmem:$0x10A40] =	vst v63  }
0x63: {  	s18 =	sand.u32 $0x1, s16;
	[bflag:$0x0] =	sbarrier.arrive $0xFFFF  }
0x64: {  	s20 =	smul.u32 $0x190, s18;
	_ =	swait.ge [sflag:s11], $0x1400  }
0x65: {  	[sflag:s11] =	ssyncset.done $0x0  }
0x66: {  	s21 =	sadd.s32 $0xA320, s20;
	[sflag:s11] =	ssyncadd.s32 $0xFFFFEC00  }
0x67: {  	[spmem:s2] =	stream.indirect.scatter.add.f32 [tilespmem:s29], [sflag:$0x6], $0x40, s21, s25, $0xb8;
	[tilespmem:$0x10A40] =	vst v63  }
0x68: {  	_ =	swait.ge [sflag:s12], $0x1400  }
0x69: {  	[sflag:s12] =	ssyncset.done $0x0  }
0x6a: {  	s19 =	sadd.s32 $0xA370, s20;
	[sflag:s12] =	ssyncadd.s32 $0xFFFFEC00  }
0x6b: {  	[spmem:s2] =	stream.indirect.scatter.add.f32 [tilespmem:s28], [sflag:$0x7], $0x40, s19, s25, $0xb8;
	[tilespmem:$0x10A40] =	vst v63  }
0x6c: {  	_ =	swait.ge [sflag:s13], $0x1400  }
0x6d: {  	[sflag:s13] =	ssyncset.done $0x0  }
0x6e: {  	s17 =	sadd.s32 $0xA3C0, s20;
	[sflag:s13] =	ssyncadd.s32 $0xFFFFEC00  }
0x6f: {  	[spmem:s2] =	stream.indirect.scatter.add.f32 [tilespmem:s30], [sflag:$0x8], $0x40, s17, s25, $0xb8;
	[tilespmem:$0x10A40] =	vst v63  }
0x70: {  	_ =	swait.ge [sflag:s14], $0x1400  }
0x71: {  	[sflag:s14] =	ssyncset.done $0x0  }
0x72: {  	s22 =	sadd.s32 $0xA410, s20;
	[sflag:s14] =	ssyncadd.s32 $0xFFFFEC00  }
0x73: {  	[spmem:s2] =	stream.indirect.scatter.add.f32 [tilespmem:s1], [sflag:$0x9], $0x40, s22, s25, $0xb8;
	[tilespmem:$0x10A40] =	vst v63  }
0x74: {  	_ =	swait.ge [sflag:s15], $0x1400  }
0x75: {  	[sflag:s15] =	ssyncset.done $0x0  }
0x76: {  	s7 =	sadd.s32 $0xA460, s20;
	[sflag:s15] =	ssyncadd.s32 $0xFFFFEC00  }
0x77: {  	[spmem:s2] =	stream.indirect.scatter.add.f32 [tilespmem:s26], [sflag:$0xA], $0x40, s7, s25, $0xb8;
	[tilespmem:$0x10A40] =	vst v63  }
0x78: {  	_ =	swait.ge [sflag:s23], $0x190  }
0x79: {  	[sflag:s23] =	ssyncset.done $0x0  }
0x7a: {  	[sflag:s23] =	ssyncadd.s32 $0xFFFFFE70  }
0x7b: {  	_ =	swait.ge [sflag:s24], $0x190  }
0x7c: {  	s18 =	sxor.u32 $0x1, s18;
	[sflag:s24] =	ssyncset.done $0x0  }
0x7d: {  	s18 =	smul.u32 $0x640, s18;
	[sflag:s24] =	ssyncadd.s32 $0xFFFFFE70  }
0x7e: {  	_ =	swait.ge [sflag:s31], $0x1400  }
0x7f: {  	s18 =	sshrl.u32 s18, $0x2;
	[sflag:s31] =	ssyncset.done $0x0  }
0x80: {  	s17 =	sor.u32 $0xA000, s18;
	[sflag:s31] =	ssyncadd.s32 $0xFFFFEC00  }
0x81: {  	[tilespmem:s29], [sflag:$0x1] =	stream.indirect.gather [hbm4b:s6+s25], $0x40, s17, s25, $0xb8;
	[tilespmem:$0x10A40] =	vst v63  }
0x82: {  	_ =	swait.ge [sflag:s0], $0x1400  }
0x83: {  	[sflag:s0] =	ssyncset.done $0x0  }
0x84: {  	s22 =	sadd.s32 $0xA050, s18;
	[sflag:s0] =	ssyncadd.s32 $0xFFFFEC00  }
0x85: {  	[tilespmem:s28], [sflag:$0x2] =	stream.indirect.gather [hbm4b:s6+s25], $0x40, s22, s25, $0xb8;
	[tilespmem:$0x10A40] =	vst v63  }
0x86: {  	_ =	swait.ge [sflag:s8], $0x1400  }
0x87: {  	[sflag:s8] =	ssyncset.done $0x0  }
0x88: {  	s7 =	sadd.s32 $0xA0A0, s18;
	[sflag:s8] =	ssyncadd.s32 $0xFFFFEC00  }
0x89: {  	[tilespmem:s30], [sflag:$0x3] =	stream.indirect.gather [hbm4b:s6+s25], $0x40, s7, s25, $0xb8;
	[tilespmem:$0x10A40] =	vst v63  }
0x8a: {  	_ =	swait.ge [sflag:s9], $0x1400  }
0x8b: {  	[sflag:s9] =	ssyncset.done $0x0  }
0x8c: {  	s16 =	smin.u32 s16, $0x16;
	s17 =	sadd.s32 $0xA0F0, s18;
	[sflag:s9] =	ssyncadd.s32 $0xFFFFEC00  }
0x8d: {  	[tilespmem:s1], [sflag:$0x4] =	stream.indirect.gather [hbm4b:s6+s25], $0x40, s17, s25, $0xb8;
	[tilespmem:$0x10A40] =	vst v63  }
0x8e: {  	s16 =	smul.u32 $0x190, s16;
	_ =	swait.ge [sflag:s10], $0x1400  }
0x8f: {  	s18 =	sadd.s32 $0xA140, s18;
	s22 =	rddreg [dreg:$0x3];
	[sflag:s10] =	ssyncset.done $0x0  }
0x90: {  	s19 =	sadd.s32 s16, s22;
	s22 =	simm.s32 $0x1;
	s16 =	sor.u32 $0xA000, s20  }
.LBB2_4:
0x91: {  	[sflag:s10] =	ssyncadd.s32 $0xFFFFEC00;
	s7 =	sshrl.u32 s19, $0x3  }
0x92: {  	[tilespmem:s26], [sflag:$0x5] =	stream.indirect.gather [hbm4b:s6+s25], $0x40, s18, s25, $0xb8;
	[tilespmem:$0x10A40] =	vst v63  }
0x93: {  	s17 =	sadd.s32 s4, s7  }
0x94: {  	[tilespmem:s16], [sflag:$0xB] =	stream.linear.gather [hbm4b:s17+s3], $0x190, $0x38;
	[tilespmem:$0x10A40] =	vst v63  }
0x95: {  	s20 =	sand.u32 $0x1, s22;
	s7 =	sadd.s32 s5, s7  }
0x96: {  	[tilespmem:s21], [sflag:$0xC] =	stream.linear.gather [hbm4b:s7+s3], $0x190, $0x38;
	[tilespmem:$0x10A40] =	vst v63  }
0x97: {  	s18 =	sxor.u32 $0x1, s20;
	s20 =	smul.u32 $0x190, s20;
	_ =	swait.ge [sflag:s11], $0x1400  }
0x98: {  	[sflag:s11] =	ssyncset.done $0x0  }
0x99: {  	s21 =	sadd.s32 $0xA320, s20;
	[sflag:s11] =	ssyncadd.s32 $0xFFFFEC00  }
0x9a: {  	[spmem:s2] =	stream.indirect.scatter.add.f32 [tilespmem:s29], [sflag:$0x6], $0x40, s21, s25, $0xb8;
	[tilespmem:$0x10A40] =	vst v63  }
0x9b: {  	_ =	swait.ge [sflag:s12], $0x1400  }
0x9c: {  	[sflag:s12] =	ssyncset.done $0x0  }
0x9d: {  	s17 =	sadd.s32 $0xA370, s20;
	[sflag:s12] =	ssyncadd.s32 $0xFFFFEC00  }
0x9e: {  	[spmem:s2] =	stream.indirect.scatter.add.f32 [tilespmem:s28], [sflag:$0x7], $0x40, s17, s25, $0xb8;
	[tilespmem:$0x10A40] =	vst v63  }
0x9f: {  	_ =	swait.ge [sflag:s13], $0x1400  }
0xa0: {  	[sflag:s13] =	ssyncset.done $0x0  }
0xa1: {  	s17 =	sadd.s32 $0xA3C0, s20;
	[sflag:s13] =	ssyncadd.s32 $0xFFFFEC00  }
0xa2: {  	[spmem:s2] =	stream.indirect.scatter.add.f32 [tilespmem:s30], [sflag:$0x8], $0x40, s17, s25, $0xb8;
	[tilespmem:$0x10A40] =	vst v63  }
0xa3: {  	_ =	swait.ge [sflag:s14], $0x1400  }
0xa4: {  	[sflag:s14] =	ssyncset.done $0x0  }
0xa5: {  	s17 =	sadd.s32 $0xA410, s20;
	[sflag:s14] =	ssyncadd.s32 $0xFFFFEC00  }
0xa6: {  	[spmem:s2] =	stream.indirect.scatter.add.f32 [tilespmem:s1], [sflag:$0x9], $0x40, s17, s25, $0xb8;
	[tilespmem:$0x10A40] =	vst v63  }
0xa7: {  	_ =	swait.ge [sflag:s15], $0x1400  }
0xa8: {  	[sflag:s15] =	ssyncset.done $0x0  }
0xa9: {  	s17 =	sadd.s32 $0xA460, s20;
	[sflag:s15] =	ssyncadd.s32 $0xFFFFEC00  }
0xaa: {  	[spmem:s2] =	stream.indirect.scatter.add.f32 [tilespmem:s26], [sflag:$0xA], $0x40, s17, s25, $0xb8;
	[tilespmem:$0x10A40] =	vst v63  }
0xab: {  	_ =	swait.ge [sflag:s23], $0x190  }
0xac: {  	[sflag:s23] =	ssyncset.done $0x0  }
0xad: {  	[sflag:s23] =	ssyncadd.s32 $0xFFFFFE70  }
0xae: {  	_ =	swait.ge [sflag:s24], $0x190  }
0xaf: {  	[sflag:s24] =	ssyncset.done $0x0  }
0xb0: {  	s18 =	smul.u32 $0x640, s18;
	[sflag:s24] =	ssyncadd.s32 $0xFFFFFE70  }
0xb1: {  	_ =	swait.ge [sflag:s31], $0x1400  }
0xb2: {  	s16 =	sshrl.u32 s18, $0x2;
	[sflag:s31] =	ssyncset.done $0x0  }
0xb3: {  	s17 =	sor.u32 $0xA000, s16;
	[sflag:s31] =	ssyncadd.s32 $0xFFFFEC00  }
0xb4: {  	[tilespmem:s29], [sflag:$0x1] =	stream.indirect.gather [hbm4b:s6+s25], $0x40, s17, s25, $0xb8;
	[tilespmem:$0x10A40] =	vst v63  }
0xb5: {  	_ =	swait.ge [sflag:s0], $0x1400  }
0xb6: {  	[sflag:s0] =	ssyncset.done $0x0  }
0xb7: {  	s17 =	sadd.s32 $0xA050, s16;
	[sflag:s0] =	ssyncadd.s32 $0xFFFFEC00  }
0xb8: {  	[tilespmem:s28], [sflag:$0x2] =	stream.indirect.gather [hbm4b:s6+s25], $0x40, s17, s25, $0xb8;
	[tilespmem:$0x10A40] =	vst v63  }
0xb9: {  	_ =	swait.ge [sflag:s8], $0x1400  }
0xba: {  	[sflag:s8] =	ssyncset.done $0x0  }
0xbb: {  	s17 =	sadd.s32 $0xA0A0, s16;
	[sflag:s8] =	ssyncadd.s32 $0xFFFFEC00  }
0xbc: {  	[tilespmem:s30], [sflag:$0x3] =	stream.indirect.gather [hbm4b:s6+s25], $0x40, s17, s25, $0xb8;
	[tilespmem:$0x10A40] =	vst v63  }
0xbd: {  	s19 =	smov.u32 s22;
	p0 =	sne.s32 s22, $0x17;
	_ =	swait.ge [sflag:s9], $0x1400  }
0xbe: {  	s18 =	sadd.s32 $0xA140, s16;
	s16 =	sadd.s32 $0xA0F0, s16;
	[sflag:s9] =	ssyncset.done $0x0  }
.Ltmp1:
0xbf: {  	s17 =	smin.u32 s19, $0x16;
	[sflag:s9] =	ssyncadd.s32 $0xFFFFEC00;
	(pc) =	sbr.rel @p0 .LBB2_4-.Ltmp1, $4  }
0xc0: {  	[tilespmem:s1], [sflag:$0x4] =	stream.indirect.gather [hbm4b:s6+s25], $0x40, s16, s25, $0xb8;
	[tilespmem:$0x10A40] =	vst v63  }
0xc1: {  	s7 =	smul.u32 $0x190, s17;
	_ =	swait.ge [sflag:s10], $0x1400  }
0xc2: {  	s22 =	sadd.s32 $0x1, s22;
	s19 =	rddreg [dreg:$0x3]  }
0xc3: {  	s16 =	sor.u32 $0xA000, s20;
	[sflag:s10] =	ssyncset.done $0x0;
	s19 =	sadd.s32 s7, s19  }
0xc4: {  	[sflag:s10] =	ssyncadd.s32 $0xFFFFEC00;
	s7 =	sshrl.u32 s19, $0x3  }
0xc5: {  	[tilespmem:s26], [sflag:$0x5] =	stream.indirect.gather [hbm4b:s6+s25], $0x40, s18, s25, $0xb8;
	[tilespmem:$0x10A40] =	vst v63  }
0xc6: {  	s17 =	sadd.s32 s4, s7  }
0xc7: {  	[tilespmem:s16], [sflag:$0xB] =	stream.linear.gather [hbm4b:s17+s3], $0x190, $0x38;
	[tilespmem:$0x10A40] =	vst v63  }
0xc8: {  	s7 =	sadd.s32 s5, s7  }
0xc9: {  	[tilespmem:s21], [sflag:$0xC] =	stream.linear.gather [hbm4b:s7+s3], $0x190, $0x38;
	[tilespmem:$0x10A40] =	vst v63  }
0xca: {  	_ =	swait.ge [sflag:s11], $0x1400  }
0xcb: {  	[sflag:s11] =	ssyncset.done $0x0  }
0xcc: {  	s19 =	simm.s32 $0xA320;
	[sflag:s11] =	ssyncadd.s32 $0xFFFFEC00  }
0xcd: {  	[spmem:s2] =	stream.indirect.scatter.add.f32 [tilespmem:s29], [sflag:$0x6], $0x40, s19, s25, $0xb8;
	[tilespmem:$0x10A40] =	vst v63  }
0xce: {  	_ =	swait.ge [sflag:s12], $0x1400  }
0xcf: {  	[sflag:s12] =	ssyncset.done $0x0  }
0xd0: {  	s22 =	simm.s32 $0xA370;
	[sflag:s12] =	ssyncadd.s32 $0xFFFFEC00  }
0xd1: {  	[spmem:s2] =	stream.indirect.scatter.add.f32 [tilespmem:s28], [sflag:$0x7], $0x40, s22, s25, $0xb8;
	[tilespmem:$0x10A40] =	vst v63  }
0xd2: {  	_ =	swait.ge [sflag:s13], $0x1400  }
0xd3: {  	[sflag:s13] =	ssyncset.done $0x0  }
0xd4: {  	s16 =	simm.s32 $0xA3C0;
	[sflag:s13] =	ssyncadd.s32 $0xFFFFEC00  }
0xd5: {  	[spmem:s2] =	stream.indirect.scatter.add.f32 [tilespmem:s30], [sflag:$0x8], $0x40, s16, s25, $0xb8;
	[tilespmem:$0x10A40] =	vst v63  }
0xd6: {  	_ =	swait.ge [sflag:s14], $0x1400  }
0xd7: {  	[sflag:s14] =	ssyncset.done $0x0  }
0xd8: {  	s17 =	simm.s32 $0xA410;
	[sflag:s14] =	ssyncadd.s32 $0xFFFFEC00  }
0xd9: {  	[spmem:s2] =	stream.indirect.scatter.add.f32 [tilespmem:s1], [sflag:$0x9], $0x40, s17, s25, $0xb8;
	[tilespmem:$0x10A40] =	vst v63  }
0xda: {  	_ =	swait.ge [sflag:s15], $0x1400  }
0xdb: {  	[sflag:s15] =	ssyncset.done $0x0  }
0xdc: {  	s18 =	simm.s32 $0xA460;
	[sflag:s15] =	ssyncadd.s32 $0xFFFFEC00  }
0xdd: {  	[spmem:s2] =	stream.indirect.scatter.add.f32 [tilespmem:s26], [sflag:$0xA], $0x40, s18, s25, $0xb8;
	[tilespmem:$0x10A40] =	vst v63  }
0xde: {  	_ =	swait.ge [sflag:s23], $0x190  }
0xdf: {  	[sflag:s23] =	ssyncset.done $0x0  }
0xe0: {  	[sflag:s23] =	ssyncadd.s32 $0xFFFFFE70  }
0xe1: {  	_ =	swait.ge [sflag:s24], $0x190  }
0xe2: {  	[sflag:s24] =	ssyncset.done $0x0  }
0xe3: {  	[sflag:s24] =	ssyncadd.s32 $0xFFFFFE70  }
0xe4: {  	_ =	swait.ge [sflag:s31], $0x1400  }
0xe5: {  	[sflag:s31] =	ssyncset.done $0x0  }
0xe6: {  	[sflag:s31] =	ssyncadd.s32 $0xFFFFEC00  }
0xe7: {  	_ =	swait.ge [sflag:s0], $0x1400  }
0xe8: {  	[sflag:s0] =	ssyncset.done $0x0  }
0xe9: {  	[sflag:s0] =	ssyncadd.s32 $0xFFFFEC00  }
0xea: {  	_ =	swait.ge [sflag:s8], $0x1400  }
0xeb: {  	[sflag:s8] =	ssyncset.done $0x0  }
0xec: {  	[sflag:s8] =	ssyncadd.s32 $0xFFFFEC00  }
0xed: {  	_ =	swait.ge [sflag:s9], $0x1400  }
0xee: {  	[sflag:s9] =	ssyncset.done $0x0  }
0xef: {  	[sflag:s9] =	ssyncadd.s32 $0xFFFFEC00  }
0xf0: {  	_ =	swait.ge [sflag:s10], $0x1400  }
0xf1: {  	[sflag:s10] =	ssyncset.done $0x0  }
0xf2: {  	[sflag:s10] =	ssyncadd.s32 $0xFFFFEC00  }
0xf3: {  	s20 =	stileid.u32;
	[bflag:$0x0] =	sbarrier.arrive $0xFFFF  }
0xf4: {  	s7 =	sshll.u32 s20, $0x6;
	s20 =	simm.s32 $0xD;
	s17 =	rddreg [dreg:$0x4]  }
0xf5: {  	s7 =	sor.u32 $0x1C0D, s7;
	s22 =	rddreg [dreg:$0x10];
	s21 =	sshrl.u32 s17, $0x3  }
0xf6: {  	[hbm:s22], [sflag:s7] =	dma.local [spmem:s21], $0x1400  }
0xf7: {  	_ =	swait.ge [sflag:s20], $0x1400  }
0xf8: {  	s21 =	rddreg [dreg:$0x12]  }
0xf9: {  	s22 =	rddreg [dreg:$0x11];
	s18 =	sadd.s32 $0x1, s21  }
0xfa: {  	p0 =	sne.s32 s18, s22  }
.Ltmp2:
0xfb: {  	_ = 	snop;
	(pc) =	sbr.rel @p0 .LBB2_1-.Ltmp2, $3  }
0xfc: {  	_ =	sdelay $0x1  }
0xfd: {  	[sflag:s20] =	ssyncset.done $0x0  }
0xfe: {  	[sflag:s20] =	ssyncadd.s32 $0xFFFFEC00;
	s20 =	simm.s32 $0xA000  }
0xff: {  	_ =	sfence.sel $0x180000  }
0x100: {  	[bflag:$0x0] =	sbarrier.arrive $0xFFFF  }
0x101: {  	_ =	strace $0x9000004D  }
0x102: {  	s0 =	stileid.u32;
	[bflag:$0x2] =	sbarrier.arrive $0xFFFF  }
0x103: {  	p0 =	sne.s32 s0, $0x0;
	s0 =	rddreg [dreg:$0x2]  }
0x104: {  	s0 =	sadd.s32 @!p0 $0x100000, s0  }
0x105: {  	[sflag:s0] =	ssyncadd.tile.s32 @!p0 $0x1;
	_ =	shalt  }
.Lfunc_end2:
_tile_overlayer_lowered:
.L_overlay_start_2:
0x106: {  	(tag) =	ssettag $0x2  }
0x107: {  	s0 =	rddreg [dreg:$0x0];
	s2 =	stileid.u32  }
0x108: {  	s1 =	rddreg [dreg:$0x1];
	p0 =	sne.s32 s2, $0x0  }
0x109: {  	s3 =	rddreg [dreg:$0x2];
	[bflag:$0x3] =	sbarrier.arrive $0xFFFF;
	s2 =	simm.s32 @!p0 $0x1C0D  }
0x10a: {  	[timem:s3], [sflag:s2] =	dma.local @!p0 [hbm:s0], s1  }
0x10b: {  	s0 =	simm.s32 @!p0 $0xD  }
0x10c: {  	_ =	swait.ge @!p0 [sflag:s0], s1  }
0x10d: {  	s1 =	ssub.s32 @!p0 $0x0, s1;
	[sflag:s0] =	ssyncset.done @!p0 $0x0  }
0x10e: {  	[sflag:s0] =	ssyncadd.s32 @!p0 s1  }
0x10f: {  	[bflag:$0x3] =	sbarrier.arrive $0xFFFF  }
0x110: {  	_ =	shalt  }

</sc_bundles>
